<compile_context>
chip_gen: v7x
topology: tpu7x:2x2x1
jax: 0.10.2.dev20260603
libtpu: 0.0.44.dev20260713+nightly
codegen_flags: <defaults>
</compile_context>

<pallas_src>
import functools

import jax
import jax.numpy as jnp
from jax import lax
from jax.experimental import pallas as pl
from jax.experimental.pallas import tpu as pltpu
from jax.experimental.pallas import tpu_sc as plsc

N_NODES = 10000
D = 256
N_EDGES = 160000

NC = 2
NS = 16
NW = NC * NS
C = 64
NCH = 80
PER_W = C * NCH
E_PAD = NW * PER_W

L = 16


def _make_sc_kernel():
  mesh = plsc.VectorSubcoreMesh(
      core_axis_name="c", subcore_axis_name="s", num_cores=NC, num_subcores=NS
  )

  @functools.partial(
      pl.kernel,
      out_type=jax.ShapeDtypeStruct((NW, NCH, C), jnp.float32),
      mesh=mesh,
      scratch_types=[
          pltpu.VMEM((NCH, C), jnp.int32),
          pltpu.VMEM((NCH, C), jnp.int32),
          pltpu.VMEM((NCH, C), jnp.float32),
          pltpu.VMEM((C, D), jnp.float32),
          pltpu.VMEM((C, D), jnp.float32),
          pltpu.VMEM((C, D), jnp.float32),
          pltpu.VMEM((C, D), jnp.float32),
          pltpu.SemaphoreType.DMA,
          pltpu.SemaphoreType.DMA,
      ],
      compiler_params=pltpu.CompilerParams(
          use_tc_tiling_on_sc=False, needs_layout_passes=False
      ),
  )
  def k(z_hbm, src_hbm, dst_hbm, out_hbm,
        src_v, dst_v, out_v, zs0, zs1, zd0, zd1, sem0, sem1):
    wid = lax.axis_index("s") * NC + lax.axis_index("c")
    zs_bufs = (zs0, zs1)
    zd_bufs = (zd0, zd1)
    sems = (sem0, sem1)

    pltpu.sync_copy(src_hbm.at[wid], src_v)
    pltpu.sync_copy(dst_hbm.at[wid], dst_v)

    def start(i, b):
      pltpu.async_copy(z_hbm.at[src_v.at[i]], zs_bufs[b], sems[b])
      pltpu.async_copy(z_hbm.at[dst_v.at[i]], zd_bufs[b], sems[b])

    def wait(i, b):
      pltpu.make_async_copy(z_hbm.at[src_v.at[i]], zs_bufs[b], sems[b]).wait()
      pltpu.make_async_copy(z_hbm.at[dst_v.at[i]], zd_bufs[b], sems[b]).wait()

    NU = 8

    def compute(i, b):
      zs = zs_bufs[b]
      zd = zd_bufs[b]
      for g in range(C // L):
        rows = lax.iota(jnp.int32, L) + (g * L)
        col0 = lax.iota(jnp.int32, L)

        def body(_, carry):
          accs, colb = carry
          new = []
          for s in range(NU):
            cs = (colb + s) & (D - 1)
            a = plsc.load_gather(zs, [rows, cs])
            bb = plsc.load_gather(zd, [rows, cs])
            new.append(accs[s] + a * bb)
          return tuple(new), colb + NU

        accs, _ = lax.fori_loop(
            0, D // NU, body,
            (tuple(jnp.zeros((L,), jnp.float32) for _ in range(NU)), col0),
            unroll=4,
        )
        acc = ((accs[0] + accs[1]) + (accs[2] + accs[3])) + (
            (accs[4] + accs[5]) + (accs[6] + accs[7]))
        out_v[i, pl.ds(g * L, L)] = acc

    start(0, 0)

    def outer(i2, _):
      for b in range(2):
        i = i2 * 2 + b

        @pl.when(i + 1 < NCH)
        def _():
          start(i + 1, 1 - b)

        wait(i, b)
        compute(i, b)
      return ()

    lax.fori_loop(0, NCH // 2, outer, ())

    pltpu.sync_copy(out_v, out_hbm.at[wid])

  return k


_sc_kernel = _make_sc_kernel()


@jax.jit
def kernel(z, edge):
  e = edge.astype(jnp.int32)
  pad = jnp.zeros((E_PAD - N_EDGES, 2), jnp.int32)
  ep = jnp.concatenate([e, pad], axis=0)
  src = ep[:, 0].reshape(NW, NCH, C)
  dst = ep[:, 1].reshape(NW, NCH, C)
  out3 = _sc_kernel(z, src, dst)
  return out3.reshape(E_PAD)[:N_EDGES]

# --- scband reference (transcript-rebuilt; emitter-appended) ---
"""Pipeline reference for scband-link-predictor-16638703305292 (READ-ONLY COPY).

The authoritative reference and input builder live on the scoring server;
editing this copy changes nothing except your own understanding.
"""

import jax, jax.numpy as jnp
import numpy as np


def setup_inputs(seed: int = 0) -> dict:
    key = jax.random.key(seed)
    k1, k2 = jax.random.split(key)
    z = jax.random.normal(k1, (10000, 256), dtype=jnp.float32)
    edge = jax.random.randint(k2, (160000, 2), 0, 10000, dtype=jnp.int64 if jax.config.jax_enable_x64 else jnp.int32)
    return {"z": z, "edge": edge}


def reference(z, edge):
    # LinkPredictor: dot-product decoder over gathered node embeddings
    src = edge[:, 0]
    dst = edge[:, 1]
    zs = jnp.take(z, src, axis=0)
    zd = jnp.take(z, dst, axis=0)
    return (zs * zd).sum(axis=1)

if __name__ == "__main__":
    import jax
    _d = setup_inputs()
    print(jax.jit(kernel)(*tuple(_d.values())))

</pallas_src>

<mosaic_0001>
#map = affine_map<(d0, d1) -> (0, 0)>
#map1 = affine_map<(d0, d1) -> (0, 0, 0)>
module attributes {stable_mosaic.version = 14 : i64} {
  func.func @k(%arg0: i32, %arg1: i32, %arg2: memref<10000x256xf32, #tpu.memory_space<hbm>>, %arg3: memref<32x80x64xi32, #tpu.memory_space<hbm>>, %arg4: memref<32x80x64xi32, #tpu.memory_space<hbm>>, %arg5: memref<32x80x64xf32, #tpu.memory_space<hbm>>, %arg6: memref<80x64xi32, #tpu.memory_space<vmem>>, %arg7: memref<80x64xi32, #tpu.memory_space<vmem>>, %arg8: memref<80x64xf32, #tpu.memory_space<vmem>>, %arg9: memref<64x256xf32, #tpu.memory_space<vmem>>, %arg10: memref<64x256xf32, #tpu.memory_space<vmem>>, %arg11: memref<64x256xf32, #tpu.memory_space<vmem>>, %arg12: memref<64x256xf32, #tpu.memory_space<vmem>>, %arg13: memref<!tpu.dma_semaphore, #tpu.memory_space<semaphore_mem>>, %arg14: memref<!tpu.dma_semaphore, #tpu.memory_space<semaphore_mem>>) attributes {dimension_semantics = [#tpu.dimension_semantics<core_parallel>, #tpu.dimension_semantics<subcore_parallel>], iteration_bounds = array<i64: 2, 16>, scalar_prefetch = 0 : i64, scratch_operands = 9 : i64, tpu.core_type = #tpu.core_type<sc_vector_subcore>, window_params = [{transform_indices = #map}, {transform_indices = #map1}, {transform_indices = #map1}, {transform_indices = #map1}]} {
    %mul3A = arith.constant 2 : i32
    %mul3A_0 = arith.muli %arg1, %mul3A : i32
    %add3A = arith.addi %mul3A_0, %arg0 : i32
    "tpu.region"() ({
      %run_scoped3A = tpu.sem_alloc : memref<!tpu.dma_semaphore, #tpu.memory_space<semaphore_mem>>
      %dma_start3A_18 = arith.constant 0 : i32
      %dma_start3A_19 = arith.constant 0 : i32
      %dma_start3A_20 = tpu.memref_slice %arg3[%add3A, %dma_start3A_18, %dma_start3A_19] : memref<32x80x64xi32, #tpu.memory_space<hbm>> -> memref<1x80x64xi32, #tpu.memory_space<hbm>>
      %dma_start3A_21 = tpu.memref_squeeze %dma_start3A_20 : memref<1x80x64xi32, #tpu.memory_space<hbm>> -> memref<80x64xi32, #tpu.memory_space<hbm>>
      %dma_start3A_22 = arith.constant 0 : i32
      %dma_start3A_23 = arith.constant 0 : i32
      %dma_start3A_24 = tpu.memref_slice %arg3[%add3A, %dma_start3A_22, %dma_start3A_23] : memref<32x80x64xi32, #tpu.memory_space<hbm>> -> memref<1x80x64xi32, #tpu.memory_space<hbm>>
      %dma_start3A_25 = tpu.memref_squeeze %dma_start3A_24 : memref<1x80x64xi32, #tpu.memory_space<hbm>> -> memref<80x64xi32, #tpu.memory_space<hbm>>
      tpu.enqueue_dma source(%dma_start3A_25 : memref<80x64xi32, #tpu.memory_space<hbm>>) target(%arg6 : memref<80x64xi32, #tpu.memory_space<vmem>>) target_semaphore(%run_scoped3A : memref<!tpu.dma_semaphore, #tpu.memory_space<semaphore_mem>>)
      %dma_wait3A = arith.constant 0 : i32
      %dma_wait3A_26 = arith.constant 0 : i32
      %dma_wait3A_27 = tpu.memref_slice %arg3[%add3A, %dma_wait3A, %dma_wait3A_26] : memref<32x80x64xi32, #tpu.memory_space<hbm>> -> memref<1x80x64xi32, #tpu.memory_space<hbm>>
      %dma_wait3A_28 = tpu.memref_squeeze %dma_wait3A_27 : memref<1x80x64xi32, #tpu.memory_space<hbm>> -> memref<80x64xi32, #tpu.memory_space<hbm>>
      %dma_wait3A_29 = arith.constant 0 : i32
      %dma_wait3A_30 = arith.constant 0 : i32
      %dma_wait3A_31 = tpu.memref_slice %arg3[%add3A, %dma_wait3A_29, %dma_wait3A_30] : memref<32x80x64xi32, #tpu.memory_space<hbm>> -> memref<1x80x64xi32, #tpu.memory_space<hbm>>
      %dma_wait3A_32 = tpu.memref_squeeze %dma_wait3A_31 : memref<1x80x64xi32, #tpu.memory_space<hbm>> -> memref<80x64xi32, #tpu.memory_space<hbm>>
      tpu.wait_dma2 semaphore(%run_scoped3A : memref<!tpu.dma_semaphore, #tpu.memory_space<semaphore_mem>>) src(%dma_wait3A_32 : memref<80x64xi32, #tpu.memory_space<hbm>>) dst(%arg6 : memref<80x64xi32, #tpu.memory_space<vmem>>)
      tpu.yield
    }) : () -> ()
    "tpu.region"() ({
      %run_scoped3A = tpu.sem_alloc : memref<!tpu.dma_semaphore, #tpu.memory_space<semaphore_mem>>
      %dma_start3A_18 = arith.constant 0 : i32
      %dma_start3A_19 = arith.constant 0 : i32
      %dma_start3A_20 = tpu.memref_slice %arg4[%add3A, %dma_start3A_18, %dma_start3A_19] : memref<32x80x64xi32, #tpu.memory_space<hbm>> -> memref<1x80x64xi32, #tpu.memory_space<hbm>>
      %dma_start3A_21 = tpu.memref_squeeze %dma_start3A_20 : memref<1x80x64xi32, #tpu.memory_space<hbm>> -> memref<80x64xi32, #tpu.memory_space<hbm>>
      %dma_start3A_22 = arith.constant 0 : i32
      %dma_start3A_23 = arith.constant 0 : i32
      %dma_start3A_24 = tpu.memref_slice %arg4[%add3A, %dma_start3A_22, %dma_start3A_23] : memref<32x80x64xi32, #tpu.memory_space<hbm>> -> memref<1x80x64xi32, #tpu.memory_space<hbm>>
      %dma_start3A_25 = tpu.memref_squeeze %dma_start3A_24 : memref<1x80x64xi32, #tpu.memory_space<hbm>> -> memref<80x64xi32, #tpu.memory_space<hbm>>
      tpu.enqueue_dma source(%dma_start3A_25 : memref<80x64xi32, #tpu.memory_space<hbm>>) target(%arg7 : memref<80x64xi32, #tpu.memory_space<vmem>>) target_semaphore(%run_scoped3A : memref<!tpu.dma_semaphore, #tpu.memory_space<semaphore_mem>>)
      %dma_wait3A = arith.constant 0 : i32
      %dma_wait3A_26 = arith.constant 0 : i32
      %dma_wait3A_27 = tpu.memref_slice %arg4[%add3A, %dma_wait3A, %dma_wait3A_26] : memref<32x80x64xi32, #tpu.memory_space<hbm>> -> memref<1x80x64xi32, #tpu.memory_space<hbm>>
      %dma_wait3A_28 = tpu.memref_squeeze %dma_wait3A_27 : memref<1x80x64xi32, #tpu.memory_space<hbm>> -> memref<80x64xi32, #tpu.memory_space<hbm>>
      %dma_wait3A_29 = arith.constant 0 : i32
      %dma_wait3A_30 = arith.constant 0 : i32
      %dma_wait3A_31 = tpu.memref_slice %arg4[%add3A, %dma_wait3A_29, %dma_wait3A_30] : memref<32x80x64xi32, #tpu.memory_space<hbm>> -> memref<1x80x64xi32, #tpu.memory_space<hbm>>
      %dma_wait3A_32 = tpu.memref_squeeze %dma_wait3A_31 : memref<1x80x64xi32, #tpu.memory_space<hbm>> -> memref<80x64xi32, #tpu.memory_space<hbm>>
      tpu.wait_dma2 semaphore(%run_scoped3A : memref<!tpu.dma_semaphore, #tpu.memory_space<semaphore_mem>>) src(%dma_wait3A_32 : memref<80x64xi32, #tpu.memory_space<hbm>>) dst(%arg7 : memref<80x64xi32, #tpu.memory_space<vmem>>)
      tpu.yield
    }) : () -> ()
    %dma_start3A = arith.constant 0 : i32
    %dma_start3A_1 = arith.constant 0 : i32
    %dma_start3A_2 = tpu.memref_slice %arg6[%dma_start3A, %dma_start3A_1] : memref<80x64xi32, #tpu.memory_space<vmem>> -> memref<1x64xi32, #tpu.memory_space<vmem>>
    %dma_start3A_3 = tpu.memref_squeeze %dma_start3A_2 : memref<1x64xi32, #tpu.memory_space<vmem>> -> memref<64xi32, #tpu.memory_space<vmem>>
    %dma_start3A_4 = arith.constant 0 : i32
    %dma_start3A_5 = arith.constant 0 : i32
    %dma_start3A_6 = tpu.memref_slice %arg2[%dma_start3A_4, %dma_start3A_5] : memref<10000x256xf32, #tpu.memory_space<hbm>> -> memref<10000x256xf32, #tpu.memory_space<hbm>>
    tpu.enqueue_indirect_dma source(%dma_start3A_6 : memref<10000x256xf32, #tpu.memory_space<hbm>>) target(%arg9 : memref<64x256xf32, #tpu.memory_space<vmem>>) offsets(%dma_start3A_3 : memref<64xi32, #tpu.memory_space<vmem>>) semaphore(%arg13 : memref<!tpu.dma_semaphore, #tpu.memory_space<semaphore_mem>>)
    %dma_start3A_7 = arith.constant 0 : i32
    %dma_start3A_8 = arith.constant 0 : i32
    %dma_start3A_9 = tpu.memref_slice %arg7[%dma_start3A_7, %dma_start3A_8] : memref<80x64xi32, #tpu.memory_space<vmem>> -> memref<1x64xi32, #tpu.memory_space<vmem>>
    %dma_start3A_10 = tpu.memref_squeeze %dma_start3A_9 : memref<1x64xi32, #tpu.memory_space<vmem>> -> memref<64xi32, #tpu.memory_space<vmem>>
    %dma_start3A_11 = arith.constant 0 : i32
    %dma_start3A_12 = arith.constant 0 : i32
    %dma_start3A_13 = tpu.memref_slice %arg2[%dma_start3A_11, %dma_start3A_12] : memref<10000x256xf32, #tpu.memory_space<hbm>> -> memref<10000x256xf32, #tpu.memory_space<hbm>>
    tpu.enqueue_indirect_dma source(%dma_start3A_13 : memref<10000x256xf32, #tpu.memory_space<hbm>>) target(%arg11 : memref<64x256xf32, #tpu.memory_space<vmem>>) offsets(%dma_start3A_10 : memref<64xi32, #tpu.memory_space<vmem>>) semaphore(%arg13 : memref<!tpu.dma_semaphore, #tpu.memory_space<semaphore_mem>>)
    %scan3A = arith.constant 0 : i32
    %scan3A_14 = arith.constant 40 : i32
    %scan3A_15 = arith.addi %scan3A, %scan3A_14 : i32
    %scan3A_16 = arith.constant 1 : i32
    scf.for %scan3A_18 = %scan3A to %scan3A_15 step %scan3A_16  : i32 {
      %mul3A_19 = arith.constant 2 : i32
      %mul3A_20 = arith.muli %scan3A_18, %mul3A_19 : i32
      %add3A_21 = arith.constant 0 : i32
      %add3A_22 = arith.addi %mul3A_20, %add3A_21 : i32
      %add3A_23 = arith.constant 1 : i32
      %add3A_24 = arith.addi %add3A_22, %add3A_23 : i32
      %lt3A = arith.constant 80 : i32
      %lt3A_25 = arith.cmpi slt, %add3A_24, %lt3A : i32
      %convert_element_type3A = arith.extui %lt3A_25 : i1 to i32
      %cond3A = arith.constant 0 : i32
      %cond3A_26 = arith.cmpi ne, %convert_element_type3A, %cond3A : i32
      scf.if %cond3A_26 {
        %add3A_354 = arith.constant 1 : i32
        %add3A_355 = arith.addi %add3A_22, %add3A_354 : i32
        %dma_start3A_356 = arith.constant 0 : i32
        %dma_start3A_357 = tpu.memref_slice %arg6[%add3A_355, %dma_start3A_356] : memref<80x64xi32, #tpu.memory_space<vmem>> -> memref<1x64xi32, #tpu.memory_space<vmem>>
        %dma_start3A_358 = tpu.memref_squeeze %dma_start3A_357 : memref<1x64xi32, #tpu.memory_space<vmem>> -> memref<64xi32, #tpu.memory_space<vmem>>
        %dma_start3A_359 = arith.constant 0 : i32
        %dma_start3A_360 = arith.constant 0 : i32
        %dma_start3A_361 = tpu.memref_slice %arg2[%dma_start3A_359, %dma_start3A_360] : memref<10000x256xf32, #tpu.memory_space<hbm>> -> memref<10000x256xf32, #tpu.memory_space<hbm>>
        tpu.enqueue_indirect_dma source(%dma_start3A_361 : memref<10000x256xf32, #tpu.memory_space<hbm>>) target(%arg10 : memref<64x256xf32, #tpu.memory_space<vmem>>) offsets(%dma_start3A_358 : memref<64xi32, #tpu.memory_space<vmem>>) semaphore(%arg14 : memref<!tpu.dma_semaphore, #tpu.memory_space<semaphore_mem>>)
        %dma_start3A_362 = arith.constant 0 : i32
        %dma_start3A_363 = tpu.memref_slice %arg7[%add3A_355, %dma_start3A_362] : memref<80x64xi32, #tpu.memory_space<vmem>> -> memref<1x64xi32, #tpu.memory_space<vmem>>
        %dma_start3A_364 = tpu.memref_squeeze %dma_start3A_363 : memref<1x64xi32, #tpu.memory_space<vmem>> -> memref<64xi32, #tpu.memory_space<vmem>>
        %dma_start3A_365 = arith.constant 0 : i32
        %dma_start3A_366 = arith.constant 0 : i32
        %dma_start3A_367 = tpu.memref_slice %arg2[%dma_start3A_365, %dma_start3A_366] : memref<10000x256xf32, #tpu.memory_space<hbm>> -> memref<10000x256xf32, #tpu.memory_space<hbm>>
        tpu.enqueue_indirect_dma source(%dma_start3A_367 : memref<10000x256xf32, #tpu.memory_space<hbm>>) target(%arg12 : memref<64x256xf32, #tpu.memory_space<vmem>>) offsets(%dma_start3A_364 : memref<64xi32, #tpu.memory_space<vmem>>) semaphore(%arg14 : memref<!tpu.dma_semaphore, #tpu.memory_space<semaphore_mem>>)
      } else {
      }
      %dma_wait3A = arith.constant 0 : i32
      %dma_wait3A_27 = tpu.memref_slice %arg6[%add3A_22, %dma_wait3A] : memref<80x64xi32, #tpu.memory_space<vmem>> -> memref<1x64xi32, #tpu.memory_space<vmem>>
      %dma_wait3A_28 = tpu.memref_squeeze %dma_wait3A_27 : memref<1x64xi32, #tpu.memory_space<vmem>> -> memref<64xi32, #tpu.memory_space<vmem>>
      %dma_wait3A_29 = arith.constant 0 : i32
      %dma_wait3A_30 = arith.constant 0 : i32
      %dma_wait3A_31 = tpu.memref_slice %arg2[%dma_wait3A_29, %dma_wait3A_30] : memref<10000x256xf32, #tpu.memory_space<hbm>> -> memref<10000x256xf32, #tpu.memory_space<hbm>>
      tpu.wait_indirect_dma semaphore(%arg13 : memref<!tpu.dma_semaphore, #tpu.memory_space<semaphore_mem>>) src(%dma_wait3A_31 : memref<10000x256xf32, #tpu.memory_space<hbm>>) dst(%arg9 : memref<64x256xf32, #tpu.memory_space<vmem>>)
      %dma_wait3A_32 = arith.constant 0 : i32
      %dma_wait3A_33 = tpu.memref_slice %arg7[%add3A_22, %dma_wait3A_32] : memref<80x64xi32, #tpu.memory_space<vmem>> -> memref<1x64xi32, #tpu.memory_space<vmem>>
      %dma_wait3A_34 = tpu.memref_squeeze %dma_wait3A_33 : memref<1x64xi32, #tpu.memory_space<vmem>> -> memref<64xi32, #tpu.memory_space<vmem>>
      %dma_wait3A_35 = arith.constant 0 : i32
      %dma_wait3A_36 = arith.constant 0 : i32
      %dma_wait3A_37 = tpu.memref_slice %arg2[%dma_wait3A_35, %dma_wait3A_36] : memref<10000x256xf32, #tpu.memory_space<hbm>> -> memref<10000x256xf32, #tpu.memory_space<hbm>>
      tpu.wait_indirect_dma semaphore(%arg13 : memref<!tpu.dma_semaphore, #tpu.memory_space<semaphore_mem>>) src(%dma_wait3A_37 : memref<10000x256xf32, #tpu.memory_space<hbm>>) dst(%arg11 : memref<64x256xf32, #tpu.memory_space<vmem>>)
      %iota3A = tpu.iota {dimensions = array<i32: 0>} : vector<16xi32>
      %add3A_38 = arith.constant 0 : i32
      %add3A_39 = vector.broadcast %add3A_38 : i32 to vector<16xi32>
      %add3A_40 = arith.addi %iota3A, %add3A_39 : vector<16xi32>
      %iota3A_41 = tpu.iota {dimensions = array<i32: 0>} : vector<16xi32>
      %broadcast_in_dim3A = arith.constant 0.000000e+00 : f32
      %broadcast_in_dim3A_42 = vector.broadcast %broadcast_in_dim3A : f32 to vector<16xf32>
      %broadcast_in_dim3A_43 = arith.constant 0.000000e+00 : f32
      %broadcast_in_dim3A_44 = vector.broadcast %broadcast_in_dim3A_43 : f32 to vector<16xf32>
      %broadcast_in_dim3A_45 = arith.constant 0.000000e+00 : f32
      %broadcast_in_dim3A_46 = vector.broadcast %broadcast_in_dim3A_45 : f32 to vector<16xf32>
      %broadcast_in_dim3A_47 = arith.constant 0.000000e+00 : f32
      %broadcast_in_dim3A_48 = vector.broadcast %broadcast_in_dim3A_47 : f32 to vector<16xf32>
      %broadcast_in_dim3A_49 = arith.constant 0.000000e+00 : f32
      %broadcast_in_dim3A_50 = vector.broadcast %broadcast_in_dim3A_49 : f32 to vector<16xf32>
      %broadcast_in_dim3A_51 = arith.constant 0.000000e+00 : f32
      %broadcast_in_dim3A_52 = vector.broadcast %broadcast_in_dim3A_51 : f32 to vector<16xf32>
      %broadcast_in_dim3A_53 = arith.constant 0.000000e+00 : f32
      %broadcast_in_dim3A_54 = vector.broadcast %broadcast_in_dim3A_53 : f32 to vector<16xf32>
      %broadcast_in_dim3A_55 = arith.constant 0.000000e+00 : f32
      %broadcast_in_dim3A_56 = vector.broadcast %broadcast_in_dim3A_55 : f32 to vector<16xf32>
      %scan3A_57 = arith.constant 0 : i32
      %scan3A_58 = arith.constant 32 : i32
      %scan3A_59 = arith.addi %scan3A_57, %scan3A_58 : i32
      %scan3A_60 = arith.constant 4 : i32
      %scan3A_61:9 = scf.for %scan3A_354 = %scan3A_57 to %scan3A_59 step %scan3A_60 iter_args(%scan3A_355 = %broadcast_in_dim3A_42, %scan3A_356 = %broadcast_in_dim3A_44, %scan3A_357 = %broadcast_in_dim3A_46, %scan3A_358 = %broadcast_in_dim3A_48, %scan3A_359 = %broadcast_in_dim3A_50, %scan3A_360 = %broadcast_in_dim3A_52, %scan3A_361 = %broadcast_in_dim3A_54, %scan3A_362 = %broadcast_in_dim3A_56, %scan3A_363 = %iota3A_41) -> (vector<16xf32>, vector<16xf32>, vector<16xf32>, vector<16xf32>, vector<16xf32>, vector<16xf32>, vector<16xf32>, vector<16xf32>, vector<16xi32>)  : i32 {
        %add3A_364 = arith.constant 0 : i32
        %add3A_365 = vector.broadcast %add3A_364 : i32 to vector<16xi32>
        %add3A_366 = arith.addi %scan3A_363, %add3A_365 : vector<16xi32>
        %and3A = arith.constant 255 : i32
        %and3A_367 = vector.broadcast %and3A : i32 to vector<16xi32>
        %and3A_368 = arith.andi %add3A_366, %and3A_367 : vector<16xi32>
        %gather3A = tpu.vector_load_idx %arg9[%add3A_40, %and3A_368] : memref<64x256xf32, #tpu.memory_space<vmem>>[vector<16xi32>, vector<16xi32>], vector<16xf32>,
        %gather3A_369 = tpu.vector_load_idx %arg11[%add3A_40, %and3A_368] : memref<64x256xf32, #tpu.memory_space<vmem>>[vector<16xi32>, vector<16xi32>], vector<16xf32>,
        %mul3A_370 = arith.mulf %gather3A, %gather3A_369 : vector<16xf32>
        %add3A_371 = arith.addf %scan3A_355, %mul3A_370 : vector<16xf32>
        %add3A_372 = arith.constant 1 : i32
        %add3A_373 = vector.broadcast %add3A_372 : i32 to vector<16xi32>
        %add3A_374 = arith.addi %scan3A_363, %add3A_373 : vector<16xi32>
        %and3A_375 = arith.constant 255 : i32
        %and3A_376 = vector.broadcast %and3A_375 : i32 to vector<16xi32>
        %and3A_377 = arith.andi %add3A_374, %and3A_376 : vector<16xi32>
        %gather3A_378 = tpu.vector_load_idx %arg9[%add3A_40, %and3A_377] : memref<64x256xf32, #tpu.memory_space<vmem>>[vector<16xi32>, vector<16xi32>], vector<16xf32>,
        %gather3A_379 = tpu.vector_load_idx %arg11[%add3A_40, %and3A_377] : memref<64x256xf32, #tpu.memory_space<vmem>>[vector<16xi32>, vector<16xi32>], vector<16xf32>,
        %mul3A_380 = arith.mulf %gather3A_378, %gather3A_379 : vector<16xf32>
        %add3A_381 = arith.addf %scan3A_356, %mul3A_380 : vector<16xf32>
        %add3A_382 = arith.constant 2 : i32
        %add3A_383 = vector.broadcast %add3A_382 : i32 to vector<16xi32>
        %add3A_384 = arith.addi %scan3A_363, %add3A_383 : vector<16xi32>
        %and3A_385 = arith.constant 255 : i32
        %and3A_386 = vector.broadcast %and3A_385 : i32 to vector<16xi32>
        %and3A_387 = arith.andi %add3A_384, %and3A_386 : vector<16xi32>
        %gather3A_388 = tpu.vector_load_idx %arg9[%add3A_40, %and3A_387] : memref<64x256xf32, #tpu.memory_space<vmem>>[vector<16xi32>, vector<16xi32>], vector<16xf32>,
        %gather3A_389 = tpu.vector_load_idx %arg11[%add3A_40, %and3A_387] : memref<64x256xf32, #tpu.memory_space<vmem>>[vector<16xi32>, vector<16xi32>], vector<16xf32>,
        %mul3A_390 = arith.mulf %gather3A_388, %gather3A_389 : vector<16xf32>
        %add3A_391 = arith.addf %scan3A_357, %mul3A_390 : vector<16xf32>
        %add3A_392 = arith.constant 3 : i32
        %add3A_393 = vector.broadcast %add3A_392 : i32 to vector<16xi32>
        %add3A_394 = arith.addi %scan3A_363, %add3A_393 : vector<16xi32>
        %and3A_395 = arith.constant 255 : i32
        %and3A_396 = vector.broadcast %and3A_395 : i32 to vector<16xi32>
        %and3A_397 = arith.andi %add3A_394, %and3A_396 : vector<16xi32>
        %gather3A_398 = tpu.vector_load_idx %arg9[%add3A_40, %and3A_397] : memref<64x256xf32, #tpu.memory_space<vmem>>[vector<16xi32>, vector<16xi32>], vector<16xf32>,
        %gather3A_399 = tpu.vector_load_idx %arg11[%add3A_40, %and3A_397] : memref<64x256xf32, #tpu.memory_space<vmem>>[vector<16xi32>, vector<16xi32>], vector<16xf32>,
        %mul3A_400 = arith.mulf %gather3A_398, %gather3A_399 : vector<16xf32>
        %add3A_401 = arith.addf %scan3A_358, %mul3A_400 : vector<16xf32>
        %add3A_402 = arith.constant 4 : i32
        %add3A_403 = vector.broadcast %add3A_402 : i32 to vector<16xi32>
        %add3A_404 = arith.addi %scan3A_363, %add3A_403 : vector<16xi32>
        %and3A_405 = arith.constant 255 : i32
        %and3A_406 = vector.broadcast %and3A_405 : i32 to vector<16xi32>
        %and3A_407 = arith.andi %add3A_404, %and3A_406 : vector<16xi32>
        %gather3A_408 = tpu.vector_load_idx %arg9[%add3A_40, %and3A_407] : memref<64x256xf32, #tpu.memory_space<vmem>>[vector<16xi32>, vector<16xi32>], vector<16xf32>,
        %gather3A_409 = tpu.vector_load_idx %arg11[%add3A_40, %and3A_407] : memref<64x256xf32, #tpu.memory_space<vmem>>[vector<16xi32>, vector<16xi32>], vector<16xf32>,
        %mul3A_410 = arith.mulf %gather3A_408, %gather3A_409 : vector<16xf32>
        %add3A_411 = arith.addf %scan3A_359, %mul3A_410 : vector<16xf32>
        %add3A_412 = arith.constant 5 : i32
        %add3A_413 = vector.broadcast %add3A_412 : i32 to vector<16xi32>
        %add3A_414 = arith.addi %scan3A_363, %add3A_413 : vector<16xi32>
        %and3A_415 = arith.constant 255 : i32
        %and3A_416 = vector.broadcast %and3A_415 : i32 to vector<16xi32>
        %and3A_417 = arith.andi %add3A_414, %and3A_416 : vector<16xi32>
        %gather3A_418 = tpu.vector_load_idx %arg9[%add3A_40, %and3A_417] : memref<64x256xf32, #tpu.memory_space<vmem>>[vector<16xi32>, vector<16xi32>], vector<16xf32>,
        %gather3A_419 = tpu.vector_load_idx %arg11[%add3A_40, %and3A_417] : memref<64x256xf32, #tpu.memory_space<vmem>>[vector<16xi32>, vector<16xi32>], vector<16xf32>,
        %mul3A_420 = arith.mulf %gather3A_418, %gather3A_419 : vector<16xf32>
        %add3A_421 = arith.addf %scan3A_360, %mul3A_420 : vector<16xf32>
        %add3A_422 = arith.constant 6 : i32
        %add3A_423 = vector.broadcast %add3A_422 : i32 to vector<16xi32>
        %add3A_424 = arith.addi %scan3A_363, %add3A_423 : vector<16xi32>
        %and3A_425 = arith.constant 255 : i32
        %and3A_426 = vector.broadcast %and3A_425 : i32 to vector<16xi32>
        %and3A_427 = arith.andi %add3A_424, %and3A_426 : vector<16xi32>
        %gather3A_428 = tpu.vector_load_idx %arg9[%add3A_40, %and3A_427] : memref<64x256xf32, #tpu.memory_space<vmem>>[vector<16xi32>, vector<16xi32>], vector<16xf32>,
        %gather3A_429 = tpu.vector_load_idx %arg11[%add3A_40, %and3A_427] : memref<64x256xf32, #tpu.memory_space<vmem>>[vector<16xi32>, vector<16xi32>], vector<16xf32>,
        %mul3A_430 = arith.mulf %gather3A_428, %gather3A_429 : vector<16xf32>
        %add3A_431 = arith.addf %scan3A_361, %mul3A_430 : vector<16xf32>
        %add3A_432 = arith.constant 7 : i32
        %add3A_433 = vector.broadcast %add3A_432 : i32 to vector<16xi32>
        %add3A_434 = arith.addi %scan3A_363, %add3A_433 : vector<16xi32>
        %and3A_435 = arith.constant 255 : i32
        %and3A_436 = vector.broadcast %and3A_435 : i32 to vector<16xi32>
        %and3A_437 = arith.andi %add3A_434, %and3A_436 : vector<16xi32>
        %gather3A_438 = tpu.vector_load_idx %arg9[%add3A_40, %and3A_437] : memref<64x256xf32, #tpu.memory_space<vmem>>[vector<16xi32>, vector<16xi32>], vector<16xf32>,
        %gather3A_439 = tpu.vector_load_idx %arg11[%add3A_40, %and3A_437] : memref<64x256xf32, #tpu.memory_space<vmem>>[vector<16xi32>, vector<16xi32>], vector<16xf32>,
        %mul3A_440 = arith.mulf %gather3A_438, %gather3A_439 : vector<16xf32>
        %add3A_441 = arith.addf %scan3A_362, %mul3A_440 : vector<16xf32>
        %add3A_442 = arith.constant 8 : i32
        %add3A_443 = vector.broadcast %add3A_442 : i32 to vector<16xi32>
        %add3A_444 = arith.addi %scan3A_363, %add3A_443 : vector<16xi32>
        %scan3A_445 = arith.constant 1 : i32
        %scan3A_446 = arith.addi %scan3A_354, %scan3A_445 : i32
        %add3A_447 = arith.constant 0 : i32
        %add3A_448 = vector.broadcast %add3A_447 : i32 to vector<16xi32>
        %add3A_449 = arith.addi %add3A_444, %add3A_448 : vector<16xi32>
        %and3A_450 = arith.constant 255 : i32
        %and3A_451 = vector.broadcast %and3A_450 : i32 to vector<16xi32>
        %and3A_452 = arith.andi %add3A_449, %and3A_451 : vector<16xi32>
        %gather3A_453 = tpu.vector_load_idx %arg9[%add3A_40, %and3A_452] : memref<64x256xf32, #tpu.memory_space<vmem>>[vector<16xi32>, vector<16xi32>], vector<16xf32>,
        %gather3A_454 = tpu.vector_load_idx %arg11[%add3A_40, %and3A_452] : memref<64x256xf32, #tpu.memory_space<vmem>>[vector<16xi32>, vector<16xi32>], vector<16xf32>,
        %mul3A_455 = arith.mulf %gather3A_453, %gather3A_454 : vector<16xf32>
        %add3A_456 = arith.addf %add3A_371, %mul3A_455 : vector<16xf32>
        %add3A_457 = arith.constant 1 : i32
        %add3A_458 = vector.broadcast %add3A_457 : i32 to vector<16xi32>
        %add3A_459 = arith.addi %add3A_444, %add3A_458 : vector<16xi32>
        %and3A_460 = arith.constant 255 : i32
        %and3A_461 = vector.broadcast %and3A_460 : i32 to vector<16xi32>
        %and3A_462 = arith.andi %add3A_459, %and3A_461 : vector<16xi32>
        %gather3A_463 = tpu.vector_load_idx %arg9[%add3A_40, %and3A_462] : memref<64x256xf32, #tpu.memory_space<vmem>>[vector<16xi32>, vector<16xi32>], vector<16xf32>,
        %gather3A_464 = tpu.vector_load_idx %arg11[%add3A_40, %and3A_462] : memref<64x256xf32, #tpu.memory_space<vmem>>[vector<16xi32>, vector<16xi32>], vector<16xf32>,
        %mul3A_465 = arith.mulf %gather3A_463, %gather3A_464 : vector<16xf32>
        %add3A_466 = arith.addf %add3A_381, %mul3A_465 : vector<16xf32>
        %add3A_467 = arith.constant 2 : i32
        %add3A_468 = vector.broadcast %add3A_467 : i32 to vector<16xi32>
        %add3A_469 = arith.addi %add3A_444, %add3A_468 : vector<16xi32>
        %and3A_470 = arith.constant 255 : i32
        %and3A_471 = vector.broadcast %and3A_470 : i32 to vector<16xi32>
        %and3A_472 = arith.andi %add3A_469, %and3A_471 : vector<16xi32>
        %gather3A_473 = tpu.vector_load_idx %arg9[%add3A_40, %and3A_472] : memref<64x256xf32, #tpu.memory_space<vmem>>[vector<16xi32>, vector<16xi32>], vector<16xf32>,
        %gather3A_474 = tpu.vector_load_idx %arg11[%add3A_40, %and3A_472] : memref<64x256xf32, #tpu.memory_space<vmem>>[vector<16xi32>, vector<16xi32>], vector<16xf32>,
        %mul3A_475 = arith.mulf %gather3A_473, %gather3A_474 : vector<16xf32>
        %add3A_476 = arith.addf %add3A_391, %mul3A_475 : vector<16xf32>
        %add3A_477 = arith.constant 3 : i32
        %add3A_478 = vector.broadcast %add3A_477 : i32 to vector<16xi32>
        %add3A_479 = arith.addi %add3A_444, %add3A_478 : vector<16xi32>
        %and3A_480 = arith.constant 255 : i32
        %and3A_481 = vector.broadcast %and3A_480 : i32 to vector<16xi32>
        %and3A_482 = arith.andi %add3A_479, %and3A_481 : vector<16xi32>
        %gather3A_483 = tpu.vector_load_idx %arg9[%add3A_40, %and3A_482] : memref<64x256xf32, #tpu.memory_space<vmem>>[vector<16xi32>, vector<16xi32>], vector<16xf32>,
        %gather3A_484 = tpu.vector_load_idx %arg11[%add3A_40, %and3A_482] : memref<64x256xf32, #tpu.memory_space<vmem>>[vector<16xi32>, vector<16xi32>], vector<16xf32>,
        %mul3A_485 = arith.mulf %gather3A_483, %gather3A_484 : vector<16xf32>
        %add3A_486 = arith.addf %add3A_401, %mul3A_485 : vector<16xf32>
        %add3A_487 = arith.constant 4 : i32
        %add3A_488 = vector.broadcast %add3A_487 : i32 to vector<16xi32>
        %add3A_489 = arith.addi %add3A_444, %add3A_488 : vector<16xi32>
        %and3A_490 = arith.constant 255 : i32
        %and3A_491 = vector.broadcast %and3A_490 : i32 to vector<16xi32>
        %and3A_492 = arith.andi %add3A_489, %and3A_491 : vector<16xi32>
        %gather3A_493 = tpu.vector_load_idx %arg9[%add3A_40, %and3A_492] : memref<64x256xf32, #tpu.memory_space<vmem>>[vector<16xi32>, vector<16xi32>], vector<16xf32>,
        %gather3A_494 = tpu.vector_load_idx %arg11[%add3A_40, %and3A_492] : memref<64x256xf32, #tpu.memory_space<vmem>>[vector<16xi32>, vector<16xi32>], vector<16xf32>,
        %mul3A_495 = arith.mulf %gather3A_493, %gather3A_494 : vector<16xf32>
        %add3A_496 = arith.addf %add3A_411, %mul3A_495 : vector<16xf32>
        %add3A_497 = arith.constant 5 : i32
        %add3A_498 = vector.broadcast %add3A_497 : i32 to vector<16xi32>
        %add3A_499 = arith.addi %add3A_444, %add3A_498 : vector<16xi32>
        %and3A_500 = arith.constant 255 : i32
        %and3A_501 = vector.broadcast %and3A_500 : i32 to vector<16xi32>
        %and3A_502 = arith.andi %add3A_499, %and3A_501 : vector<16xi32>
        %gather3A_503 = tpu.vector_load_idx %arg9[%add3A_40, %and3A_502] : memref<64x256xf32, #tpu.memory_space<vmem>>[vector<16xi32>, vector<16xi32>], vector<16xf32>,
        %gather3A_504 = tpu.vector_load_idx %arg11[%add3A_40, %and3A_502] : memref<64x256xf32, #tpu.memory_space<vmem>>[vector<16xi32>, vector<16xi32>], vector<16xf32>,
        %mul3A_505 = arith.mulf %gather3A_503, %gather3A_504 : vector<16xf32>
        %add3A_506 = arith.addf %add3A_421, %mul3A_505 : vector<16xf32>
        %add3A_507 = arith.constant 6 : i32
        %add3A_508 = vector.broadcast %add3A_507 : i32 to vector<16xi32>
        %add3A_509 = arith.addi %add3A_444, %add3A_508 : vector<16xi32>
        %and3A_510 = arith.constant 255 : i32
        %and3A_511 = vector.broadcast %and3A_510 : i32 to vector<16xi32>
        %and3A_512 = arith.andi %add3A_509, %and3A_511 : vector<16xi32>
        %gather3A_513 = tpu.vector_load_idx %arg9[%add3A_40, %and3A_512] : memref<64x256xf32, #tpu.memory_space<vmem>>[vector<16xi32>, vector<16xi32>], vector<16xf32>,
        %gather3A_514 = tpu.vector_load_idx %arg11[%add3A_40, %and3A_512] : memref<64x256xf32, #tpu.memory_space<vmem>>[vector<16xi32>, vector<16xi32>], vector<16xf32>,
        %mul3A_515 = arith.mulf %gather3A_513, %gather3A_514 : vector<16xf32>
        %add3A_516 = arith.addf %add3A_431, %mul3A_515 : vector<16xf32>
        %add3A_517 = arith.constant 7 : i32
        %add3A_518 = vector.broadcast %add3A_517 : i32 to vector<16xi32>
        %add3A_519 = arith.addi %add3A_444, %add3A_518 : vector<16xi32>
        %and3A_520 = arith.constant 255 : i32
        %and3A_521 = vector.broadcast %and3A_520 : i32 to vector<16xi32>
        %and3A_522 = arith.andi %add3A_519, %and3A_521 : vector<16xi32>
        %gather3A_523 = tpu.vector_load_idx %arg9[%add3A_40, %and3A_522] : memref<64x256xf32, #tpu.memory_space<vmem>>[vector<16xi32>, vector<16xi32>], vector<16xf32>,
        %gather3A_524 = tpu.vector_load_idx %arg11[%add3A_40, %and3A_522] : memref<64x256xf32, #tpu.memory_space<vmem>>[vector<16xi32>, vector<16xi32>], vector<16xf32>,
        %mul3A_525 = arith.mulf %gather3A_523, %gather3A_524 : vector<16xf32>
        %add3A_526 = arith.addf %add3A_441, %mul3A_525 : vector<16xf32>
        %add3A_527 = arith.constant 8 : i32
        %add3A_528 = vector.broadcast %add3A_527 : i32 to vector<16xi32>
        %add3A_529 = arith.addi %add3A_444, %add3A_528 : vector<16xi32>
        %scan3A_530 = arith.constant 2 : i32
        %scan3A_531 = arith.addi %scan3A_354, %scan3A_530 : i32
        %add3A_532 = arith.constant 0 : i32
        %add3A_533 = vector.broadcast %add3A_532 : i32 to vector<16xi32>
        %add3A_534 = arith.addi %add3A_529, %add3A_533 : vector<16xi32>
        %and3A_535 = arith.constant 255 : i32
        %and3A_536 = vector.broadcast %and3A_535 : i32 to vector<16xi32>
        %and3A_537 = arith.andi %add3A_534, %and3A_536 : vector<16xi32>
        %gather3A_538 = tpu.vector_load_idx %arg9[%add3A_40, %and3A_537] : memref<64x256xf32, #tpu.memory_space<vmem>>[vector<16xi32>, vector<16xi32>], vector<16xf32>,
        %gather3A_539 = tpu.vector_load_idx %arg11[%add3A_40, %and3A_537] : memref<64x256xf32, #tpu.memory_space<vmem>>[vector<16xi32>, vector<16xi32>], vector<16xf32>,
        %mul3A_540 = arith.mulf %gather3A_538, %gather3A_539 : vector<16xf32>
        %add3A_541 = arith.addf %add3A_456, %mul3A_540 : vector<16xf32>
        %add3A_542 = arith.constant 1 : i32
        %add3A_543 = vector.broadcast %add3A_542 : i32 to vector<16xi32>
        %add3A_544 = arith.addi %add3A_529, %add3A_543 : vector<16xi32>
        %and3A_545 = arith.constant 255 : i32
        %and3A_546 = vector.broadcast %and3A_545 : i32 to vector<16xi32>
        %and3A_547 = arith.andi %add3A_544, %and3A_546 : vector<16xi32>
        %gather3A_548 = tpu.vector_load_idx %arg9[%add3A_40, %and3A_547] : memref<64x256xf32, #tpu.memory_space<vmem>>[vector<16xi32>, vector<16xi32>], vector<16xf32>,
        %gather3A_549 = tpu.vector_load_idx %arg11[%add3A_40, %and3A_547] : memref<64x256xf32, #tpu.memory_space<vmem>>[vector<16xi32>, vector<16xi32>], vector<16xf32>,
        %mul3A_550 = arith.mulf %gather3A_548, %gather3A_549 : vector<16xf32>
        %add3A_551 = arith.addf %add3A_466, %mul3A_550 : vector<16xf32>
        %add3A_552 = arith.constant 2 : i32
        %add3A_553 = vector.broadcast %add3A_552 : i32 to vector<16xi32>
        %add3A_554 = arith.addi %add3A_529, %add3A_553 : vector<16xi32>
        %and3A_555 = arith.constant 255 : i32
        %and3A_556 = vector.broadcast %and3A_555 : i32 to vector<16xi32>
        %and3A_557 = arith.andi %add3A_554, %and3A_556 : vector<16xi32>
        %gather3A_558 = tpu.vector_load_idx %arg9[%add3A_40, %and3A_557] : memref<64x256xf32, #tpu.memory_space<vmem>>[vector<16xi32>, vector<16xi32>], vector<16xf32>,
        %gather3A_559 = tpu.vector_load_idx %arg11[%add3A_40, %and3A_557] : memref<64x256xf32, #tpu.memory_space<vmem>>[vector<16xi32>, vector<16xi32>], vector<16xf32>,
        %mul3A_560 = arith.mulf %gather3A_558, %gather3A_559 : vector<16xf32>
        %add3A_561 = arith.addf %add3A_476, %mul3A_560 : vector<16xf32>
        %add3A_562 = arith.constant 3 : i32
        %add3A_563 = vector.broadcast %add3A_562 : i32 to vector<16xi32>
        %add3A_564 = arith.addi %add3A_529, %add3A_563 : vector<16xi32>
        %and3A_565 = arith.constant 255 : i32
        %and3A_566 = vector.broadcast %and3A_565 : i32 to vector<16xi32>
        %and3A_567 = arith.andi %add3A_564, %and3A_566 : vector<16xi32>
        %gather3A_568 = tpu.vector_load_idx %arg9[%add3A_40, %and3A_567] : memref<64x256xf32, #tpu.memory_space<vmem>>[vector<16xi32>, vector<16xi32>], vector<16xf32>,
        %gather3A_569 = tpu.vector_load_idx %arg11[%add3A_40, %and3A_567] : memref<64x256xf32, #tpu.memory_space<vmem>>[vector<16xi32>, vector<16xi32>], vector<16xf32>,
        %mul3A_570 = arith.mulf %gather3A_568, %gather3A_569 : vector<16xf32>
        %add3A_571 = arith.addf %add3A_486, %mul3A_570 : vector<16xf32>
        %add3A_572 = arith.constant 4 : i32
        %add3A_573 = vector.broadcast %add3A_572 : i32 to vector<16xi32>
        %add3A_574 = arith.addi %add3A_529, %add3A_573 : vector<16xi32>
        %and3A_575 = arith.constant 255 : i32
        %and3A_576 = vector.broadcast %and3A_575 : i32 to vector<16xi32>
        %and3A_577 = arith.andi %add3A_574, %and3A_576 : vector<16xi32>
        %gather3A_578 = tpu.vector_load_idx %arg9[%add3A_40, %and3A_577] : memref<64x256xf32, #tpu.memory_space<vmem>>[vector<16xi32>, vector<16xi32>], vector<16xf32>,
        %gather3A_579 = tpu.vector_load_idx %arg11[%add3A_40, %and3A_577] : memref<64x256xf32, #tpu.memory_space<vmem>>[vector<16xi32>, vector<16xi32>], vector<16xf32>,
        %mul3A_580 = arith.mulf %gather3A_578, %gather3A_579 : vector<16xf32>
        %add3A_581 = arith.addf %add3A_496, %mul3A_580 : vector<16xf32>
        %add3A_582 = arith.constant 5 : i32
        %add3A_583 = vector.broadcast %add3A_582 : i32 to vector<16xi32>
        %add3A_584 = arith.addi %add3A_529, %add3A_583 : vector<16xi32>
        %and3A_585 = arith.constant 255 : i32
        %and3A_586 = vector.broadcast %and3A_585 : i32 to vector<16xi32>
        %and3A_587 = arith.andi %add3A_584, %and3A_586 : vector<16xi32>
        %gather3A_588 = tpu.vector_load_idx %arg9[%add3A_40, %and3A_587] : memref<64x256xf32, #tpu.memory_space<vmem>>[vector<16xi32>, vector<16xi32>], vector<16xf32>,
        %gather3A_589 = tpu.vector_load_idx %arg11[%add3A_40, %and3A_587] : memref<64x256xf32, #tpu.memory_space<vmem>>[vector<16xi32>, vector<16xi32>], vector<16xf32>,
        %mul3A_590 = arith.mulf %gather3A_588, %gather3A_589 : vector<16xf32>
        %add3A_591 = arith.addf %add3A_506, %mul3A_590 : vector<16xf32>
        %add3A_592 = arith.constant 6 : i32
        %add3A_593 = vector.broadcast %add3A_592 : i32 to vector<16xi32>
        %add3A_594 = arith.addi %add3A_529, %add3A_593 : vector<16xi32>
        %and3A_595 = arith.constant 255 : i32
        %and3A_596 = vector.broadcast %and3A_595 : i32 to vector<16xi32>
        %and3A_597 = arith.andi %add3A_594, %and3A_596 : vector<16xi32>
        %gather3A_598 = tpu.vector_load_idx %arg9[%add3A_40, %and3A_597] : memref<64x256xf32, #tpu.memory_space<vmem>>[vector<16xi32>, vector<16xi32>], vector<16xf32>,
        %gather3A_599 = tpu.vector_load_idx %arg11[%add3A_40, %and3A_597] : memref<64x256xf32, #tpu.memory_space<vmem>>[vector<16xi32>, vector<16xi32>], vector<16xf32>,
        %mul3A_600 = arith.mulf %gather3A_598, %gather3A_599 : vector<16xf32>
        %add3A_601 = arith.addf %add3A_516, %mul3A_600 : vector<16xf32>
        %add3A_602 = arith.constant 7 : i32
        %add3A_603 = vector.broadcast %add3A_602 : i32 to vector<16xi32>
        %add3A_604 = arith.addi %add3A_529, %add3A_603 : vector<16xi32>
        %and3A_605 = arith.constant 255 : i32
        %and3A_606 = vector.broadcast %and3A_605 : i32 to vector<16xi32>
        %and3A_607 = arith.andi %add3A_604, %and3A_606 : vector<16xi32>
        %gather3A_608 = tpu.vector_load_idx %arg9[%add3A_40, %and3A_607] : memref<64x256xf32, #tpu.memory_space<vmem>>[vector<16xi32>, vector<16xi32>], vector<16xf32>,
        %gather3A_609 = tpu.vector_load_idx %arg11[%add3A_40, %and3A_607] : memref<64x256xf32, #tpu.memory_space<vmem>>[vector<16xi32>, vector<16xi32>], vector<16xf32>,
        %mul3A_610 = arith.mulf %gather3A_608, %gather3A_609 : vector<16xf32>
        %add3A_611 = arith.addf %add3A_526, %mul3A_610 : vector<16xf32>
        %add3A_612 = arith.constant 8 : i32
        %add3A_613 = vector.broadcast %add3A_612 : i32 to vector<16xi32>
        %add3A_614 = arith.addi %add3A_529, %add3A_613 : vector<16xi32>
        %scan3A_615 = arith.constant 3 : i32
        %scan3A_616 = arith.addi %scan3A_354, %scan3A_615 : i32
        %add3A_617 = arith.constant 0 : i32
        %add3A_618 = vector.broadcast %add3A_617 : i32 to vector<16xi32>
        %add3A_619 = arith.addi %add3A_614, %add3A_618 : vector<16xi32>
        %and3A_620 = arith.constant 255 : i32
        %and3A_621 = vector.broadcast %and3A_620 : i32 to vector<16xi32>
        %and3A_622 = arith.andi %add3A_619, %and3A_621 : vector<16xi32>
        %gather3A_623 = tpu.vector_load_idx %arg9[%add3A_40, %and3A_622] : memref<64x256xf32, #tpu.memory_space<vmem>>[vector<16xi32>, vector<16xi32>], vector<16xf32>,
        %gather3A_624 = tpu.vector_load_idx %arg11[%add3A_40, %and3A_622] : memref<64x256xf32, #tpu.memory_space<vmem>>[vector<16xi32>, vector<16xi32>], vector<16xf32>,
        %mul3A_625 = arith.mulf %gather3A_623, %gather3A_624 : vector<16xf32>
        %add3A_626 = arith.addf %add3A_541, %mul3A_625 : vector<16xf32>
        %add3A_627 = arith.constant 1 : i32
        %add3A_628 = vector.broadcast %add3A_627 : i32 to vector<16xi32>
        %add3A_629 = arith.addi %add3A_614, %add3A_628 : vector<16xi32>
        %and3A_630 = arith.constant 255 : i32
        %and3A_631 = vector.broadcast %and3A_630 : i32 to vector<16xi32>
        %and3A_632 = arith.andi %add3A_629, %and3A_631 : vector<16xi32>
        %gather3A_633 = tpu.vector_load_idx %arg9[%add3A_40, %and3A_632] : memref<64x256xf32, #tpu.memory_space<vmem>>[vector<16xi32>, vector<16xi32>], vector<16xf32>,
        %gather3A_634 = tpu.vector_load_idx %arg11[%add3A_40, %and3A_632] : memref<64x256xf32, #tpu.memory_space<vmem>>[vector<16xi32>, vector<16xi32>], vector<16xf32>,
        %mul3A_635 = arith.mulf %gather3A_633, %gather3A_634 : vector<16xf32>
        %add3A_636 = arith.addf %add3A_551, %mul3A_635 : vector<16xf32>
        %add3A_637 = arith.constant 2 : i32
        %add3A_638 = vector.broadcast %add3A_637 : i32 to vector<16xi32>
        %add3A_639 = arith.addi %add3A_614, %add3A_638 : vector<16xi32>
        %and3A_640 = arith.constant 255 : i32
        %and3A_641 = vector.broadcast %and3A_640 : i32 to vector<16xi32>
        %and3A_642 = arith.andi %add3A_639, %and3A_641 : vector<16xi32>
        %gather3A_643 = tpu.vector_load_idx %arg9[%add3A_40, %and3A_642] : memref<64x256xf32, #tpu.memory_space<vmem>>[vector<16xi32>, vector<16xi32>], vector<16xf32>,
        %gather3A_644 = tpu.vector_load_idx %arg11[%add3A_40, %and3A_642] : memref<64x256xf32, #tpu.memory_space<vmem>>[vector<16xi32>, vector<16xi32>], vector<16xf32>,
        %mul3A_645 = arith.mulf %gather3A_643, %gather3A_644 : vector<16xf32>
        %add3A_646 = arith.addf %add3A_561, %mul3A_645 : vector<16xf32>
        %add3A_647 = arith.constant 3 : i32
        %add3A_648 = vector.broadcast %add3A_647 : i32 to vector<16xi32>
        %add3A_649 = arith.addi %add3A_614, %add3A_648 : vector<16xi32>
        %and3A_650 = arith.constant 255 : i32
        %and3A_651 = vector.broadcast %and3A_650 : i32 to vector<16xi32>
        %and3A_652 = arith.andi %add3A_649, %and3A_651 : vector<16xi32>
        %gather3A_653 = tpu.vector_load_idx %arg9[%add3A_40, %and3A_652] : memref<64x256xf32, #tpu.memory_space<vmem>>[vector<16xi32>, vector<16xi32>], vector<16xf32>,
        %gather3A_654 = tpu.vector_load_idx %arg11[%add3A_40, %and3A_652] : memref<64x256xf32, #tpu.memory_space<vmem>>[vector<16xi32>, vector<16xi32>], vector<16xf32>,
        %mul3A_655 = arith.mulf %gather3A_653, %gather3A_654 : vector<16xf32>
        %add3A_656 = arith.addf %add3A_571, %mul3A_655 : vector<16xf32>
        %add3A_657 = arith.constant 4 : i32
        %add3A_658 = vector.broadcast %add3A_657 : i32 to vector<16xi32>
        %add3A_659 = arith.addi %add3A_614, %add3A_658 : vector<16xi32>
        %and3A_660 = arith.constant 255 : i32
        %and3A_661 = vector.broadcast %and3A_660 : i32 to vector<16xi32>
        %and3A_662 = arith.andi %add3A_659, %and3A_661 : vector<16xi32>
        %gather3A_663 = tpu.vector_load_idx %arg9[%add3A_40, %and3A_662] : memref<64x256xf32, #tpu.memory_space<vmem>>[vector<16xi32>, vector<16xi32>], vector<16xf32>,
        %gather3A_664 = tpu.vector_load_idx %arg11[%add3A_40, %and3A_662] : memref<64x256xf32, #tpu.memory_space<vmem>>[vector<16xi32>, vector<16xi32>], vector<16xf32>,
        %mul3A_665 = arith.mulf %gather3A_663, %gather3A_664 : vector<16xf32>
        %add3A_666 = arith.addf %add3A_581, %mul3A_665 : vector<16xf32>
        %add3A_667 = arith.constant 5 : i32
        %add3A_668 = vector.broadcast %add3A_667 : i32 to vector<16xi32>
        %add3A_669 = arith.addi %add3A_614, %add3A_668 : vector<16xi32>
        %and3A_670 = arith.constant 255 : i32
        %and3A_671 = vector.broadcast %and3A_670 : i32 to vector<16xi32>
        %and3A_672 = arith.andi %add3A_669, %and3A_671 : vector<16xi32>
        %gather3A_673 = tpu.vector_load_idx %arg9[%add3A_40, %and3A_672] : memref<64x256xf32, #tpu.memory_space<vmem>>[vector<16xi32>, vector<16xi32>], vector<16xf32>,
        %gather3A_674 = tpu.vector_load_idx %arg11[%add3A_40, %and3A_672] : memref<64x256xf32, #tpu.memory_space<vmem>>[vector<16xi32>, vector<16xi32>], vector<16xf32>,
        %mul3A_675 = arith.mulf %gather3A_673, %gather3A_674 : vector<16xf32>
        %add3A_676 = arith.addf %add3A_591, %mul3A_675 : vector<16xf32>
        %add3A_677 = arith.constant 6 : i32
        %add3A_678 = vector.broadcast %add3A_677 : i32 to vector<16xi32>
        %add3A_679 = arith.addi %add3A_614, %add3A_678 : vector<16xi32>
        %and3A_680 = arith.constant 255 : i32
        %and3A_681 = vector.broadcast %and3A_680 : i32 to vector<16xi32>
        %and3A_682 = arith.andi %add3A_679, %and3A_681 : vector<16xi32>
        %gather3A_683 = tpu.vector_load_idx %arg9[%add3A_40, %and3A_682] : memref<64x256xf32, #tpu.memory_space<vmem>>[vector<16xi32>, vector<16xi32>], vector<16xf32>,
        %gather3A_684 = tpu.vector_load_idx %arg11[%add3A_40, %and3A_682] : memref<64x256xf32, #tpu.memory_space<vmem>>[vector<16xi32>, vector<16xi32>], vector<16xf32>,
        %mul3A_685 = arith.mulf %gather3A_683, %gather3A_684 : vector<16xf32>
        %add3A_686 = arith.addf %add3A_601, %mul3A_685 : vector<16xf32>
        %add3A_687 = arith.constant 7 : i32
        %add3A_688 = vector.broadcast %add3A_687 : i32 to vector<16xi32>
        %add3A_689 = arith.addi %add3A_614, %add3A_688 : vector<16xi32>
        %and3A_690 = arith.constant 255 : i32
        %and3A_691 = vector.broadcast %and3A_690 : i32 to vector<16xi32>
        %and3A_692 = arith.andi %add3A_689, %and3A_691 : vector<16xi32>
        %gather3A_693 = tpu.vector_load_idx %arg9[%add3A_40, %and3A_692] : memref<64x256xf32, #tpu.memory_space<vmem>>[vector<16xi32>, vector<16xi32>], vector<16xf32>,
        %gather3A_694 = tpu.vector_load_idx %arg11[%add3A_40, %and3A_692] : memref<64x256xf32, #tpu.memory_space<vmem>>[vector<16xi32>, vector<16xi32>], vector<16xf32>,
        %mul3A_695 = arith.mulf %gather3A_693, %gather3A_694 : vector<16xf32>
        %add3A_696 = arith.addf %add3A_611, %mul3A_695 : vector<16xf32>
        %add3A_697 = arith.constant 8 : i32
        %add3A_698 = vector.broadcast %add3A_697 : i32 to vector<16xi32>
        %add3A_699 = arith.addi %add3A_614, %add3A_698 : vector<16xi32>
        scf.yield %add3A_626, %add3A_636, %add3A_646, %add3A_656, %add3A_666, %add3A_676, %add3A_686, %add3A_696, %add3A_699 : vector<16xf32>, vector<16xf32>, vector<16xf32>, vector<16xf32>, vector<16xf32>, vector<16xf32>, vector<16xf32>, vector<16xf32>, vector<16xi32>
      }
      %scan3A_62 = arith.constant 32 : i32
      %add3A_63 = arith.addf %scan3A_61#0, %scan3A_61#1 : vector<16xf32>
      %add3A_64 = arith.addf %scan3A_61#2, %scan3A_61#3 : vector<16xf32>
      %add3A_65 = arith.addf %add3A_63, %add3A_64 : vector<16xf32>
      %add3A_66 = arith.addf %scan3A_61#4, %scan3A_61#5 : vector<16xf32>
      %add3A_67 = arith.addf %scan3A_61#6, %scan3A_61#7 : vector<16xf32>
      %add3A_68 = arith.addf %add3A_66, %add3A_67 : vector<16xf32>
      %add3A_69 = arith.addf %add3A_65, %add3A_68 : vector<16xf32>
      %swap3A = arith.index_cast %add3A_22 : i32 to index
      %swap3A_70 = arith.constant 0 : index
      %swap3A_71 = tpu.vector_load %arg8[%swap3A, %swap3A_70] {strides = array<i32>} : memref<80x64xf32, #tpu.memory_space<vmem>>, vector<16xf32>,
      tpu.vector_store %arg8[%swap3A, %swap3A_70], %add3A_69 {strides = array<i32>} : memref<80x64xf32, #tpu.memory_space<vmem>>, vector<16xf32>,
      %iota3A_72 = tpu.iota {dimensions = array<i32: 0>} : vector<16xi32>
      %add3A_73 = arith.constant 16 : i32
      %add3A_74 = vector.broadcast %add3A_73 : i32 to vector<16xi32>
      %add3A_75 = arith.addi %iota3A_72, %add3A_74 : vector<16xi32>
      %iota3A_76 = tpu.iota {dimensions = array<i32: 0>} : vector<16xi32>
      %broadcast_in_dim3A_77 = arith.constant 0.000000e+00 : f32
      %broadcast_in_dim3A_78 = vector.broadcast %broadcast_in_dim3A_77 : f32 to vector<16xf32>
      %broadcast_in_dim3A_79 = arith.constant 0.000000e+00 : f32
      %broadcast_in_dim3A_80 = vector.broadcast %broadcast_in_dim3A_79 : f32 to vector<16xf32>
      %broadcast_in_dim3A_81 = arith.constant 0.000000e+00 : f32
      %broadcast_in_dim3A_82 = vector.broadcast %broadcast_in_dim3A_81 : f32 to vector<16xf32>
      %broadcast_in_dim3A_83 = arith.constant 0.000000e+00 : f32
      %broadcast_in_dim3A_84 = vector.broadcast %broadcast_in_dim3A_83 : f32 to vector<16xf32>
      %broadcast_in_dim3A_85 = arith.constant 0.000000e+00 : f32
      %broadcast_in_dim3A_86 = vector.broadcast %broadcast_in_dim3A_85 : f32 to vector<16xf32>
      %broadcast_in_dim3A_87 = arith.constant 0.000000e+00 : f32
      %broadcast_in_dim3A_88 = vector.broadcast %broadcast_in_dim3A_87 : f32 to vector<16xf32>
      %broadcast_in_dim3A_89 = arith.constant 0.000000e+00 : f32
      %broadcast_in_dim3A_90 = vector.broadcast %broadcast_in_dim3A_89 : f32 to vector<16xf32>
      %broadcast_in_dim3A_91 = arith.constant 0.000000e+00 : f32
      %broadcast_in_dim3A_92 = vector.broadcast %broadcast_in_dim3A_91 : f32 to vector<16xf32>
      %scan3A_93 = arith.constant 0 : i32
      %scan3A_94 = arith.constant 32 : i32
      %scan3A_95 = arith.addi %scan3A_93, %scan3A_94 : i32
      %scan3A_96 = arith.constant 4 : i32
      %scan3A_97:9 = scf.for %scan3A_354 = %scan3A_93 to %scan3A_95 step %scan3A_96 iter_args(%scan3A_355 = %broadcast_in_dim3A_78, %scan3A_356 = %broadcast_in_dim3A_80, %scan3A_357 = %broadcast_in_dim3A_82, %scan3A_358 = %broadcast_in_dim3A_84, %scan3A_359 = %broadcast_in_dim3A_86, %scan3A_360 = %broadcast_in_dim3A_88, %scan3A_361 = %broadcast_in_dim3A_90, %scan3A_362 = %broadcast_in_dim3A_92, %scan3A_363 = %iota3A_76) -> (vector<16xf32>, vector<16xf32>, vector<16xf32>, vector<16xf32>, vector<16xf32>, vector<16xf32>, vector<16xf32>, vector<16xf32>, vector<16xi32>)  : i32 {
        %add3A_364 = arith.constant 0 : i32
        %add3A_365 = vector.broadcast %add3A_364 : i32 to vector<16xi32>
        %add3A_366 = arith.addi %scan3A_363, %add3A_365 : vector<16xi32>
        %and3A = arith.constant 255 : i32
        %and3A_367 = vector.broadcast %and3A : i32 to vector<16xi32>
        %and3A_368 = arith.andi %add3A_366, %and3A_367 : vector<16xi32>
        %gather3A = tpu.vector_load_idx %arg9[%add3A_75, %and3A_368] : memref<64x256xf32, #tpu.memory_space<vmem>>[vector<16xi32>, vector<16xi32>], vector<16xf32>,
        %gather3A_369 = tpu.vector_load_idx %arg11[%add3A_75, %and3A_368] : memref<64x256xf32, #tpu.memory_space<vmem>>[vector<16xi32>, vector<16xi32>], vector<16xf32>,
        %mul3A_370 = arith.mulf %gather3A, %gather3A_369 : vector<16xf32>
        %add3A_371 = arith.addf %scan3A_355, %mul3A_370 : vector<16xf32>
        %add3A_372 = arith.constant 1 : i32
        %add3A_373 = vector.broadcast %add3A_372 : i32 to vector<16xi32>
        %add3A_374 = arith.addi %scan3A_363, %add3A_373 : vector<16xi32>
        %and3A_375 = arith.constant 255 : i32
        %and3A_376 = vector.broadcast %and3A_375 : i32 to vector<16xi32>
        %and3A_377 = arith.andi %add3A_374, %and3A_376 : vector<16xi32>
        %gather3A_378 = tpu.vector_load_idx %arg9[%add3A_75, %and3A_377] : memref<64x256xf32, #tpu.memory_space<vmem>>[vector<16xi32>, vector<16xi32>], vector<16xf32>,
        %gather3A_379 = tpu.vector_load_idx %arg11[%add3A_75, %and3A_377] : memref<64x256xf32, #tpu.memory_space<vmem>>[vector<16xi32>, vector<16xi32>], vector<16xf32>,
        %mul3A_380 = arith.mulf %gather3A_378, %gather3A_379 : vector<16xf32>
        %add3A_381 = arith.addf %scan3A_356, %mul3A_380 : vector<16xf32>
        %add3A_382 = arith.constant 2 : i32
        %add3A_383 = vector.broadcast %add3A_382 : i32 to vector<16xi32>
        %add3A_384 = arith.addi %scan3A_363, %add3A_383 : vector<16xi32>
        %and3A_385 = arith.constant 255 : i32
        %and3A_386 = vector.broadcast %and3A_385 : i32 to vector<16xi32>
        %and3A_387 = arith.andi %add3A_384, %and3A_386 : vector<16xi32>
        %gather3A_388 = tpu.vector_load_idx %arg9[%add3A_75, %and3A_387] : memref<64x256xf32, #tpu.memory_space<vmem>>[vector<16xi32>, vector<16xi32>], vector<16xf32>,
        %gather3A_389 = tpu.vector_load_idx %arg11[%add3A_75, %and3A_387] : memref<64x256xf32, #tpu.memory_space<vmem>>[vector<16xi32>, vector<16xi32>], vector<16xf32>,
        %mul3A_390 = arith.mulf %gather3A_388, %gather3A_389 : vector<16xf32>
        %add3A_391 = arith.addf %scan3A_357, %mul3A_390 : vector<16xf32>
        %add3A_392 = arith.constant 3 : i32
        %add3A_393 = vector.broadcast %add3A_392 : i32 to vector<16xi32>
        %add3A_394 = arith.addi %scan3A_363, %add3A_393 : vector<16xi32>
        %and3A_395 = arith.constant 255 : i32
        %and3A_396 = vector.broadcast %and3A_395 : i32 to vector<16xi32>
        %and3A_397 = arith.andi %add3A_394, %and3A_396 : vector<16xi32>
        %gather3A_398 = tpu.vector_load_idx %arg9[%add3A_75, %and3A_397] : memref<64x256xf32, #tpu.memory_space<vmem>>[vector<16xi32>, vector<16xi32>], vector<16xf32>,
        %gather3A_399 = tpu.vector_load_idx %arg11[%add3A_75, %and3A_397] : memref<64x256xf32, #tpu.memory_space<vmem>>[vector<16xi32>, vector<16xi32>], vector<16xf32>,
        %mul3A_400 = arith.mulf %gather3A_398, %gather3A_399 : vector<16xf32>
        %add3A_401 = arith.addf %scan3A_358, %mul3A_400 : vector<16xf32>
        %add3A_402 = arith.constant 4 : i32
        %add3A_403 = vector.broadcast %add3A_402 : i32 to vector<16xi32>
        %add3A_404 = arith.addi %scan3A_363, %add3A_403 : vector<16xi32>
        %and3A_405 = arith.constant 255 : i32
        %and3A_406 = vector.broadcast %and3A_405 : i32 to vector<16xi32>
        %and3A_407 = arith.andi %add3A_404, %and3A_406 : vector<16xi32>
        %gather3A_408 = tpu.vector_load_idx %arg9[%add3A_75, %and3A_407] : memref<64x256xf32, #tpu.memory_space<vmem>>[vector<16xi32>, vector<16xi32>], vector<16xf32>,
        %gather3A_409 = tpu.vector_load_idx %arg11[%add3A_75, %and3A_407] : memref<64x256xf32, #tpu.memory_space<vmem>>[vector<16xi32>, vector<16xi32>], vector<16xf32>,
        %mul3A_410 = arith.mulf %gather3A_408, %gather3A_409 : vector<16xf32>
        %add3A_411 = arith.addf %scan3A_359, %mul3A_410 : vector<16xf32>
        %add3A_412 = arith.constant 5 : i32
        %add3A_413 = vector.broadcast %add3A_412 : i32 to vector<16xi32>
        %add3A_414 = arith.addi %scan3A_363, %add3A_413 : vector<16xi32>
        %and3A_415 = arith.constant 255 : i32
        %and3A_416 = vector.broadcast %and3A_415 : i32 to vector<16xi32>
        %and3A_417 = arith.andi %add3A_414, %and3A_416 : vector<16xi32>
        %gather3A_418 = tpu.vector_load_idx %arg9[%add3A_75, %and3A_417] : memref<64x256xf32, #tpu.memory_space<vmem>>[vector<16xi32>, vector<16xi32>], vector<16xf32>,
        %gather3A_419 = tpu.vector_load_idx %arg11[%add3A_75, %and3A_417] : memref<64x256xf32, #tpu.memory_space<vmem>>[vector<16xi32>, vector<16xi32>], vector<16xf32>,
        %mul3A_420 = arith.mulf %gather3A_418, %gather3A_419 : vector<16xf32>
        %add3A_421 = arith.addf %scan3A_360, %mul3A_420 : vector<16xf32>
        %add3A_422 = arith.constant 6 : i32
        %add3A_423 = vector.broadcast %add3A_422 : i32 to vector<16xi32>
        %add3A_424 = arith.addi %scan3A_363, %add3A_423 : vector<16xi32>
        %and3A_425 = arith.constant 255 : i32
        %and3A_426 = vector.broadcast %and3A_425 : i32 to vector<16xi32>
        %and3A_427 = arith.andi %add3A_424, %and3A_426 : vector<16xi32>
        %gather3A_428 = tpu.vector_load_idx %arg9[%add3A_75, %and3A_427] : memref<64x256xf32, #tpu.memory_space<vmem>>[vector<16xi32>, vector<16xi32>], vector<16xf32>,
        %gather3A_429 = tpu.vector_load_idx %arg11[%add3A_75, %and3A_427] : memref<64x256xf32, #tpu.memory_space<vmem>>[vector<16xi32>, vector<16xi32>], vector<16xf32>,
        %mul3A_430 = arith.mulf %gather3A_428, %gather3A_429 : vector<16xf32>
        %add3A_431 = arith.addf %scan3A_361, %mul3A_430 : vector<16xf32>
        %add3A_432 = arith.constant 7 : i32
        %add3A_433 = vector.broadcast %add3A_432 : i32 to vector<16xi32>
        %add3A_434 = arith.addi %scan3A_363, %add3A_433 : vector<16xi32>
        %and3A_435 = arith.constant 255 : i32
        %and3A_436 = vector.broadcast %and3A_435 : i32 to vector<16xi32>
        %and3A_437 = arith.andi %add3A_434, %and3A_436 : vector<16xi32>
        %gather3A_438 = tpu.vector_load_idx %arg9[%add3A_75, %and3A_437] : memref<64x256xf32, #tpu.memory_space<vmem>>[vector<16xi32>, vector<16xi32>], vector<16xf32>,
        %gather3A_439 = tpu.vector_load_idx %arg11[%add3A_75, %and3A_437] : memref<64x256xf32, #tpu.memory_space<vmem>>[vector<16xi32>, vector<16xi32>], vector<16xf32>,
        %mul3A_440 = arith.mulf %gather3A_438, %gather3A_439 : vector<16xf32>
        %add3A_441 = arith.addf %scan3A_362, %mul3A_440 : vector<16xf32>
        %add3A_442 = arith.constant 8 : i32
        %add3A_443 = vector.broadcast %add3A_442 : i32 to vector<16xi32>
        %add3A_444 = arith.addi %scan3A_363, %add3A_443 : vector<16xi32>
        %scan3A_445 = arith.constant 1 : i32
        %scan3A_446 = arith.addi %scan3A_354, %scan3A_445 : i32
        %add3A_447 = arith.constant 0 : i32
        %add3A_448 = vector.broadcast %add3A_447 : i32 to vector<16xi32>
        %add3A_449 = arith.addi %add3A_444, %add3A_448 : vector<16xi32>
        %and3A_450 = arith.constant 255 : i32
        %and3A_451 = vector.broadcast %and3A_450 : i32 to vector<16xi32>
        %and3A_452 = arith.andi %add3A_449, %and3A_451 : vector<16xi32>
        %gather3A_453 = tpu.vector_load_idx %arg9[%add3A_75, %and3A_452] : memref<64x256xf32, #tpu.memory_space<vmem>>[vector<16xi32>, vector<16xi32>], vector<16xf32>,
        %gather3A_454 = tpu.vector_load_idx %arg11[%add3A_75, %and3A_452] : memref<64x256xf32, #tpu.memory_space<vmem>>[vector<16xi32>, vector<16xi32>], vector<16xf32>,
        %mul3A_455 = arith.mulf %gather3A_453, %gather3A_454 : vector<16xf32>
        %add3A_456 = arith.addf %add3A_371, %mul3A_455 : vector<16xf32>
        %add3A_457 = arith.constant 1 : i32
        %add3A_458 = vector.broadcast %add3A_457 : i32 to vector<16xi32>
        %add3A_459 = arith.addi %add3A_444, %add3A_458 : vector<16xi32>
        %and3A_460 = arith.constant 255 : i32
        %and3A_461 = vector.broadcast %and3A_460 : i32 to vector<16xi32>
        %and3A_462 = arith.andi %add3A_459, %and3A_461 : vector<16xi32>
        %gather3A_463 = tpu.vector_load_idx %arg9[%add3A_75, %and3A_462] : memref<64x256xf32, #tpu.memory_space<vmem>>[vector<16xi32>, vector<16xi32>], vector<16xf32>,
        %gather3A_464 = tpu.vector_load_idx %arg11[%add3A_75, %and3A_462] : memref<64x256xf32, #tpu.memory_space<vmem>>[vector<16xi32>, vector<16xi32>], vector<16xf32>,
        %mul3A_465 = arith.mulf %gather3A_463, %gather3A_464 : vector<16xf32>
        %add3A_466 = arith.addf %add3A_381, %mul3A_465 : vector<16xf32>
        %add3A_467 = arith.constant 2 : i32
        %add3A_468 = vector.broadcast %add3A_467 : i32 to vector<16xi32>
        %add3A_469 = arith.addi %add3A_444, %add3A_468 : vector<16xi32>
        %and3A_470 = arith.constant 255 : i32
        %and3A_471 = vector.broadcast %and3A_470 : i32 to vector<16xi32>
        %and3A_472 = arith.andi %add3A_469, %and3A_471 : vector<16xi32>
        %gather3A_473 = tpu.vector_load_idx %arg9[%add3A_75, %and3A_472] : memref<64x256xf32, #tpu.memory_space<vmem>>[vector<16xi32>, vector<16xi32>], vector<16xf32>,
        %gather3A_474 = tpu.vector_load_idx %arg11[%add3A_75, %and3A_472] : memref<64x256xf32, #tpu.memory_space<vmem>>[vector<16xi32>, vector<16xi32>], vector<16xf32>,
        %mul3A_475 = arith.mulf %gather3A_473, %gather3A_474 : vector<16xf32>
        %add3A_476 = arith.addf %add3A_391, %mul3A_475 : vector<16xf32>
        %add3A_477 = arith.constant 3 : i32
        %add3A_478 = vector.broadcast %add3A_477 : i32 to vector<16xi32>
        %add3A_479 = arith.addi %add3A_444, %add3A_478 : vector<16xi32>
        %and3A_480 = arith.constant 255 : i32
        %and3A_481 = vector.broadcast %and3A_480 : i32 to vector<16xi32>
        %and3A_482 = arith.andi %add3A_479, %and3A_481 : vector<16xi32>
        %gather3A_483 = tpu.vector_load_idx %arg9[%add3A_75, %and3A_482] : memref<64x256xf32, #tpu.memory_space<vmem>>[vector<16xi32>, vector<16xi32>], vector<16xf32>,
        %gather3A_484 = tpu.vector_load_idx %arg11[%add3A_75, %and3A_482] : memref<64x256xf32, #tpu.memory_space<vmem>>[vector<16xi32>, vector<16xi32>], vector<16xf32>,
        %mul3A_485 = arith.mulf %gather3A_483, %gather3A_484 : vector<16xf32>
        %add3A_486 = arith.addf %add3A_401, %mul3A_485 : vector<16xf32>
        %add3A_487 = arith.constant 4 : i32
        %add3A_488 = vector.broadcast %add3A_487 : i32 to vector<16xi32>
        %add3A_489 = arith.addi %add3A_444, %add3A_488 : vector<16xi32>
        %and3A_490 = arith.constant 255 : i32
        %and3A_491 = vector.broadcast %and3A_490 : i32 to vector<16xi32>
        %and3A_492 = arith.andi %add3A_489, %and3A_491 : vector<16xi32>
        %gather3A_493 = tpu.vector_load_idx %arg9[%add3A_75, %and3A_492] : memref<64x256xf32, #tpu.memory_space<vmem>>[vector<16xi32>, vector<16xi32>], vector<16xf32>,
        %gather3A_494 = tpu.vector_load_idx %arg11[%add3A_75, %and3A_492] : memref<64x256xf32, #tpu.memory_space<vmem>>[vector<16xi32>, vector<16xi32>], vector<16xf32>,
        %mul3A_495 = arith.mulf %gather3A_493, %gather3A_494 : vector<16xf32>
        %add3A_496 = arith.addf %add3A_411, %mul3A_495 : vector<16xf32>
        %add3A_497 = arith.constant 5 : i32
        %add3A_498 = vector.broadcast %add3A_497 : i32 to vector<16xi32>
        %add3A_499 = arith.addi %add3A_444, %add3A_498 : vector<16xi32>
        %and3A_500 = arith.constant 255 : i32
        %and3A_501 = vector.broadcast %and3A_500 : i32 to vector<16xi32>
        %and3A_502 = arith.andi %add3A_499, %and3A_501 : vector<16xi32>
        %gather3A_503 = tpu.vector_load_idx %arg9[%add3A_75, %and3A_502] : memref<64x256xf32, #tpu.memory_space<vmem>>[vector<16xi32>, vector<16xi32>], vector<16xf32>,
        %gather3A_504 = tpu.vector_load_idx %arg11[%add3A_75, %and3A_502] : memref<64x256xf32, #tpu.memory_space<vmem>>[vector<16xi32>, vector<16xi32>], vector<16xf32>,
        %mul3A_505 = arith.mulf %gather3A_503, %gather3A_504 : vector<16xf32>
        %add3A_506 = arith.addf %add3A_421, %mul3A_505 : vector<16xf32>
        %add3A_507 = arith.constant 6 : i32
        %add3A_508 = vector.broadcast %add3A_507 : i32 to vector<16xi32>
        %add3A_509 = arith.addi %add3A_444, %add3A_508 : vector<16xi32>
        %and3A_510 = arith.constant 255 : i32
        %and3A_511 = vector.broadcast %and3A_510 : i32 to vector<16xi32>
        %and3A_512 = arith.andi %add3A_509, %and3A_511 : vector<16xi32>
        %gather3A_513 = tpu.vector_load_idx %arg9[%add3A_75, %and3A_512] : memref<64x256xf32, #tpu.memory_space<vmem>>[vector<16xi32>, vector<16xi32>], vector<16xf32>,
        %gather3A_514 = tpu.vector_load_idx %arg11[%add3A_75, %and3A_512] : memref<64x256xf32, #tpu.memory_space<vmem>>[vector<16xi32>, vector<16xi32>], vector<16xf32>,
        %mul3A_515 = arith.mulf %gather3A_513, %gather3A_514 : vector<16xf32>
        %add3A_516 = arith.addf %add3A_431, %mul3A_515 : vector<16xf32>
        %add3A_517 = arith.constant 7 : i32
        %add3A_518 = vector.broadcast %add3A_517 : i32 to vector<16xi32>
        %add3A_519 = arith.addi %add3A_444, %add3A_518 : vector<16xi32>
        %and3A_520 = arith.constant 255 : i32
        %and3A_521 = vector.broadcast %and3A_520 : i32 to vector<16xi32>
        %and3A_522 = arith.andi %add3A_519, %and3A_521 : vector<16xi32>
        %gather3A_523 = tpu.vector_load_idx %arg9[%add3A_75, %and3A_522] : memref<64x256xf32, #tpu.memory_space<vmem>>[vector<16xi32>, vector<16xi32>], vector<16xf32>,
        %gather3A_524 = tpu.vector_load_idx %arg11[%add3A_75, %and3A_522] : memref<64x256xf32, #tpu.memory_space<vmem>>[vector<16xi32>, vector<16xi32>], vector<16xf32>,
        %mul3A_525 = arith.mulf %gather3A_523, %gather3A_524 : vector<16xf32>
        %add3A_526 = arith.addf %add3A_441, %mul3A_525 : vector<16xf32>
        %add3A_527 = arith.constant 8 : i32
        %add3A_528 = vector.broadcast %add3A_527 : i32 to vector<16xi32>
        %add3A_529 = arith.addi %add3A_444, %add3A_528 : vector<16xi32>
        %scan3A_530 = arith.constant 2 : i32
        %scan3A_531 = arith.addi %scan3A_354, %scan3A_530 : i32
        %add3A_532 = arith.constant 0 : i32
        %add3A_533 = vector.broadcast %add3A_532 : i32 to vector<16xi32>
        %add3A_534 = arith.addi %add3A_529, %add3A_533 : vector<16xi32>
        %and3A_535 = arith.constant 255 : i32
        %and3A_536 = vector.broadcast %and3A_535 : i32 to vector<16xi32>
        %and3A_537 = arith.andi %add3A_534, %and3A_536 : vector<16xi32>
        %gather3A_538 = tpu.vector_load_idx %arg9[%add3A_75, %and3A_537] : memref<64x256xf32, #tpu.memory_space<vmem>>[vector<16xi32>, vector<16xi32>], vector<16xf32>,
        %gather3A_539 = tpu.vector_load_idx %arg11[%add3A_75, %and3A_537] : memref<64x256xf32, #tpu.memory_space<vmem>>[vector<16xi32>, vector<16xi32>], vector<16xf32>,
        %mul3A_540 = arith.mulf %gather3A_538, %gather3A_539 : vector<16xf32>
        %add3A_541 = arith.addf %add3A_456, %mul3A_540 : vector<16xf32>
        %add3A_542 = arith.constant 1 : i32
        %add3A_543 = vector.broadcast %add3A_542 : i32 to vector<16xi32>
        %add3A_544 = arith.addi %add3A_529, %add3A_543 : vector<16xi32>
        %and3A_545 = arith.constant 255 : i32
        %and3A_546 = vector.broadcast %and3A_545 : i32 to vector<16xi32>
        %and3A_547 = arith.andi %add3A_544, %and3A_546 : vector<16xi32>
        %gather3A_548 = tpu.vector_load_idx %arg9[%add3A_75, %and3A_547] : memref<64x256xf32, #tpu.memory_space<vmem>>[vector<16xi32>, vector<16xi32>], vector<16xf32>,
        %gather3A_549 = tpu.vector_load_idx %arg11[%add3A_75, %and3A_547] : memref<64x256xf32, #tpu.memory_space<vmem>>[vector<16xi32>, vector<16xi32>], vector<16xf32>,
        %mul3A_550 = arith.mulf %gather3A_548, %gather3A_549 : vector<16xf32>
        %add3A_551 = arith.addf %add3A_466, %mul3A_550 : vector<16xf32>
        %add3A_552 = arith.constant 2 : i32
        %add3A_553 = vector.broadcast %add3A_552 : i32 to vector<16xi32>
        %add3A_554 = arith.addi %add3A_529, %add3A_553 : vector<16xi32>
        %and3A_555 = arith.constant 255 : i32
        %and3A_556 = vector.broadcast %and3A_555 : i32 to vector<16xi32>
        %and3A_557 = arith.andi %add3A_554, %and3A_556 : vector<16xi32>
        %gather3A_558 = tpu.vector_load_idx %arg9[%add3A_75, %and3A_557] : memref<64x256xf32, #tpu.memory_space<vmem>>[vector<16xi32>, vector<16xi32>], vector<16xf32>,
        %gather3A_559 = tpu.vector_load_idx %arg11[%add3A_75, %and3A_557] : memref<64x256xf32, #tpu.memory_space<vmem>>[vector<16xi32>, vector<16xi32>], vector<16xf32>,
        %mul3A_560 = arith.mulf %gather3A_558, %gather3A_559 : vector<16xf32>
        %add3A_561 = arith.addf %add3A_476, %mul3A_560 : vector<16xf32>
        %add3A_562 = arith.constant 3 : i32
        %add3A_563 = vector.broadcast %add3A_562 : i32 to vector<16xi32>
        %add3A_564 = arith.addi %add3A_529, %add3A_563 : vector<16xi32>
        %and3A_565 = arith.constant 255 : i32
        %and3A_566 = vector.broadcast %and3A_565 : i32 to vector<16xi32>
        %and3A_567 = arith.andi %add3A_564, %and3A_566 : vector<16xi32>
        %gather3A_568 = tpu.vector_load_idx %arg9[%add3A_75, %and3A_567] : memref<64x256xf32, #tpu.memory_space<vmem>>[vector<16xi32>, vector<16xi32>], vector<16xf32>,
        %gather3A_569 = tpu.vector_load_idx %arg11[%add3A_75, %and3A_567] : memref<64x256xf32, #tpu.memory_space<vmem>>[vector<16xi32>, vector<16xi32>], vector<16xf32>,
        %mul3A_570 = arith.mulf %gather3A_568, %gather3A_569 : vector<16xf32>
        %add3A_571 = arith.addf %add3A_486, %mul3A_570 : vector<16xf32>
        %add3A_572 = arith.constant 4 : i32
        %add3A_573 = vector.broadcast %add3A_572 : i32 to vector<16xi32>
        %add3A_574 = arith.addi %add3A_529, %add3A_573 : vector<16xi32>
        %and3A_575 = arith.constant 255 : i32
        %and3A_576 = vector.broadcast %and3A_575 : i32 to vector<16xi32>
        %and3A_577 = arith.andi %add3A_574, %and3A_576 : vector<16xi32>
        %gather3A_578 = tpu.vector_load_idx %arg9[%add3A_75, %and3A_577] : memref<64x256xf32, #tpu.memory_space<vmem>>[vector<16xi32>, vector<16xi32>], vector<16xf32>,
        %gather3A_579 = tpu.vector_load_idx %arg11[%add3A_75, %and3A_577] : memref<64x256xf32, #tpu.memory_space<vmem>>[vector<16xi32>, vector<16xi32>], vector<16xf32>,
        %mul3A_580 = arith.mulf %gather3A_578, %gather3A_579 : vector<16xf32>
        %add3A_581 = arith.addf %add3A_496, %mul3A_580 : vector<16xf32>
        %add3A_582 = arith.constant 5 : i32
        %add3A_583 = vector.broadcast %add3A_582 : i32 to vector<16xi32>
        %add3A_584 = arith.addi %add3A_529, %add3A_583 : vector<16xi32>
        %and3A_585 = arith.constant 255 : i32
        %and3A_586 = vector.broadcast %and3A_585 : i32 to vector<16xi32>
        %and3A_587 = arith.andi %add3A_584, %and3A_586 : vector<16xi32>
        %gather3A_588 = tpu.vector_load_idx %arg9[%add3A_75, %and3A_587] : memref<64x256xf32, #tpu.memory_space<vmem>>[vector<16xi32>, vector<16xi32>], vector<16xf32>,
        %gather3A_589 = tpu.vector_load_idx %arg11[%add3A_75, %and3A_587] : memref<64x256xf32, #tpu.memory_space<vmem>>[vector<16xi32>, vector<16xi32>], vector<16xf32>,
        %mul3A_590 = arith.mulf %gather3A_588, %gather3A_589 : vector<16xf32>
        %add3A_591 = arith.addf %add3A_506, %mul3A_590 : vector<16xf32>
        %add3A_592 = arith.constant 6 : i32
        %add3A_593 = vector.broadcast %add3A_592 : i32 to vector<16xi32>
        %add3A_594 = arith.addi %add3A_529, %add3A_593 : vector<16xi32>
        %and3A_595 = arith.constant 255 : i32
        %and3A_596 = vector.broadcast %and3A_595 : i32 to vector<16xi32>
        %and3A_597 = arith.andi %add3A_594, %and3A_596 : vector<16xi32>
        %gather3A_598 = tpu.vector_load_idx %arg9[%add3A_75, %and3A_597] : memref<64x256xf32, #tpu.memory_space<vmem>>[vector<16xi32>, vector<16xi32>], vector<16xf32>,
        %gather3A_599 = tpu.vector_load_idx %arg11[%add3A_75, %and3A_597] : memref<64x256xf32, #tpu.memory_space<vmem>>[vector<16xi32>, vector<16xi32>], vector<16xf32>,
        %mul3A_600 = arith.mulf %gather3A_598, %gather3A_599 : vector<16xf32>
        %add3A_601 = arith.addf %add3A_516, %mul3A_600 : vector<16xf32>
        %add3A_602 = arith.constant 7 : i32
        %add3A_603 = vector.broadcast %add3A_602 : i32 to vector<16xi32>
        %add3A_604 = arith.addi %add3A_529, %add3A_603 : vector<16xi32>
        %and3A_605 = arith.constant 255 : i32
        %and3A_606 = vector.broadcast %and3A_605 : i32 to vector<16xi32>
        %and3A_607 = arith.andi %add3A_604, %and3A_606 : vector<16xi32>
        %gather3A_608 = tpu.vector_load_idx %arg9[%add3A_75, %and3A_607] : memref<64x256xf32, #tpu.memory_space<vmem>>[vector<16xi32>, vector<16xi32>], vector<16xf32>,
        %gather3A_609 = tpu.vector_load_idx %arg11[%add3A_75, %and3A_607] : memref<64x256xf32, #tpu.memory_space<vmem>>[vector<16xi32>, vector<16xi32>], vector<16xf32>,
        %mul3A_610 = arith.mulf %gather3A_608, %gather3A_609 : vector<16xf32>
        %add3A_611 = arith.addf %add3A_526, %mul3A_610 : vector<16xf32>
        %add3A_612 = arith.constant 8 : i32
        %add3A_613 = vector.broadcast %add3A_612 : i32 to vector<16xi32>
        %add3A_614 = arith.addi %add3A_529, %add3A_613 : vector<16xi32>
        %scan3A_615 = arith.constant 3 : i32
        %scan3A_616 = arith.addi %scan3A_354, %scan3A_615 : i32
        %add3A_617 = arith.constant 0 : i32
        %add3A_618 = vector.broadcast %add3A_617 : i32 to vector<16xi32>
        %add3A_619 = arith.addi %add3A_614, %add3A_618 : vector<16xi32>
        %and3A_620 = arith.constant 255 : i32
        %and3A_621 = vector.broadcast %and3A_620 : i32 to vector<16xi32>
        %and3A_622 = arith.andi %add3A_619, %and3A_621 : vector<16xi32>
        %gather3A_623 = tpu.vector_load_idx %arg9[%add3A_75, %and3A_622] : memref<64x256xf32, #tpu.memory_space<vmem>>[vector<16xi32>, vector<16xi32>], vector<16xf32>,
        %gather3A_624 = tpu.vector_load_idx %arg11[%add3A_75, %and3A_622] : memref<64x256xf32, #tpu.memory_space<vmem>>[vector<16xi32>, vector<16xi32>], vector<16xf32>,
        %mul3A_625 = arith.mulf %gather3A_623, %gather3A_624 : vector<16xf32>
        %add3A_626 = arith.addf %add3A_541, %mul3A_625 : vector<16xf32>
        %add3A_627 = arith.constant 1 : i32
        %add3A_628 = vector.broadcast %add3A_627 : i32 to vector<16xi32>
        %add3A_629 = arith.addi %add3A_614, %add3A_628 : vector<16xi32>
        %and3A_630 = arith.constant 255 : i32
        %and3A_631 = vector.broadcast %and3A_630 : i32 to vector<16xi32>
        %and3A_632 = arith.andi %add3A_629, %and3A_631 : vector<16xi32>
        %gather3A_633 = tpu.vector_load_idx %arg9[%add3A_75, %and3A_632] : memref<64x256xf32, #tpu.memory_space<vmem>>[vector<16xi32>, vector<16xi32>], vector<16xf32>,
        %gather3A_634 = tpu.vector_load_idx %arg11[%add3A_75, %and3A_632] : memref<64x256xf32, #tpu.memory_space<vmem>>[vector<16xi32>, vector<16xi32>], vector<16xf32>,
        %mul3A_635 = arith.mulf %gather3A_633, %gather3A_634 : vector<16xf32>
        %add3A_636 = arith.addf %add3A_551, %mul3A_635 : vector<16xf32>
        %add3A_637 = arith.constant 2 : i32
        %add3A_638 = vector.broadcast %add3A_637 : i32 to vector<16xi32>
        %add3A_639 = arith.addi %add3A_614, %add3A_638 : vector<16xi32>
        %and3A_640 = arith.constant 255 : i32
        %and3A_641 = vector.broadcast %and3A_640 : i32 to vector<16xi32>
        %and3A_642 = arith.andi %add3A_639, %and3A_641 : vector<16xi32>
        %gather3A_643 = tpu.vector_load_idx %arg9[%add3A_75, %and3A_642] : memref<64x256xf32, #tpu.memory_space<vmem>>[vector<16xi32>, vector<16xi32>], vector<16xf32>,
        %gather3A_644 = tpu.vector_load_idx %arg11[%add3A_75, %and3A_642] : memref<64x256xf32, #tpu.memory_space<vmem>>[vector<16xi32>, vector<16xi32>], vector<16xf32>,
        %mul3A_645 = arith.mulf %gather3A_643, %gather3A_644 : vector<16xf32>
        %add3A_646 = arith.addf %add3A_561, %mul3A_645 : vector<16xf32>
        %add3A_647 = arith.constant 3 : i32
        %add3A_648 = vector.broadcast %add3A_647 : i32 to vector<16xi32>
        %add3A_649 = arith.addi %add3A_614, %add3A_648 : vector<16xi32>
        %and3A_650 = arith.constant 255 : i32
        %and3A_651 = vector.broadcast %and3A_650 : i32 to vector<16xi32>
        %and3A_652 = arith.andi %add3A_649, %and3A_651 : vector<16xi32>
        %gather3A_653 = tpu.vector_load_idx %arg9[%add3A_75, %and3A_652] : memref<64x256xf32, #tpu.memory_space<vmem>>[vector<16xi32>, vector<16xi32>], vector<16xf32>,
        %gather3A_654 = tpu.vector_load_idx %arg11[%add3A_75, %and3A_652] : memref<64x256xf32, #tpu.memory_space<vmem>>[vector<16xi32>, vector<16xi32>], vector<16xf32>,
        %mul3A_655 = arith.mulf %gather3A_653, %gather3A_654 : vector<16xf32>
        %add3A_656 = arith.addf %add3A_571, %mul3A_655 : vector<16xf32>
        %add3A_657 = arith.constant 4 : i32
        %add3A_658 = vector.broadcast %add3A_657 : i32 to vector<16xi32>
        %add3A_659 = arith.addi %add3A_614, %add3A_658 : vector<16xi32>
        %and3A_660 = arith.constant 255 : i32
        %and3A_661 = vector.broadcast %and3A_660 : i32 to vector<16xi32>
        %and3A_662 = arith.andi %add3A_659, %and3A_661 : vector<16xi32>
        %gather3A_663 = tpu.vector_load_idx %arg9[%add3A_75, %and3A_662] : memref<64x256xf32, #tpu.memory_space<vmem>>[vector<16xi32>, vector<16xi32>], vector<16xf32>,
        %gather3A_664 = tpu.vector_load_idx %arg11[%add3A_75, %and3A_662] : memref<64x256xf32, #tpu.memory_space<vmem>>[vector<16xi32>, vector<16xi32>], vector<16xf32>,
        %mul3A_665 = arith.mulf %gather3A_663, %gather3A_664 : vector<16xf32>
        %add3A_666 = arith.addf %add3A_581, %mul3A_665 : vector<16xf32>
        %add3A_667 = arith.constant 5 : i32
        %add3A_668 = vector.broadcast %add3A_667 : i32 to vector<16xi32>
        %add3A_669 = arith.addi %add3A_614, %add3A_668 : vector<16xi32>
        %and3A_670 = arith.constant 255 : i32
        %and3A_671 = vector.broadcast %and3A_670 : i32 to vector<16xi32>
        %and3A_672 = arith.andi %add3A_669, %and3A_671 : vector<16xi32>
        %gather3A_673 = tpu.vector_load_idx %arg9[%add3A_75, %and3A_672] : memref<64x256xf32, #tpu.memory_space<vmem>>[vector<16xi32>, vector<16xi32>], vector<16xf32>,
        %gather3A_674 = tpu.vector_load_idx %arg11[%add3A_75, %and3A_672] : memref<64x256xf32, #tpu.memory_space<vmem>>[vector<16xi32>, vector<16xi32>], vector<16xf32>,
        %mul3A_675 = arith.mulf %gather3A_673, %gather3A_674 : vector<16xf32>
        %add3A_676 = arith.addf %add3A_591, %mul3A_675 : vector<16xf32>
        %add3A_677 = arith.constant 6 : i32
        %add3A_678 = vector.broadcast %add3A_677 : i32 to vector<16xi32>
        %add3A_679 = arith.addi %add3A_614, %add3A_678 : vector<16xi32>
        %and3A_680 = arith.constant 255 : i32
        %and3A_681 = vector.broadcast %and3A_680 : i32 to vector<16xi32>
        %and3A_682 = arith.andi %add3A_679, %and3A_681 : vector<16xi32>
        %gather3A_683 = tpu.vector_load_idx %arg9[%add3A_75, %and3A_682] : memref<64x256xf32, #tpu.memory_space<vmem>>[vector<16xi32>, vector<16xi32>], vector<16xf32>,
        %gather3A_684 = tpu.vector_load_idx %arg11[%add3A_75, %and3A_682] : memref<64x256xf32, #tpu.memory_space<vmem>>[vector<16xi32>, vector<16xi32>], vector<16xf32>,
        %mul3A_685 = arith.mulf %gather3A_683, %gather3A_684 : vector<16xf32>
        %add3A_686 = arith.addf %add3A_601, %mul3A_685 : vector<16xf32>
        %add3A_687 = arith.constant 7 : i32
        %add3A_688 = vector.broadcast %add3A_687 : i32 to vector<16xi32>
        %add3A_689 = arith.addi %add3A_614, %add3A_688 : vector<16xi32>
        %and3A_690 = arith.constant 255 : i32
        %and3A_691 = vector.broadcast %and3A_690 : i32 to vector<16xi32>
        %and3A_692 = arith.andi %add3A_689, %and3A_691 : vector<16xi32>
        %gather3A_693 = tpu.vector_load_idx %arg9[%add3A_75, %and3A_692] : memref<64x256xf32, #tpu.memory_space<vmem>>[vector<16xi32>, vector<16xi32>], vector<16xf32>,
        %gather3A_694 = tpu.vector_load_idx %arg11[%add3A_75, %and3A_692] : memref<64x256xf32, #tpu.memory_space<vmem>>[vector<16xi32>, vector<16xi32>], vector<16xf32>,
        %mul3A_695 = arith.mulf %gather3A_693, %gather3A_694 : vector<16xf32>
        %add3A_696 = arith.addf %add3A_611, %mul3A_695 : vector<16xf32>
        %add3A_697 = arith.constant 8 : i32
        %add3A_698 = vector.broadcast %add3A_697 : i32 to vector<16xi32>
        %add3A_699 = arith.addi %add3A_614, %add3A_698 : vector<16xi32>
        scf.yield %add3A_626, %add3A_636, %add3A_646, %add3A_656, %add3A_666, %add3A_676, %add3A_686, %add3A_696, %add3A_699 : vector<16xf32>, vector<16xf32>, vector<16xf32>, vector<16xf32>, vector<16xf32>, vector<16xf32>, vector<16xf32>, vector<16xf32>, vector<16xi32>
      }
      %scan3A_98 = arith.constant 32 : i32
      %add3A_99 = arith.addf %scan3A_97#0, %scan3A_97#1 : vector<16xf32>
      %add3A_100 = arith.addf %scan3A_97#2, %scan3A_97#3 : vector<16xf32>
      %add3A_101 = arith.addf %add3A_99, %add3A_100 : vector<16xf32>
      %add3A_102 = arith.addf %scan3A_97#4, %scan3A_97#5 : vector<16xf32>
      %add3A_103 = arith.addf %scan3A_97#6, %scan3A_97#7 : vector<16xf32>
      %add3A_104 = arith.addf %add3A_102, %add3A_103 : vector<16xf32>
      %add3A_105 = arith.addf %add3A_101, %add3A_104 : vector<16xf32>
      %swap3A_106 = arith.index_cast %add3A_22 : i32 to index
      %swap3A_107 = arith.constant 16 : index
      %swap3A_108 = tpu.vector_load %arg8[%swap3A_106, %swap3A_107] {strides = array<i32>} : memref<80x64xf32, #tpu.memory_space<vmem>>, vector<16xf32>,
      tpu.vector_store %arg8[%swap3A_106, %swap3A_107], %add3A_105 {strides = array<i32>} : memref<80x64xf32, #tpu.memory_space<vmem>>, vector<16xf32>,
      %iota3A_109 = tpu.iota {dimensions = array<i32: 0>} : vector<16xi32>
      %add3A_110 = arith.constant 32 : i32
      %add3A_111 = vector.broadcast %add3A_110 : i32 to vector<16xi32>
      %add3A_112 = arith.addi %iota3A_109, %add3A_111 : vector<16xi32>
      %iota3A_113 = tpu.iota {dimensions = array<i32: 0>} : vector<16xi32>
      %broadcast_in_dim3A_114 = arith.constant 0.000000e+00 : f32
      %broadcast_in_dim3A_115 = vector.broadcast %broadcast_in_dim3A_114 : f32 to vector<16xf32>
      %broadcast_in_dim3A_116 = arith.constant 0.000000e+00 : f32
      %broadcast_in_dim3A_117 = vector.broadcast %broadcast_in_dim3A_116 : f32 to vector<16xf32>
      %broadcast_in_dim3A_118 = arith.constant 0.000000e+00 : f32
      %broadcast_in_dim3A_119 = vector.broadcast %broadcast_in_dim3A_118 : f32 to vector<16xf32>
      %broadcast_in_dim3A_120 = arith.constant 0.000000e+00 : f32
      %broadcast_in_dim3A_121 = vector.broadcast %broadcast_in_dim3A_120 : f32 to vector<16xf32>
      %broadcast_in_dim3A_122 = arith.constant 0.000000e+00 : f32
      %broadcast_in_dim3A_123 = vector.broadcast %broadcast_in_dim3A_122 : f32 to vector<16xf32>
      %broadcast_in_dim3A_124 = arith.constant 0.000000e+00 : f32
      %broadcast_in_dim3A_125 = vector.broadcast %broadcast_in_dim3A_124 : f32 to vector<16xf32>
      %broadcast_in_dim3A_126 = arith.constant 0.000000e+00 : f32
      %broadcast_in_dim3A_127 = vector.broadcast %broadcast_in_dim3A_126 : f32 to vector<16xf32>
      %broadcast_in_dim3A_128 = arith.constant 0.000000e+00 : f32
      %broadcast_in_dim3A_129 = vector.broadcast %broadcast_in_dim3A_128 : f32 to vector<16xf32>
      %scan3A_130 = arith.constant 0 : i32
      %scan3A_131 = arith.constant 32 : i32
      %scan3A_132 = arith.addi %scan3A_130, %scan3A_131 : i32
      %scan3A_133 = arith.constant 4 : i32
      %scan3A_134:9 = scf.for %scan3A_354 = %scan3A_130 to %scan3A_132 step %scan3A_133 iter_args(%scan3A_355 = %broadcast_in_dim3A_115, %scan3A_356 = %broadcast_in_dim3A_117, %scan3A_357 = %broadcast_in_dim3A_119, %scan3A_358 = %broadcast_in_dim3A_121, %scan3A_359 = %broadcast_in_dim3A_123, %scan3A_360 = %broadcast_in_dim3A_125, %scan3A_361 = %broadcast_in_dim3A_127, %scan3A_362 = %broadcast_in_dim3A_129, %scan3A_363 = %iota3A_113) -> (vector<16xf32>, vector<16xf32>, vector<16xf32>, vector<16xf32>, vector<16xf32>, vector<16xf32>, vector<16xf32>, vector<16xf32>, vector<16xi32>)  : i32 {
        %add3A_364 = arith.constant 0 : i32
        %add3A_365 = vector.broadcast %add3A_364 : i32 to vector<16xi32>
        %add3A_366 = arith.addi %scan3A_363, %add3A_365 : vector<16xi32>
        %and3A = arith.constant 255 : i32
        %and3A_367 = vector.broadcast %and3A : i32 to vector<16xi32>
        %and3A_368 = arith.andi %add3A_366, %and3A_367 : vector<16xi32>
        %gather3A = tpu.vector_load_idx %arg9[%add3A_112, %and3A_368] : memref<64x256xf32, #tpu.memory_space<vmem>>[vector<16xi32>, vector<16xi32>], vector<16xf32>,
        %gather3A_369 = tpu.vector_load_idx %arg11[%add3A_112, %and3A_368] : memref<64x256xf32, #tpu.memory_space<vmem>>[vector<16xi32>, vector<16xi32>], vector<16xf32>,
        %mul3A_370 = arith.mulf %gather3A, %gather3A_369 : vector<16xf32>
        %add3A_371 = arith.addf %scan3A_355, %mul3A_370 : vector<16xf32>
        %add3A_372 = arith.constant 1 : i32
        %add3A_373 = vector.broadcast %add3A_372 : i32 to vector<16xi32>
        %add3A_374 = arith.addi %scan3A_363, %add3A_373 : vector<16xi32>
        %and3A_375 = arith.constant 255 : i32
        %and3A_376 = vector.broadcast %and3A_375 : i32 to vector<16xi32>
        %and3A_377 = arith.andi %add3A_374, %and3A_376 : vector<16xi32>
        %gather3A_378 = tpu.vector_load_idx %arg9[%add3A_112, %and3A_377] : memref<64x256xf32, #tpu.memory_space<vmem>>[vector<16xi32>, vector<16xi32>], vector<16xf32>,
        %gather3A_379 = tpu.vector_load_idx %arg11[%add3A_112, %and3A_377] : memref<64x256xf32, #tpu.memory_space<vmem>>[vector<16xi32>, vector<16xi32>], vector<16xf32>,
        %mul3A_380 = arith.mulf %gather3A_378, %gather3A_379 : vector<16xf32>
        %add3A_381 = arith.addf %scan3A_356, %mul3A_380 : vector<16xf32>
        %add3A_382 = arith.constant 2 : i32
        %add3A_383 = vector.broadcast %add3A_382 : i32 to vector<16xi32>
        %add3A_384 = arith.addi %scan3A_363, %add3A_383 : vector<16xi32>
        %and3A_385 = arith.constant 255 : i32
        %and3A_386 = vector.broadcast %and3A_385 : i32 to vector<16xi32>
        %and3A_387 = arith.andi %add3A_384, %and3A_386 : vector<16xi32>
        %gather3A_388 = tpu.vector_load_idx %arg9[%add3A_112, %and3A_387] : memref<64x256xf32, #tpu.memory_space<vmem>>[vector<16xi32>, vector<16xi32>], vector<16xf32>,
        %gather3A_389 = tpu.vector_load_idx %arg11[%add3A_112, %and3A_387] : memref<64x256xf32, #tpu.memory_space<vmem>>[vector<16xi32>, vector<16xi32>], vector<16xf32>,
        %mul3A_390 = arith.mulf %gather3A_388, %gather3A_389 : vector<16xf32>
        %add3A_391 = arith.addf %scan3A_357, %mul3A_390 : vector<16xf32>
        %add3A_392 = arith.constant 3 : i32
        %add3A_393 = vector.broadcast %add3A_392 : i32 to vector<16xi32>
        %add3A_394 = arith.addi %scan3A_363, %add3A_393 : vector<16xi32>
        %and3A_395 = arith.constant 255 : i32
        %and3A_396 = vector.broadcast %and3A_395 : i32 to vector<16xi32>
        %and3A_397 = arith.andi %add3A_394, %and3A_396 : vector<16xi32>
        %gather3A_398 = tpu.vector_load_idx %arg9[%add3A_112, %and3A_397] : memref<64x256xf32, #tpu.memory_space<vmem>>[vector<16xi32>, vector<16xi32>], vector<16xf32>,
        %gather3A_399 = tpu.vector_load_idx %arg11[%add3A_112, %and3A_397] : memref<64x256xf32, #tpu.memory_space<vmem>>[vector<16xi32>, vector<16xi32>], vector<16xf32>,
        %mul3A_400 = arith.mulf %gather3A_398, %gather3A_399 : vector<16xf32>
        %add3A_401 = arith.addf %scan3A_358, %mul3A_400 : vector<16xf32>
        %add3A_402 = arith.constant 4 : i32
        %add3A_403 = vector.broadcast %add3A_402 : i32 to vector<16xi32>
        %add3A_404 = arith.addi %scan3A_363, %add3A_403 : vector<16xi32>
        %and3A_405 = arith.constant 255 : i32
        %and3A_406 = vector.broadcast %and3A_405 : i32 to vector<16xi32>
        %and3A_407 = arith.andi %add3A_404, %and3A_406 : vector<16xi32>
        %gather3A_408 = tpu.vector_load_idx %arg9[%add3A_112, %and3A_407] : memref<64x256xf32, #tpu.memory_space<vmem>>[vector<16xi32>, vector<16xi32>], vector<16xf32>,
        %gather3A_409 = tpu.vector_load_idx %arg11[%add3A_112, %and3A_407] : memref<64x256xf32, #tpu.memory_space<vmem>>[vector<16xi32>, vector<16xi32>], vector<16xf32>,
        %mul3A_410 = arith.mulf %gather3A_408, %gather3A_409 : vector<16xf32>
        %add3A_411 = arith.addf %scan3A_359, %mul3A_410 : vector<16xf32>
        %add3A_412 = arith.constant 5 : i32
        %add3A_413 = vector.broadcast %add3A_412 : i32 to vector<16xi32>
        %add3A_414 = arith.addi %scan3A_363, %add3A_413 : vector<16xi32>
        %and3A_415 = arith.constant 255 : i32
        %and3A_416 = vector.broadcast %and3A_415 : i32 to vector<16xi32>
        %and3A_417 = arith.andi %add3A_414, %and3A_416 : vector<16xi32>
        %gather3A_418 = tpu.vector_load_idx %arg9[%add3A_112, %and3A_417] : memref<64x256xf32, #tpu.memory_space<vmem>>[vector<16xi32>, vector<16xi32>], vector<16xf32>,
        %gather3A_419 = tpu.vector_load_idx %arg11[%add3A_112, %and3A_417] : memref<64x256xf32, #tpu.memory_space<vmem>>[vector<16xi32>, vector<16xi32>], vector<16xf32>,
        %mul3A_420 = arith.mulf %gather3A_418, %gather3A_419 : vector<16xf32>
        %add3A_421 = arith.addf %scan3A_360, %mul3A_420 : vector<16xf32>
        %add3A_422 = arith.constant 6 : i32
        %add3A_423 = vector.broadcast %add3A_422 : i32 to vector<16xi32>
        %add3A_424 = arith.addi %scan3A_363, %add3A_423 : vector<16xi32>
        %and3A_425 = arith.constant 255 : i32
        %and3A_426 = vector.broadcast %and3A_425 : i32 to vector<16xi32>
        %and3A_427 = arith.andi %add3A_424, %and3A_426 : vector<16xi32>
        %gather3A_428 = tpu.vector_load_idx %arg9[%add3A_112, %and3A_427] : memref<64x256xf32, #tpu.memory_space<vmem>>[vector<16xi32>, vector<16xi32>], vector<16xf32>,
        %gather3A_429 = tpu.vector_load_idx %arg11[%add3A_112, %and3A_427] : memref<64x256xf32, #tpu.memory_space<vmem>>[vector<16xi32>, vector<16xi32>], vector<16xf32>,
        %mul3A_430 = arith.mulf %gather3A_428, %gather3A_429 : vector<16xf32>
        %add3A_431 = arith.addf %scan3A_361, %mul3A_430 : vector<16xf32>
        %add3A_432 = arith.constant 7 : i32
        %add3A_433 = vector.broadcast %add3A_432 : i32 to vector<16xi32>
        %add3A_434 = arith.addi %scan3A_363, %add3A_433 : vector<16xi32>
        %and3A_435 = arith.constant 255 : i32
        %and3A_436 = vector.broadcast %and3A_435 : i32 to vector<16xi32>
        %and3A_437 = arith.andi %add3A_434, %and3A_436 : vector<16xi32>
        %gather3A_438 = tpu.vector_load_idx %arg9[%add3A_112, %and3A_437] : memref<64x256xf32, #tpu.memory_space<vmem>>[vector<16xi32>, vector<16xi32>], vector<16xf32>,
        %gather3A_439 = tpu.vector_load_idx %arg11[%add3A_112, %and3A_437] : memref<64x256xf32, #tpu.memory_space<vmem>>[vector<16xi32>, vector<16xi32>], vector<16xf32>,
        %mul3A_440 = arith.mulf %gather3A_438, %gather3A_439 : vector<16xf32>
        %add3A_441 = arith.addf %scan3A_362, %mul3A_440 : vector<16xf32>
        %add3A_442 = arith.constant 8 : i32
        %add3A_443 = vector.broadcast %add3A_442 : i32 to vector<16xi32>
        %add3A_444 = arith.addi %scan3A_363, %add3A_443 : vector<16xi32>
        %scan3A_445 = arith.constant 1 : i32
        %scan3A_446 = arith.addi %scan3A_354, %scan3A_445 : i32
        %add3A_447 = arith.constant 0 : i32
        %add3A_448 = vector.broadcast %add3A_447 : i32 to vector<16xi32>
        %add3A_449 = arith.addi %add3A_444, %add3A_448 : vector<16xi32>
        %and3A_450 = arith.constant 255 : i32
        %and3A_451 = vector.broadcast %and3A_450 : i32 to vector<16xi32>
        %and3A_452 = arith.andi %add3A_449, %and3A_451 : vector<16xi32>
        %gather3A_453 = tpu.vector_load_idx %arg9[%add3A_112, %and3A_452] : memref<64x256xf32, #tpu.memory_space<vmem>>[vector<16xi32>, vector<16xi32>], vector<16xf32>,
        %gather3A_454 = tpu.vector_load_idx %arg11[%add3A_112, %and3A_452] : memref<64x256xf32, #tpu.memory_space<vmem>>[vector<16xi32>, vector<16xi32>], vector<16xf32>,
        %mul3A_455 = arith.mulf %gather3A_453, %gather3A_454 : vector<16xf32>
        %add3A_456 = arith.addf %add3A_371, %mul3A_455 : vector<16xf32>
        %add3A_457 = arith.constant 1 : i32
        %add3A_458 = vector.broadcast %add3A_457 : i32 to vector<16xi32>
        %add3A_459 = arith.addi %add3A_444, %add3A_458 : vector<16xi32>
        %and3A_460 = arith.constant 255 : i32
        %and3A_461 = vector.broadcast %and3A_460 : i32 to vector<16xi32>
        %and3A_462 = arith.andi %add3A_459, %and3A_461 : vector<16xi32>
        %gather3A_463 = tpu.vector_load_idx %arg9[%add3A_112, %and3A_462] : memref<64x256xf32, #tpu.memory_space<vmem>>[vector<16xi32>, vector<16xi32>], vector<16xf32>,
        %gather3A_464 = tpu.vector_load_idx %arg11[%add3A_112, %and3A_462] : memref<64x256xf32, #tpu.memory_space<vmem>>[vector<16xi32>, vector<16xi32>], vector<16xf32>,
        %mul3A_465 = arith.mulf %gather3A_463, %gather3A_464 : vector<16xf32>
        %add3A_466 = arith.addf %add3A_381, %mul3A_465 : vector<16xf32>
        %add3A_467 = arith.constant 2 : i32
        %add3A_468 = vector.broadcast %add3A_467 : i32 to vector<16xi32>
        %add3A_469 = arith.addi %add3A_444, %add3A_468 : vector<16xi32>
        %and3A_470 = arith.constant 255 : i32
        %and3A_471 = vector.broadcast %and3A_470 : i32 to vector<16xi32>
        %and3A_472 = arith.andi %add3A_469, %and3A_471 : vector<16xi32>
        %gather3A_473 = tpu.vector_load_idx %arg9[%add3A_112, %and3A_472] : memref<64x256xf32, #tpu.memory_space<vmem>>[vector<16xi32>, vector<16xi32>], vector<16xf32>,
        %gather3A_474 = tpu.vector_load_idx %arg11[%add3A_112, %and3A_472] : memref<64x256xf32, #tpu.memory_space<vmem>>[vector<16xi32>, vector<16xi32>], vector<16xf32>,
        %mul3A_475 = arith.mulf %gather3A_473, %gather3A_474 : vector<16xf32>
        %add3A_476 = arith.addf %add3A_391, %mul3A_475 : vector<16xf32>
        %add3A_477 = arith.constant 3 : i32
        %add3A_478 = vector.broadcast %add3A_477 : i32 to vector<16xi32>
        %add3A_479 = arith.addi %add3A_444, %add3A_478 : vector<16xi32>
        %and3A_480 = arith.constant 255 : i32
        %and3A_481 = vector.broadcast %and3A_480 : i32 to vector<16xi32>
        %and3A_482 = arith.andi %add3A_479, %and3A_481 : vector<16xi32>
        %gather3A_483 = tpu.vector_load_idx %arg9[%add3A_112, %and3A_482] : memref<64x256xf32, #tpu.memory_space<vmem>>[vector<16xi32>, vector<16xi32>], vector<16xf32>,
        %gather3A_484 = tpu.vector_load_idx %arg11[%add3A_112, %and3A_482] : memref<64x256xf32, #tpu.memory_space<vmem>>[vector<16xi32>, vector<16xi32>], vector<16xf32>,
        %mul3A_485 = arith.mulf %gather3A_483, %gather3A_484 : vector<16xf32>
        %add3A_486 = arith.addf %add3A_401, %mul3A_485 : vector<16xf32>
        %add3A_487 = arith.constant 4 : i32
        %add3A_488 = vector.broadcast %add3A_487 : i32 to vector<16xi32>
        %add3A_489 = arith.addi %add3A_444, %add3A_488 : vector<16xi32>
        %and3A_490 = arith.constant 255 : i32
        %and3A_491 = vector.broadcast %and3A_490 : i32 to vector<16xi32>
        %and3A_492 = arith.andi %add3A_489, %and3A_491 : vector<16xi32>
        %gather3A_493 = tpu.vector_load_idx %arg9[%add3A_112, %and3A_492] : memref<64x256xf32, #tpu.memory_space<vmem>>[vector<16xi32>, vector<16xi32>], vector<16xf32>,
        %gather3A_494 = tpu.vector_load_idx %arg11[%add3A_112, %and3A_492] : memref<64x256xf32, #tpu.memory_space<vmem>>[vector<16xi32>, vector<16xi32>], vector<16xf32>,
        %mul3A_495 = arith.mulf %gather3A_493, %gather3A_494 : vector<16xf32>
        %add3A_496 = arith.addf %add3A_411, %mul3A_495 : vector<16xf32>
        %add3A_497 = arith.constant 5 : i32
        %add3A_498 = vector.broadcast %add3A_497 : i32 to vector<16xi32>
        %add3A_499 = arith.addi %add3A_444, %add3A_498 : vector<16xi32>
        %and3A_500 = arith.constant 255 : i32
        %and3A_501 = vector.broadcast %and3A_500 : i32 to vector<16xi32>
        %and3A_502 = arith.andi %add3A_499, %and3A_501 : vector<16xi32>
        %gather3A_503 = tpu.vector_load_idx %arg9[%add3A_112, %and3A_502] : memref<64x256xf32, #tpu.memory_space<vmem>>[vector<16xi32>, vector<16xi32>], vector<16xf32>,
        %gather3A_504 = tpu.vector_load_idx %arg11[%add3A_112, %and3A_502] : memref<64x256xf32, #tpu.memory_space<vmem>>[vector<16xi32>, vector<16xi32>], vector<16xf32>,
        %mul3A_505 = arith.mulf %gather3A_503, %gather3A_504 : vector<16xf32>
        %add3A_506 = arith.addf %add3A_421, %mul3A_505 : vector<16xf32>
        %add3A_507 = arith.constant 6 : i32
        %add3A_508 = vector.broadcast %add3A_507 : i32 to vector<16xi32>
        %add3A_509 = arith.addi %add3A_444, %add3A_508 : vector<16xi32>
        %and3A_510 = arith.constant 255 : i32
        %and3A_511 = vector.broadcast %and3A_510 : i32 to vector<16xi32>
        %and3A_512 = arith.andi %add3A_509, %and3A_511 : vector<16xi32>
        %gather3A_513 = tpu.vector_load_idx %arg9[%add3A_112, %and3A_512] : memref<64x256xf32, #tpu.memory_space<vmem>>[vector<16xi32>, vector<16xi32>], vector<16xf32>,
        %gather3A_514 = tpu.vector_load_idx %arg11[%add3A_112, %and3A_512] : memref<64x256xf32, #tpu.memory_space<vmem>>[vector<16xi32>, vector<16xi32>], vector<16xf32>,
        %mul3A_515 = arith.mulf %gather3A_513, %gather3A_514 : vector<16xf32>
        %add3A_516 = arith.addf %add3A_431, %mul3A_515 : vector<16xf32>
        %add3A_517 = arith.constant 7 : i32
        %add3A_518 = vector.broadcast %add3A_517 : i32 to vector<16xi32>
        %add3A_519 = arith.addi %add3A_444, %add3A_518 : vector<16xi32>
        %and3A_520 = arith.constant 255 : i32
        %and3A_521 = vector.broadcast %and3A_520 : i32 to vector<16xi32>
        %and3A_522 = arith.andi %add3A_519, %and3A_521 : vector<16xi32>
        %gather3A_523 = tpu.vector_load_idx %arg9[%add3A_112, %and3A_522] : memref<64x256xf32, #tpu.memory_space<vmem>>[vector<16xi32>, vector<16xi32>], vector<16xf32>,
        %gather3A_524 = tpu.vector_load_idx %arg11[%add3A_112, %and3A_522] : memref<64x256xf32, #tpu.memory_space<vmem>>[vector<16xi32>, vector<16xi32>], vector<16xf32>,
        %mul3A_525 = arith.mulf %gather3A_523, %gather3A_524 : vector<16xf32>
        %add3A_526 = arith.addf %add3A_441, %mul3A_525 : vector<16xf32>
        %add3A_527 = arith.constant 8 : i32
        %add3A_528 = vector.broadcast %add3A_527 : i32 to vector<16xi32>
        %add3A_529 = arith.addi %add3A_444, %add3A_528 : vector<16xi32>
        %scan3A_530 = arith.constant 2 : i32
        %scan3A_531 = arith.addi %scan3A_354, %scan3A_530 : i32
        %add3A_532 = arith.constant 0 : i32
        %add3A_533 = vector.broadcast %add3A_532 : i32 to vector<16xi32>
        %add3A_534 = arith.addi %add3A_529, %add3A_533 : vector<16xi32>
        %and3A_535 = arith.constant 255 : i32
        %and3A_536 = vector.broadcast %and3A_535 : i32 to vector<16xi32>
        %and3A_537 = arith.andi %add3A_534, %and3A_536 : vector<16xi32>
        %gather3A_538 = tpu.vector_load_idx %arg9[%add3A_112, %and3A_537] : memref<64x256xf32, #tpu.memory_space<vmem>>[vector<16xi32>, vector<16xi32>], vector<16xf32>,
        %gather3A_539 = tpu.vector_load_idx %arg11[%add3A_112, %and3A_537] : memref<64x256xf32, #tpu.memory_space<vmem>>[vector<16xi32>, vector<16xi32>], vector<16xf32>,
        %mul3A_540 = arith.mulf %gather3A_538, %gather3A_539 : vector<16xf32>
        %add3A_541 = arith.addf %add3A_456, %mul3A_540 : vector<16xf32>
        %add3A_542 = arith.constant 1 : i32
        %add3A_543 = vector.broadcast %add3A_542 : i32 to vector<16xi32>
        %add3A_544 = arith.addi %add3A_529, %add3A_543 : vector<16xi32>
        %and3A_545 = arith.constant 255 : i32
        %and3A_546 = vector.broadcast %and3A_545 : i32 to vector<16xi32>
        %and3A_547 = arith.andi %add3A_544, %and3A_546 : vector<16xi32>
        %gather3A_548 = tpu.vector_load_idx %arg9[%add3A_112, %and3A_547] : memref<64x256xf32, #tpu.memory_space<vmem>>[vector<16xi32>, vector<16xi32>], vector<16xf32>,
        %gather3A_549 = tpu.vector_load_idx %arg11[%add3A_112, %and3A_547] : memref<64x256xf32, #tpu.memory_space<vmem>>[vector<16xi32>, vector<16xi32>], vector<16xf32>,
        %mul3A_550 = arith.mulf %gather3A_548, %gather3A_549 : vector<16xf32>
        %add3A_551 = arith.addf %add3A_466, %mul3A_550 : vector<16xf32>
        %add3A_552 = arith.constant 2 : i32
        %add3A_553 = vector.broadcast %add3A_552 : i32 to vector<16xi32>
        %add3A_554 = arith.addi %add3A_529, %add3A_553 : vector<16xi32>
        %and3A_555 = arith.constant 255 : i32
        %and3A_556 = vector.broadcast %and3A_555 : i32 to vector<16xi32>
        %and3A_557 = arith.andi %add3A_554, %and3A_556 : vector<16xi32>
        %gather3A_558 = tpu.vector_load_idx %arg9[%add3A_112, %and3A_557] : memref<64x256xf32, #tpu.memory_space<vmem>>[vector<16xi32>, vector<16xi32>], vector<16xf32>,
        %gather3A_559 = tpu.vector_load_idx %arg11[%add3A_112, %and3A_557] : memref<64x256xf32, #tpu.memory_space<vmem>>[vector<16xi32>, vector<16xi32>], vector<16xf32>,
        %mul3A_560 = arith.mulf %gather3A_558, %gather3A_559 : vector<16xf32>
        %add3A_561 = arith.addf %add3A_476, %mul3A_560 : vector<16xf32>
        %add3A_562 = arith.constant 3 : i32
        %add3A_563 = vector.broadcast %add3A_562 : i32 to vector<16xi32>
        %add3A_564 = arith.addi %add3A_529, %add3A_563 : vector<16xi32>
        %and3A_565 = arith.constant 255 : i32
        %and3A_566 = vector.broadcast %and3A_565 : i32 to vector<16xi32>
        %and3A_567 = arith.andi %add3A_564, %and3A_566 : vector<16xi32>
        %gather3A_568 = tpu.vector_load_idx %arg9[%add3A_112, %and3A_567] : memref<64x256xf32, #tpu.memory_space<vmem>>[vector<16xi32>, vector<16xi32>], vector<16xf32>,
        %gather3A_569 = tpu.vector_load_idx %arg11[%add3A_112, %and3A_567] : memref<64x256xf32, #tpu.memory_space<vmem>>[vector<16xi32>, vector<16xi32>], vector<16xf32>,
        %mul3A_570 = arith.mulf %gather3A_568, %gather3A_569 : vector<16xf32>
        %add3A_571 = arith.addf %add3A_486, %mul3A_570 : vector<16xf32>
        %add3A_572 = arith.constant 4 : i32
        %add3A_573 = vector.broadcast %add3A_572 : i32 to vector<16xi32>
        %add3A_574 = arith.addi %add3A_529, %add3A_573 : vector<16xi32>
        %and3A_575 = arith.constant 255 : i32
        %and3A_576 = vector.broadcast %and3A_575 : i32 to vector<16xi32>
        %and3A_577 = arith.andi %add3A_574, %and3A_576 : vector<16xi32>
        %gather3A_578 = tpu.vector_load_idx %arg9[%add3A_112, %and3A_577] : memref<64x256xf32, #tpu.memory_space<vmem>>[vector<16xi32>, vector<16xi32>], vector<16xf32>,
        %gather3A_579 = tpu.vector_load_idx %arg11[%add3A_112, %and3A_577] : memref<64x256xf32, #tpu.memory_space<vmem>>[vector<16xi32>, vector<16xi32>], vector<16xf32>,
        %mul3A_580 = arith.mulf %gather3A_578, %gather3A_579 : vector<16xf32>
        %add3A_581 = arith.addf %add3A_496, %mul3A_580 : vector<16xf32>
        %add3A_582 = arith.constant 5 : i32
        %add3A_583 = vector.broadcast %add3A_582 : i32 to vector<16xi32>
        %add3A_584 = arith.addi %add3A_529, %add3A_583 : vector<16xi32>
        %and3A_585 = arith.constant 255 : i32
        %and3A_586 = vector.broadcast %and3A_585 : i32 to vector<16xi32>
        %and3A_587 = arith.andi %add3A_584, %and3A_586 : vector<16xi32>
        %gather3A_588 = tpu.vector_load_idx %arg9[%add3A_112, %and3A_587] : memref<64x256xf32, #tpu.memory_space<vmem>>[vector<16xi32>, vector<16xi32>], vector<16xf32>,
        %gather3A_589 = tpu.vector_load_idx %arg11[%add3A_112, %and3A_587] : memref<64x256xf32, #tpu.memory_space<vmem>>[vector<16xi32>, vector<16xi32>], vector<16xf32>,
        %mul3A_590 = arith.mulf %gather3A_588, %gather3A_589 : vector<16xf32>
        %add3A_591 = arith.addf %add3A_506, %mul3A_590 : vector<16xf32>
        %add3A_592 = arith.constant 6 : i32
        %add3A_593 = vector.broadcast %add3A_592 : i32 to vector<16xi32>
        %add3A_594 = arith.addi %add3A_529, %add3A_593 : vector<16xi32>
        %and3A_595 = arith.constant 255 : i32
        %and3A_596 = vector.broadcast %and3A_595 : i32 to vector<16xi32>
        %and3A_597 = arith.andi %add3A_594, %and3A_596 : vector<16xi32>
        %gather3A_598 = tpu.vector_load_idx %arg9[%add3A_112, %and3A_597] : memref<64x256xf32, #tpu.memory_space<vmem>>[vector<16xi32>, vector<16xi32>], vector<16xf32>,
        %gather3A_599 = tpu.vector_load_idx %arg11[%add3A_112, %and3A_597] : memref<64x256xf32, #tpu.memory_space<vmem>>[vector<16xi32>, vector<16xi32>], vector<16xf32>,
        %mul3A_600 = arith.mulf %gather3A_598, %gather3A_599 : vector<16xf32>
        %add3A_601 = arith.addf %add3A_516, %mul3A_600 : vector<16xf32>
        %add3A_602 = arith.constant 7 : i32
        %add3A_603 = vector.broadcast %add3A_602 : i32 to vector<16xi32>
        %add3A_604 = arith.addi %add3A_529, %add3A_603 : vector<16xi32>
        %and3A_605 = arith.constant 255 : i32
        %and3A_606 = vector.broadcast %and3A_605 : i32 to vector<16xi32>
        %and3A_607 = arith.andi %add3A_604, %and3A_606 : vector<16xi32>
        %gather3A_608 = tpu.vector_load_idx %arg9[%add3A_112, %and3A_607] : memref<64x256xf32, #tpu.memory_space<vmem>>[vector<16xi32>, vector<16xi32>], vector<16xf32>,
        %gather3A_609 = tpu.vector_load_idx %arg11[%add3A_112, %and3A_607] : memref<64x256xf32, #tpu.memory_space<vmem>>[vector<16xi32>, vector<16xi32>], vector<16xf32>,
        %mul3A_610 = arith.mulf %gather3A_608, %gather3A_609 : vector<16xf32>
        %add3A_611 = arith.addf %add3A_526, %mul3A_610 : vector<16xf32>
        %add3A_612 = arith.constant 8 : i32
        %add3A_613 = vector.broadcast %add3A_612 : i32 to vector<16xi32>
        %add3A_614 = arith.addi %add3A_529, %add3A_613 : vector<16xi32>
        %scan3A_615 = arith.constant 3 : i32
        %scan3A_616 = arith.addi %scan3A_354, %scan3A_615 : i32
        %add3A_617 = arith.constant 0 : i32
        %add3A_618 = vector.broadcast %add3A_617 : i32 to vector<16xi32>
        %add3A_619 = arith.addi %add3A_614, %add3A_618 : vector<16xi32>
        %and3A_620 = arith.constant 255 : i32
        %and3A_621 = vector.broadcast %and3A_620 : i32 to vector<16xi32>
        %and3A_622 = arith.andi %add3A_619, %and3A_621 : vector<16xi32>
        %gather3A_623 = tpu.vector_load_idx %arg9[%add3A_112, %and3A_622] : memref<64x256xf32, #tpu.memory_space<vmem>>[vector<16xi32>, vector<16xi32>], vector<16xf32>,
        %gather3A_624 = tpu.vector_load_idx %arg11[%add3A_112, %and3A_622] : memref<64x256xf32, #tpu.memory_space<vmem>>[vector<16xi32>, vector<16xi32>], vector<16xf32>,
        %mul3A_625 = arith.mulf %gather3A_623, %gather3A_624 : vector<16xf32>
        %add3A_626 = arith.addf %add3A_541, %mul3A_625 : vector<16xf32>
        %add3A_627 = arith.constant 1 : i32
        %add3A_628 = vector.broadcast %add3A_627 : i32 to vector<16xi32>
        %add3A_629 = arith.addi %add3A_614, %add3A_628 : vector<16xi32>
        %and3A_630 = arith.constant 255 : i32
        %and3A_631 = vector.broadcast %and3A_630 : i32 to vector<16xi32>
        %and3A_632 = arith.andi %add3A_629, %and3A_631 : vector<16xi32>
        %gather3A_633 = tpu.vector_load_idx %arg9[%add3A_112, %and3A_632] : memref<64x256xf32, #tpu.memory_space<vmem>>[vector<16xi32>, vector<16xi32>], vector<16xf32>,
        %gather3A_634 = tpu.vector_load_idx %arg11[%add3A_112, %and3A_632] : memref<64x256xf32, #tpu.memory_space<vmem>>[vector<16xi32>, vector<16xi32>], vector<16xf32>,
        %mul3A_635 = arith.mulf %gather3A_633, %gather3A_634 : vector<16xf32>
        %add3A_636 = arith.addf %add3A_551, %mul3A_635 : vector<16xf32>
        %add3A_637 = arith.constant 2 : i32
        %add3A_638 = vector.broadcast %add3A_637 : i32 to vector<16xi32>
        %add3A_639 = arith.addi %add3A_614, %add3A_638 : vector<16xi32>
        %and3A_640 = arith.constant 255 : i32
        %and3A_641 = vector.broadcast %and3A_640 : i32 to vector<16xi32>
        %and3A_642 = arith.andi %add3A_639, %and3A_641 : vector<16xi32>
        %gather3A_643 = tpu.vector_load_idx %arg9[%add3A_112, %and3A_642] : memref<64x256xf32, #tpu.memory_space<vmem>>[vector<16xi32>, vector<16xi32>], vector<16xf32>,
        %gather3A_644 = tpu.vector_load_idx %arg11[%add3A_112, %and3A_642] : memref<64x256xf32, #tpu.memory_space<vmem>>[vector<16xi32>, vector<16xi32>], vector<16xf32>,
        %mul3A_645 = arith.mulf %gather3A_643, %gather3A_644 : vector<16xf32>
        %add3A_646 = arith.addf %add3A_561, %mul3A_645 : vector<16xf32>
        %add3A_647 = arith.constant 3 : i32
        %add3A_648 = vector.broadcast %add3A_647 : i32 to vector<16xi32>
        %add3A_649 = arith.addi %add3A_614, %add3A_648 : vector<16xi32>
        %and3A_650 = arith.constant 255 : i32
        %and3A_651 = vector.broadcast %and3A_650 : i32 to vector<16xi32>
        %and3A_652 = arith.andi %add3A_649, %and3A_651 : vector<16xi32>
        %gather3A_653 = tpu.vector_load_idx %arg9[%add3A_112, %and3A_652] : memref<64x256xf32, #tpu.memory_space<vmem>>[vector<16xi32>, vector<16xi32>], vector<16xf32>,
        %gather3A_654 = tpu.vector_load_idx %arg11[%add3A_112, %and3A_652] : memref<64x256xf32, #tpu.memory_space<vmem>>[vector<16xi32>, vector<16xi32>], vector<16xf32>,
        %mul3A_655 = arith.mulf %gather3A_653, %gather3A_654 : vector<16xf32>
        %add3A_656 = arith.addf %add3A_571, %mul3A_655 : vector<16xf32>
        %add3A_657 = arith.constant 4 : i32
        %add3A_658 = vector.broadcast %add3A_657 : i32 to vector<16xi32>
        %add3A_659 = arith.addi %add3A_614, %add3A_658 : vector<16xi32>
        %and3A_660 = arith.constant 255 : i32
        %and3A_661 = vector.broadcast %and3A_660 : i32 to vector<16xi32>
        %and3A_662 = arith.andi %add3A_659, %and3A_661 : vector<16xi32>
        %gather3A_663 = tpu.vector_load_idx %arg9[%add3A_112, %and3A_662] : memref<64x256xf32, #tpu.memory_space<vmem>>[vector<16xi32>, vector<16xi32>], vector<16xf32>,
        %gather3A_664 = tpu.vector_load_idx %arg11[%add3A_112, %and3A_662] : memref<64x256xf32, #tpu.memory_space<vmem>>[vector<16xi32>, vector<16xi32>], vector<16xf32>,
        %mul3A_665 = arith.mulf %gather3A_663, %gather3A_664 : vector<16xf32>
        %add3A_666 = arith.addf %add3A_581, %mul3A_665 : vector<16xf32>
        %add3A_667 = arith.constant 5 : i32
        %add3A_668 = vector.broadcast %add3A_667 : i32 to vector<16xi32>
        %add3A_669 = arith.addi %add3A_614, %add3A_668 : vector<16xi32>
        %and3A_670 = arith.constant 255 : i32
        %and3A_671 = vector.broadcast %and3A_670 : i32 to vector<16xi32>
        %and3A_672 = arith.andi %add3A_669, %and3A_671 : vector<16xi32>
        %gather3A_673 = tpu.vector_load_idx %arg9[%add3A_112, %and3A_672] : memref<64x256xf32, #tpu.memory_space<vmem>>[vector<16xi32>, vector<16xi32>], vector<16xf32>,
        %gather3A_674 = tpu.vector_load_idx %arg11[%add3A_112, %and3A_672] : memref<64x256xf32, #tpu.memory_space<vmem>>[vector<16xi32>, vector<16xi32>], vector<16xf32>,
        %mul3A_675 = arith.mulf %gather3A_673, %gather3A_674 : vector<16xf32>
        %add3A_676 = arith.addf %add3A_591, %mul3A_675 : vector<16xf32>
        %add3A_677 = arith.constant 6 : i32
        %add3A_678 = vector.broadcast %add3A_677 : i32 to vector<16xi32>
        %add3A_679 = arith.addi %add3A_614, %add3A_678 : vector<16xi32>
        %and3A_680 = arith.constant 255 : i32
        %and3A_681 = vector.broadcast %and3A_680 : i32 to vector<16xi32>
        %and3A_682 = arith.andi %add3A_679, %and3A_681 : vector<16xi32>
        %gather3A_683 = tpu.vector_load_idx %arg9[%add3A_112, %and3A_682] : memref<64x256xf32, #tpu.memory_space<vmem>>[vector<16xi32>, vector<16xi32>], vector<16xf32>,
        %gather3A_684 = tpu.vector_load_idx %arg11[%add3A_112, %and3A_682] : memref<64x256xf32, #tpu.memory_space<vmem>>[vector<16xi32>, vector<16xi32>], vector<16xf32>,
        %mul3A_685 = arith.mulf %gather3A_683, %gather3A_684 : vector<16xf32>
        %add3A_686 = arith.addf %add3A_601, %mul3A_685 : vector<16xf32>
        %add3A_687 = arith.constant 7 : i32
        %add3A_688 = vector.broadcast %add3A_687 : i32 to vector<16xi32>
        %add3A_689 = arith.addi %add3A_614, %add3A_688 : vector<16xi32>
        %and3A_690 = arith.constant 255 : i32
        %and3A_691 = vector.broadcast %and3A_690 : i32 to vector<16xi32>
        %and3A_692 = arith.andi %add3A_689, %and3A_691 : vector<16xi32>
        %gather3A_693 = tpu.vector_load_idx %arg9[%add3A_112, %and3A_692] : memref<64x256xf32, #tpu.memory_space<vmem>>[vector<16xi32>, vector<16xi32>], vector<16xf32>,
        %gather3A_694 = tpu.vector_load_idx %arg11[%add3A_112, %and3A_692] : memref<64x256xf32, #tpu.memory_space<vmem>>[vector<16xi32>, vector<16xi32>], vector<16xf32>,
        %mul3A_695 = arith.mulf %gather3A_693, %gather3A_694 : vector<16xf32>
        %add3A_696 = arith.addf %add3A_611, %mul3A_695 : vector<16xf32>
        %add3A_697 = arith.constant 8 : i32
        %add3A_698 = vector.broadcast %add3A_697 : i32 to vector<16xi32>
        %add3A_699 = arith.addi %add3A_614, %add3A_698 : vector<16xi32>
        scf.yield %add3A_626, %add3A_636, %add3A_646, %add3A_656, %add3A_666, %add3A_676, %add3A_686, %add3A_696, %add3A_699 : vector<16xf32>, vector<16xf32>, vector<16xf32>, vector<16xf32>, vector<16xf32>, vector<16xf32>, vector<16xf32>, vector<16xf32>, vector<16xi32>
      }
      %scan3A_135 = arith.constant 32 : i32
      %add3A_136 = arith.addf %scan3A_134#0, %scan3A_134#1 : vector<16xf32>
      %add3A_137 = arith.addf %scan3A_134#2, %scan3A_134#3 : vector<16xf32>
      %add3A_138 = arith.addf %add3A_136, %add3A_137 : vector<16xf32>
      %add3A_139 = arith.addf %scan3A_134#4, %scan3A_134#5 : vector<16xf32>
      %add3A_140 = arith.addf %scan3A_134#6, %scan3A_134#7 : vector<16xf32>
      %add3A_141 = arith.addf %add3A_139, %add3A_140 : vector<16xf32>
      %add3A_142 = arith.addf %add3A_138, %add3A_141 : vector<16xf32>
      %swap3A_143 = arith.index_cast %add3A_22 : i32 to index
      %swap3A_144 = arith.constant 32 : index
      %swap3A_145 = tpu.vector_load %arg8[%swap3A_143, %swap3A_144] {strides = array<i32>} : memref<80x64xf32, #tpu.memory_space<vmem>>, vector<16xf32>,
      tpu.vector_store %arg8[%swap3A_143, %swap3A_144], %add3A_142 {strides = array<i32>} : memref<80x64xf32, #tpu.memory_space<vmem>>, vector<16xf32>,
      %iota3A_146 = tpu.iota {dimensions = array<i32: 0>} : vector<16xi32>
      %add3A_147 = arith.constant 48 : i32
      %add3A_148 = vector.broadcast %add3A_147 : i32 to vector<16xi32>
      %add3A_149 = arith.addi %iota3A_146, %add3A_148 : vector<16xi32>
      %iota3A_150 = tpu.iota {dimensions = array<i32: 0>} : vector<16xi32>
      %broadcast_in_dim3A_151 = arith.constant 0.000000e+00 : f32
      %broadcast_in_dim3A_152 = vector.broadcast %broadcast_in_dim3A_151 : f32 to vector<16xf32>
      %broadcast_in_dim3A_153 = arith.constant 0.000000e+00 : f32
      %broadcast_in_dim3A_154 = vector.broadcast %broadcast_in_dim3A_153 : f32 to vector<16xf32>
      %broadcast_in_dim3A_155 = arith.constant 0.000000e+00 : f32
      %broadcast_in_dim3A_156 = vector.broadcast %broadcast_in_dim3A_155 : f32 to vector<16xf32>
      %broadcast_in_dim3A_157 = arith.constant 0.000000e+00 : f32
      %broadcast_in_dim3A_158 = vector.broadcast %broadcast_in_dim3A_157 : f32 to vector<16xf32>
      %broadcast_in_dim3A_159 = arith.constant 0.000000e+00 : f32
      %broadcast_in_dim3A_160 = vector.broadcast %broadcast_in_dim3A_159 : f32 to vector<16xf32>
      %broadcast_in_dim3A_161 = arith.constant 0.000000e+00 : f32
      %broadcast_in_dim3A_162 = vector.broadcast %broadcast_in_dim3A_161 : f32 to vector<16xf32>
      %broadcast_in_dim3A_163 = arith.constant 0.000000e+00 : f32
      %broadcast_in_dim3A_164 = vector.broadcast %broadcast_in_dim3A_163 : f32 to vector<16xf32>
      %broadcast_in_dim3A_165 = arith.constant 0.000000e+00 : f32
      %broadcast_in_dim3A_166 = vector.broadcast %broadcast_in_dim3A_165 : f32 to vector<16xf32>
      %scan3A_167 = arith.constant 0 : i32
      %scan3A_168 = arith.constant 32 : i32
      %scan3A_169 = arith.addi %scan3A_167, %scan3A_168 : i32
      %scan3A_170 = arith.constant 4 : i32
      %scan3A_171:9 = scf.for %scan3A_354 = %scan3A_167 to %scan3A_169 step %scan3A_170 iter_args(%scan3A_355 = %broadcast_in_dim3A_152, %scan3A_356 = %broadcast_in_dim3A_154, %scan3A_357 = %broadcast_in_dim3A_156, %scan3A_358 = %broadcast_in_dim3A_158, %scan3A_359 = %broadcast_in_dim3A_160, %scan3A_360 = %broadcast_in_dim3A_162, %scan3A_361 = %broadcast_in_dim3A_164, %scan3A_362 = %broadcast_in_dim3A_166, %scan3A_363 = %iota3A_150) -> (vector<16xf32>, vector<16xf32>, vector<16xf32>, vector<16xf32>, vector<16xf32>, vector<16xf32>, vector<16xf32>, vector<16xf32>, vector<16xi32>)  : i32 {
        %add3A_364 = arith.constant 0 : i32
        %add3A_365 = vector.broadcast %add3A_364 : i32 to vector<16xi32>
        %add3A_366 = arith.addi %scan3A_363, %add3A_365 : vector<16xi32>
        %and3A = arith.constant 255 : i32
        %and3A_367 = vector.broadcast %and3A : i32 to vector<16xi32>
        %and3A_368 = arith.andi %add3A_366, %and3A_367 : vector<16xi32>
        %gather3A = tpu.vector_load_idx %arg9[%add3A_149, %and3A_368] : memref<64x256xf32, #tpu.memory_space<vmem>>[vector<16xi32>, vector<16xi32>], vector<16xf32>,
        %gather3A_369 = tpu.vector_load_idx %arg11[%add3A_149, %and3A_368] : memref<64x256xf32, #tpu.memory_space<vmem>>[vector<16xi32>, vector<16xi32>], vector<16xf32>,
        %mul3A_370 = arith.mulf %gather3A, %gather3A_369 : vector<16xf32>
        %add3A_371 = arith.addf %scan3A_355, %mul3A_370 : vector<16xf32>
        %add3A_372 = arith.constant 1 : i32
        %add3A_373 = vector.broadcast %add3A_372 : i32 to vector<16xi32>
        %add3A_374 = arith.addi %scan3A_363, %add3A_373 : vector<16xi32>
        %and3A_375 = arith.constant 255 : i32
        %and3A_376 = vector.broadcast %and3A_375 : i32 to vector<16xi32>
        %and3A_377 = arith.andi %add3A_374, %and3A_376 : vector<16xi32>
        %gather3A_378 = tpu.vector_load_idx %arg9[%add3A_149, %and3A_377] : memref<64x256xf32, #tpu.memory_space<vmem>>[vector<16xi32>, vector<16xi32>], vector<16xf32>,
        %gather3A_379 = tpu.vector_load_idx %arg11[%add3A_149, %and3A_377] : memref<64x256xf32, #tpu.memory_space<vmem>>[vector<16xi32>, vector<16xi32>], vector<16xf32>,
        %mul3A_380 = arith.mulf %gather3A_378, %gather3A_379 : vector<16xf32>
        %add3A_381 = arith.addf %scan3A_356, %mul3A_380 : vector<16xf32>
        %add3A_382 = arith.constant 2 : i32
        %add3A_383 = vector.broadcast %add3A_382 : i32 to vector<16xi32>
        %add3A_384 = arith.addi %scan3A_363, %add3A_383 : vector<16xi32>
        %and3A_385 = arith.constant 255 : i32
        %and3A_386 = vector.broadcast %and3A_385 : i32 to vector<16xi32>
        %and3A_387 = arith.andi %add3A_384, %and3A_386 : vector<16xi32>
        %gather3A_388 = tpu.vector_load_idx %arg9[%add3A_149, %and3A_387] : memref<64x256xf32, #tpu.memory_space<vmem>>[vector<16xi32>, vector<16xi32>], vector<16xf32>,
        %gather3A_389 = tpu.vector_load_idx %arg11[%add3A_149, %and3A_387] : memref<64x256xf32, #tpu.memory_space<vmem>>[vector<16xi32>, vector<16xi32>], vector<16xf32>,
        %mul3A_390 = arith.mulf %gather3A_388, %gather3A_389 : vector<16xf32>
        %add3A_391 = arith.addf %scan3A_357, %mul3A_390 : vector<16xf32>
        %add3A_392 = arith.constant 3 : i32
        %add3A_393 = vector.broadcast %add3A_392 : i32 to vector<16xi32>
        %add3A_394 = arith.addi %scan3A_363, %add3A_393 : vector<16xi32>
        %and3A_395 = arith.constant 255 : i32
        %and3A_396 = vector.broadcast %and3A_395 : i32 to vector<16xi32>
        %and3A_397 = arith.andi %add3A_394, %and3A_396 : vector<16xi32>
        %gather3A_398 = tpu.vector_load_idx %arg9[%add3A_149, %and3A_397] : memref<64x256xf32, #tpu.memory_space<vmem>>[vector<16xi32>, vector<16xi32>], vector<16xf32>,
        %gather3A_399 = tpu.vector_load_idx %arg11[%add3A_149, %and3A_397] : memref<64x256xf32, #tpu.memory_space<vmem>>[vector<16xi32>, vector<16xi32>], vector<16xf32>,
        %mul3A_400 = arith.mulf %gather3A_398, %gather3A_399 : vector<16xf32>
        %add3A_401 = arith.addf %scan3A_358, %mul3A_400 : vector<16xf32>
        %add3A_402 = arith.constant 4 : i32
        %add3A_403 = vector.broadcast %add3A_402 : i32 to vector<16xi32>
        %add3A_404 = arith.addi %scan3A_363, %add3A_403 : vector<16xi32>
        %and3A_405 = arith.constant 255 : i32
        %and3A_406 = vector.broadcast %and3A_405 : i32 to vector<16xi32>
        %and3A_407 = arith.andi %add3A_404, %and3A_406 : vector<16xi32>
        %gather3A_408 = tpu.vector_load_idx %arg9[%add3A_149, %and3A_407] : memref<64x256xf32, #tpu.memory_space<vmem>>[vector<16xi32>, vector<16xi32>], vector<16xf32>,
        %gather3A_409 = tpu.vector_load_idx %arg11[%add3A_149, %and3A_407] : memref<64x256xf32, #tpu.memory_space<vmem>>[vector<16xi32>, vector<16xi32>], vector<16xf32>,
        %mul3A_410 = arith.mulf %gather3A_408, %gather3A_409 : vector<16xf32>
        %add3A_411 = arith.addf %scan3A_359, %mul3A_410 : vector<16xf32>
        %add3A_412 = arith.constant 5 : i32
        %add3A_413 = vector.broadcast %add3A_412 : i32 to vector<16xi32>
        %add3A_414 = arith.addi %scan3A_363, %add3A_413 : vector<16xi32>
        %and3A_415 = arith.constant 255 : i32
        %and3A_416 = vector.broadcast %and3A_415 : i32 to vector<16xi32>
        %and3A_417 = arith.andi %add3A_414, %and3A_416 : vector<16xi32>
        %gather3A_418 = tpu.vector_load_idx %arg9[%add3A_149, %and3A_417] : memref<64x256xf32, #tpu.memory_space<vmem>>[vector<16xi32>, vector<16xi32>], vector<16xf32>,
        %gather3A_419 = tpu.vector_load_idx %arg11[%add3A_149, %and3A_417] : memref<64x256xf32, #tpu.memory_space<vmem>>[vector<16xi32>, vector<16xi32>], vector<16xf32>,
        %mul3A_420 = arith.mulf %gather3A_418, %gather3A_419 : vector<16xf32>
        %add3A_421 = arith.addf %scan3A_360, %mul3A_420 : vector<16xf32>
        %add3A_422 = arith.constant 6 : i32
        %add3A_423 = vector.broadcast %add3A_422 : i32 to vector<16xi32>
        %add3A_424 = arith.addi %scan3A_363, %add3A_423 : vector<16xi32>
        %and3A_425 = arith.constant 255 : i32
        %and3A_426 = vector.broadcast %and3A_425 : i32 to vector<16xi32>
        %and3A_427 = arith.andi %add3A_424, %and3A_426 : vector<16xi32>
        %gather3A_428 = tpu.vector_load_idx %arg9[%add3A_149, %and3A_427] : memref<64x256xf32, #tpu.memory_space<vmem>>[vector<16xi32>, vector<16xi32>], vector<16xf32>,
        %gather3A_429 = tpu.vector_load_idx %arg11[%add3A_149, %and3A_427] : memref<64x256xf32, #tpu.memory_space<vmem>>[vector<16xi32>, vector<16xi32>], vector<16xf32>,
        %mul3A_430 = arith.mulf %gather3A_428, %gather3A_429 : vector<16xf32>
        %add3A_431 = arith.addf %scan3A_361, %mul3A_430 : vector<16xf32>
        %add3A_432 = arith.constant 7 : i32
        %add3A_433 = vector.broadcast %add3A_432 : i32 to vector<16xi32>
        %add3A_434 = arith.addi %scan3A_363, %add3A_433 : vector<16xi32>
        %and3A_435 = arith.constant 255 : i32
        %and3A_436 = vector.broadcast %and3A_435 : i32 to vector<16xi32>
        %and3A_437 = arith.andi %add3A_434, %and3A_436 : vector<16xi32>
        %gather3A_438 = tpu.vector_load_idx %arg9[%add3A_149, %and3A_437] : memref<64x256xf32, #tpu.memory_space<vmem>>[vector<16xi32>, vector<16xi32>], vector<16xf32>,
        %gather3A_439 = tpu.vector_load_idx %arg11[%add3A_149, %and3A_437] : memref<64x256xf32, #tpu.memory_space<vmem>>[vector<16xi32>, vector<16xi32>], vector<16xf32>,
        %mul3A_440 = arith.mulf %gather3A_438, %gather3A_439 : vector<16xf32>
        %add3A_441 = arith.addf %scan3A_362, %mul3A_440 : vector<16xf32>
        %add3A_442 = arith.constant 8 : i32
        %add3A_443 = vector.broadcast %add3A_442 : i32 to vector<16xi32>
        %add3A_444 = arith.addi %scan3A_363, %add3A_443 : vector<16xi32>
        %scan3A_445 = arith.constant 1 : i32
        %scan3A_446 = arith.addi %scan3A_354, %scan3A_445 : i32
        %add3A_447 = arith.constant 0 : i32
        %add3A_448 = vector.broadcast %add3A_447 : i32 to vector<16xi32>
        %add3A_449 = arith.addi %add3A_444, %add3A_448 : vector<16xi32>
        %and3A_450 = arith.constant 255 : i32
        %and3A_451 = vector.broadcast %and3A_450 : i32 to vector<16xi32>
        %and3A_452 = arith.andi %add3A_449, %and3A_451 : vector<16xi32>
        %gather3A_453 = tpu.vector_load_idx %arg9[%add3A_149, %and3A_452] : memref<64x256xf32, #tpu.memory_space<vmem>>[vector<16xi32>, vector<16xi32>], vector<16xf32>,
        %gather3A_454 = tpu.vector_load_idx %arg11[%add3A_149, %and3A_452] : memref<64x256xf32, #tpu.memory_space<vmem>>[vector<16xi32>, vector<16xi32>], vector<16xf32>,
        %mul3A_455 = arith.mulf %gather3A_453, %gather3A_454 : vector<16xf32>
        %add3A_456 = arith.addf %add3A_371, %mul3A_455 : vector<16xf32>
        %add3A_457 = arith.constant 1 : i32
        %add3A_458 = vector.broadcast %add3A_457 : i32 to vector<16xi32>
        %add3A_459 = arith.addi %add3A_444, %add3A_458 : vector<16xi32>
        %and3A_460 = arith.constant 255 : i32
        %and3A_461 = vector.broadcast %and3A_460 : i32 to vector<16xi32>
        %and3A_462 = arith.andi %add3A_459, %and3A_461 : vector<16xi32>
        %gather3A_463 = tpu.vector_load_idx %arg9[%add3A_149, %and3A_462] : memref<64x256xf32, #tpu.memory_space<vmem>>[vector<16xi32>, vector<16xi32>], vector<16xf32>,
        %gather3A_464 = tpu.vector_load_idx %arg11[%add3A_149, %and3A_462] : memref<64x256xf32, #tpu.memory_space<vmem>>[vector<16xi32>, vector<16xi32>], vector<16xf32>,
        %mul3A_465 = arith.mulf %gather3A_463, %gather3A_464 : vector<16xf32>
        %add3A_466 = arith.addf %add3A_381, %mul3A_465 : vector<16xf32>
        %add3A_467 = arith.constant 2 : i32
        %add3A_468 = vector.broadcast %add3A_467 : i32 to vector<16xi32>
        %add3A_469 = arith.addi %add3A_444, %add3A_468 : vector<16xi32>
        %and3A_470 = arith.constant 255 : i32
        %and3A_471 = vector.broadcast %and3A_470 : i32 to vector<16xi32>
        %and3A_472 = arith.andi %add3A_469, %and3A_471 : vector<16xi32>
        %gather3A_473 = tpu.vector_load_idx %arg9[%add3A_149, %and3A_472] : memref<64x256xf32, #tpu.memory_space<vmem>>[vector<16xi32>, vector<16xi32>], vector<16xf32>,
        %gather3A_474 = tpu.vector_load_idx %arg11[%add3A_149, %and3A_472] : memref<64x256xf32, #tpu.memory_space<vmem>>[vector<16xi32>, vector<16xi32>], vector<16xf32>,
        %mul3A_475 = arith.mulf %gather3A_473, %gather3A_474 : vector<16xf32>
        %add3A_476 = arith.addf %add3A_391, %mul3A_475 : vector<16xf32>
        %add3A_477 = arith.constant 3 : i32
        %add3A_478 = vector.broadcast %add3A_477 : i32 to vector<16xi32>
        %add3A_479 = arith.addi %add3A_444, %add3A_478 : vector<16xi32>
        %and3A_480 = arith.constant 255 : i32
        %and3A_481 = vector.broadcast %and3A_480 : i32 to vector<16xi32>
        %and3A_482 = arith.andi %add3A_479, %and3A_481 : vector<16xi32>
        %gather3A_483 = tpu.vector_load_idx %arg9[%add3A_149, %and3A_482] : memref<64x256xf32, #tpu.memory_space<vmem>>[vector<16xi32>, vector<16xi32>], vector<16xf32>,
        %gather3A_484 = tpu.vector_load_idx %arg11[%add3A_149, %and3A_482] : memref<64x256xf32, #tpu.memory_space<vmem>>[vector<16xi32>, vector<16xi32>], vector<16xf32>,
        %mul3A_485 = arith.mulf %gather3A_483, %gather3A_484 : vector<16xf32>
        %add3A_486 = arith.addf %add3A_401, %mul3A_485 : vector<16xf32>
        %add3A_487 = arith.constant 4 : i32
        %add3A_488 = vector.broadcast %add3A_487 : i32 to vector<16xi32>
        %add3A_489 = arith.addi %add3A_444, %add3A_488 : vector<16xi32>
        %and3A_490 = arith.constant 255 : i32
        %and3A_491 = vector.broadcast %and3A_490 : i32 to vector<16xi32>
        %and3A_492 = arith.andi %add3A_489, %and3A_491 : vector<16xi32>
        %gather3A_493 = tpu.vector_load_idx %arg9[%add3A_149, %and3A_492] : memref<64x256xf32, #tpu.memory_space<vmem>>[vector<16xi32>, vector<16xi32>], vector<16xf32>,
        %gather3A_494 = tpu.vector_load_idx %arg11[%add3A_149, %and3A_492] : memref<64x256xf32, #tpu.memory_space<vmem>>[vector<16xi32>, vector<16xi32>], vector<16xf32>,
        %mul3A_495 = arith.mulf %gather3A_493, %gather3A_494 : vector<16xf32>
        %add3A_496 = arith.addf %add3A_411, %mul3A_495 : vector<16xf32>
        %add3A_497 = arith.constant 5 : i32
        %add3A_498 = vector.broadcast %add3A_497 : i32 to vector<16xi32>
        %add3A_499 = arith.addi %add3A_444, %add3A_498 : vector<16xi32>
        %and3A_500 = arith.constant 255 : i32
        %and3A_501 = vector.broadcast %and3A_500 : i32 to vector<16xi32>
        %and3A_502 = arith.andi %add3A_499, %and3A_501 : vector<16xi32>
        %gather3A_503 = tpu.vector_load_idx %arg9[%add3A_149, %and3A_502] : memref<64x256xf32, #tpu.memory_space<vmem>>[vector<16xi32>, vector<16xi32>], vector<16xf32>,
        %gather3A_504 = tpu.vector_load_idx %arg11[%add3A_149, %and3A_502] : memref<64x256xf32, #tpu.memory_space<vmem>>[vector<16xi32>, vector<16xi32>], vector<16xf32>,
        %mul3A_505 = arith.mulf %gather3A_503, %gather3A_504 : vector<16xf32>
        %add3A_506 = arith.addf %add3A_421, %mul3A_505 : vector<16xf32>
        %add3A_507 = arith.constant 6 : i32
        %add3A_508 = vector.broadcast %add3A_507 : i32 to vector<16xi32>
        %add3A_509 = arith.addi %add3A_444, %add3A_508 : vector<16xi32>
        %and3A_510 = arith.constant 255 : i32
        %and3A_511 = vector.broadcast %and3A_510 : i32 to vector<16xi32>
        %and3A_512 = arith.andi %add3A_509, %and3A_511 : vector<16xi32>
        %gather3A_513 = tpu.vector_load_idx %arg9[%add3A_149, %and3A_512] : memref<64x256xf32, #tpu.memory_space<vmem>>[vector<16xi32>, vector<16xi32>], vector<16xf32>,
        %gather3A_514 = tpu.vector_load_idx %arg11[%add3A_149, %and3A_512] : memref<64x256xf32, #tpu.memory_space<vmem>>[vector<16xi32>, vector<16xi32>], vector<16xf32>,
        %mul3A_515 = arith.mulf %gather3A_513, %gather3A_514 : vector<16xf32>
        %add3A_516 = arith.addf %add3A_431, %mul3A_515 : vector<16xf32>
        %add3A_517 = arith.constant 7 : i32
        %add3A_518 = vector.broadcast %add3A_517 : i32 to vector<16xi32>
        %add3A_519 = arith.addi %add3A_444, %add3A_518 : vector<16xi32>
        %and3A_520 = arith.constant 255 : i32
        %and3A_521 = vector.broadcast %and3A_520 : i32 to vector<16xi32>
        %and3A_522 = arith.andi %add3A_519, %and3A_521 : vector<16xi32>
        %gather3A_523 = tpu.vector_load_idx %arg9[%add3A_149, %and3A_522] : memref<64x256xf32, #tpu.memory_space<vmem>>[vector<16xi32>, vector<16xi32>], vector<16xf32>,
        %gather3A_524 = tpu.vector_load_idx %arg11[%add3A_149, %and3A_522] : memref<64x256xf32, #tpu.memory_space<vmem>>[vector<16xi32>, vector<16xi32>], vector<16xf32>,
        %mul3A_525 = arith.mulf %gather3A_523, %gather3A_524 : vector<16xf32>
        %add3A_526 = arith.addf %add3A_441, %mul3A_525 : vector<16xf32>
        %add3A_527 = arith.constant 8 : i32
        %add3A_528 = vector.broadcast %add3A_527 : i32 to vector<16xi32>
        %add3A_529 = arith.addi %add3A_444, %add3A_528 : vector<16xi32>
        %scan3A_530 = arith.constant 2 : i32
        %scan3A_531 = arith.addi %scan3A_354, %scan3A_530 : i32
        %add3A_532 = arith.constant 0 : i32
        %add3A_533 = vector.broadcast %add3A_532 : i32 to vector<16xi32>
        %add3A_534 = arith.addi %add3A_529, %add3A_533 : vector<16xi32>
        %and3A_535 = arith.constant 255 : i32
        %and3A_536 = vector.broadcast %and3A_535 : i32 to vector<16xi32>
        %and3A_537 = arith.andi %add3A_534, %and3A_536 : vector<16xi32>
        %gather3A_538 = tpu.vector_load_idx %arg9[%add3A_149, %and3A_537] : memref<64x256xf32, #tpu.memory_space<vmem>>[vector<16xi32>, vector<16xi32>], vector<16xf32>,
        %gather3A_539 = tpu.vector_load_idx %arg11[%add3A_149, %and3A_537] : memref<64x256xf32, #tpu.memory_space<vmem>>[vector<16xi32>, vector<16xi32>], vector<16xf32>,
        %mul3A_540 = arith.mulf %gather3A_538, %gather3A_539 : vector<16xf32>
        %add3A_541 = arith.addf %add3A_456, %mul3A_540 : vector<16xf32>
        %add3A_542 = arith.constant 1 : i32
        %add3A_543 = vector.broadcast %add3A_542 : i32 to vector<16xi32>
        %add3A_544 = arith.addi %add3A_529, %add3A_543 : vector<16xi32>
        %and3A_545 = arith.constant 255 : i32
        %and3A_546 = vector.broadcast %and3A_545 : i32 to vector<16xi32>
        %and3A_547 = arith.andi %add3A_544, %and3A_546 : vector<16xi32>
        %gather3A_548 = tpu.vector_load_idx %arg9[%add3A_149, %and3A_547] : memref<64x256xf32, #tpu.memory_space<vmem>>[vector<16xi32>, vector<16xi32>], vector<16xf32>,
        %gather3A_549 = tpu.vector_load_idx %arg11[%add3A_149, %and3A_547] : memref<64x256xf32, #tpu.memory_space<vmem>>[vector<16xi32>, vector<16xi32>], vector<16xf32>,
        %mul3A_550 = arith.mulf %gather3A_548, %gather3A_549 : vector<16xf32>
        %add3A_551 = arith.addf %add3A_466, %mul3A_550 : vector<16xf32>
        %add3A_552 = arith.constant 2 : i32
        %add3A_553 = vector.broadcast %add3A_552 : i32 to vector<16xi32>
        %add3A_554 = arith.addi %add3A_529, %add3A_553 : vector<16xi32>
        %and3A_555 = arith.constant 255 : i32
        %and3A_556 = vector.broadcast %and3A_555 : i32 to vector<16xi32>
        %and3A_557 = arith.andi %add3A_554, %and3A_556 : vector<16xi32>
        %gather3A_558 = tpu.vector_load_idx %arg9[%add3A_149, %and3A_557] : memref<64x256xf32, #tpu.memory_space<vmem>>[vector<16xi32>, vector<16xi32>], vector<16xf32>,
        %gather3A_559 = tpu.vector_load_idx %arg11[%add3A_149, %and3A_557] : memref<64x256xf32, #tpu.memory_space<vmem>>[vector<16xi32>, vector<16xi32>], vector<16xf32>,
        %mul3A_560 = arith.mulf %gather3A_558, %gather3A_559 : vector<16xf32>
        %add3A_561 = arith.addf %add3A_476, %mul3A_560 : vector<16xf32>
        %add3A_562 = arith.constant 3 : i32
        %add3A_563 = vector.broadcast %add3A_562 : i32 to vector<16xi32>
        %add3A_564 = arith.addi %add3A_529, %add3A_563 : vector<16xi32>
        %and3A_565 = arith.constant 255 : i32
        %and3A_566 = vector.broadcast %and3A_565 : i32 to vector<16xi32>
        %and3A_567 = arith.andi %add3A_564, %and3A_566 : vector<16xi32>
        %gather3A_568 = tpu.vector_load_idx %arg9[%add3A_149, %and3A_567] : memref<64x256xf32, #tpu.memory_space<vmem>>[vector<16xi32>, vector<16xi32>], vector<16xf32>,
        %gather3A_569 = tpu.vector_load_idx %arg11[%add3A_149, %and3A_567] : memref<64x256xf32, #tpu.memory_space<vmem>>[vector<16xi32>, vector<16xi32>], vector<16xf32>,
        %mul3A_570 = arith.mulf %gather3A_568, %gather3A_569 : vector<16xf32>
        %add3A_571 = arith.addf %add3A_486, %mul3A_570 : vector<16xf32>
        %add3A_572 = arith.constant 4 : i32
        %add3A_573 = vector.broadcast %add3A_572 : i32 to vector<16xi32>
        %add3A_574 = arith.addi %add3A_529, %add3A_573 : vector<16xi32>
        %and3A_575 = arith.constant 255 : i32
        %and3A_576 = vector.broadcast %and3A_575 : i32 to vector<16xi32>
        %and3A_577 = arith.andi %add3A_574, %and3A_576 : vector<16xi32>
        %gather3A_578 = tpu.vector_load_idx %arg9[%add3A_149, %and3A_577] : memref<64x256xf32, #tpu.memory_space<vmem>>[vector<16xi32>, vector<16xi32>], vector<16xf32>,
        %gather3A_579 = tpu.vector_load_idx %arg11[%add3A_149, %and3A_577] : memref<64x256xf32, #tpu.memory_space<vmem>>[vector<16xi32>, vector<16xi32>], vector<16xf32>,
        %mul3A_580 = arith.mulf %gather3A_578, %gather3A_579 : vector<16xf32>
        %add3A_581 = arith.addf %add3A_496, %mul3A_580 : vector<16xf32>
        %add3A_582 = arith.constant 5 : i32
        %add3A_583 = vector.broadcast %add3A_582 : i32 to vector<16xi32>
        %add3A_584 = arith.addi %add3A_529, %add3A_583 : vector<16xi32>
        %and3A_585 = arith.constant 255 : i32
        %and3A_586 = vector.broadcast %and3A_585 : i32 to vector<16xi32>
        %and3A_587 = arith.andi %add3A_584, %and3A_586 : vector<16xi32>
        %gather3A_588 = tpu.vector_load_idx %arg9[%add3A_149, %and3A_587] : memref<64x256xf32, #tpu.memory_space<vmem>>[vector<16xi32>, vector<16xi32>], vector<16xf32>,
        %gather3A_589 = tpu.vector_load_idx %arg11[%add3A_149, %and3A_587] : memref<64x256xf32, #tpu.memory_space<vmem>>[vector<16xi32>, vector<16xi32>], vector<16xf32>,
        %mul3A_590 = arith.mulf %gather3A_588, %gather3A_589 : vector<16xf32>
        %add3A_591 = arith.addf %add3A_506, %mul3A_590 : vector<16xf32>
        %add3A_592 = arith.constant 6 : i32
        %add3A_593 = vector.broadcast %add3A_592 : i32 to vector<16xi32>
        %add3A_594 = arith.addi %add3A_529, %add3A_593 : vector<16xi32>
        %and3A_595 = arith.constant 255 : i32
        %and3A_596 = vector.broadcast %and3A_595 : i32 to vector<16xi32>
        %and3A_597 = arith.andi %add3A_594, %and3A_596 : vector<16xi32>
        %gather3A_598 = tpu.vector_load_idx %arg9[%add3A_149, %and3A_597] : memref<64x256xf32, #tpu.memory_space<vmem>>[vector<16xi32>, vector<16xi32>], vector<16xf32>,
        %gather3A_599 = tpu.vector_load_idx %arg11[%add3A_149, %and3A_597] : memref<64x256xf32, #tpu.memory_space<vmem>>[vector<16xi32>, vector<16xi32>], vector<16xf32>,
        %mul3A_600 = arith.mulf %gather3A_598, %gather3A_599 : vector<16xf32>
        %add3A_601 = arith.addf %add3A_516, %mul3A_600 : vector<16xf32>
        %add3A_602 = arith.constant 7 : i32
        %add3A_603 = vector.broadcast %add3A_602 : i32 to vector<16xi32>
        %add3A_604 = arith.addi %add3A_529, %add3A_603 : vector<16xi32>
        %and3A_605 = arith.constant 255 : i32
        %and3A_606 = vector.broadcast %and3A_605 : i32 to vector<16xi32>
        %and3A_607 = arith.andi %add3A_604, %and3A_606 : vector<16xi32>
        %gather3A_608 = tpu.vector_load_idx %arg9[%add3A_149, %and3A_607] : memref<64x256xf32, #tpu.memory_space<vmem>>[vector<16xi32>, vector<16xi32>], vector<16xf32>,
        %gather3A_609 = tpu.vector_load_idx %arg11[%add3A_149, %and3A_607] : memref<64x256xf32, #tpu.memory_space<vmem>>[vector<16xi32>, vector<16xi32>], vector<16xf32>,
        %mul3A_610 = arith.mulf %gather3A_608, %gather3A_609 : vector<16xf32>
        %add3A_611 = arith.addf %add3A_526, %mul3A_610 : vector<16xf32>
        %add3A_612 = arith.constant 8 : i32
        %add3A_613 = vector.broadcast %add3A_612 : i32 to vector<16xi32>
        %add3A_614 = arith.addi %add3A_529, %add3A_613 : vector<16xi32>
        %scan3A_615 = arith.constant 3 : i32
        %scan3A_616 = arith.addi %scan3A_354, %scan3A_615 : i32
        %add3A_617 = arith.constant 0 : i32
        %add3A_618 = vector.broadcast %add3A_617 : i32 to vector<16xi32>
        %add3A_619 = arith.addi %add3A_614, %add3A_618 : vector<16xi32>
        %and3A_620 = arith.constant 255 : i32
        %and3A_621 = vector.broadcast %and3A_620 : i32 to vector<16xi32>
        %and3A_622 = arith.andi %add3A_619, %and3A_621 : vector<16xi32>
        %gather3A_623 = tpu.vector_load_idx %arg9[%add3A_149, %and3A_622] : memref<64x256xf32, #tpu.memory_space<vmem>>[vector<16xi32>, vector<16xi32>], vector<16xf32>,
        %gather3A_624 = tpu.vector_load_idx %arg11[%add3A_149, %and3A_622] : memref<64x256xf32, #tpu.memory_space<vmem>>[vector<16xi32>, vector<16xi32>], vector<16xf32>,
        %mul3A_625 = arith.mulf %gather3A_623, %gather3A_624 : vector<16xf32>
        %add3A_626 = arith.addf %add3A_541, %mul3A_625 : vector<16xf32>
        %add3A_627 = arith.constant 1 : i32
        %add3A_628 = vector.broadcast %add3A_627 : i32 to vector<16xi32>
        %add3A_629 = arith.addi %add3A_614, %add3A_628 : vector<16xi32>
        %and3A_630 = arith.constant 255 : i32
        %and3A_631 = vector.broadcast %and3A_630 : i32 to vector<16xi32>
        %and3A_632 = arith.andi %add3A_629, %and3A_631 : vector<16xi32>
        %gather3A_633 = tpu.vector_load_idx %arg9[%add3A_149, %and3A_632] : memref<64x256xf32, #tpu.memory_space<vmem>>[vector<16xi32>, vector<16xi32>], vector<16xf32>,
        %gather3A_634 = tpu.vector_load_idx %arg11[%add3A_149, %and3A_632] : memref<64x256xf32, #tpu.memory_space<vmem>>[vector<16xi32>, vector<16xi32>], vector<16xf32>,
        %mul3A_635 = arith.mulf %gather3A_633, %gather3A_634 : vector<16xf32>
        %add3A_636 = arith.addf %add3A_551, %mul3A_635 : vector<16xf32>
        %add3A_637 = arith.constant 2 : i32
        %add3A_638 = vector.broadcast %add3A_637 : i32 to vector<16xi32>
        %add3A_639 = arith.addi %add3A_614, %add3A_638 : vector<16xi32>
        %and3A_640 = arith.constant 255 : i32
        %and3A_641 = vector.broadcast %and3A_640 : i32 to vector<16xi32>
        %and3A_642 = arith.andi %add3A_639, %and3A_641 : vector<16xi32>
        %gather3A_643 = tpu.vector_load_idx %arg9[%add3A_149, %and3A_642] : memref<64x256xf32, #tpu.memory_space<vmem>>[vector<16xi32>, vector<16xi32>], vector<16xf32>,
        %gather3A_644 = tpu.vector_load_idx %arg11[%add3A_149, %and3A_642] : memref<64x256xf32, #tpu.memory_space<vmem>>[vector<16xi32>, vector<16xi32>], vector<16xf32>,
        %mul3A_645 = arith.mulf %gather3A_643, %gather3A_644 : vector<16xf32>
        %add3A_646 = arith.addf %add3A_561, %mul3A_645 : vector<16xf32>
        %add3A_647 = arith.constant 3 : i32
        %add3A_648 = vector.broadcast %add3A_647 : i32 to vector<16xi32>
        %add3A_649 = arith.addi %add3A_614, %add3A_648 : vector<16xi32>
        %and3A_650 = arith.constant 255 : i32
        %and3A_651 = vector.broadcast %and3A_650 : i32 to vector<16xi32>
        %and3A_652 = arith.andi %add3A_649, %and3A_651 : vector<16xi32>
        %gather3A_653 = tpu.vector_load_idx %arg9[%add3A_149, %and3A_652] : memref<64x256xf32, #tpu.memory_space<vmem>>[vector<16xi32>, vector<16xi32>], vector<16xf32>,
        %gather3A_654 = tpu.vector_load_idx %arg11[%add3A_149, %and3A_652] : memref<64x256xf32, #tpu.memory_space<vmem>>[vector<16xi32>, vector<16xi32>], vector<16xf32>,
        %mul3A_655 = arith.mulf %gather3A_653, %gather3A_654 : vector<16xf32>
        %add3A_656 = arith.addf %add3A_571, %mul3A_655 : vector<16xf32>
        %add3A_657 = arith.constant 4 : i32
        %add3A_658 = vector.broadcast %add3A_657 : i32 to vector<16xi32>
        %add3A_659 = arith.addi %add3A_614, %add3A_658 : vector<16xi32>
        %and3A_660 = arith.constant 255 : i32
        %and3A_661 = vector.broadcast %and3A_660 : i32 to vector<16xi32>
        %and3A_662 = arith.andi %add3A_659, %and3A_661 : vector<16xi32>
        %gather3A_663 = tpu.vector_load_idx %arg9[%add3A_149, %and3A_662] : memref<64x256xf32, #tpu.memory_space<vmem>>[vector<16xi32>, vector<16xi32>], vector<16xf32>,
        %gather3A_664 = tpu.vector_load_idx %arg11[%add3A_149, %and3A_662] : memref<64x256xf32, #tpu.memory_space<vmem>>[vector<16xi32>, vector<16xi32>], vector<16xf32>,
        %mul3A_665 = arith.mulf %gather3A_663, %gather3A_664 : vector<16xf32>
        %add3A_666 = arith.addf %add3A_581, %mul3A_665 : vector<16xf32>
        %add3A_667 = arith.constant 5 : i32
        %add3A_668 = vector.broadcast %add3A_667 : i32 to vector<16xi32>
        %add3A_669 = arith.addi %add3A_614, %add3A_668 : vector<16xi32>
        %and3A_670 = arith.constant 255 : i32
        %and3A_671 = vector.broadcast %and3A_670 : i32 to vector<16xi32>
        %and3A_672 = arith.andi %add3A_669, %and3A_671 : vector<16xi32>
        %gather3A_673 = tpu.vector_load_idx %arg9[%add3A_149, %and3A_672] : memref<64x256xf32, #tpu.memory_space<vmem>>[vector<16xi32>, vector<16xi32>], vector<16xf32>,
        %gather3A_674 = tpu.vector_load_idx %arg11[%add3A_149, %and3A_672] : memref<64x256xf32, #tpu.memory_space<vmem>>[vector<16xi32>, vector<16xi32>], vector<16xf32>,
        %mul3A_675 = arith.mulf %gather3A_673, %gather3A_674 : vector<16xf32>
        %add3A_676 = arith.addf %add3A_591, %mul3A_675 : vector<16xf32>
        %add3A_677 = arith.constant 6 : i32
        %add3A_678 = vector.broadcast %add3A_677 : i32 to vector<16xi32>
        %add3A_679 = arith.addi %add3A_614, %add3A_678 : vector<16xi32>
        %and3A_680 = arith.constant 255 : i32
        %and3A_681 = vector.broadcast %and3A_680 : i32 to vector<16xi32>
        %and3A_682 = arith.andi %add3A_679, %and3A_681 : vector<16xi32>
        %gather3A_683 = tpu.vector_load_idx %arg9[%add3A_149, %and3A_682] : memref<64x256xf32, #tpu.memory_space<vmem>>[vector<16xi32>, vector<16xi32>], vector<16xf32>,
        %gather3A_684 = tpu.vector_load_idx %arg11[%add3A_149, %and3A_682] : memref<64x256xf32, #tpu.memory_space<vmem>>[vector<16xi32>, vector<16xi32>], vector<16xf32>,
        %mul3A_685 = arith.mulf %gather3A_683, %gather3A_684 : vector<16xf32>
        %add3A_686 = arith.addf %add3A_601, %mul3A_685 : vector<16xf32>
        %add3A_687 = arith.constant 7 : i32
        %add3A_688 = vector.broadcast %add3A_687 : i32 to vector<16xi32>
        %add3A_689 = arith.addi %add3A_614, %add3A_688 : vector<16xi32>
        %and3A_690 = arith.constant 255 : i32
        %and3A_691 = vector.broadcast %and3A_690 : i32 to vector<16xi32>
        %and3A_692 = arith.andi %add3A_689, %and3A_691 : vector<16xi32>
        %gather3A_693 = tpu.vector_load_idx %arg9[%add3A_149, %and3A_692] : memref<64x256xf32, #tpu.memory_space<vmem>>[vector<16xi32>, vector<16xi32>], vector<16xf32>,
        %gather3A_694 = tpu.vector_load_idx %arg11[%add3A_149, %and3A_692] : memref<64x256xf32, #tpu.memory_space<vmem>>[vector<16xi32>, vector<16xi32>], vector<16xf32>,
        %mul3A_695 = arith.mulf %gather3A_693, %gather3A_694 : vector<16xf32>
        %add3A_696 = arith.addf %add3A_611, %mul3A_695 : vector<16xf32>
        %add3A_697 = arith.constant 8 : i32
        %add3A_698 = vector.broadcast %add3A_697 : i32 to vector<16xi32>
        %add3A_699 = arith.addi %add3A_614, %add3A_698 : vector<16xi32>
        scf.yield %add3A_626, %add3A_636, %add3A_646, %add3A_656, %add3A_666, %add3A_676, %add3A_686, %add3A_696, %add3A_699 : vector<16xf32>, vector<16xf32>, vector<16xf32>, vector<16xf32>, vector<16xf32>, vector<16xf32>, vector<16xf32>, vector<16xf32>, vector<16xi32>
      }
      %scan3A_172 = arith.constant 32 : i32
      %add3A_173 = arith.addf %scan3A_171#0, %scan3A_171#1 : vector<16xf32>
      %add3A_174 = arith.addf %scan3A_171#2, %scan3A_171#3 : vector<16xf32>
      %add3A_175 = arith.addf %add3A_173, %add3A_174 : vector<16xf32>
      %add3A_176 = arith.addf %scan3A_171#4, %scan3A_171#5 : vector<16xf32>
      %add3A_177 = arith.addf %scan3A_171#6, %scan3A_171#7 : vector<16xf32>
      %add3A_178 = arith.addf %add3A_176, %add3A_177 : vector<16xf32>
      %add3A_179 = arith.addf %add3A_175, %add3A_178 : vector<16xf32>
      %swap3A_180 = arith.index_cast %add3A_22 : i32 to index
      %swap3A_181 = arith.constant 48 : index
      %swap3A_182 = tpu.vector_load %arg8[%swap3A_180, %swap3A_181] {strides = array<i32>} : memref<80x64xf32, #tpu.memory_space<vmem>>, vector<16xf32>,
      tpu.vector_store %arg8[%swap3A_180, %swap3A_181], %add3A_179 {strides = array<i32>} : memref<80x64xf32, #tpu.memory_space<vmem>>, vector<16xf32>,
      %mul3A_183 = arith.constant 2 : i32
      %mul3A_184 = arith.muli %scan3A_18, %mul3A_183 : i32
      %add3A_185 = arith.constant 1 : i32
      %add3A_186 = arith.addi %mul3A_184, %add3A_185 : i32
      %add3A_187 = arith.constant 1 : i32
      %add3A_188 = arith.addi %add3A_186, %add3A_187 : i32
      %lt3A_189 = arith.constant 80 : i32
      %lt3A_190 = arith.cmpi slt, %add3A_188, %lt3A_189 : i32
      %convert_element_type3A_191 = arith.extui %lt3A_190 : i1 to i32
      %cond3A_192 = arith.constant 0 : i32
      %cond3A_193 = arith.cmpi ne, %convert_element_type3A_191, %cond3A_192 : i32
      scf.if %cond3A_193 {
        %add3A_354 = arith.constant 1 : i32
        %add3A_355 = arith.addi %add3A_186, %add3A_354 : i32
        %dma_start3A_356 = arith.constant 0 : i32
        %dma_start3A_357 = tpu.memref_slice %arg6[%add3A_355, %dma_start3A_356] : memref<80x64xi32, #tpu.memory_space<vmem>> -> memref<1x64xi32, #tpu.memory_space<vmem>>
        %dma_start3A_358 = tpu.memref_squeeze %dma_start3A_357 : memref<1x64xi32, #tpu.memory_space<vmem>> -> memref<64xi32, #tpu.memory_space<vmem>>
        %dma_start3A_359 = arith.constant 0 : i32
        %dma_start3A_360 = arith.constant 0 : i32
        %dma_start3A_361 = tpu.memref_slice %arg2[%dma_start3A_359, %dma_start3A_360] : memref<10000x256xf32, #tpu.memory_space<hbm>> -> memref<10000x256xf32, #tpu.memory_space<hbm>>
        tpu.enqueue_indirect_dma source(%dma_start3A_361 : memref<10000x256xf32, #tpu.memory_space<hbm>>) target(%arg9 : memref<64x256xf32, #tpu.memory_space<vmem>>) offsets(%dma_start3A_358 : memref<64xi32, #tpu.memory_space<vmem>>) semaphore(%arg13 : memref<!tpu.dma_semaphore, #tpu.memory_space<semaphore_mem>>)
        %dma_start3A_362 = arith.constant 0 : i32
        %dma_start3A_363 = tpu.memref_slice %arg7[%add3A_355, %dma_start3A_362] : memref<80x64xi32, #tpu.memory_space<vmem>> -> memref<1x64xi32, #tpu.memory_space<vmem>>
        %dma_start3A_364 = tpu.memref_squeeze %dma_start3A_363 : memref<1x64xi32, #tpu.memory_space<vmem>> -> memref<64xi32, #tpu.memory_space<vmem>>
        %dma_start3A_365 = arith.constant 0 : i32
        %dma_start3A_366 = arith.constant 0 : i32
        %dma_start3A_367 = tpu.memref_slice %arg2[%dma_start3A_365, %dma_start3A_366] : memref<10000x256xf32, #tpu.memory_space<hbm>> -> memref<10000x256xf32, #tpu.memory_space<hbm>>
        tpu.enqueue_indirect_dma source(%dma_start3A_367 : memref<10000x256xf32, #tpu.memory_space<hbm>>) target(%arg11 : memref<64x256xf32, #tpu.memory_space<vmem>>) offsets(%dma_start3A_364 : memref<64xi32, #tpu.memory_space<vmem>>) semaphore(%arg13 : memref<!tpu.dma_semaphore, #tpu.memory_space<semaphore_mem>>)
      } else {
      }
      %dma_wait3A_194 = arith.constant 0 : i32
      %dma_wait3A_195 = tpu.memref_slice %arg6[%add3A_186, %dma_wait3A_194] : memref<80x64xi32, #tpu.memory_space<vmem>> -> memref<1x64xi32, #tpu.memory_space<vmem>>
      %dma_wait3A_196 = tpu.memref_squeeze %dma_wait3A_195 : memref<1x64xi32, #tpu.memory_space<vmem>> -> memref<64xi32, #tpu.memory_space<vmem>>
      %dma_wait3A_197 = arith.constant 0 : i32
      %dma_wait3A_198 = arith.constant 0 : i32
      %dma_wait3A_199 = tpu.memref_slice %arg2[%dma_wait3A_197, %dma_wait3A_198] : memref<10000x256xf32, #tpu.memory_space<hbm>> -> memref<10000x256xf32, #tpu.memory_space<hbm>>
      tpu.wait_indirect_dma semaphore(%arg14 : memref<!tpu.dma_semaphore, #tpu.memory_space<semaphore_mem>>) src(%dma_wait3A_199 : memref<10000x256xf32, #tpu.memory_space<hbm>>) dst(%arg10 : memref<64x256xf32, #tpu.memory_space<vmem>>)
      %dma_wait3A_200 = arith.constant 0 : i32
      %dma_wait3A_201 = tpu.memref_slice %arg7[%add3A_186, %dma_wait3A_200] : memref<80x64xi32, #tpu.memory_space<vmem>> -> memref<1x64xi32, #tpu.memory_space<vmem>>
      %dma_wait3A_202 = tpu.memref_squeeze %dma_wait3A_201 : memref<1x64xi32, #tpu.memory_space<vmem>> -> memref<64xi32, #tpu.memory_space<vmem>>
      %dma_wait3A_203 = arith.constant 0 : i32
      %dma_wait3A_204 = arith.constant 0 : i32
      %dma_wait3A_205 = tpu.memref_slice %arg2[%dma_wait3A_203, %dma_wait3A_204] : memref<10000x256xf32, #tpu.memory_space<hbm>> -> memref<10000x256xf32, #tpu.memory_space<hbm>>
      tpu.wait_indirect_dma semaphore(%arg14 : memref<!tpu.dma_semaphore, #tpu.memory_space<semaphore_mem>>) src(%dma_wait3A_205 : memref<10000x256xf32, #tpu.memory_space<hbm>>) dst(%arg12 : memref<64x256xf32, #tpu.memory_space<vmem>>)
      %iota3A_206 = tpu.iota {dimensions = array<i32: 0>} : vector<16xi32>
      %add3A_207 = arith.constant 0 : i32
      %add3A_208 = vector.broadcast %add3A_207 : i32 to vector<16xi32>
      %add3A_209 = arith.addi %iota3A_206, %add3A_208 : vector<16xi32>
      %iota3A_210 = tpu.iota {dimensions = array<i32: 0>} : vector<16xi32>
      %broadcast_in_dim3A_211 = arith.constant 0.000000e+00 : f32
      %broadcast_in_dim3A_212 = vector.broadcast %broadcast_in_dim3A_211 : f32 to vector<16xf32>
      %broadcast_in_dim3A_213 = arith.constant 0.000000e+00 : f32
      %broadcast_in_dim3A_214 = vector.broadcast %broadcast_in_dim3A_213 : f32 to vector<16xf32>
      %broadcast_in_dim3A_215 = arith.constant 0.000000e+00 : f32
      %broadcast_in_dim3A_216 = vector.broadcast %broadcast_in_dim3A_215 : f32 to vector<16xf32>
      %broadcast_in_dim3A_217 = arith.constant 0.000000e+00 : f32
      %broadcast_in_dim3A_218 = vector.broadcast %broadcast_in_dim3A_217 : f32 to vector<16xf32>
      %broadcast_in_dim3A_219 = arith.constant 0.000000e+00 : f32
      %broadcast_in_dim3A_220 = vector.broadcast %broadcast_in_dim3A_219 : f32 to vector<16xf32>
      %broadcast_in_dim3A_221 = arith.constant 0.000000e+00 : f32
      %broadcast_in_dim3A_222 = vector.broadcast %broadcast_in_dim3A_221 : f32 to vector<16xf32>
      %broadcast_in_dim3A_223 = arith.constant 0.000000e+00 : f32
      %broadcast_in_dim3A_224 = vector.broadcast %broadcast_in_dim3A_223 : f32 to vector<16xf32>
      %broadcast_in_dim3A_225 = arith.constant 0.000000e+00 : f32
      %broadcast_in_dim3A_226 = vector.broadcast %broadcast_in_dim3A_225 : f32 to vector<16xf32>
      %scan3A_227 = arith.constant 0 : i32
      %scan3A_228 = arith.constant 32 : i32
      %scan3A_229 = arith.addi %scan3A_227, %scan3A_228 : i32
      %scan3A_230 = arith.constant 4 : i32
      %scan3A_231:9 = scf.for %scan3A_354 = %scan3A_227 to %scan3A_229 step %scan3A_230 iter_args(%scan3A_355 = %broadcast_in_dim3A_212, %scan3A_356 = %broadcast_in_dim3A_214, %scan3A_357 = %broadcast_in_dim3A_216, %scan3A_358 = %broadcast_in_dim3A_218, %scan3A_359 = %broadcast_in_dim3A_220, %scan3A_360 = %broadcast_in_dim3A_222, %scan3A_361 = %broadcast_in_dim3A_224, %scan3A_362 = %broadcast_in_dim3A_226, %scan3A_363 = %iota3A_210) -> (vector<16xf32>, vector<16xf32>, vector<16xf32>, vector<16xf32>, vector<16xf32>, vector<16xf32>, vector<16xf32>, vector<16xf32>, vector<16xi32>)  : i32 {
        %add3A_364 = arith.constant 0 : i32
        %add3A_365 = vector.broadcast %add3A_364 : i32 to vector<16xi32>
        %add3A_366 = arith.addi %scan3A_363, %add3A_365 : vector<16xi32>
        %and3A = arith.constant 255 : i32
        %and3A_367 = vector.broadcast %and3A : i32 to vector<16xi32>
        %and3A_368 = arith.andi %add3A_366, %and3A_367 : vector<16xi32>
        %gather3A = tpu.vector_load_idx %arg10[%add3A_209, %and3A_368] : memref<64x256xf32, #tpu.memory_space<vmem>>[vector<16xi32>, vector<16xi32>], vector<16xf32>,
        %gather3A_369 = tpu.vector_load_idx %arg12[%add3A_209, %and3A_368] : memref<64x256xf32, #tpu.memory_space<vmem>>[vector<16xi32>, vector<16xi32>], vector<16xf32>,
        %mul3A_370 = arith.mulf %gather3A, %gather3A_369 : vector<16xf32>
        %add3A_371 = arith.addf %scan3A_355, %mul3A_370 : vector<16xf32>
        %add3A_372 = arith.constant 1 : i32
        %add3A_373 = vector.broadcast %add3A_372 : i32 to vector<16xi32>
        %add3A_374 = arith.addi %scan3A_363, %add3A_373 : vector<16xi32>
        %and3A_375 = arith.constant 255 : i32
        %and3A_376 = vector.broadcast %and3A_375 : i32 to vector<16xi32>
        %and3A_377 = arith.andi %add3A_374, %and3A_376 : vector<16xi32>
        %gather3A_378 = tpu.vector_load_idx %arg10[%add3A_209, %and3A_377] : memref<64x256xf32, #tpu.memory_space<vmem>>[vector<16xi32>, vector<16xi32>], vector<16xf32>,
        %gather3A_379 = tpu.vector_load_idx %arg12[%add3A_209, %and3A_377] : memref<64x256xf32, #tpu.memory_space<vmem>>[vector<16xi32>, vector<16xi32>], vector<16xf32>,
        %mul3A_380 = arith.mulf %gather3A_378, %gather3A_379 : vector<16xf32>
        %add3A_381 = arith.addf %scan3A_356, %mul3A_380 : vector<16xf32>
        %add3A_382 = arith.constant 2 : i32
        %add3A_383 = vector.broadcast %add3A_382 : i32 to vector<16xi32>
        %add3A_384 = arith.addi %scan3A_363, %add3A_383 : vector<16xi32>
        %and3A_385 = arith.constant 255 : i32
        %and3A_386 = vector.broadcast %and3A_385 : i32 to vector<16xi32>
        %and3A_387 = arith.andi %add3A_384, %and3A_386 : vector<16xi32>
        %gather3A_388 = tpu.vector_load_idx %arg10[%add3A_209, %and3A_387] : memref<64x256xf32, #tpu.memory_space<vmem>>[vector<16xi32>, vector<16xi32>], vector<16xf32>,
        %gather3A_389 = tpu.vector_load_idx %arg12[%add3A_209, %and3A_387] : memref<64x256xf32, #tpu.memory_space<vmem>>[vector<16xi32>, vector<16xi32>], vector<16xf32>,
        %mul3A_390 = arith.mulf %gather3A_388, %gather3A_389 : vector<16xf32>
        %add3A_391 = arith.addf %scan3A_357, %mul3A_390 : vector<16xf32>
        %add3A_392 = arith.constant 3 : i32
        %add3A_393 = vector.broadcast %add3A_392 : i32 to vector<16xi32>
        %add3A_394 = arith.addi %scan3A_363, %add3A_393 : vector<16xi32>
        %and3A_395 = arith.constant 255 : i32
        %and3A_396 = vector.broadcast %and3A_395 : i32 to vector<16xi32>
        %and3A_397 = arith.andi %add3A_394, %and3A_396 : vector<16xi32>
        %gather3A_398 = tpu.vector_load_idx %arg10[%add3A_209, %and3A_397] : memref<64x256xf32, #tpu.memory_space<vmem>>[vector<16xi32>, vector<16xi32>], vector<16xf32>,
        %gather3A_399 = tpu.vector_load_idx %arg12[%add3A_209, %and3A_397] : memref<64x256xf32, #tpu.memory_space<vmem>>[vector<16xi32>, vector<16xi32>], vector<16xf32>,
        %mul3A_400 = arith.mulf %gather3A_398, %gather3A_399 : vector<16xf32>
        %add3A_401 = arith.addf %scan3A_358, %mul3A_400 : vector<16xf32>
        %add3A_402 = arith.constant 4 : i32
        %add3A_403 = vector.broadcast %add3A_402 : i32 to vector<16xi32>
        %add3A_404 = arith.addi %scan3A_363, %add3A_403 : vector<16xi32>
        %and3A_405 = arith.constant 255 : i32
        %and3A_406 = vector.broadcast %and3A_405 : i32 to vector<16xi32>
        %and3A_407 = arith.andi %add3A_404, %and3A_406 : vector<16xi32>
        %gather3A_408 = tpu.vector_load_idx %arg10[%add3A_209, %and3A_407] : memref<64x256xf32, #tpu.memory_space<vmem>>[vector<16xi32>, vector<16xi32>], vector<16xf32>,
        %gather3A_409 = tpu.vector_load_idx %arg12[%add3A_209, %and3A_407] : memref<64x256xf32, #tpu.memory_space<vmem>>[vector<16xi32>, vector<16xi32>], vector<16xf32>,
        %mul3A_410 = arith.mulf %gather3A_408, %gather3A_409 : vector<16xf32>
        %add3A_411 = arith.addf %scan3A_359, %mul3A_410 : vector<16xf32>
        %add3A_412 = arith.constant 5 : i32
        %add3A_413 = vector.broadcast %add3A_412 : i32 to vector<16xi32>
        %add3A_414 = arith.addi %scan3A_363, %add3A_413 : vector<16xi32>
        %and3A_415 = arith.constant 255 : i32
        %and3A_416 = vector.broadcast %and3A_415 : i32 to vector<16xi32>
        %and3A_417 = arith.andi %add3A_414, %and3A_416 : vector<16xi32>
        %gather3A_418 = tpu.vector_load_idx %arg10[%add3A_209, %and3A_417] : memref<64x256xf32, #tpu.memory_space<vmem>>[vector<16xi32>, vector<16xi32>], vector<16xf32>,
        %gather3A_419 = tpu.vector_load_idx %arg12[%add3A_209, %and3A_417] : memref<64x256xf32, #tpu.memory_space<vmem>>[vector<16xi32>, vector<16xi32>], vector<16xf32>,
        %mul3A_420 = arith.mulf %gather3A_418, %gather3A_419 : vector<16xf32>
        %add3A_421 = arith.addf %scan3A_360, %mul3A_420 : vector<16xf32>
        %add3A_422 = arith.constant 6 : i32
        %add3A_423 = vector.broadcast %add3A_422 : i32 to vector<16xi32>
        %add3A_424 = arith.addi %scan3A_363, %add3A_423 : vector<16xi32>
        %and3A_425 = arith.constant 255 : i32
        %and3A_426 = vector.broadcast %and3A_425 : i32 to vector<16xi32>
        %and3A_427 = arith.andi %add3A_424, %and3A_426 : vector<16xi32>
        %gather3A_428 = tpu.vector_load_idx %arg10[%add3A_209, %and3A_427] : memref<64x256xf32, #tpu.memory_space<vmem>>[vector<16xi32>, vector<16xi32>], vector<16xf32>,
        %gather3A_429 = tpu.vector_load_idx %arg12[%add3A_209, %and3A_427] : memref<64x256xf32, #tpu.memory_space<vmem>>[vector<16xi32>, vector<16xi32>], vector<16xf32>,
        %mul3A_430 = arith.mulf %gather3A_428, %gather3A_429 : vector<16xf32>
        %add3A_431 = arith.addf %scan3A_361, %mul3A_430 : vector<16xf32>
        %add3A_432 = arith.constant 7 : i32
        %add3A_433 = vector.broadcast %add3A_432 : i32 to vector<16xi32>
        %add3A_434 = arith.addi %scan3A_363, %add3A_433 : vector<16xi32>
        %and3A_435 = arith.constant 255 : i32
        %and3A_436 = vector.broadcast %and3A_435 : i32 to vector<16xi32>
        %and3A_437 = arith.andi %add3A_434, %and3A_436 : vector<16xi32>
        %gather3A_438 = tpu.vector_load_idx %arg10[%add3A_209, %and3A_437] : memref<64x256xf32, #tpu.memory_space<vmem>>[vector<16xi32>, vector<16xi32>], vector<16xf32>,
        %gather3A_439 = tpu.vector_load_idx %arg12[%add3A_209, %and3A_437] : memref<64x256xf32, #tpu.memory_space<vmem>>[vector<16xi32>, vector<16xi32>], vector<16xf32>,
        %mul3A_440 = arith.mulf %gather3A_438, %gather3A_439 : vector<16xf32>
        %add3A_441 = arith.addf %scan3A_362, %mul3A_440 : vector<16xf32>
        %add3A_442 = arith.constant 8 : i32
        %add3A_443 = vector.broadcast %add3A_442 : i32 to vector<16xi32>
        %add3A_444 = arith.addi %scan3A_363, %add3A_443 : vector<16xi32>
        %scan3A_445 = arith.constant 1 : i32
        %scan3A_446 = arith.addi %scan3A_354, %scan3A_445 : i32
        %add3A_447 = arith.constant 0 : i32
        %add3A_448 = vector.broadcast %add3A_447 : i32 to vector<16xi32>
        %add3A_449 = arith.addi %add3A_444, %add3A_448 : vector<16xi32>
        %and3A_450 = arith.constant 255 : i32
        %and3A_451 = vector.broadcast %and3A_450 : i32 to vector<16xi32>
        %and3A_452 = arith.andi %add3A_449, %and3A_451 : vector<16xi32>
        %gather3A_453 = tpu.vector_load_idx %arg10[%add3A_209, %and3A_452] : memref<64x256xf32, #tpu.memory_space<vmem>>[vector<16xi32>, vector<16xi32>], vector<16xf32>,
        %gather3A_454 = tpu.vector_load_idx %arg12[%add3A_209, %and3A_452] : memref<64x256xf32, #tpu.memory_space<vmem>>[vector<16xi32>, vector<16xi32>], vector<16xf32>,
        %mul3A_455 = arith.mulf %gather3A_453, %gather3A_454 : vector<16xf32>
        %add3A_456 = arith.addf %add3A_371, %mul3A_455 : vector<16xf32>
        %add3A_457 = arith.constant 1 : i32
        %add3A_458 = vector.broadcast %add3A_457 : i32 to vector<16xi32>
        %add3A_459 = arith.addi %add3A_444, %add3A_458 : vector<16xi32>
        %and3A_460 = arith.constant 255 : i32
        %and3A_461 = vector.broadcast %and3A_460 : i32 to vector<16xi32>
        %and3A_462 = arith.andi %add3A_459, %and3A_461 : vector<16xi32>
        %gather3A_463 = tpu.vector_load_idx %arg10[%add3A_209, %and3A_462] : memref<64x256xf32, #tpu.memory_space<vmem>>[vector<16xi32>, vector<16xi32>], vector<16xf32>,
        %gather3A_464 = tpu.vector_load_idx %arg12[%add3A_209, %and3A_462] : memref<64x256xf32, #tpu.memory_space<vmem>>[vector<16xi32>, vector<16xi32>], vector<16xf32>,
        %mul3A_465 = arith.mulf %gather3A_463, %gather3A_464 : vector<16xf32>
        %add3A_466 = arith.addf %add3A_381, %mul3A_465 : vector<16xf32>
        %add3A_467 = arith.constant 2 : i32
        %add3A_468 = vector.broadcast %add3A_467 : i32 to vector<16xi32>
        %add3A_469 = arith.addi %add3A_444, %add3A_468 : vector<16xi32>
        %and3A_470 = arith.constant 255 : i32
        %and3A_471 = vector.broadcast %and3A_470 : i32 to vector<16xi32>
        %and3A_472 = arith.andi %add3A_469, %and3A_471 : vector<16xi32>
        %gather3A_473 = tpu.vector_load_idx %arg10[%add3A_209, %and3A_472] : memref<64x256xf32, #tpu.memory_space<vmem>>[vector<16xi32>, vector<16xi32>], vector<16xf32>,
        %gather3A_474 = tpu.vector_load_idx %arg12[%add3A_209, %and3A_472] : memref<64x256xf32, #tpu.memory_space<vmem>>[vector<16xi32>, vector<16xi32>], vector<16xf32>,
        %mul3A_475 = arith.mulf %gather3A_473, %gather3A_474 : vector<16xf32>
        %add3A_476 = arith.addf %add3A_391, %mul3A_475 : vector<16xf32>
        %add3A_477 = arith.constant 3 : i32
        %add3A_478 = vector.broadcast %add3A_477 : i32 to vector<16xi32>
        %add3A_479 = arith.addi %add3A_444, %add3A_478 : vector<16xi32>
        %and3A_480 = arith.constant 255 : i32
        %and3A_481 = vector.broadcast %and3A_480 : i32 to vector<16xi32>
        %and3A_482 = arith.andi %add3A_479, %and3A_481 : vector<16xi32>
        %gather3A_483 = tpu.vector_load_idx %arg10[%add3A_209, %and3A_482] : memref<64x256xf32, #tpu.memory_space<vmem>>[vector<16xi32>, vector<16xi32>], vector<16xf32>,
        %gather3A_484 = tpu.vector_load_idx %arg12[%add3A_209, %and3A_482] : memref<64x256xf32, #tpu.memory_space<vmem>>[vector<16xi32>, vector<16xi32>], vector<16xf32>,
        %mul3A_485 = arith.mulf %gather3A_483, %gather3A_484 : vector<16xf32>
        %add3A_486 = arith.addf %add3A_401, %mul3A_485 : vector<16xf32>
        %add3A_487 = arith.constant 4 : i32
        %add3A_488 = vector.broadcast %add3A_487 : i32 to vector<16xi32>
        %add3A_489 = arith.addi %add3A_444, %add3A_488 : vector<16xi32>
        %and3A_490 = arith.constant 255 : i32
        %and3A_491 = vector.broadcast %and3A_490 : i32 to vector<16xi32>
        %and3A_492 = arith.andi %add3A_489, %and3A_491 : vector<16xi32>
        %gather3A_493 = tpu.vector_load_idx %arg10[%add3A_209, %and3A_492] : memref<64x256xf32, #tpu.memory_space<vmem>>[vector<16xi32>, vector<16xi32>], vector<16xf32>,
        %gather3A_494 = tpu.vector_load_idx %arg12[%add3A_209, %and3A_492] : memref<64x256xf32, #tpu.memory_space<vmem>>[vector<16xi32>, vector<16xi32>], vector<16xf32>,
        %mul3A_495 = arith.mulf %gather3A_493, %gather3A_494 : vector<16xf32>
        %add3A_496 = arith.addf %add3A_411, %mul3A_495 : vector<16xf32>
        %add3A_497 = arith.constant 5 : i32
        %add3A_498 = vector.broadcast %add3A_497 : i32 to vector<16xi32>
        %add3A_499 = arith.addi %add3A_444, %add3A_498 : vector<16xi32>
        %and3A_500 = arith.constant 255 : i32
        %and3A_501 = vector.broadcast %and3A_500 : i32 to vector<16xi32>
        %and3A_502 = arith.andi %add3A_499, %and3A_501 : vector<16xi32>
        %gather3A_503 = tpu.vector_load_idx %arg10[%add3A_209, %and3A_502] : memref<64x256xf32, #tpu.memory_space<vmem>>[vector<16xi32>, vector<16xi32>], vector<16xf32>,
        %gather3A_504 = tpu.vector_load_idx %arg12[%add3A_209, %and3A_502] : memref<64x256xf32, #tpu.memory_space<vmem>>[vector<16xi32>, vector<16xi32>], vector<16xf32>,
        %mul3A_505 = arith.mulf %gather3A_503, %gather3A_504 : vector<16xf32>
        %add3A_506 = arith.addf %add3A_421, %mul3A_505 : vector<16xf32>
        %add3A_507 = arith.constant 6 : i32
        %add3A_508 = vector.broadcast %add3A_507 : i32 to vector<16xi32>
        %add3A_509 = arith.addi %add3A_444, %add3A_508 : vector<16xi32>
        %and3A_510 = arith.constant 255 : i32
        %and3A_511 = vector.broadcast %and3A_510 : i32 to vector<16xi32>
        %and3A_512 = arith.andi %add3A_509, %and3A_511 : vector<16xi32>
        %gather3A_513 = tpu.vector_load_idx %arg10[%add3A_209, %and3A_512] : memref<64x256xf32, #tpu.memory_space<vmem>>[vector<16xi32>, vector<16xi32>], vector<16xf32>,
        %gather3A_514 = tpu.vector_load_idx %arg12[%add3A_209, %and3A_512] : memref<64x256xf32, #tpu.memory_space<vmem>>[vector<16xi32>, vector<16xi32>], vector<16xf32>,
        %mul3A_515 = arith.mulf %gather3A_513, %gather3A_514 : vector<16xf32>
        %add3A_516 = arith.addf %add3A_431, %mul3A_515 : vector<16xf32>
        %add3A_517 = arith.constant 7 : i32
        %add3A_518 = vector.broadcast %add3A_517 : i32 to vector<16xi32>
        %add3A_519 = arith.addi %add3A_444, %add3A_518 : vector<16xi32>
        %and3A_520 = arith.constant 255 : i32
        %and3A_521 = vector.broadcast %and3A_520 : i32 to vector<16xi32>
        %and3A_522 = arith.andi %add3A_519, %and3A_521 : vector<16xi32>
        %gather3A_523 = tpu.vector_load_idx %arg10[%add3A_209, %and3A_522] : memref<64x256xf32, #tpu.memory_space<vmem>>[vector<16xi32>, vector<16xi32>], vector<16xf32>,
        %gather3A_524 = tpu.vector_load_idx %arg12[%add3A_209, %and3A_522] : memref<64x256xf32, #tpu.memory_space<vmem>>[vector<16xi32>, vector<16xi32>], vector<16xf32>,
        %mul3A_525 = arith.mulf %gather3A_523, %gather3A_524 : vector<16xf32>
        %add3A_526 = arith.addf %add3A_441, %mul3A_525 : vector<16xf32>
        %add3A_527 = arith.constant 8 : i32
        %add3A_528 = vector.broadcast %add3A_527 : i32 to vector<16xi32>
        %add3A_529 = arith.addi %add3A_444, %add3A_528 : vector<16xi32>
        %scan3A_530 = arith.constant 2 : i32
        %scan3A_531 = arith.addi %scan3A_354, %scan3A_530 : i32
        %add3A_532 = arith.constant 0 : i32
        %add3A_533 = vector.broadcast %add3A_532 : i32 to vector<16xi32>
        %add3A_534 = arith.addi %add3A_529, %add3A_533 : vector<16xi32>
        %and3A_535 = arith.constant 255 : i32
        %and3A_536 = vector.broadcast %and3A_535 : i32 to vector<16xi32>
        %and3A_537 = arith.andi %add3A_534, %and3A_536 : vector<16xi32>
        %gather3A_538 = tpu.vector_load_idx %arg10[%add3A_209, %and3A_537] : memref<64x256xf32, #tpu.memory_space<vmem>>[vector<16xi32>, vector<16xi32>], vector<16xf32>,
        %gather3A_539 = tpu.vector_load_idx %arg12[%add3A_209, %and3A_537] : memref<64x256xf32, #tpu.memory_space<vmem>>[vector<16xi32>, vector<16xi32>], vector<16xf32>,
        %mul3A_540 = arith.mulf %gather3A_538, %gather3A_539 : vector<16xf32>
        %add3A_541 = arith.addf %add3A_456, %mul3A_540 : vector<16xf32>
        %add3A_542 = arith.constant 1 : i32
        %add3A_543 = vector.broadcast %add3A_542 : i32 to vector<16xi32>
        %add3A_544 = arith.addi %add3A_529, %add3A_543 : vector<16xi32>
        %and3A_545 = arith.constant 255 : i32
        %and3A_546 = vector.broadcast %and3A_545 : i32 to vector<16xi32>
        %and3A_547 = arith.andi %add3A_544, %and3A_546 : vector<16xi32>
        %gather3A_548 = tpu.vector_load_idx %arg10[%add3A_209, %and3A_547] : memref<64x256xf32, #tpu.memory_space<vmem>>[vector<16xi32>, vector<16xi32>], vector<16xf32>,
        %gather3A_549 = tpu.vector_load_idx %arg12[%add3A_209, %and3A_547] : memref<64x256xf32, #tpu.memory_space<vmem>>[vector<16xi32>, vector<16xi32>], vector<16xf32>,
        %mul3A_550 = arith.mulf %gather3A_548, %gather3A_549 : vector<16xf32>
        %add3A_551 = arith.addf %add3A_466, %mul3A_550 : vector<16xf32>
        %add3A_552 = arith.constant 2 : i32
        %add3A_553 = vector.broadcast %add3A_552 : i32 to vector<16xi32>
        %add3A_554 = arith.addi %add3A_529, %add3A_553 : vector<16xi32>
        %and3A_555 = arith.constant 255 : i32
        %and3A_556 = vector.broadcast %and3A_555 : i32 to vector<16xi32>
        %and3A_557 = arith.andi %add3A_554, %and3A_556 : vector<16xi32>
        %gather3A_558 = tpu.vector_load_idx %arg10[%add3A_209, %and3A_557] : memref<64x256xf32, #tpu.memory_space<vmem>>[vector<16xi32>, vector<16xi32>], vector<16xf32>,
        %gather3A_559 = tpu.vector_load_idx %arg12[%add3A_209, %and3A_557] : memref<64x256xf32, #tpu.memory_space<vmem>>[vector<16xi32>, vector<16xi32>], vector<16xf32>,
        %mul3A_560 = arith.mulf %gather3A_558, %gather3A_559 : vector<16xf32>
        %add3A_561 = arith.addf %add3A_476, %mul3A_560 : vector<16xf32>
        %add3A_562 = arith.constant 3 : i32
        %add3A_563 = vector.broadcast %add3A_562 : i32 to vector<16xi32>
        %add3A_564 = arith.addi %add3A_529, %add3A_563 : vector<16xi32>
        %and3A_565 = arith.constant 255 : i32
        %and3A_566 = vector.broadcast %and3A_565 : i32 to vector<16xi32>
        %and3A_567 = arith.andi %add3A_564, %and3A_566 : vector<16xi32>
        %gather3A_568 = tpu.vector_load_idx %arg10[%add3A_209, %and3A_567] : memref<64x256xf32, #tpu.memory_space<vmem>>[vector<16xi32>, vector<16xi32>], vector<16xf32>,
        %gather3A_569 = tpu.vector_load_idx %arg12[%add3A_209, %and3A_567] : memref<64x256xf32, #tpu.memory_space<vmem>>[vector<16xi32>, vector<16xi32>], vector<16xf32>,
        %mul3A_570 = arith.mulf %gather3A_568, %gather3A_569 : vector<16xf32>
        %add3A_571 = arith.addf %add3A_486, %mul3A_570 : vector<16xf32>
        %add3A_572 = arith.constant 4 : i32
        %add3A_573 = vector.broadcast %add3A_572 : i32 to vector<16xi32>
        %add3A_574 = arith.addi %add3A_529, %add3A_573 : vector<16xi32>
        %and3A_575 = arith.constant 255 : i32
        %and3A_576 = vector.broadcast %and3A_575 : i32 to vector<16xi32>
        %and3A_577 = arith.andi %add3A_574, %and3A_576 : vector<16xi32>
        %gather3A_578 = tpu.vector_load_idx %arg10[%add3A_209, %and3A_577] : memref<64x256xf32, #tpu.memory_space<vmem>>[vector<16xi32>, vector<16xi32>], vector<16xf32>,
        %gather3A_579 = tpu.vector_load_idx %arg12[%add3A_209, %and3A_577] : memref<64x256xf32, #tpu.memory_space<vmem>>[vector<16xi32>, vector<16xi32>], vector<16xf32>,
        %mul3A_580 = arith.mulf %gather3A_578, %gather3A_579 : vector<16xf32>
        %add3A_581 = arith.addf %add3A_496, %mul3A_580 : vector<16xf32>
        %add3A_582 = arith.constant 5 : i32
        %add3A_583 = vector.broadcast %add3A_582 : i32 to vector<16xi32>
        %add3A_584 = arith.addi %add3A_529, %add3A_583 : vector<16xi32>
        %and3A_585 = arith.constant 255 : i32
        %and3A_586 = vector.broadcast %and3A_585 : i32 to vector<16xi32>
        %and3A_587 = arith.andi %add3A_584, %and3A_586 : vector<16xi32>
        %gather3A_588 = tpu.vector_load_idx %arg10[%add3A_209, %and3A_587] : memref<64x256xf32, #tpu.memory_space<vmem>>[vector<16xi32>, vector<16xi32>], vector<16xf32>,
        %gather3A_589 = tpu.vector_load_idx %arg12[%add3A_209, %and3A_587] : memref<64x256xf32, #tpu.memory_space<vmem>>[vector<16xi32>, vector<16xi32>], vector<16xf32>,
        %mul3A_590 = arith.mulf %gather3A_588, %gather3A_589 : vector<16xf32>
        %add3A_591 = arith.addf %add3A_506, %mul3A_590 : vector<16xf32>
        %add3A_592 = arith.constant 6 : i32
        %add3A_593 = vector.broadcast %add3A_592 : i32 to vector<16xi32>
        %add3A_594 = arith.addi %add3A_529, %add3A_593 : vector<16xi32>
        %and3A_595 = arith.constant 255 : i32
        %and3A_596 = vector.broadcast %and3A_595 : i32 to vector<16xi32>
        %and3A_597 = arith.andi %add3A_594, %and3A_596 : vector<16xi32>
        %gather3A_598 = tpu.vector_load_idx %arg10[%add3A_209, %and3A_597] : memref<64x256xf32, #tpu.memory_space<vmem>>[vector<16xi32>, vector<16xi32>], vector<16xf32>,
        %gather3A_599 = tpu.vector_load_idx %arg12[%add3A_209, %and3A_597] : memref<64x256xf32, #tpu.memory_space<vmem>>[vector<16xi32>, vector<16xi32>], vector<16xf32>,
        %mul3A_600 = arith.mulf %gather3A_598, %gather3A_599 : vector<16xf32>
        %add3A_601 = arith.addf %add3A_516, %mul3A_600 : vector<16xf32>
        %add3A_602 = arith.constant 7 : i32
        %add3A_603 = vector.broadcast %add3A_602 : i32 to vector<16xi32>
        %add3A_604 = arith.addi %add3A_529, %add3A_603 : vector<16xi32>
        %and3A_605 = arith.constant 255 : i32
        %and3A_606 = vector.broadcast %and3A_605 : i32 to vector<16xi32>
        %and3A_607 = arith.andi %add3A_604, %and3A_606 : vector<16xi32>
        %gather3A_608 = tpu.vector_load_idx %arg10[%add3A_209, %and3A_607] : memref<64x256xf32, #tpu.memory_space<vmem>>[vector<16xi32>, vector<16xi32>], vector<16xf32>,
        %gather3A_609 = tpu.vector_load_idx %arg12[%add3A_209, %and3A_607] : memref<64x256xf32, #tpu.memory_space<vmem>>[vector<16xi32>, vector<16xi32>], vector<16xf32>,
        %mul3A_610 = arith.mulf %gather3A_608, %gather3A_609 : vector<16xf32>
        %add3A_611 = arith.addf %add3A_526, %mul3A_610 : vector<16xf32>
        %add3A_612 = arith.constant 8 : i32
        %add3A_613 = vector.broadcast %add3A_612 : i32 to vector<16xi32>
        %add3A_614 = arith.addi %add3A_529, %add3A_613 : vector<16xi32>
        %scan3A_615 = arith.constant 3 : i32
        %scan3A_616 = arith.addi %scan3A_354, %scan3A_615 : i32
        %add3A_617 = arith.constant 0 : i32
        %add3A_618 = vector.broadcast %add3A_617 : i32 to vector<16xi32>
        %add3A_619 = arith.addi %add3A_614, %add3A_618 : vector<16xi32>
        %and3A_620 = arith.constant 255 : i32
        %and3A_621 = vector.broadcast %and3A_620 : i32 to vector<16xi32>
        %and3A_622 = arith.andi %add3A_619, %and3A_621 : vector<16xi32>
        %gather3A_623 = tpu.vector_load_idx %arg10[%add3A_209, %and3A_622] : memref<64x256xf32, #tpu.memory_space<vmem>>[vector<16xi32>, vector<16xi32>], vector<16xf32>,
        %gather3A_624 = tpu.vector_load_idx %arg12[%add3A_209, %and3A_622] : memref<64x256xf32, #tpu.memory_space<vmem>>[vector<16xi32>, vector<16xi32>], vector<16xf32>,
        %mul3A_625 = arith.mulf %gather3A_623, %gather3A_624 : vector<16xf32>
        %add3A_626 = arith.addf %add3A_541, %mul3A_625 : vector<16xf32>
        %add3A_627 = arith.constant 1 : i32
        %add3A_628 = vector.broadcast %add3A_627 : i32 to vector<16xi32>
        %add3A_629 = arith.addi %add3A_614, %add3A_628 : vector<16xi32>
        %and3A_630 = arith.constant 255 : i32
        %and3A_631 = vector.broadcast %and3A_630 : i32 to vector<16xi32>
        %and3A_632 = arith.andi %add3A_629, %and3A_631 : vector<16xi32>
        %gather3A_633 = tpu.vector_load_idx %arg10[%add3A_209, %and3A_632] : memref<64x256xf32, #tpu.memory_space<vmem>>[vector<16xi32>, vector<16xi32>], vector<16xf32>,
        %gather3A_634 = tpu.vector_load_idx %arg12[%add3A_209, %and3A_632] : memref<64x256xf32, #tpu.memory_space<vmem>>[vector<16xi32>, vector<16xi32>], vector<16xf32>,
        %mul3A_635 = arith.mulf %gather3A_633, %gather3A_634 : vector<16xf32>
        %add3A_636 = arith.addf %add3A_551, %mul3A_635 : vector<16xf32>
        %add3A_637 = arith.constant 2 : i32
        %add3A_638 = vector.broadcast %add3A_637 : i32 to vector<16xi32>
        %add3A_639 = arith.addi %add3A_614, %add3A_638 : vector<16xi32>
        %and3A_640 = arith.constant 255 : i32
        %and3A_641 = vector.broadcast %and3A_640 : i32 to vector<16xi32>
        %and3A_642 = arith.andi %add3A_639, %and3A_641 : vector<16xi32>
        %gather3A_643 = tpu.vector_load_idx %arg10[%add3A_209, %and3A_642] : memref<64x256xf32, #tpu.memory_space<vmem>>[vector<16xi32>, vector<16xi32>], vector<16xf32>,
        %gather3A_644 = tpu.vector_load_idx %arg12[%add3A_209, %and3A_642] : memref<64x256xf32, #tpu.memory_space<vmem>>[vector<16xi32>, vector<16xi32>], vector<16xf32>,
        %mul3A_645 = arith.mulf %gather3A_643, %gather3A_644 : vector<16xf32>
        %add3A_646 = arith.addf %add3A_561, %mul3A_645 : vector<16xf32>
        %add3A_647 = arith.constant 3 : i32
        %add3A_648 = vector.broadcast %add3A_647 : i32 to vector<16xi32>
        %add3A_649 = arith.addi %add3A_614, %add3A_648 : vector<16xi32>
        %and3A_650 = arith.constant 255 : i32
        %and3A_651 = vector.broadcast %and3A_650 : i32 to vector<16xi32>
        %and3A_652 = arith.andi %add3A_649, %and3A_651 : vector<16xi32>
        %gather3A_653 = tpu.vector_load_idx %arg10[%add3A_209, %and3A_652] : memref<64x256xf32, #tpu.memory_space<vmem>>[vector<16xi32>, vector<16xi32>], vector<16xf32>,
        %gather3A_654 = tpu.vector_load_idx %arg12[%add3A_209, %and3A_652] : memref<64x256xf32, #tpu.memory_space<vmem>>[vector<16xi32>, vector<16xi32>], vector<16xf32>,
        %mul3A_655 = arith.mulf %gather3A_653, %gather3A_654 : vector<16xf32>
        %add3A_656 = arith.addf %add3A_571, %mul3A_655 : vector<16xf32>
        %add3A_657 = arith.constant 4 : i32
        %add3A_658 = vector.broadcast %add3A_657 : i32 to vector<16xi32>
        %add3A_659 = arith.addi %add3A_614, %add3A_658 : vector<16xi32>
        %and3A_660 = arith.constant 255 : i32
        %and3A_661 = vector.broadcast %and3A_660 : i32 to vector<16xi32>
        %and3A_662 = arith.andi %add3A_659, %and3A_661 : vector<16xi32>
        %gather3A_663 = tpu.vector_load_idx %arg10[%add3A_209, %and3A_662] : memref<64x256xf32, #tpu.memory_space<vmem>>[vector<16xi32>, vector<16xi32>], vector<16xf32>,
        %gather3A_664 = tpu.vector_load_idx %arg12[%add3A_209, %and3A_662] : memref<64x256xf32, #tpu.memory_space<vmem>>[vector<16xi32>, vector<16xi32>], vector<16xf32>,
        %mul3A_665 = arith.mulf %gather3A_663, %gather3A_664 : vector<16xf32>
        %add3A_666 = arith.addf %add3A_581, %mul3A_665 : vector<16xf32>
        %add3A_667 = arith.constant 5 : i32
        %add3A_668 = vector.broadcast %add3A_667 : i32 to vector<16xi32>
        %add3A_669 = arith.addi %add3A_614, %add3A_668 : vector<16xi32>
        %and3A_670 = arith.constant 255 : i32
        %and3A_671 = vector.broadcast %and3A_670 : i32 to vector<16xi32>
        %and3A_672 = arith.andi %add3A_669, %and3A_671 : vector<16xi32>
        %gather3A_673 = tpu.vector_load_idx %arg10[%add3A_209, %and3A_672] : memref<64x256xf32, #tpu.memory_space<vmem>>[vector<16xi32>, vector<16xi32>], vector<16xf32>,
        %gather3A_674 = tpu.vector_load_idx %arg12[%add3A_209, %and3A_672] : memref<64x256xf32, #tpu.memory_space<vmem>>[vector<16xi32>, vector<16xi32>], vector<16xf32>,
        %mul3A_675 = arith.mulf %gather3A_673, %gather3A_674 : vector<16xf32>
        %add3A_676 = arith.addf %add3A_591, %mul3A_675 : vector<16xf32>
        %add3A_677 = arith.constant 6 : i32
        %add3A_678 = vector.broadcast %add3A_677 : i32 to vector<16xi32>
        %add3A_679 = arith.addi %add3A_614, %add3A_678 : vector<16xi32>
        %and3A_680 = arith.constant 255 : i32
        %and3A_681 = vector.broadcast %and3A_680 : i32 to vector<16xi32>
        %and3A_682 = arith.andi %add3A_679, %and3A_681 : vector<16xi32>
        %gather3A_683 = tpu.vector_load_idx %arg10[%add3A_209, %and3A_682] : memref<64x256xf32, #tpu.memory_space<vmem>>[vector<16xi32>, vector<16xi32>], vector<16xf32>,
        %gather3A_684 = tpu.vector_load_idx %arg12[%add3A_209, %and3A_682] : memref<64x256xf32, #tpu.memory_space<vmem>>[vector<16xi32>, vector<16xi32>], vector<16xf32>,
        %mul3A_685 = arith.mulf %gather3A_683, %gather3A_684 : vector<16xf32>
        %add3A_686 = arith.addf %add3A_601, %mul3A_685 : vector<16xf32>
        %add3A_687 = arith.constant 7 : i32
        %add3A_688 = vector.broadcast %add3A_687 : i32 to vector<16xi32>
        %add3A_689 = arith.addi %add3A_614, %add3A_688 : vector<16xi32>
        %and3A_690 = arith.constant 255 : i32
        %and3A_691 = vector.broadcast %and3A_690 : i32 to vector<16xi32>
        %and3A_692 = arith.andi %add3A_689, %and3A_691 : vector<16xi32>
        %gather3A_693 = tpu.vector_load_idx %arg10[%add3A_209, %and3A_692] : memref<64x256xf32, #tpu.memory_space<vmem>>[vector<16xi32>, vector<16xi32>], vector<16xf32>,
        %gather3A_694 = tpu.vector_load_idx %arg12[%add3A_209, %and3A_692] : memref<64x256xf32, #tpu.memory_space<vmem>>[vector<16xi32>, vector<16xi32>], vector<16xf32>,
        %mul3A_695 = arith.mulf %gather3A_693, %gather3A_694 : vector<16xf32>
        %add3A_696 = arith.addf %add3A_611, %mul3A_695 : vector<16xf32>
        %add3A_697 = arith.constant 8 : i32
        %add3A_698 = vector.broadcast %add3A_697 : i32 to vector<16xi32>
        %add3A_699 = arith.addi %add3A_614, %add3A_698 : vector<16xi32>
        scf.yield %add3A_626, %add3A_636, %add3A_646, %add3A_656, %add3A_666, %add3A_676, %add3A_686, %add3A_696, %add3A_699 : vector<16xf32>, vector<16xf32>, vector<16xf32>, vector<16xf32>, vector<16xf32>, vector<16xf32>, vector<16xf32>, vector<16xf32>, vector<16xi32>
      }
      %scan3A_232 = arith.constant 32 : i32
      %add3A_233 = arith.addf %scan3A_231#0, %scan3A_231#1 : vector<16xf32>
      %add3A_234 = arith.addf %scan3A_231#2, %scan3A_231#3 : vector<16xf32>
      %add3A_235 = arith.addf %add3A_233, %add3A_234 : vector<16xf32>
      %add3A_236 = arith.addf %scan3A_231#4, %scan3A_231#5 : vector<16xf32>
      %add3A_237 = arith.addf %scan3A_231#6, %scan3A_231#7 : vector<16xf32>
      %add3A_238 = arith.addf %add3A_236, %add3A_237 : vector<16xf32>
      %add3A_239 = arith.addf %add3A_235, %add3A_238 : vector<16xf32>
      %swap3A_240 = arith.index_cast %add3A_186 : i32 to index
      %swap3A_241 = arith.constant 0 : index
      %swap3A_242 = tpu.vector_load %arg8[%swap3A_240, %swap3A_241] {strides = array<i32>} : memref<80x64xf32, #tpu.memory_space<vmem>>, vector<16xf32>,
      tpu.vector_store %arg8[%swap3A_240, %swap3A_241], %add3A_239 {strides = array<i32>} : memref<80x64xf32, #tpu.memory_space<vmem>>, vector<16xf32>,
      %iota3A_243 = tpu.iota {dimensions = array<i32: 0>} : vector<16xi32>
      %add3A_244 = arith.constant 16 : i32
      %add3A_245 = vector.broadcast %add3A_244 : i32 to vector<16xi32>
      %add3A_246 = arith.addi %iota3A_243, %add3A_245 : vector<16xi32>
      %iota3A_247 = tpu.iota {dimensions = array<i32: 0>} : vector<16xi32>
      %broadcast_in_dim3A_248 = arith.constant 0.000000e+00 : f32
      %broadcast_in_dim3A_249 = vector.broadcast %broadcast_in_dim3A_248 : f32 to vector<16xf32>
      %broadcast_in_dim3A_250 = arith.constant 0.000000e+00 : f32
      %broadcast_in_dim3A_251 = vector.broadcast %broadcast_in_dim3A_250 : f32 to vector<16xf32>
      %broadcast_in_dim3A_252 = arith.constant 0.000000e+00 : f32
      %broadcast_in_dim3A_253 = vector.broadcast %broadcast_in_dim3A_252 : f32 to vector<16xf32>
      %broadcast_in_dim3A_254 = arith.constant 0.000000e+00 : f32
      %broadcast_in_dim3A_255 = vector.broadcast %broadcast_in_dim3A_254 : f32 to vector<16xf32>
      %broadcast_in_dim3A_256 = arith.constant 0.000000e+00 : f32
      %broadcast_in_dim3A_257 = vector.broadcast %broadcast_in_dim3A_256 : f32 to vector<16xf32>
      %broadcast_in_dim3A_258 = arith.constant 0.000000e+00 : f32
      %broadcast_in_dim3A_259 = vector.broadcast %broadcast_in_dim3A_258 : f32 to vector<16xf32>
      %broadcast_in_dim3A_260 = arith.constant 0.000000e+00 : f32
      %broadcast_in_dim3A_261 = vector.broadcast %broadcast_in_dim3A_260 : f32 to vector<16xf32>
      %broadcast_in_dim3A_262 = arith.constant 0.000000e+00 : f32
      %broadcast_in_dim3A_263 = vector.broadcast %broadcast_in_dim3A_262 : f32 to vector<16xf32>
      %scan3A_264 = arith.constant 0 : i32
      %scan3A_265 = arith.constant 32 : i32
      %scan3A_266 = arith.addi %scan3A_264, %scan3A_265 : i32
      %scan3A_267 = arith.constant 4 : i32
      %scan3A_268:9 = scf.for %scan3A_354 = %scan3A_264 to %scan3A_266 step %scan3A_267 iter_args(%scan3A_355 = %broadcast_in_dim3A_249, %scan3A_356 = %broadcast_in_dim3A_251, %scan3A_357 = %broadcast_in_dim3A_253, %scan3A_358 = %broadcast_in_dim3A_255, %scan3A_359 = %broadcast_in_dim3A_257, %scan3A_360 = %broadcast_in_dim3A_259, %scan3A_361 = %broadcast_in_dim3A_261, %scan3A_362 = %broadcast_in_dim3A_263, %scan3A_363 = %iota3A_247) -> (vector<16xf32>, vector<16xf32>, vector<16xf32>, vector<16xf32>, vector<16xf32>, vector<16xf32>, vector<16xf32>, vector<16xf32>, vector<16xi32>)  : i32 {
        %add3A_364 = arith.constant 0 : i32
        %add3A_365 = vector.broadcast %add3A_364 : i32 to vector<16xi32>
        %add3A_366 = arith.addi %scan3A_363, %add3A_365 : vector<16xi32>
        %and3A = arith.constant 255 : i32
        %and3A_367 = vector.broadcast %and3A : i32 to vector<16xi32>
        %and3A_368 = arith.andi %add3A_366, %and3A_367 : vector<16xi32>
        %gather3A = tpu.vector_load_idx %arg10[%add3A_246, %and3A_368] : memref<64x256xf32, #tpu.memory_space<vmem>>[vector<16xi32>, vector<16xi32>], vector<16xf32>,
        %gather3A_369 = tpu.vector_load_idx %arg12[%add3A_246, %and3A_368] : memref<64x256xf32, #tpu.memory_space<vmem>>[vector<16xi32>, vector<16xi32>], vector<16xf32>,
        %mul3A_370 = arith.mulf %gather3A, %gather3A_369 : vector<16xf32>
        %add3A_371 = arith.addf %scan3A_355, %mul3A_370 : vector<16xf32>
        %add3A_372 = arith.constant 1 : i32
        %add3A_373 = vector.broadcast %add3A_372 : i32 to vector<16xi32>
        %add3A_374 = arith.addi %scan3A_363, %add3A_373 : vector<16xi32>
        %and3A_375 = arith.constant 255 : i32
        %and3A_376 = vector.broadcast %and3A_375 : i32 to vector<16xi32>
        %and3A_377 = arith.andi %add3A_374, %and3A_376 : vector<16xi32>
        %gather3A_378 = tpu.vector_load_idx %arg10[%add3A_246, %and3A_377] : memref<64x256xf32, #tpu.memory_space<vmem>>[vector<16xi32>, vector<16xi32>], vector<16xf32>,
        %gather3A_379 = tpu.vector_load_idx %arg12[%add3A_246, %and3A_377] : memref<64x256xf32, #tpu.memory_space<vmem>>[vector<16xi32>, vector<16xi32>], vector<16xf32>,
        %mul3A_380 = arith.mulf %gather3A_378, %gather3A_379 : vector<16xf32>
        %add3A_381 = arith.addf %scan3A_356, %mul3A_380 : vector<16xf32>
        %add3A_382 = arith.constant 2 : i32
        %add3A_383 = vector.broadcast %add3A_382 : i32 to vector<16xi32>
        %add3A_384 = arith.addi %scan3A_363, %add3A_383 : vector<16xi32>
        %and3A_385 = arith.constant 255 : i32
        %and3A_386 = vector.broadcast %and3A_385 : i32 to vector<16xi32>
        %and3A_387 = arith.andi %add3A_384, %and3A_386 : vector<16xi32>
        %gather3A_388 = tpu.vector_load_idx %arg10[%add3A_246, %and3A_387] : memref<64x256xf32, #tpu.memory_space<vmem>>[vector<16xi32>, vector<16xi32>], vector<16xf32>,
        %gather3A_389 = tpu.vector_load_idx %arg12[%add3A_246, %and3A_387] : memref<64x256xf32, #tpu.memory_space<vmem>>[vector<16xi32>, vector<16xi32>], vector<16xf32>,
        %mul3A_390 = arith.mulf %gather3A_388, %gather3A_389 : vector<16xf32>
        %add3A_391 = arith.addf %scan3A_357, %mul3A_390 : vector<16xf32>
        %add3A_392 = arith.constant 3 : i32
        %add3A_393 = vector.broadcast %add3A_392 : i32 to vector<16xi32>
        %add3A_394 = arith.addi %scan3A_363, %add3A_393 : vector<16xi32>
        %and3A_395 = arith.constant 255 : i32
        %and3A_396 = vector.broadcast %and3A_395 : i32 to vector<16xi32>
        %and3A_397 = arith.andi %add3A_394, %and3A_396 : vector<16xi32>
        %gather3A_398 = tpu.vector_load_idx %arg10[%add3A_246, %and3A_397] : memref<64x256xf32, #tpu.memory_space<vmem>>[vector<16xi32>, vector<16xi32>], vector<16xf32>,
        %gather3A_399 = tpu.vector_load_idx %arg12[%add3A_246, %and3A_397] : memref<64x256xf32, #tpu.memory_space<vmem>>[vector<16xi32>, vector<16xi32>], vector<16xf32>,
        %mul3A_400 = arith.mulf %gather3A_398, %gather3A_399 : vector<16xf32>
        %add3A_401 = arith.addf %scan3A_358, %mul3A_400 : vector<16xf32>
        %add3A_402 = arith.constant 4 : i32
        %add3A_403 = vector.broadcast %add3A_402 : i32 to vector<16xi32>
        %add3A_404 = arith.addi %scan3A_363, %add3A_403 : vector<16xi32>
        %and3A_405 = arith.constant 255 : i32
        %and3A_406 = vector.broadcast %and3A_405 : i32 to vector<16xi32>
        %and3A_407 = arith.andi %add3A_404, %and3A_406 : vector<16xi32>
        %gather3A_408 = tpu.vector_load_idx %arg10[%add3A_246, %and3A_407] : memref<64x256xf32, #tpu.memory_space<vmem>>[vector<16xi32>, vector<16xi32>], vector<16xf32>,
        %gather3A_409 = tpu.vector_load_idx %arg12[%add3A_246, %and3A_407] : memref<64x256xf32, #tpu.memory_space<vmem>>[vector<16xi32>, vector<16xi32>], vector<16xf32>,
        %mul3A_410 = arith.mulf %gather3A_408, %gather3A_409 : vector<16xf32>
        %add3A_411 = arith.addf %scan3A_359, %mul3A_410 : vector<16xf32>
        %add3A_412 = arith.constant 5 : i32
        %add3A_413 = vector.broadcast %add3A_412 : i32 to vector<16xi32>
        %add3A_414 = arith.addi %scan3A_363, %add3A_413 : vector<16xi32>
        %and3A_415 = arith.constant 255 : i32
        %and3A_416 = vector.broadcast %and3A_415 : i32 to vector<16xi32>
        %and3A_417 = arith.andi %add3A_414, %and3A_416 : vector<16xi32>
        %gather3A_418 = tpu.vector_load_idx %arg10[%add3A_246, %and3A_417] : memref<64x256xf32, #tpu.memory_space<vmem>>[vector<16xi32>, vector<16xi32>], vector<16xf32>,
        %gather3A_419 = tpu.vector_load_idx %arg12[%add3A_246, %and3A_417] : memref<64x256xf32, #tpu.memory_space<vmem>>[vector<16xi32>, vector<16xi32>], vector<16xf32>,
        %mul3A_420 = arith.mulf %gather3A_418, %gather3A_419 : vector<16xf32>
        %add3A_421 = arith.addf %scan3A_360, %mul3A_420 : vector<16xf32>
        %add3A_422 = arith.constant 6 : i32
        %add3A_423 = vector.broadcast %add3A_422 : i32 to vector<16xi32>
        %add3A_424 = arith.addi %scan3A_363, %add3A_423 : vector<16xi32>
        %and3A_425 = arith.constant 255 : i32
        %and3A_426 = vector.broadcast %and3A_425 : i32 to vector<16xi32>
        %and3A_427 = arith.andi %add3A_424, %and3A_426 : vector<16xi32>
        %gather3A_428 = tpu.vector_load_idx %arg10[%add3A_246, %and3A_427] : memref<64x256xf32, #tpu.memory_space<vmem>>[vector<16xi32>, vector<16xi32>], vector<16xf32>,
        %gather3A_429 = tpu.vector_load_idx %arg12[%add3A_246, %and3A_427] : memref<64x256xf32, #tpu.memory_space<vmem>>[vector<16xi32>, vector<16xi32>], vector<16xf32>,
        %mul3A_430 = arith.mulf %gather3A_428, %gather3A_429 : vector<16xf32>
        %add3A_431 = arith.addf %scan3A_361, %mul3A_430 : vector<16xf32>
        %add3A_432 = arith.constant 7 : i32
        %add3A_433 = vector.broadcast %add3A_432 : i32 to vector<16xi32>
        %add3A_434 = arith.addi %scan3A_363, %add3A_433 : vector<16xi32>
        %and3A_435 = arith.constant 255 : i32
        %and3A_436 = vector.broadcast %and3A_435 : i32 to vector<16xi32>
        %and3A_437 = arith.andi %add3A_434, %and3A_436 : vector<16xi32>
        %gather3A_438 = tpu.vector_load_idx %arg10[%add3A_246, %and3A_437] : memref<64x256xf32, #tpu.memory_space<vmem>>[vector<16xi32>, vector<16xi32>], vector<16xf32>,
        %gather3A_439 = tpu.vector_load_idx %arg12[%add3A_246, %and3A_437] : memref<64x256xf32, #tpu.memory_space<vmem>>[vector<16xi32>, vector<16xi32>], vector<16xf32>,
        %mul3A_440 = arith.mulf %gather3A_438, %gather3A_439 : vector<16xf32>
        %add3A_441 = arith.addf %scan3A_362, %mul3A_440 : vector<16xf32>
        %add3A_442 = arith.constant 8 : i32
        %add3A_443 = vector.broadcast %add3A_442 : i32 to vector<16xi32>
        %add3A_444 = arith.addi %scan3A_363, %add3A_443 : vector<16xi32>
        %scan3A_445 = arith.constant 1 : i32
        %scan3A_446 = arith.addi %scan3A_354, %scan3A_445 : i32
        %add3A_447 = arith.constant 0 : i32
        %add3A_448 = vector.broadcast %add3A_447 : i32 to vector<16xi32>
        %add3A_449 = arith.addi %add3A_444, %add3A_448 : vector<16xi32>
        %and3A_450 = arith.constant 255 : i32
        %and3A_451 = vector.broadcast %and3A_450 : i32 to vector<16xi32>
        %and3A_452 = arith.andi %add3A_449, %and3A_451 : vector<16xi32>
        %gather3A_453 = tpu.vector_load_idx %arg10[%add3A_246, %and3A_452] : memref<64x256xf32, #tpu.memory_space<vmem>>[vector<16xi32>, vector<16xi32>], vector<16xf32>,
        %gather3A_454 = tpu.vector_load_idx %arg12[%add3A_246, %and3A_452] : memref<64x256xf32, #tpu.memory_space<vmem>>[vector<16xi32>, vector<16xi32>], vector<16xf32>,
        %mul3A_455 = arith.mulf %gather3A_453, %gather3A_454 : vector<16xf32>
        %add3A_456 = arith.addf %add3A_371, %mul3A_455 : vector<16xf32>
        %add3A_457 = arith.constant 1 : i32
        %add3A_458 = vector.broadcast %add3A_457 : i32 to vector<16xi32>
        %add3A_459 = arith.addi %add3A_444, %add3A_458 : vector<16xi32>
        %and3A_460 = arith.constant 255 : i32
        %and3A_461 = vector.broadcast %and3A_460 : i32 to vector<16xi32>
        %and3A_462 = arith.andi %add3A_459, %and3A_461 : vector<16xi32>
        %gather3A_463 = tpu.vector_load_idx %arg10[%add3A_246, %and3A_462] : memref<64x256xf32, #tpu.memory_space<vmem>>[vector<16xi32>, vector<16xi32>], vector<16xf32>,
        %gather3A_464 = tpu.vector_load_idx %arg12[%add3A_246, %and3A_462] : memref<64x256xf32, #tpu.memory_space<vmem>>[vector<16xi32>, vector<16xi32>], vector<16xf32>,
        %mul3A_465 = arith.mulf %gather3A_463, %gather3A_464 : vector<16xf32>
        %add3A_466 = arith.addf %add3A_381, %mul3A_465 : vector<16xf32>
        %add3A_467 = arith.constant 2 : i32
        %add3A_468 = vector.broadcast %add3A_467 : i32 to vector<16xi32>
        %add3A_469 = arith.addi %add3A_444, %add3A_468 : vector<16xi32>
        %and3A_470 = arith.constant 255 : i32
        %and3A_471 = vector.broadcast %and3A_470 : i32 to vector<16xi32>
        %and3A_472 = arith.andi %add3A_469, %and3A_471 : vector<16xi32>
        %gather3A_473 = tpu.vector_load_idx %arg10[%add3A_246, %and3A_472] : memref<64x256xf32, #tpu.memory_space<vmem>>[vector<16xi32>, vector<16xi32>], vector<16xf32>,
        %gather3A_474 = tpu.vector_load_idx %arg12[%add3A_246, %and3A_472] : memref<64x256xf32, #tpu.memory_space<vmem>>[vector<16xi32>, vector<16xi32>], vector<16xf32>,
        %mul3A_475 = arith.mulf %gather3A_473, %gather3A_474 : vector<16xf32>
        %add3A_476 = arith.addf %add3A_391, %mul3A_475 : vector<16xf32>
        %add3A_477 = arith.constant 3 : i32
        %add3A_478 = vector.broadcast %add3A_477 : i32 to vector<16xi32>
        %add3A_479 = arith.addi %add3A_444, %add3A_478 : vector<16xi32>
        %and3A_480 = arith.constant 255 : i32
        %and3A_481 = vector.broadcast %and3A_480 : i32 to vector<16xi32>
        %and3A_482 = arith.andi %add3A_479, %and3A_481 : vector<16xi32>
        %gather3A_483 = tpu.vector_load_idx %arg10[%add3A_246, %and3A_482] : memref<64x256xf32, #tpu.memory_space<vmem>>[vector<16xi32>, vector<16xi32>], vector<16xf32>,
        %gather3A_484 = tpu.vector_load_idx %arg12[%add3A_246, %and3A_482] : memref<64x256xf32, #tpu.memory_space<vmem>>[vector<16xi32>, vector<16xi32>], vector<16xf32>,
        %mul3A_485 = arith.mulf %gather3A_483, %gather3A_484 : vector<16xf32>
        %add3A_486 = arith.addf %add3A_401, %mul3A_485 : vector<16xf32>
        %add3A_487 = arith.constant 4 : i32
        %add3A_488 = vector.broadcast %add3A_487 : i32 to vector<16xi32>
        %add3A_489 = arith.addi %add3A_444, %add3A_488 : vector<16xi32>
        %and3A_490 = arith.constant 255 : i32
        %and3A_491 = vector.broadcast %and3A_490 : i32 to vector<16xi32>
        %and3A_492 = arith.andi %add3A_489, %and3A_491 : vector<16xi32>
        %gather3A_493 = tpu.vector_load_idx %arg10[%add3A_246, %and3A_492] : memref<64x256xf32, #tpu.memory_space<vmem>>[vector<16xi32>, vector<16xi32>], vector<16xf32>,
        %gather3A_494 = tpu.vector_load_idx %arg12[%add3A_246, %and3A_492] : memref<64x256xf32, #tpu.memory_space<vmem>>[vector<16xi32>, vector<16xi32>], vector<16xf32>,
        %mul3A_495 = arith.mulf %gather3A_493, %gather3A_494 : vector<16xf32>
        %add3A_496 = arith.addf %add3A_411, %mul3A_495 : vector<16xf32>
        %add3A_497 = arith.constant 5 : i32
        %add3A_498 = vector.broadcast %add3A_497 : i32 to vector<16xi32>
        %add3A_499 = arith.addi %add3A_444, %add3A_498 : vector<16xi32>
        %and3A_500 = arith.constant 255 : i32
        %and3A_501 = vector.broadcast %and3A_500 : i32 to vector<16xi32>
        %and3A_502 = arith.andi %add3A_499, %and3A_501 : vector<16xi32>
        %gather3A_503 = tpu.vector_load_idx %arg10[%add3A_246, %and3A_502] : memref<64x256xf32, #tpu.memory_space<vmem>>[vector<16xi32>, vector<16xi32>], vector<16xf32>,
        %gather3A_504 = tpu.vector_load_idx %arg12[%add3A_246, %and3A_502] : memref<64x256xf32, #tpu.memory_space<vmem>>[vector<16xi32>, vector<16xi32>], vector<16xf32>,
        %mul3A_505 = arith.mulf %gather3A_503, %gather3A_504 : vector<16xf32>
        %add3A_506 = arith.addf %add3A_421, %mul3A_505 : vector<16xf32>
        %add3A_507 = arith.constant 6 : i32
        %add3A_508 = vector.broadcast %add3A_507 : i32 to vector<16xi32>
        %add3A_509 = arith.addi %add3A_444, %add3A_508 : vector<16xi32>
        %and3A_510 = arith.constant 255 : i32
        %and3A_511 = vector.broadcast %and3A_510 : i32 to vector<16xi32>
        %and3A_512 = arith.andi %add3A_509, %and3A_511 : vector<16xi32>
        %gather3A_513 = tpu.vector_load_idx %arg10[%add3A_246, %and3A_512] : memref<64x256xf32, #tpu.memory_space<vmem>>[vector<16xi32>, vector<16xi32>], vector<16xf32>,
        %gather3A_514 = tpu.vector_load_idx %arg12[%add3A_246, %and3A_512] : memref<64x256xf32, #tpu.memory_space<vmem>>[vector<16xi32>, vector<16xi32>], vector<16xf32>,
        %mul3A_515 = arith.mulf %gather3A_513, %gather3A_514 : vector<16xf32>
        %add3A_516 = arith.addf %add3A_431, %mul3A_515 : vector<16xf32>
        %add3A_517 = arith.constant 7 : i32
        %add3A_518 = vector.broadcast %add3A_517 : i32 to vector<16xi32>
        %add3A_519 = arith.addi %add3A_444, %add3A_518 : vector<16xi32>
        %and3A_520 = arith.constant 255 : i32
        %and3A_521 = vector.broadcast %and3A_520 : i32 to vector<16xi32>
        %and3A_522 = arith.andi %add3A_519, %and3A_521 : vector<16xi32>
        %gather3A_523 = tpu.vector_load_idx %arg10[%add3A_246, %and3A_522] : memref<64x256xf32, #tpu.memory_space<vmem>>[vector<16xi32>, vector<16xi32>], vector<16xf32>,
        %gather3A_524 = tpu.vector_load_idx %arg12[%add3A_246, %and3A_522] : memref<64x256xf32, #tpu.memory_space<vmem>>[vector<16xi32>, vector<16xi32>], vector<16xf32>,
        %mul3A_525 = arith.mulf %gather3A_523, %gather3A_524 : vector<16xf32>
        %add3A_526 = arith.addf %add3A_441, %mul3A_525 : vector<16xf32>
        %add3A_527 = arith.constant 8 : i32
        %add3A_528 = vector.broadcast %add3A_527 : i32 to vector<16xi32>
        %add3A_529 = arith.addi %add3A_444, %add3A_528 : vector<16xi32>
        %scan3A_530 = arith.constant 2 : i32
        %scan3A_531 = arith.addi %scan3A_354, %scan3A_530 : i32
        %add3A_532 = arith.constant 0 : i32
        %add3A_533 = vector.broadcast %add3A_532 : i32 to vector<16xi32>
        %add3A_534 = arith.addi %add3A_529, %add3A_533 : vector<16xi32>
        %and3A_535 = arith.constant 255 : i32
        %and3A_536 = vector.broadcast %and3A_535 : i32 to vector<16xi32>
        %and3A_537 = arith.andi %add3A_534, %and3A_536 : vector<16xi32>
        %gather3A_538 = tpu.vector_load_idx %arg10[%add3A_246, %and3A_537] : memref<64x256xf32, #tpu.memory_space<vmem>>[vector<16xi32>, vector<16xi32>], vector<16xf32>,
        %gather3A_539 = tpu.vector_load_idx %arg12[%add3A_246, %and3A_537] : memref<64x256xf32, #tpu.memory_space<vmem>>[vector<16xi32>, vector<16xi32>], vector<16xf32>,
        %mul3A_540 = arith.mulf %gather3A_538, %gather3A_539 : vector<16xf32>
        %add3A_541 = arith.addf %add3A_456, %mul3A_540 : vector<16xf32>
        %add3A_542 = arith.constant 1 : i32
        %add3A_543 = vector.broadcast %add3A_542 : i32 to vector<16xi32>
        %add3A_544 = arith.addi %add3A_529, %add3A_543 : vector<16xi32>
        %and3A_545 = arith.constant 255 : i32
        %and3A_546 = vector.broadcast %and3A_545 : i32 to vector<16xi32>
        %and3A_547 = arith.andi %add3A_544, %and3A_546 : vector<16xi32>
        %gather3A_548 = tpu.vector_load_idx %arg10[%add3A_246, %and3A_547] : memref<64x256xf32, #tpu.memory_space<vmem>>[vector<16xi32>, vector<16xi32>], vector<16xf32>,
        %gather3A_549 = tpu.vector_load_idx %arg12[%add3A_246, %and3A_547] : memref<64x256xf32, #tpu.memory_space<vmem>>[vector<16xi32>, vector<16xi32>], vector<16xf32>,
        %mul3A_550 = arith.mulf %gather3A_548, %gather3A_549 : vector<16xf32>
        %add3A_551 = arith.addf %add3A_466, %mul3A_550 : vector<16xf32>
        %add3A_552 = arith.constant 2 : i32
        %add3A_553 = vector.broadcast %add3A_552 : i32 to vector<16xi32>
        %add3A_554 = arith.addi %add3A_529, %add3A_553 : vector<16xi32>
        %and3A_555 = arith.constant 255 : i32
        %and3A_556 = vector.broadcast %and3A_555 : i32 to vector<16xi32>
        %and3A_557 = arith.andi %add3A_554, %and3A_556 : vector<16xi32>
        %gather3A_558 = tpu.vector_load_idx %arg10[%add3A_246, %and3A_557] : memref<64x256xf32, #tpu.memory_space<vmem>>[vector<16xi32>, vector<16xi32>], vector<16xf32>,
        %gather3A_559 = tpu.vector_load_idx %arg12[%add3A_246, %and3A_557] : memref<64x256xf32, #tpu.memory_space<vmem>>[vector<16xi32>, vector<16xi32>], vector<16xf32>,
        %mul3A_560 = arith.mulf %gather3A_558, %gather3A_559 : vector<16xf32>
        %add3A_561 = arith.addf %add3A_476, %mul3A_560 : vector<16xf32>
        %add3A_562 = arith.constant 3 : i32
        %add3A_563 = vector.broadcast %add3A_562 : i32 to vector<16xi32>
        %add3A_564 = arith.addi %add3A_529, %add3A_563 : vector<16xi32>
        %and3A_565 = arith.constant 255 : i32
        %and3A_566 = vector.broadcast %and3A_565 : i32 to vector<16xi32>
        %and3A_567 = arith.andi %add3A_564, %and3A_566 : vector<16xi32>
        %gather3A_568 = tpu.vector_load_idx %arg10[%add3A_246, %and3A_567] : memref<64x256xf32, #tpu.memory_space<vmem>>[vector<16xi32>, vector<16xi32>], vector<16xf32>,
        %gather3A_569 = tpu.vector_load_idx %arg12[%add3A_246, %and3A_567] : memref<64x256xf32, #tpu.memory_space<vmem>>[vector<16xi32>, vector<16xi32>], vector<16xf32>,
        %mul3A_570 = arith.mulf %gather3A_568, %gather3A_569 : vector<16xf32>
        %add3A_571 = arith.addf %add3A_486, %mul3A_570 : vector<16xf32>
        %add3A_572 = arith.constant 4 : i32
        %add3A_573 = vector.broadcast %add3A_572 : i32 to vector<16xi32>
        %add3A_574 = arith.addi %add3A_529, %add3A_573 : vector<16xi32>
        %and3A_575 = arith.constant 255 : i32
        %and3A_576 = vector.broadcast %and3A_575 : i32 to vector<16xi32>
        %and3A_577 = arith.andi %add3A_574, %and3A_576 : vector<16xi32>
        %gather3A_578 = tpu.vector_load_idx %arg10[%add3A_246, %and3A_577] : memref<64x256xf32, #tpu.memory_space<vmem>>[vector<16xi32>, vector<16xi32>], vector<16xf32>,
        %gather3A_579 = tpu.vector_load_idx %arg12[%add3A_246, %and3A_577] : memref<64x256xf32, #tpu.memory_space<vmem>>[vector<16xi32>, vector<16xi32>], vector<16xf32>,
        %mul3A_580 = arith.mulf %gather3A_578, %gather3A_579 : vector<16xf32>
        %add3A_581 = arith.addf %add3A_496, %mul3A_580 : vector<16xf32>
        %add3A_582 = arith.constant 5 : i32
        %add3A_583 = vector.broadcast %add3A_582 : i32 to vector<16xi32>
        %add3A_584 = arith.addi %add3A_529, %add3A_583 : vector<16xi32>
        %and3A_585 = arith.constant 255 : i32
        %and3A_586 = vector.broadcast %and3A_585 : i32 to vector<16xi32>
        %and3A_587 = arith.andi %add3A_584, %and3A_586 : vector<16xi32>
        %gather3A_588 = tpu.vector_load_idx %arg10[%add3A_246, %and3A_587] : memref<64x256xf32, #tpu.memory_space<vmem>>[vector<16xi32>, vector<16xi32>], vector<16xf32>,
        %gather3A_589 = tpu.vector_load_idx %arg12[%add3A_246, %and3A_587] : memref<64x256xf32, #tpu.memory_space<vmem>>[vector<16xi32>, vector<16xi32>], vector<16xf32>,
        %mul3A_590 = arith.mulf %gather3A_588, %gather3A_589 : vector<16xf32>
        %add3A_591 = arith.addf %add3A_506, %mul3A_590 : vector<16xf32>
        %add3A_592 = arith.constant 6 : i32
        %add3A_593 = vector.broadcast %add3A_592 : i32 to vector<16xi32>
        %add3A_594 = arith.addi %add3A_529, %add3A_593 : vector<16xi32>
        %and3A_595 = arith.constant 255 : i32
        %and3A_596 = vector.broadcast %and3A_595 : i32 to vector<16xi32>
        %and3A_597 = arith.andi %add3A_594, %and3A_596 : vector<16xi32>
        %gather3A_598 = tpu.vector_load_idx %arg10[%add3A_246, %and3A_597] : memref<64x256xf32, #tpu.memory_space<vmem>>[vector<16xi32>, vector<16xi32>], vector<16xf32>,
        %gather3A_599 = tpu.vector_load_idx %arg12[%add3A_246, %and3A_597] : memref<64x256xf32, #tpu.memory_space<vmem>>[vector<16xi32>, vector<16xi32>], vector<16xf32>,
        %mul3A_600 = arith.mulf %gather3A_598, %gather3A_599 : vector<16xf32>
        %add3A_601 = arith.addf %add3A_516, %mul3A_600 : vector<16xf32>
        %add3A_602 = arith.constant 7 : i32
        %add3A_603 = vector.broadcast %add3A_602 : i32 to vector<16xi32>
        %add3A_604 = arith.addi %add3A_529, %add3A_603 : vector<16xi32>
        %and3A_605 = arith.constant 255 : i32
        %and3A_606 = vector.broadcast %and3A_605 : i32 to vector<16xi32>
        %and3A_607 = arith.andi %add3A_604, %and3A_606 : vector<16xi32>
        %gather3A_608 = tpu.vector_load_idx %arg10[%add3A_246, %and3A_607] : memref<64x256xf32, #tpu.memory_space<vmem>>[vector<16xi32>, vector<16xi32>], vector<16xf32>,
        %gather3A_609 = tpu.vector_load_idx %arg12[%add3A_246, %and3A_607] : memref<64x256xf32, #tpu.memory_space<vmem>>[vector<16xi32>, vector<16xi32>], vector<16xf32>,
        %mul3A_610 = arith.mulf %gather3A_608, %gather3A_609 : vector<16xf32>
        %add3A_611 = arith.addf %add3A_526, %mul3A_610 : vector<16xf32>
        %add3A_612 = arith.constant 8 : i32
        %add3A_613 = vector.broadcast %add3A_612 : i32 to vector<16xi32>
        %add3A_614 = arith.addi %add3A_529, %add3A_613 : vector<16xi32>
        %scan3A_615 = arith.constant 3 : i32
        %scan3A_616 = arith.addi %scan3A_354, %scan3A_615 : i32
        %add3A_617 = arith.constant 0 : i32
        %add3A_618 = vector.broadcast %add3A_617 : i32 to vector<16xi32>
        %add3A_619 = arith.addi %add3A_614, %add3A_618 : vector<16xi32>
        %and3A_620 = arith.constant 255 : i32
        %and3A_621 = vector.broadcast %and3A_620 : i32 to vector<16xi32>
        %and3A_622 = arith.andi %add3A_619, %and3A_621 : vector<16xi32>
        %gather3A_623 = tpu.vector_load_idx %arg10[%add3A_246, %and3A_622] : memref<64x256xf32, #tpu.memory_space<vmem>>[vector<16xi32>, vector<16xi32>], vector<16xf32>,
        %gather3A_624 = tpu.vector_load_idx %arg12[%add3A_246, %and3A_622] : memref<64x256xf32, #tpu.memory_space<vmem>>[vector<16xi32>, vector<16xi32>], vector<16xf32>,
        %mul3A_625 = arith.mulf %gather3A_623, %gather3A_624 : vector<16xf32>
        %add3A_626 = arith.addf %add3A_541, %mul3A_625 : vector<16xf32>
        %add3A_627 = arith.constant 1 : i32
        %add3A_628 = vector.broadcast %add3A_627 : i32 to vector<16xi32>
        %add3A_629 = arith.addi %add3A_614, %add3A_628 : vector<16xi32>
        %and3A_630 = arith.constant 255 : i32
        %and3A_631 = vector.broadcast %and3A_630 : i32 to vector<16xi32>
        %and3A_632 = arith.andi %add3A_629, %and3A_631 : vector<16xi32>
        %gather3A_633 = tpu.vector_load_idx %arg10[%add3A_246, %and3A_632] : memref<64x256xf32, #tpu.memory_space<vmem>>[vector<16xi32>, vector<16xi32>], vector<16xf32>,
        %gather3A_634 = tpu.vector_load_idx %arg12[%add3A_246, %and3A_632] : memref<64x256xf32, #tpu.memory_space<vmem>>[vector<16xi32>, vector<16xi32>], vector<16xf32>,
        %mul3A_635 = arith.mulf %gather3A_633, %gather3A_634 : vector<16xf32>
        %add3A_636 = arith.addf %add3A_551, %mul3A_635 : vector<16xf32>
        %add3A_637 = arith.constant 2 : i32
        %add3A_638 = vector.broadcast %add3A_637 : i32 to vector<16xi32>
        %add3A_639 = arith.addi %add3A_614, %add3A_638 : vector<16xi32>
        %and3A_640 = arith.constant 255 : i32
        %and3A_641 = vector.broadcast %and3A_640 : i32 to vector<16xi32>
        %and3A_642 = arith.andi %add3A_639, %and3A_641 : vector<16xi32>
        %gather3A_643 = tpu.vector_load_idx %arg10[%add3A_246, %and3A_642] : memref<64x256xf32, #tpu.memory_space<vmem>>[vector<16xi32>, vector<16xi32>], vector<16xf32>,
        %gather3A_644 = tpu.vector_load_idx %arg12[%add3A_246, %and3A_642] : memref<64x256xf32, #tpu.memory_space<vmem>>[vector<16xi32>, vector<16xi32>], vector<16xf32>,
        %mul3A_645 = arith.mulf %gather3A_643, %gather3A_644 : vector<16xf32>
        %add3A_646 = arith.addf %add3A_561, %mul3A_645 : vector<16xf32>
        %add3A_647 = arith.constant 3 : i32
        %add3A_648 = vector.broadcast %add3A_647 : i32 to vector<16xi32>
        %add3A_649 = arith.addi %add3A_614, %add3A_648 : vector<16xi32>
        %and3A_650 = arith.constant 255 : i32
        %and3A_651 = vector.broadcast %and3A_650 : i32 to vector<16xi32>
        %and3A_652 = arith.andi %add3A_649, %and3A_651 : vector<16xi32>
        %gather3A_653 = tpu.vector_load_idx %arg10[%add3A_246, %and3A_652] : memref<64x256xf32, #tpu.memory_space<vmem>>[vector<16xi32>, vector<16xi32>], vector<16xf32>,
        %gather3A_654 = tpu.vector_load_idx %arg12[%add3A_246, %and3A_652] : memref<64x256xf32, #tpu.memory_space<vmem>>[vector<16xi32>, vector<16xi32>], vector<16xf32>,
        %mul3A_655 = arith.mulf %gather3A_653, %gather3A_654 : vector<16xf32>
        %add3A_656 = arith.addf %add3A_571, %mul3A_655 : vector<16xf32>
        %add3A_657 = arith.constant 4 : i32
        %add3A_658 = vector.broadcast %add3A_657 : i32 to vector<16xi32>
        %add3A_659 = arith.addi %add3A_614, %add3A_658 : vector<16xi32>
        %and3A_660 = arith.constant 255 : i32
        %and3A_661 = vector.broadcast %and3A_660 : i32 to vector<16xi32>
        %and3A_662 = arith.andi %add3A_659, %and3A_661 : vector<16xi32>
        %gather3A_663 = tpu.vector_load_idx %arg10[%add3A_246, %and3A_662] : memref<64x256xf32, #tpu.memory_space<vmem>>[vector<16xi32>, vector<16xi32>], vector<16xf32>,
        %gather3A_664 = tpu.vector_load_idx %arg12[%add3A_246, %and3A_662] : memref<64x256xf32, #tpu.memory_space<vmem>>[vector<16xi32>, vector<16xi32>], vector<16xf32>,
        %mul3A_665 = arith.mulf %gather3A_663, %gather3A_664 : vector<16xf32>
        %add3A_666 = arith.addf %add3A_581, %mul3A_665 : vector<16xf32>
        %add3A_667 = arith.constant 5 : i32
        %add3A_668 = vector.broadcast %add3A_667 : i32 to vector<16xi32>
        %add3A_669 = arith.addi %add3A_614, %add3A_668 : vector<16xi32>
        %and3A_670 = arith.constant 255 : i32
        %and3A_671 = vector.broadcast %and3A_670 : i32 to vector<16xi32>
        %and3A_672 = arith.andi %add3A_669, %and3A_671 : vector<16xi32>
        %gather3A_673 = tpu.vector_load_idx %arg10[%add3A_246, %and3A_672] : memref<64x256xf32, #tpu.memory_space<vmem>>[vector<16xi32>, vector<16xi32>], vector<16xf32>,
        %gather3A_674 = tpu.vector_load_idx %arg12[%add3A_246, %and3A_672] : memref<64x256xf32, #tpu.memory_space<vmem>>[vector<16xi32>, vector<16xi32>], vector<16xf32>,
        %mul3A_675 = arith.mulf %gather3A_673, %gather3A_674 : vector<16xf32>
        %add3A_676 = arith.addf %add3A_591, %mul3A_675 : vector<16xf32>
        %add3A_677 = arith.constant 6 : i32
        %add3A_678 = vector.broadcast %add3A_677 : i32 to vector<16xi32>
        %add3A_679 = arith.addi %add3A_614, %add3A_678 : vector<16xi32>
        %and3A_680 = arith.constant 255 : i32
        %and3A_681 = vector.broadcast %and3A_680 : i32 to vector<16xi32>
        %and3A_682 = arith.andi %add3A_679, %and3A_681 : vector<16xi32>
        %gather3A_683 = tpu.vector_load_idx %arg10[%add3A_246, %and3A_682] : memref<64x256xf32, #tpu.memory_space<vmem>>[vector<16xi32>, vector<16xi32>], vector<16xf32>,
        %gather3A_684 = tpu.vector_load_idx %arg12[%add3A_246, %and3A_682] : memref<64x256xf32, #tpu.memory_space<vmem>>[vector<16xi32>, vector<16xi32>], vector<16xf32>,
        %mul3A_685 = arith.mulf %gather3A_683, %gather3A_684 : vector<16xf32>
        %add3A_686 = arith.addf %add3A_601, %mul3A_685 : vector<16xf32>
        %add3A_687 = arith.constant 7 : i32
        %add3A_688 = vector.broadcast %add3A_687 : i32 to vector<16xi32>
        %add3A_689 = arith.addi %add3A_614, %add3A_688 : vector<16xi32>
        %and3A_690 = arith.constant 255 : i32
        %and3A_691 = vector.broadcast %and3A_690 : i32 to vector<16xi32>
        %and3A_692 = arith.andi %add3A_689, %and3A_691 : vector<16xi32>
        %gather3A_693 = tpu.vector_load_idx %arg10[%add3A_246, %and3A_692] : memref<64x256xf32, #tpu.memory_space<vmem>>[vector<16xi32>, vector<16xi32>], vector<16xf32>,
        %gather3A_694 = tpu.vector_load_idx %arg12[%add3A_246, %and3A_692] : memref<64x256xf32, #tpu.memory_space<vmem>>[vector<16xi32>, vector<16xi32>], vector<16xf32>,
        %mul3A_695 = arith.mulf %gather3A_693, %gather3A_694 : vector<16xf32>
        %add3A_696 = arith.addf %add3A_611, %mul3A_695 : vector<16xf32>
        %add3A_697 = arith.constant 8 : i32
        %add3A_698 = vector.broadcast %add3A_697 : i32 to vector<16xi32>
        %add3A_699 = arith.addi %add3A_614, %add3A_698 : vector<16xi32>
        scf.yield %add3A_626, %add3A_636, %add3A_646, %add3A_656, %add3A_666, %add3A_676, %add3A_686, %add3A_696, %add3A_699 : vector<16xf32>, vector<16xf32>, vector<16xf32>, vector<16xf32>, vector<16xf32>, vector<16xf32>, vector<16xf32>, vector<16xf32>, vector<16xi32>
      }
      %scan3A_269 = arith.constant 32 : i32
      %add3A_270 = arith.addf %scan3A_268#0, %scan3A_268#1 : vector<16xf32>
      %add3A_271 = arith.addf %scan3A_268#2, %scan3A_268#3 : vector<16xf32>
      %add3A_272 = arith.addf %add3A_270, %add3A_271 : vector<16xf32>
      %add3A_273 = arith.addf %scan3A_268#4, %scan3A_268#5 : vector<16xf32>
      %add3A_274 = arith.addf %scan3A_268#6, %scan3A_268#7 : vector<16xf32>
      %add3A_275 = arith.addf %add3A_273, %add3A_274 : vector<16xf32>
      %add3A_276 = arith.addf %add3A_272, %add3A_275 : vector<16xf32>
      %swap3A_277 = arith.index_cast %add3A_186 : i32 to index
      %swap3A_278 = arith.constant 16 : index
      %swap3A_279 = tpu.vector_load %arg8[%swap3A_277, %swap3A_278] {strides = array<i32>} : memref<80x64xf32, #tpu.memory_space<vmem>>, vector<16xf32>,
      tpu.vector_store %arg8[%swap3A_277, %swap3A_278], %add3A_276 {strides = array<i32>} : memref<80x64xf32, #tpu.memory_space<vmem>>, vector<16xf32>,
      %iota3A_280 = tpu.iota {dimensions = array<i32: 0>} : vector<16xi32>
      %add3A_281 = arith.constant 32 : i32
      %add3A_282 = vector.broadcast %add3A_281 : i32 to vector<16xi32>
      %add3A_283 = arith.addi %iota3A_280, %add3A_282 : vector<16xi32>
      %iota3A_284 = tpu.iota {dimensions = array<i32: 0>} : vector<16xi32>
      %broadcast_in_dim3A_285 = arith.constant 0.000000e+00 : f32
      %broadcast_in_dim3A_286 = vector.broadcast %broadcast_in_dim3A_285 : f32 to vector<16xf32>
      %broadcast_in_dim3A_287 = arith.constant 0.000000e+00 : f32
      %broadcast_in_dim3A_288 = vector.broadcast %broadcast_in_dim3A_287 : f32 to vector<16xf32>
      %broadcast_in_dim3A_289 = arith.constant 0.000000e+00 : f32
      %broadcast_in_dim3A_290 = vector.broadcast %broadcast_in_dim3A_289 : f32 to vector<16xf32>
      %broadcast_in_dim3A_291 = arith.constant 0.000000e+00 : f32
      %broadcast_in_dim3A_292 = vector.broadcast %broadcast_in_dim3A_291 : f32 to vector<16xf32>
      %broadcast_in_dim3A_293 = arith.constant 0.000000e+00 : f32
      %broadcast_in_dim3A_294 = vector.broadcast %broadcast_in_dim3A_293 : f32 to vector<16xf32>
      %broadcast_in_dim3A_295 = arith.constant 0.000000e+00 : f32
      %broadcast_in_dim3A_296 = vector.broadcast %broadcast_in_dim3A_295 : f32 to vector<16xf32>
      %broadcast_in_dim3A_297 = arith.constant 0.000000e+00 : f32
      %broadcast_in_dim3A_298 = vector.broadcast %broadcast_in_dim3A_297 : f32 to vector<16xf32>
      %broadcast_in_dim3A_299 = arith.constant 0.000000e+00 : f32
      %broadcast_in_dim3A_300 = vector.broadcast %broadcast_in_dim3A_299 : f32 to vector<16xf32>
      %scan3A_301 = arith.constant 0 : i32
      %scan3A_302 = arith.constant 32 : i32
      %scan3A_303 = arith.addi %scan3A_301, %scan3A_302 : i32
      %scan3A_304 = arith.constant 4 : i32
      %scan3A_305:9 = scf.for %scan3A_354 = %scan3A_301 to %scan3A_303 step %scan3A_304 iter_args(%scan3A_355 = %broadcast_in_dim3A_286, %scan3A_356 = %broadcast_in_dim3A_288, %scan3A_357 = %broadcast_in_dim3A_290, %scan3A_358 = %broadcast_in_dim3A_292, %scan3A_359 = %broadcast_in_dim3A_294, %scan3A_360 = %broadcast_in_dim3A_296, %scan3A_361 = %broadcast_in_dim3A_298, %scan3A_362 = %broadcast_in_dim3A_300, %scan3A_363 = %iota3A_284) -> (vector<16xf32>, vector<16xf32>, vector<16xf32>, vector<16xf32>, vector<16xf32>, vector<16xf32>, vector<16xf32>, vector<16xf32>, vector<16xi32>)  : i32 {
        %add3A_364 = arith.constant 0 : i32
        %add3A_365 = vector.broadcast %add3A_364 : i32 to vector<16xi32>
        %add3A_366 = arith.addi %scan3A_363, %add3A_365 : vector<16xi32>
        %and3A = arith.constant 255 : i32
        %and3A_367 = vector.broadcast %and3A : i32 to vector<16xi32>
        %and3A_368 = arith.andi %add3A_366, %and3A_367 : vector<16xi32>
        %gather3A = tpu.vector_load_idx %arg10[%add3A_283, %and3A_368] : memref<64x256xf32, #tpu.memory_space<vmem>>[vector<16xi32>, vector<16xi32>], vector<16xf32>,
        %gather3A_369 = tpu.vector_load_idx %arg12[%add3A_283, %and3A_368] : memref<64x256xf32, #tpu.memory_space<vmem>>[vector<16xi32>, vector<16xi32>], vector<16xf32>,
        %mul3A_370 = arith.mulf %gather3A, %gather3A_369 : vector<16xf32>
        %add3A_371 = arith.addf %scan3A_355, %mul3A_370 : vector<16xf32>
        %add3A_372 = arith.constant 1 : i32
        %add3A_373 = vector.broadcast %add3A_372 : i32 to vector<16xi32>
        %add3A_374 = arith.addi %scan3A_363, %add3A_373 : vector<16xi32>
        %and3A_375 = arith.constant 255 : i32
        %and3A_376 = vector.broadcast %and3A_375 : i32 to vector<16xi32>
        %and3A_377 = arith.andi %add3A_374, %and3A_376 : vector<16xi32>
        %gather3A_378 = tpu.vector_load_idx %arg10[%add3A_283, %and3A_377] : memref<64x256xf32, #tpu.memory_space<vmem>>[vector<16xi32>, vector<16xi32>], vector<16xf32>,
        %gather3A_379 = tpu.vector_load_idx %arg12[%add3A_283, %and3A_377] : memref<64x256xf32, #tpu.memory_space<vmem>>[vector<16xi32>, vector<16xi32>], vector<16xf32>,
        %mul3A_380 = arith.mulf %gather3A_378, %gather3A_379 : vector<16xf32>
        %add3A_381 = arith.addf %scan3A_356, %mul3A_380 : vector<16xf32>
        %add3A_382 = arith.constant 2 : i32
        %add3A_383 = vector.broadcast %add3A_382 : i32 to vector<16xi32>
        %add3A_384 = arith.addi %scan3A_363, %add3A_383 : vector<16xi32>
        %and3A_385 = arith.constant 255 : i32
        %and3A_386 = vector.broadcast %and3A_385 : i32 to vector<16xi32>
        %and3A_387 = arith.andi %add3A_384, %and3A_386 : vector<16xi32>
        %gather3A_388 = tpu.vector_load_idx %arg10[%add3A_283, %and3A_387] : memref<64x256xf32, #tpu.memory_space<vmem>>[vector<16xi32>, vector<16xi32>], vector<16xf32>,
        %gather3A_389 = tpu.vector_load_idx %arg12[%add3A_283, %and3A_387] : memref<64x256xf32, #tpu.memory_space<vmem>>[vector<16xi32>, vector<16xi32>], vector<16xf32>,
        %mul3A_390 = arith.mulf %gather3A_388, %gather3A_389 : vector<16xf32>
        %add3A_391 = arith.addf %scan3A_357, %mul3A_390 : vector<16xf32>
        %add3A_392 = arith.constant 3 : i32
        %add3A_393 = vector.broadcast %add3A_392 : i32 to vector<16xi32>
        %add3A_394 = arith.addi %scan3A_363, %add3A_393 : vector<16xi32>
        %and3A_395 = arith.constant 255 : i32
        %and3A_396 = vector.broadcast %and3A_395 : i32 to vector<16xi32>
        %and3A_397 = arith.andi %add3A_394, %and3A_396 : vector<16xi32>
        %gather3A_398 = tpu.vector_load_idx %arg10[%add3A_283, %and3A_397] : memref<64x256xf32, #tpu.memory_space<vmem>>[vector<16xi32>, vector<16xi32>], vector<16xf32>,
        %gather3A_399 = tpu.vector_load_idx %arg12[%add3A_283, %and3A_397] : memref<64x256xf32, #tpu.memory_space<vmem>>[vector<16xi32>, vector<16xi32>], vector<16xf32>,
        %mul3A_400 = arith.mulf %gather3A_398, %gather3A_399 : vector<16xf32>
        %add3A_401 = arith.addf %scan3A_358, %mul3A_400 : vector<16xf32>
        %add3A_402 = arith.constant 4 : i32
        %add3A_403 = vector.broadcast %add3A_402 : i32 to vector<16xi32>
        %add3A_404 = arith.addi %scan3A_363, %add3A_403 : vector<16xi32>
        %and3A_405 = arith.constant 255 : i32
        %and3A_406 = vector.broadcast %and3A_405 : i32 to vector<16xi32>
        %and3A_407 = arith.andi %add3A_404, %and3A_406 : vector<16xi32>
        %gather3A_408 = tpu.vector_load_idx %arg10[%add3A_283, %and3A_407] : memref<64x256xf32, #tpu.memory_space<vmem>>[vector<16xi32>, vector<16xi32>], vector<16xf32>,
        %gather3A_409 = tpu.vector_load_idx %arg12[%add3A_283, %and3A_407] : memref<64x256xf32, #tpu.memory_space<vmem>>[vector<16xi32>, vector<16xi32>], vector<16xf32>,
        %mul3A_410 = arith.mulf %gather3A_408, %gather3A_409 : vector<16xf32>
        %add3A_411 = arith.addf %scan3A_359, %mul3A_410 : vector<16xf32>
        %add3A_412 = arith.constant 5 : i32
        %add3A_413 = vector.broadcast %add3A_412 : i32 to vector<16xi32>
        %add3A_414 = arith.addi %scan3A_363, %add3A_413 : vector<16xi32>
        %and3A_415 = arith.constant 255 : i32
        %and3A_416 = vector.broadcast %and3A_415 : i32 to vector<16xi32>
        %and3A_417 = arith.andi %add3A_414, %and3A_416 : vector<16xi32>
        %gather3A_418 = tpu.vector_load_idx %arg10[%add3A_283, %and3A_417] : memref<64x256xf32, #tpu.memory_space<vmem>>[vector<16xi32>, vector<16xi32>], vector<16xf32>,
        %gather3A_419 = tpu.vector_load_idx %arg12[%add3A_283, %and3A_417] : memref<64x256xf32, #tpu.memory_space<vmem>>[vector<16xi32>, vector<16xi32>], vector<16xf32>,
        %mul3A_420 = arith.mulf %gather3A_418, %gather3A_419 : vector<16xf32>
        %add3A_421 = arith.addf %scan3A_360, %mul3A_420 : vector<16xf32>
        %add3A_422 = arith.constant 6 : i32
        %add3A_423 = vector.broadcast %add3A_422 : i32 to vector<16xi32>
        %add3A_424 = arith.addi %scan3A_363, %add3A_423 : vector<16xi32>
        %and3A_425 = arith.constant 255 : i32
        %and3A_426 = vector.broadcast %and3A_425 : i32 to vector<16xi32>
        %and3A_427 = arith.andi %add3A_424, %and3A_426 : vector<16xi32>
        %gather3A_428 = tpu.vector_load_idx %arg10[%add3A_283, %and3A_427] : memref<64x256xf32, #tpu.memory_space<vmem>>[vector<16xi32>, vector<16xi32>], vector<16xf32>,
        %gather3A_429 = tpu.vector_load_idx %arg12[%add3A_283, %and3A_427] : memref<64x256xf32, #tpu.memory_space<vmem>>[vector<16xi32>, vector<16xi32>], vector<16xf32>,
        %mul3A_430 = arith.mulf %gather3A_428, %gather3A_429 : vector<16xf32>
        %add3A_431 = arith.addf %scan3A_361, %mul3A_430 : vector<16xf32>
        %add3A_432 = arith.constant 7 : i32
        %add3A_433 = vector.broadcast %add3A_432 : i32 to vector<16xi32>
        %add3A_434 = arith.addi %scan3A_363, %add3A_433 : vector<16xi32>
        %and3A_435 = arith.constant 255 : i32
        %and3A_436 = vector.broadcast %and3A_435 : i32 to vector<16xi32>
        %and3A_437 = arith.andi %add3A_434, %and3A_436 : vector<16xi32>
        %gather3A_438 = tpu.vector_load_idx %arg10[%add3A_283, %and3A_437] : memref<64x256xf32, #tpu.memory_space<vmem>>[vector<16xi32>, vector<16xi32>], vector<16xf32>,
        %gather3A_439 = tpu.vector_load_idx %arg12[%add3A_283, %and3A_437] : memref<64x256xf32, #tpu.memory_space<vmem>>[vector<16xi32>, vector<16xi32>], vector<16xf32>,
        %mul3A_440 = arith.mulf %gather3A_438, %gather3A_439 : vector<16xf32>
        %add3A_441 = arith.addf %scan3A_362, %mul3A_440 : vector<16xf32>
        %add3A_442 = arith.constant 8 : i32
        %add3A_443 = vector.broadcast %add3A_442 : i32 to vector<16xi32>
        %add3A_444 = arith.addi %scan3A_363, %add3A_443 : vector<16xi32>
        %scan3A_445 = arith.constant 1 : i32
        %scan3A_446 = arith.addi %scan3A_354, %scan3A_445 : i32
        %add3A_447 = arith.constant 0 : i32
        %add3A_448 = vector.broadcast %add3A_447 : i32 to vector<16xi32>
        %add3A_449 = arith.addi %add3A_444, %add3A_448 : vector<16xi32>
        %and3A_450 = arith.constant 255 : i32
        %and3A_451 = vector.broadcast %and3A_450 : i32 to vector<16xi32>
        %and3A_452 = arith.andi %add3A_449, %and3A_451 : vector<16xi32>
        %gather3A_453 = tpu.vector_load_idx %arg10[%add3A_283, %and3A_452] : memref<64x256xf32, #tpu.memory_space<vmem>>[vector<16xi32>, vector<16xi32>], vector<16xf32>,
        %gather3A_454 = tpu.vector_load_idx %arg12[%add3A_283, %and3A_452] : memref<64x256xf32, #tpu.memory_space<vmem>>[vector<16xi32>, vector<16xi32>], vector<16xf32>,
        %mul3A_455 = arith.mulf %gather3A_453, %gather3A_454 : vector<16xf32>
        %add3A_456 = arith.addf %add3A_371, %mul3A_455 : vector<16xf32>
        %add3A_457 = arith.constant 1 : i32
        %add3A_458 = vector.broadcast %add3A_457 : i32 to vector<16xi32>
        %add3A_459 = arith.addi %add3A_444, %add3A_458 : vector<16xi32>
        %and3A_460 = arith.constant 255 : i32
        %and3A_461 = vector.broadcast %and3A_460 : i32 to vector<16xi32>
        %and3A_462 = arith.andi %add3A_459, %and3A_461 : vector<16xi32>
        %gather3A_463 = tpu.vector_load_idx %arg10[%add3A_283, %and3A_462] : memref<64x256xf32, #tpu.memory_space<vmem>>[vector<16xi32>, vector<16xi32>], vector<16xf32>,
        %gather3A_464 = tpu.vector_load_idx %arg12[%add3A_283, %and3A_462] : memref<64x256xf32, #tpu.memory_space<vmem>>[vector<16xi32>, vector<16xi32>], vector<16xf32>,
        %mul3A_465 = arith.mulf %gather3A_463, %gather3A_464 : vector<16xf32>
        %add3A_466 = arith.addf %add3A_381, %mul3A_465 : vector<16xf32>
        %add3A_467 = arith.constant 2 : i32
        %add3A_468 = vector.broadcast %add3A_467 : i32 to vector<16xi32>
        %add3A_469 = arith.addi %add3A_444, %add3A_468 : vector<16xi32>
        %and3A_470 = arith.constant 255 : i32
        %and3A_471 = vector.broadcast %and3A_470 : i32 to vector<16xi32>
        %and3A_472 = arith.andi %add3A_469, %and3A_471 : vector<16xi32>
        %gather3A_473 = tpu.vector_load_idx %arg10[%add3A_283, %and3A_472] : memref<64x256xf32, #tpu.memory_space<vmem>>[vector<16xi32>, vector<16xi32>], vector<16xf32>,
        %gather3A_474 = tpu.vector_load_idx %arg12[%add3A_283, %and3A_472] : memref<64x256xf32, #tpu.memory_space<vmem>>[vector<16xi32>, vector<16xi32>], vector<16xf32>,
        %mul3A_475 = arith.mulf %gather3A_473, %gather3A_474 : vector<16xf32>
        %add3A_476 = arith.addf %add3A_391, %mul3A_475 : vector<16xf32>
        %add3A_477 = arith.constant 3 : i32
        %add3A_478 = vector.broadcast %add3A_477 : i32 to vector<16xi32>
        %add3A_479 = arith.addi %add3A_444, %add3A_478 : vector<16xi32>
        %and3A_480 = arith.constant 255 : i32
        %and3A_481 = vector.broadcast %and3A_480 : i32 to vector<16xi32>
        %and3A_482 = arith.andi %add3A_479, %and3A_481 : vector<16xi32>
        %gather3A_483 = tpu.vector_load_idx %arg10[%add3A_283, %and3A_482] : memref<64x256xf32, #tpu.memory_space<vmem>>[vector<16xi32>, vector<16xi32>], vector<16xf32>,
        %gather3A_484 = tpu.vector_load_idx %arg12[%add3A_283, %and3A_482] : memref<64x256xf32, #tpu.memory_space<vmem>>[vector<16xi32>, vector<16xi32>], vector<16xf32>,
        %mul3A_485 = arith.mulf %gather3A_483, %gather3A_484 : vector<16xf32>
        %add3A_486 = arith.addf %add3A_401, %mul3A_485 : vector<16xf32>
        %add3A_487 = arith.constant 4 : i32
        %add3A_488 = vector.broadcast %add3A_487 : i32 to vector<16xi32>
        %add3A_489 = arith.addi %add3A_444, %add3A_488 : vector<16xi32>
        %and3A_490 = arith.constant 255 : i32
        %and3A_491 = vector.broadcast %and3A_490 : i32 to vector<16xi32>
        %and3A_492 = arith.andi %add3A_489, %and3A_491 : vector<16xi32>
        %gather3A_493 = tpu.vector_load_idx %arg10[%add3A_283, %and3A_492] : memref<64x256xf32, #tpu.memory_space<vmem>>[vector<16xi32>, vector<16xi32>], vector<16xf32>,
        %gather3A_494 = tpu.vector_load_idx %arg12[%add3A_283, %and3A_492] : memref<64x256xf32, #tpu.memory_space<vmem>>[vector<16xi32>, vector<16xi32>], vector<16xf32>,
        %mul3A_495 = arith.mulf %gather3A_493, %gather3A_494 : vector<16xf32>
        %add3A_496 = arith.addf %add3A_411, %mul3A_495 : vector<16xf32>
        %add3A_497 = arith.constant 5 : i32
        %add3A_498 = vector.broadcast %add3A_497 : i32 to vector<16xi32>
        %add3A_499 = arith.addi %add3A_444, %add3A_498 : vector<16xi32>
        %and3A_500 = arith.constant 255 : i32
        %and3A_501 = vector.broadcast %and3A_500 : i32 to vector<16xi32>
        %and3A_502 = arith.andi %add3A_499, %and3A_501 : vector<16xi32>
        %gather3A_503 = tpu.vector_load_idx %arg10[%add3A_283, %and3A_502] : memref<64x256xf32, #tpu.memory_space<vmem>>[vector<16xi32>, vector<16xi32>], vector<16xf32>,
        %gather3A_504 = tpu.vector_load_idx %arg12[%add3A_283, %and3A_502] : memref<64x256xf32, #tpu.memory_space<vmem>>[vector<16xi32>, vector<16xi32>], vector<16xf32>,
        %mul3A_505 = arith.mulf %gather3A_503, %gather3A_504 : vector<16xf32>
        %add3A_506 = arith.addf %add3A_421, %mul3A_505 : vector<16xf32>
        %add3A_507 = arith.constant 6 : i32
        %add3A_508 = vector.broadcast %add3A_507 : i32 to vector<16xi32>
        %add3A_509 = arith.addi %add3A_444, %add3A_508 : vector<16xi32>
        %and3A_510 = arith.constant 255 : i32
        %and3A_511 = vector.broadcast %and3A_510 : i32 to vector<16xi32>
        %and3A_512 = arith.andi %add3A_509, %and3A_511 : vector<16xi32>
        %gather3A_513 = tpu.vector_load_idx %arg10[%add3A_283, %and3A_512] : memref<64x256xf32, #tpu.memory_space<vmem>>[vector<16xi32>, vector<16xi32>], vector<16xf32>,
        %gather3A_514 = tpu.vector_load_idx %arg12[%add3A_283, %and3A_512] : memref<64x256xf32, #tpu.memory_space<vmem>>[vector<16xi32>, vector<16xi32>], vector<16xf32>,
        %mul3A_515 = arith.mulf %gather3A_513, %gather3A_514 : vector<16xf32>
        %add3A_516 = arith.addf %add3A_431, %mul3A_515 : vector<16xf32>
        %add3A_517 = arith.constant 7 : i32
        %add3A_518 = vector.broadcast %add3A_517 : i32 to vector<16xi32>
        %add3A_519 = arith.addi %add3A_444, %add3A_518 : vector<16xi32>
        %and3A_520 = arith.constant 255 : i32
        %and3A_521 = vector.broadcast %and3A_520 : i32 to vector<16xi32>
        %and3A_522 = arith.andi %add3A_519, %and3A_521 : vector<16xi32>
        %gather3A_523 = tpu.vector_load_idx %arg10[%add3A_283, %and3A_522] : memref<64x256xf32, #tpu.memory_space<vmem>>[vector<16xi32>, vector<16xi32>], vector<16xf32>,
        %gather3A_524 = tpu.vector_load_idx %arg12[%add3A_283, %and3A_522] : memref<64x256xf32, #tpu.memory_space<vmem>>[vector<16xi32>, vector<16xi32>], vector<16xf32>,
        %mul3A_525 = arith.mulf %gather3A_523, %gather3A_524 : vector<16xf32>
        %add3A_526 = arith.addf %add3A_441, %mul3A_525 : vector<16xf32>
        %add3A_527 = arith.constant 8 : i32
        %add3A_528 = vector.broadcast %add3A_527 : i32 to vector<16xi32>
        %add3A_529 = arith.addi %add3A_444, %add3A_528 : vector<16xi32>
        %scan3A_530 = arith.constant 2 : i32
        %scan3A_531 = arith.addi %scan3A_354, %scan3A_530 : i32
        %add3A_532 = arith.constant 0 : i32
        %add3A_533 = vector.broadcast %add3A_532 : i32 to vector<16xi32>
        %add3A_534 = arith.addi %add3A_529, %add3A_533 : vector<16xi32>
        %and3A_535 = arith.constant 255 : i32
        %and3A_536 = vector.broadcast %and3A_535 : i32 to vector<16xi32>
        %and3A_537 = arith.andi %add3A_534, %and3A_536 : vector<16xi32>
        %gather3A_538 = tpu.vector_load_idx %arg10[%add3A_283, %and3A_537] : memref<64x256xf32, #tpu.memory_space<vmem>>[vector<16xi32>, vector<16xi32>], vector<16xf32>,
        %gather3A_539 = tpu.vector_load_idx %arg12[%add3A_283, %and3A_537] : memref<64x256xf32, #tpu.memory_space<vmem>>[vector<16xi32>, vector<16xi32>], vector<16xf32>,
        %mul3A_540 = arith.mulf %gather3A_538, %gather3A_539 : vector<16xf32>
        %add3A_541 = arith.addf %add3A_456, %mul3A_540 : vector<16xf32>
        %add3A_542 = arith.constant 1 : i32
        %add3A_543 = vector.broadcast %add3A_542 : i32 to vector<16xi32>
        %add3A_544 = arith.addi %add3A_529, %add3A_543 : vector<16xi32>
        %and3A_545 = arith.constant 255 : i32
        %and3A_546 = vector.broadcast %and3A_545 : i32 to vector<16xi32>
        %and3A_547 = arith.andi %add3A_544, %and3A_546 : vector<16xi32>
        %gather3A_548 = tpu.vector_load_idx %arg10[%add3A_283, %and3A_547] : memref<64x256xf32, #tpu.memory_space<vmem>>[vector<16xi32>, vector<16xi32>], vector<16xf32>,
        %gather3A_549 = tpu.vector_load_idx %arg12[%add3A_283, %and3A_547] : memref<64x256xf32, #tpu.memory_space<vmem>>[vector<16xi32>, vector<16xi32>], vector<16xf32>,
        %mul3A_550 = arith.mulf %gather3A_548, %gather3A_549 : vector<16xf32>
        %add3A_551 = arith.addf %add3A_466, %mul3A_550 : vector<16xf32>
        %add3A_552 = arith.constant 2 : i32
        %add3A_553 = vector.broadcast %add3A_552 : i32 to vector<16xi32>
        %add3A_554 = arith.addi %add3A_529, %add3A_553 : vector<16xi32>
        %and3A_555 = arith.constant 255 : i32
        %and3A_556 = vector.broadcast %and3A_555 : i32 to vector<16xi32>
        %and3A_557 = arith.andi %add3A_554, %and3A_556 : vector<16xi32>
        %gather3A_558 = tpu.vector_load_idx %arg10[%add3A_283, %and3A_557] : memref<64x256xf32, #tpu.memory_space<vmem>>[vector<16xi32>, vector<16xi32>], vector<16xf32>,
        %gather3A_559 = tpu.vector_load_idx %arg12[%add3A_283, %and3A_557] : memref<64x256xf32, #tpu.memory_space<vmem>>[vector<16xi32>, vector<16xi32>], vector<16xf32>,
        %mul3A_560 = arith.mulf %gather3A_558, %gather3A_559 : vector<16xf32>
        %add3A_561 = arith.addf %add3A_476, %mul3A_560 : vector<16xf32>
        %add3A_562 = arith.constant 3 : i32
        %add3A_563 = vector.broadcast %add3A_562 : i32 to vector<16xi32>
        %add3A_564 = arith.addi %add3A_529, %add3A_563 : vector<16xi32>
        %and3A_565 = arith.constant 255 : i32
        %and3A_566 = vector.broadcast %and3A_565 : i32 to vector<16xi32>
        %and3A_567 = arith.andi %add3A_564, %and3A_566 : vector<16xi32>
        %gather3A_568 = tpu.vector_load_idx %arg10[%add3A_283, %and3A_567] : memref<64x256xf32, #tpu.memory_space<vmem>>[vector<16xi32>, vector<16xi32>], vector<16xf32>,
        %gather3A_569 = tpu.vector_load_idx %arg12[%add3A_283, %and3A_567] : memref<64x256xf32, #tpu.memory_space<vmem>>[vector<16xi32>, vector<16xi32>], vector<16xf32>,
        %mul3A_570 = arith.mulf %gather3A_568, %gather3A_569 : vector<16xf32>
        %add3A_571 = arith.addf %add3A_486, %mul3A_570 : vector<16xf32>
        %add3A_572 = arith.constant 4 : i32
        %add3A_573 = vector.broadcast %add3A_572 : i32 to vector<16xi32>
        %add3A_574 = arith.addi %add3A_529, %add3A_573 : vector<16xi32>
        %and3A_575 = arith.constant 255 : i32
        %and3A_576 = vector.broadcast %and3A_575 : i32 to vector<16xi32>
        %and3A_577 = arith.andi %add3A_574, %and3A_576 : vector<16xi32>
        %gather3A_578 = tpu.vector_load_idx %arg10[%add3A_283, %and3A_577] : memref<64x256xf32, #tpu.memory_space<vmem>>[vector<16xi32>, vector<16xi32>], vector<16xf32>,
        %gather3A_579 = tpu.vector_load_idx %arg12[%add3A_283, %and3A_577] : memref<64x256xf32, #tpu.memory_space<vmem>>[vector<16xi32>, vector<16xi32>], vector<16xf32>,
        %mul3A_580 = arith.mulf %gather3A_578, %gather3A_579 : vector<16xf32>
        %add3A_581 = arith.addf %add3A_496, %mul3A_580 : vector<16xf32>
        %add3A_582 = arith.constant 5 : i32
        %add3A_583 = vector.broadcast %add3A_582 : i32 to vector<16xi32>
        %add3A_584 = arith.addi %add3A_529, %add3A_583 : vector<16xi32>
        %and3A_585 = arith.constant 255 : i32
        %and3A_586 = vector.broadcast %and3A_585 : i32 to vector<16xi32>
        %and3A_587 = arith.andi %add3A_584, %and3A_586 : vector<16xi32>
        %gather3A_588 = tpu.vector_load_idx %arg10[%add3A_283, %and3A_587] : memref<64x256xf32, #tpu.memory_space<vmem>>[vector<16xi32>, vector<16xi32>], vector<16xf32>,
        %gather3A_589 = tpu.vector_load_idx %arg12[%add3A_283, %and3A_587] : memref<64x256xf32, #tpu.memory_space<vmem>>[vector<16xi32>, vector<16xi32>], vector<16xf32>,
        %mul3A_590 = arith.mulf %gather3A_588, %gather3A_589 : vector<16xf32>
        %add3A_591 = arith.addf %add3A_506, %mul3A_590 : vector<16xf32>
        %add3A_592 = arith.constant 6 : i32
        %add3A_593 = vector.broadcast %add3A_592 : i32 to vector<16xi32>
        %add3A_594 = arith.addi %add3A_529, %add3A_593 : vector<16xi32>
        %and3A_595 = arith.constant 255 : i32
        %and3A_596 = vector.broadcast %and3A_595 : i32 to vector<16xi32>
        %and3A_597 = arith.andi %add3A_594, %and3A_596 : vector<16xi32>
        %gather3A_598 = tpu.vector_load_idx %arg10[%add3A_283, %and3A_597] : memref<64x256xf32, #tpu.memory_space<vmem>>[vector<16xi32>, vector<16xi32>], vector<16xf32>,
        %gather3A_599 = tpu.vector_load_idx %arg12[%add3A_283, %and3A_597] : memref<64x256xf32, #tpu.memory_space<vmem>>[vector<16xi32>, vector<16xi32>], vector<16xf32>,
        %mul3A_600 = arith.mulf %gather3A_598, %gather3A_599 : vector<16xf32>
        %add3A_601 = arith.addf %add3A_516, %mul3A_600 : vector<16xf32>
        %add3A_602 = arith.constant 7 : i32
        %add3A_603 = vector.broadcast %add3A_602 : i32 to vector<16xi32>
        %add3A_604 = arith.addi %add3A_529, %add3A_603 : vector<16xi32>
        %and3A_605 = arith.constant 255 : i32
        %and3A_606 = vector.broadcast %and3A_605 : i32 to vector<16xi32>
        %and3A_607 = arith.andi %add3A_604, %and3A_606 : vector<16xi32>
        %gather3A_608 = tpu.vector_load_idx %arg10[%add3A_283, %and3A_607] : memref<64x256xf32, #tpu.memory_space<vmem>>[vector<16xi32>, vector<16xi32>], vector<16xf32>,
        %gather3A_609 = tpu.vector_load_idx %arg12[%add3A_283, %and3A_607] : memref<64x256xf32, #tpu.memory_space<vmem>>[vector<16xi32>, vector<16xi32>], vector<16xf32>,
        %mul3A_610 = arith.mulf %gather3A_608, %gather3A_609 : vector<16xf32>
        %add3A_611 = arith.addf %add3A_526, %mul3A_610 : vector<16xf32>
        %add3A_612 = arith.constant 8 : i32
        %add3A_613 = vector.broadcast %add3A_612 : i32 to vector<16xi32>
        %add3A_614 = arith.addi %add3A_529, %add3A_613 : vector<16xi32>
        %scan3A_615 = arith.constant 3 : i32
        %scan3A_616 = arith.addi %scan3A_354, %scan3A_615 : i32
        %add3A_617 = arith.constant 0 : i32
        %add3A_618 = vector.broadcast %add3A_617 : i32 to vector<16xi32>
        %add3A_619 = arith.addi %add3A_614, %add3A_618 : vector<16xi32>
        %and3A_620 = arith.constant 255 : i32
        %and3A_621 = vector.broadcast %and3A_620 : i32 to vector<16xi32>
        %and3A_622 = arith.andi %add3A_619, %and3A_621 : vector<16xi32>
        %gather3A_623 = tpu.vector_load_idx %arg10[%add3A_283, %and3A_622] : memref<64x256xf32, #tpu.memory_space<vmem>>[vector<16xi32>, vector<16xi32>], vector<16xf32>,
        %gather3A_624 = tpu.vector_load_idx %arg12[%add3A_283, %and3A_622] : memref<64x256xf32, #tpu.memory_space<vmem>>[vector<16xi32>, vector<16xi32>], vector<16xf32>,
        %mul3A_625 = arith.mulf %gather3A_623, %gather3A_624 : vector<16xf32>
        %add3A_626 = arith.addf %add3A_541, %mul3A_625 : vector<16xf32>
        %add3A_627 = arith.constant 1 : i32
        %add3A_628 = vector.broadcast %add3A_627 : i32 to vector<16xi32>
        %add3A_629 = arith.addi %add3A_614, %add3A_628 : vector<16xi32>
        %and3A_630 = arith.constant 255 : i32
        %and3A_631 = vector.broadcast %and3A_630 : i32 to vector<16xi32>
        %and3A_632 = arith.andi %add3A_629, %and3A_631 : vector<16xi32>
        %gather3A_633 = tpu.vector_load_idx %arg10[%add3A_283, %and3A_632] : memref<64x256xf32, #tpu.memory_space<vmem>>[vector<16xi32>, vector<16xi32>], vector<16xf32>,
        %gather3A_634 = tpu.vector_load_idx %arg12[%add3A_283, %and3A_632] : memref<64x256xf32, #tpu.memory_space<vmem>>[vector<16xi32>, vector<16xi32>], vector<16xf32>,
        %mul3A_635 = arith.mulf %gather3A_633, %gather3A_634 : vector<16xf32>
        %add3A_636 = arith.addf %add3A_551, %mul3A_635 : vector<16xf32>
        %add3A_637 = arith.constant 2 : i32
        %add3A_638 = vector.broadcast %add3A_637 : i32 to vector<16xi32>
        %add3A_639 = arith.addi %add3A_614, %add3A_638 : vector<16xi32>
        %and3A_640 = arith.constant 255 : i32
        %and3A_641 = vector.broadcast %and3A_640 : i32 to vector<16xi32>
        %and3A_642 = arith.andi %add3A_639, %and3A_641 : vector<16xi32>
        %gather3A_643 = tpu.vector_load_idx %arg10[%add3A_283, %and3A_642] : memref<64x256xf32, #tpu.memory_space<vmem>>[vector<16xi32>, vector<16xi32>], vector<16xf32>,
        %gather3A_644 = tpu.vector_load_idx %arg12[%add3A_283, %and3A_642] : memref<64x256xf32, #tpu.memory_space<vmem>>[vector<16xi32>, vector<16xi32>], vector<16xf32>,
        %mul3A_645 = arith.mulf %gather3A_643, %gather3A_644 : vector<16xf32>
        %add3A_646 = arith.addf %add3A_561, %mul3A_645 : vector<16xf32>
        %add3A_647 = arith.constant 3 : i32
        %add3A_648 = vector.broadcast %add3A_647 : i32 to vector<16xi32>
        %add3A_649 = arith.addi %add3A_614, %add3A_648 : vector<16xi32>
        %and3A_650 = arith.constant 255 : i32
        %and3A_651 = vector.broadcast %and3A_650 : i32 to vector<16xi32>
        %and3A_652 = arith.andi %add3A_649, %and3A_651 : vector<16xi32>
        %gather3A_653 = tpu.vector_load_idx %arg10[%add3A_283, %and3A_652] : memref<64x256xf32, #tpu.memory_space<vmem>>[vector<16xi32>, vector<16xi32>], vector<16xf32>,
        %gather3A_654 = tpu.vector_load_idx %arg12[%add3A_283, %and3A_652] : memref<64x256xf32, #tpu.memory_space<vmem>>[vector<16xi32>, vector<16xi32>], vector<16xf32>,
        %mul3A_655 = arith.mulf %gather3A_653, %gather3A_654 : vector<16xf32>
        %add3A_656 = arith.addf %add3A_571, %mul3A_655 : vector<16xf32>
        %add3A_657 = arith.constant 4 : i32
        %add3A_658 = vector.broadcast %add3A_657 : i32 to vector<16xi32>
        %add3A_659 = arith.addi %add3A_614, %add3A_658 : vector<16xi32>
        %and3A_660 = arith.constant 255 : i32
        %and3A_661 = vector.broadcast %and3A_660 : i32 to vector<16xi32>
        %and3A_662 = arith.andi %add3A_659, %and3A_661 : vector<16xi32>
        %gather3A_663 = tpu.vector_load_idx %arg10[%add3A_283, %and3A_662] : memref<64x256xf32, #tpu.memory_space<vmem>>[vector<16xi32>, vector<16xi32>], vector<16xf32>,
        %gather3A_664 = tpu.vector_load_idx %arg12[%add3A_283, %and3A_662] : memref<64x256xf32, #tpu.memory_space<vmem>>[vector<16xi32>, vector<16xi32>], vector<16xf32>,
        %mul3A_665 = arith.mulf %gather3A_663, %gather3A_664 : vector<16xf32>
        %add3A_666 = arith.addf %add3A_581, %mul3A_665 : vector<16xf32>
        %add3A_667 = arith.constant 5 : i32
        %add3A_668 = vector.broadcast %add3A_667 : i32 to vector<16xi32>
        %add3A_669 = arith.addi %add3A_614, %add3A_668 : vector<16xi32>
        %and3A_670 = arith.constant 255 : i32
        %and3A_671 = vector.broadcast %and3A_670 : i32 to vector<16xi32>
        %and3A_672 = arith.andi %add3A_669, %and3A_671 : vector<16xi32>
        %gather3A_673 = tpu.vector_load_idx %arg10[%add3A_283, %and3A_672] : memref<64x256xf32, #tpu.memory_space<vmem>>[vector<16xi32>, vector<16xi32>], vector<16xf32>,
        %gather3A_674 = tpu.vector_load_idx %arg12[%add3A_283, %and3A_672] : memref<64x256xf32, #tpu.memory_space<vmem>>[vector<16xi32>, vector<16xi32>], vector<16xf32>,
        %mul3A_675 = arith.mulf %gather3A_673, %gather3A_674 : vector<16xf32>
        %add3A_676 = arith.addf %add3A_591, %mul3A_675 : vector<16xf32>
        %add3A_677 = arith.constant 6 : i32
        %add3A_678 = vector.broadcast %add3A_677 : i32 to vector<16xi32>
        %add3A_679 = arith.addi %add3A_614, %add3A_678 : vector<16xi32>
        %and3A_680 = arith.constant 255 : i32
        %and3A_681 = vector.broadcast %and3A_680 : i32 to vector<16xi32>
        %and3A_682 = arith.andi %add3A_679, %and3A_681 : vector<16xi32>
        %gather3A_683 = tpu.vector_load_idx %arg10[%add3A_283, %and3A_682] : memref<64x256xf32, #tpu.memory_space<vmem>>[vector<16xi32>, vector<16xi32>], vector<16xf32>,
        %gather3A_684 = tpu.vector_load_idx %arg12[%add3A_283, %and3A_682] : memref<64x256xf32, #tpu.memory_space<vmem>>[vector<16xi32>, vector<16xi32>], vector<16xf32>,
        %mul3A_685 = arith.mulf %gather3A_683, %gather3A_684 : vector<16xf32>
        %add3A_686 = arith.addf %add3A_601, %mul3A_685 : vector<16xf32>
        %add3A_687 = arith.constant 7 : i32
        %add3A_688 = vector.broadcast %add3A_687 : i32 to vector<16xi32>
        %add3A_689 = arith.addi %add3A_614, %add3A_688 : vector<16xi32>
        %and3A_690 = arith.constant 255 : i32
        %and3A_691 = vector.broadcast %and3A_690 : i32 to vector<16xi32>
        %and3A_692 = arith.andi %add3A_689, %and3A_691 : vector<16xi32>
        %gather3A_693 = tpu.vector_load_idx %arg10[%add3A_283, %and3A_692] : memref<64x256xf32, #tpu.memory_space<vmem>>[vector<16xi32>, vector<16xi32>], vector<16xf32>,
        %gather3A_694 = tpu.vector_load_idx %arg12[%add3A_283, %and3A_692] : memref<64x256xf32, #tpu.memory_space<vmem>>[vector<16xi32>, vector<16xi32>], vector<16xf32>,
        %mul3A_695 = arith.mulf %gather3A_693, %gather3A_694 : vector<16xf32>
        %add3A_696 = arith.addf %add3A_611, %mul3A_695 : vector<16xf32>
        %add3A_697 = arith.constant 8 : i32
        %add3A_698 = vector.broadcast %add3A_697 : i32 to vector<16xi32>
        %add3A_699 = arith.addi %add3A_614, %add3A_698 : vector<16xi32>
        scf.yield %add3A_626, %add3A_636, %add3A_646, %add3A_656, %add3A_666, %add3A_676, %add3A_686, %add3A_696, %add3A_699 : vector<16xf32>, vector<16xf32>, vector<16xf32>, vector<16xf32>, vector<16xf32>, vector<16xf32>, vector<16xf32>, vector<16xf32>, vector<16xi32>
      }
      %scan3A_306 = arith.constant 32 : i32
      %add3A_307 = arith.addf %scan3A_305#0, %scan3A_305#1 : vector<16xf32>
      %add3A_308 = arith.addf %scan3A_305#2, %scan3A_305#3 : vector<16xf32>
      %add3A_309 = arith.addf %add3A_307, %add3A_308 : vector<16xf32>
      %add3A_310 = arith.addf %scan3A_305#4, %scan3A_305#5 : vector<16xf32>
      %add3A_311 = arith.addf %scan3A_305#6, %scan3A_305#7 : vector<16xf32>
      %add3A_312 = arith.addf %add3A_310, %add3A_311 : vector<16xf32>
      %add3A_313 = arith.addf %add3A_309, %add3A_312 : vector<16xf32>
      %swap3A_314 = arith.index_cast %add3A_186 : i32 to index
      %swap3A_315 = arith.constant 32 : index
      %swap3A_316 = tpu.vector_load %arg8[%swap3A_314, %swap3A_315] {strides = array<i32>} : memref<80x64xf32, #tpu.memory_space<vmem>>, vector<16xf32>,
      tpu.vector_store %arg8[%swap3A_314, %swap3A_315], %add3A_313 {strides = array<i32>} : memref<80x64xf32, #tpu.memory_space<vmem>>, vector<16xf32>,
      %iota3A_317 = tpu.iota {dimensions = array<i32: 0>} : vector<16xi32>
      %add3A_318 = arith.constant 48 : i32
      %add3A_319 = vector.broadcast %add3A_318 : i32 to vector<16xi32>
      %add3A_320 = arith.addi %iota3A_317, %add3A_319 : vector<16xi32>
      %iota3A_321 = tpu.iota {dimensions = array<i32: 0>} : vector<16xi32>
      %broadcast_in_dim3A_322 = arith.constant 0.000000e+00 : f32
      %broadcast_in_dim3A_323 = vector.broadcast %broadcast_in_dim3A_322 : f32 to vector<16xf32>
      %broadcast_in_dim3A_324 = arith.constant 0.000000e+00 : f32
      %broadcast_in_dim3A_325 = vector.broadcast %broadcast_in_dim3A_324 : f32 to vector<16xf32>
      %broadcast_in_dim3A_326 = arith.constant 0.000000e+00 : f32
      %broadcast_in_dim3A_327 = vector.broadcast %broadcast_in_dim3A_326 : f32 to vector<16xf32>
      %broadcast_in_dim3A_328 = arith.constant 0.000000e+00 : f32
      %broadcast_in_dim3A_329 = vector.broadcast %broadcast_in_dim3A_328 : f32 to vector<16xf32>
      %broadcast_in_dim3A_330 = arith.constant 0.000000e+00 : f32
      %broadcast_in_dim3A_331 = vector.broadcast %broadcast_in_dim3A_330 : f32 to vector<16xf32>
      %broadcast_in_dim3A_332 = arith.constant 0.000000e+00 : f32
      %broadcast_in_dim3A_333 = vector.broadcast %broadcast_in_dim3A_332 : f32 to vector<16xf32>
      %broadcast_in_dim3A_334 = arith.constant 0.000000e+00 : f32
      %broadcast_in_dim3A_335 = vector.broadcast %broadcast_in_dim3A_334 : f32 to vector<16xf32>
      %broadcast_in_dim3A_336 = arith.constant 0.000000e+00 : f32
      %broadcast_in_dim3A_337 = vector.broadcast %broadcast_in_dim3A_336 : f32 to vector<16xf32>
      %scan3A_338 = arith.constant 0 : i32
      %scan3A_339 = arith.constant 32 : i32
      %scan3A_340 = arith.addi %scan3A_338, %scan3A_339 : i32
      %scan3A_341 = arith.constant 4 : i32
      %scan3A_342:9 = scf.for %scan3A_354 = %scan3A_338 to %scan3A_340 step %scan3A_341 iter_args(%scan3A_355 = %broadcast_in_dim3A_323, %scan3A_356 = %broadcast_in_dim3A_325, %scan3A_357 = %broadcast_in_dim3A_327, %scan3A_358 = %broadcast_in_dim3A_329, %scan3A_359 = %broadcast_in_dim3A_331, %scan3A_360 = %broadcast_in_dim3A_333, %scan3A_361 = %broadcast_in_dim3A_335, %scan3A_362 = %broadcast_in_dim3A_337, %scan3A_363 = %iota3A_321) -> (vector<16xf32>, vector<16xf32>, vector<16xf32>, vector<16xf32>, vector<16xf32>, vector<16xf32>, vector<16xf32>, vector<16xf32>, vector<16xi32>)  : i32 {
        %add3A_364 = arith.constant 0 : i32
        %add3A_365 = vector.broadcast %add3A_364 : i32 to vector<16xi32>
        %add3A_366 = arith.addi %scan3A_363, %add3A_365 : vector<16xi32>
        %and3A = arith.constant 255 : i32
        %and3A_367 = vector.broadcast %and3A : i32 to vector<16xi32>
        %and3A_368 = arith.andi %add3A_366, %and3A_367 : vector<16xi32>
        %gather3A = tpu.vector_load_idx %arg10[%add3A_320, %and3A_368] : memref<64x256xf32, #tpu.memory_space<vmem>>[vector<16xi32>, vector<16xi32>], vector<16xf32>,
        %gather3A_369 = tpu.vector_load_idx %arg12[%add3A_320, %and3A_368] : memref<64x256xf32, #tpu.memory_space<vmem>>[vector<16xi32>, vector<16xi32>], vector<16xf32>,
        %mul3A_370 = arith.mulf %gather3A, %gather3A_369 : vector<16xf32>
        %add3A_371 = arith.addf %scan3A_355, %mul3A_370 : vector<16xf32>
        %add3A_372 = arith.constant 1 : i32
        %add3A_373 = vector.broadcast %add3A_372 : i32 to vector<16xi32>
        %add3A_374 = arith.addi %scan3A_363, %add3A_373 : vector<16xi32>
        %and3A_375 = arith.constant 255 : i32
        %and3A_376 = vector.broadcast %and3A_375 : i32 to vector<16xi32>
        %and3A_377 = arith.andi %add3A_374, %and3A_376 : vector<16xi32>
        %gather3A_378 = tpu.vector_load_idx %arg10[%add3A_320, %and3A_377] : memref<64x256xf32, #tpu.memory_space<vmem>>[vector<16xi32>, vector<16xi32>], vector<16xf32>,
        %gather3A_379 = tpu.vector_load_idx %arg12[%add3A_320, %and3A_377] : memref<64x256xf32, #tpu.memory_space<vmem>>[vector<16xi32>, vector<16xi32>], vector<16xf32>,
        %mul3A_380 = arith.mulf %gather3A_378, %gather3A_379 : vector<16xf32>
        %add3A_381 = arith.addf %scan3A_356, %mul3A_380 : vector<16xf32>
        %add3A_382 = arith.constant 2 : i32
        %add3A_383 = vector.broadcast %add3A_382 : i32 to vector<16xi32>
        %add3A_384 = arith.addi %scan3A_363, %add3A_383 : vector<16xi32>
        %and3A_385 = arith.constant 255 : i32
        %and3A_386 = vector.broadcast %and3A_385 : i32 to vector<16xi32>
        %and3A_387 = arith.andi %add3A_384, %and3A_386 : vector<16xi32>
        %gather3A_388 = tpu.vector_load_idx %arg10[%add3A_320, %and3A_387] : memref<64x256xf32, #tpu.memory_space<vmem>>[vector<16xi32>, vector<16xi32>], vector<16xf32>,
        %gather3A_389 = tpu.vector_load_idx %arg12[%add3A_320, %and3A_387] : memref<64x256xf32, #tpu.memory_space<vmem>>[vector<16xi32>, vector<16xi32>], vector<16xf32>,
        %mul3A_390 = arith.mulf %gather3A_388, %gather3A_389 : vector<16xf32>
        %add3A_391 = arith.addf %scan3A_357, %mul3A_390 : vector<16xf32>
        %add3A_392 = arith.constant 3 : i32
        %add3A_393 = vector.broadcast %add3A_392 : i32 to vector<16xi32>
        %add3A_394 = arith.addi %scan3A_363, %add3A_393 : vector<16xi32>
        %and3A_395 = arith.constant 255 : i32
        %and3A_396 = vector.broadcast %and3A_395 : i32 to vector<16xi32>
        %and3A_397 = arith.andi %add3A_394, %and3A_396 : vector<16xi32>
        %gather3A_398 = tpu.vector_load_idx %arg10[%add3A_320, %and3A_397] : memref<64x256xf32, #tpu.memory_space<vmem>>[vector<16xi32>, vector<16xi32>], vector<16xf32>,
        %gather3A_399 = tpu.vector_load_idx %arg12[%add3A_320, %and3A_397] : memref<64x256xf32, #tpu.memory_space<vmem>>[vector<16xi32>, vector<16xi32>], vector<16xf32>,
        %mul3A_400 = arith.mulf %gather3A_398, %gather3A_399 : vector<16xf32>
        %add3A_401 = arith.addf %scan3A_358, %mul3A_400 : vector<16xf32>
        %add3A_402 = arith.constant 4 : i32
        %add3A_403 = vector.broadcast %add3A_402 : i32 to vector<16xi32>
        %add3A_404 = arith.addi %scan3A_363, %add3A_403 : vector<16xi32>
        %and3A_405 = arith.constant 255 : i32
        %and3A_406 = vector.broadcast %and3A_405 : i32 to vector<16xi32>
        %and3A_407 = arith.andi %add3A_404, %and3A_406 : vector<16xi32>
        %gather3A_408 = tpu.vector_load_idx %arg10[%add3A_320, %and3A_407] : memref<64x256xf32, #tpu.memory_space<vmem>>[vector<16xi32>, vector<16xi32>], vector<16xf32>,
        %gather3A_409 = tpu.vector_load_idx %arg12[%add3A_320, %and3A_407] : memref<64x256xf32, #tpu.memory_space<vmem>>[vector<16xi32>, vector<16xi32>], vector<16xf32>,
        %mul3A_410 = arith.mulf %gather3A_408, %gather3A_409 : vector<16xf32>
        %add3A_411 = arith.addf %scan3A_359, %mul3A_410 : vector<16xf32>
        %add3A_412 = arith.constant 5 : i32
        %add3A_413 = vector.broadcast %add3A_412 : i32 to vector<16xi32>
        %add3A_414 = arith.addi %scan3A_363, %add3A_413 : vector<16xi32>
        %and3A_415 = arith.constant 255 : i32
        %and3A_416 = vector.broadcast %and3A_415 : i32 to vector<16xi32>
        %and3A_417 = arith.andi %add3A_414, %and3A_416 : vector<16xi32>
        %gather3A_418 = tpu.vector_load_idx %arg10[%add3A_320, %and3A_417] : memref<64x256xf32, #tpu.memory_space<vmem>>[vector<16xi32>, vector<16xi32>], vector<16xf32>,
        %gather3A_419 = tpu.vector_load_idx %arg12[%add3A_320, %and3A_417] : memref<64x256xf32, #tpu.memory_space<vmem>>[vector<16xi32>, vector<16xi32>], vector<16xf32>,
        %mul3A_420 = arith.mulf %gather3A_418, %gather3A_419 : vector<16xf32>
        %add3A_421 = arith.addf %scan3A_360, %mul3A_420 : vector<16xf32>
        %add3A_422 = arith.constant 6 : i32
        %add3A_423 = vector.broadcast %add3A_422 : i32 to vector<16xi32>
        %add3A_424 = arith.addi %scan3A_363, %add3A_423 : vector<16xi32>
        %and3A_425 = arith.constant 255 : i32
        %and3A_426 = vector.broadcast %and3A_425 : i32 to vector<16xi32>
        %and3A_427 = arith.andi %add3A_424, %and3A_426 : vector<16xi32>
        %gather3A_428 = tpu.vector_load_idx %arg10[%add3A_320, %and3A_427] : memref<64x256xf32, #tpu.memory_space<vmem>>[vector<16xi32>, vector<16xi32>], vector<16xf32>,
        %gather3A_429 = tpu.vector_load_idx %arg12[%add3A_320, %and3A_427] : memref<64x256xf32, #tpu.memory_space<vmem>>[vector<16xi32>, vector<16xi32>], vector<16xf32>,
        %mul3A_430 = arith.mulf %gather3A_428, %gather3A_429 : vector<16xf32>
        %add3A_431 = arith.addf %scan3A_361, %mul3A_430 : vector<16xf32>
        %add3A_432 = arith.constant 7 : i32
        %add3A_433 = vector.broadcast %add3A_432 : i32 to vector<16xi32>
        %add3A_434 = arith.addi %scan3A_363, %add3A_433 : vector<16xi32>
        %and3A_435 = arith.constant 255 : i32
        %and3A_436 = vector.broadcast %and3A_435 : i32 to vector<16xi32>
        %and3A_437 = arith.andi %add3A_434, %and3A_436 : vector<16xi32>
        %gather3A_438 = tpu.vector_load_idx %arg10[%add3A_320, %and3A_437] : memref<64x256xf32, #tpu.memory_space<vmem>>[vector<16xi32>, vector<16xi32>], vector<16xf32>,
        %gather3A_439 = tpu.vector_load_idx %arg12[%add3A_320, %and3A_437] : memref<64x256xf32, #tpu.memory_space<vmem>>[vector<16xi32>, vector<16xi32>], vector<16xf32>,
        %mul3A_440 = arith.mulf %gather3A_438, %gather3A_439 : vector<16xf32>
        %add3A_441 = arith.addf %scan3A_362, %mul3A_440 : vector<16xf32>
        %add3A_442 = arith.constant 8 : i32
        %add3A_443 = vector.broadcast %add3A_442 : i32 to vector<16xi32>
        %add3A_444 = arith.addi %scan3A_363, %add3A_443 : vector<16xi32>
        %scan3A_445 = arith.constant 1 : i32
        %scan3A_446 = arith.addi %scan3A_354, %scan3A_445 : i32
        %add3A_447 = arith.constant 0 : i32
        %add3A_448 = vector.broadcast %add3A_447 : i32 to vector<16xi32>
        %add3A_449 = arith.addi %add3A_444, %add3A_448 : vector<16xi32>
        %and3A_450 = arith.constant 255 : i32
        %and3A_451 = vector.broadcast %and3A_450 : i32 to vector<16xi32>
        %and3A_452 = arith.andi %add3A_449, %and3A_451 : vector<16xi32>
        %gather3A_453 = tpu.vector_load_idx %arg10[%add3A_320, %and3A_452] : memref<64x256xf32, #tpu.memory_space<vmem>>[vector<16xi32>, vector<16xi32>], vector<16xf32>,
        %gather3A_454 = tpu.vector_load_idx %arg12[%add3A_320, %and3A_452] : memref<64x256xf32, #tpu.memory_space<vmem>>[vector<16xi32>, vector<16xi32>], vector<16xf32>,
        %mul3A_455 = arith.mulf %gather3A_453, %gather3A_454 : vector<16xf32>
        %add3A_456 = arith.addf %add3A_371, %mul3A_455 : vector<16xf32>
        %add3A_457 = arith.constant 1 : i32
        %add3A_458 = vector.broadcast %add3A_457 : i32 to vector<16xi32>
        %add3A_459 = arith.addi %add3A_444, %add3A_458 : vector<16xi32>
        %and3A_460 = arith.constant 255 : i32
        %and3A_461 = vector.broadcast %and3A_460 : i32 to vector<16xi32>
        %and3A_462 = arith.andi %add3A_459, %and3A_461 : vector<16xi32>
        %gather3A_463 = tpu.vector_load_idx %arg10[%add3A_320, %and3A_462] : memref<64x256xf32, #tpu.memory_space<vmem>>[vector<16xi32>, vector<16xi32>], vector<16xf32>,
        %gather3A_464 = tpu.vector_load_idx %arg12[%add3A_320, %and3A_462] : memref<64x256xf32, #tpu.memory_space<vmem>>[vector<16xi32>, vector<16xi32>], vector<16xf32>,
        %mul3A_465 = arith.mulf %gather3A_463, %gather3A_464 : vector<16xf32>
        %add3A_466 = arith.addf %add3A_381, %mul3A_465 : vector<16xf32>
        %add3A_467 = arith.constant 2 : i32
        %add3A_468 = vector.broadcast %add3A_467 : i32 to vector<16xi32>
        %add3A_469 = arith.addi %add3A_444, %add3A_468 : vector<16xi32>
        %and3A_470 = arith.constant 255 : i32
        %and3A_471 = vector.broadcast %and3A_470 : i32 to vector<16xi32>
        %and3A_472 = arith.andi %add3A_469, %and3A_471 : vector<16xi32>
        %gather3A_473 = tpu.vector_load_idx %arg10[%add3A_320, %and3A_472] : memref<64x256xf32, #tpu.memory_space<vmem>>[vector<16xi32>, vector<16xi32>], vector<16xf32>,
        %gather3A_474 = tpu.vector_load_idx %arg12[%add3A_320, %and3A_472] : memref<64x256xf32, #tpu.memory_space<vmem>>[vector<16xi32>, vector<16xi32>], vector<16xf32>,
        %mul3A_475 = arith.mulf %gather3A_473, %gather3A_474 : vector<16xf32>
        %add3A_476 = arith.addf %add3A_391, %mul3A_475 : vector<16xf32>
        %add3A_477 = arith.constant 3 : i32
        %add3A_478 = vector.broadcast %add3A_477 : i32 to vector<16xi32>
        %add3A_479 = arith.addi %add3A_444, %add3A_478 : vector<16xi32>
        %and3A_480 = arith.constant 255 : i32
        %and3A_481 = vector.broadcast %and3A_480 : i32 to vector<16xi32>
        %and3A_482 = arith.andi %add3A_479, %and3A_481 : vector<16xi32>
        %gather3A_483 = tpu.vector_load_idx %arg10[%add3A_320, %and3A_482] : memref<64x256xf32, #tpu.memory_space<vmem>>[vector<16xi32>, vector<16xi32>], vector<16xf32>,
        %gather3A_484 = tpu.vector_load_idx %arg12[%add3A_320, %and3A_482] : memref<64x256xf32, #tpu.memory_space<vmem>>[vector<16xi32>, vector<16xi32>], vector<16xf32>,
        %mul3A_485 = arith.mulf %gather3A_483, %gather3A_484 : vector<16xf32>
        %add3A_486 = arith.addf %add3A_401, %mul3A_485 : vector<16xf32>
        %add3A_487 = arith.constant 4 : i32
        %add3A_488 = vector.broadcast %add3A_487 : i32 to vector<16xi32>
        %add3A_489 = arith.addi %add3A_444, %add3A_488 : vector<16xi32>
        %and3A_490 = arith.constant 255 : i32
        %and3A_491 = vector.broadcast %and3A_490 : i32 to vector<16xi32>
        %and3A_492 = arith.andi %add3A_489, %and3A_491 : vector<16xi32>
        %gather3A_493 = tpu.vector_load_idx %arg10[%add3A_320, %and3A_492] : memref<64x256xf32, #tpu.memory_space<vmem>>[vector<16xi32>, vector<16xi32>], vector<16xf32>,
        %gather3A_494 = tpu.vector_load_idx %arg12[%add3A_320, %and3A_492] : memref<64x256xf32, #tpu.memory_space<vmem>>[vector<16xi32>, vector<16xi32>], vector<16xf32>,
        %mul3A_495 = arith.mulf %gather3A_493, %gather3A_494 : vector<16xf32>
        %add3A_496 = arith.addf %add3A_411, %mul3A_495 : vector<16xf32>
        %add3A_497 = arith.constant 5 : i32
        %add3A_498 = vector.broadcast %add3A_497 : i32 to vector<16xi32>
        %add3A_499 = arith.addi %add3A_444, %add3A_498 : vector<16xi32>
        %and3A_500 = arith.constant 255 : i32
        %and3A_501 = vector.broadcast %and3A_500 : i32 to vector<16xi32>
        %and3A_502 = arith.andi %add3A_499, %and3A_501 : vector<16xi32>
        %gather3A_503 = tpu.vector_load_idx %arg10[%add3A_320, %and3A_502] : memref<64x256xf32, #tpu.memory_space<vmem>>[vector<16xi32>, vector<16xi32>], vector<16xf32>,
        %gather3A_504 = tpu.vector_load_idx %arg12[%add3A_320, %and3A_502] : memref<64x256xf32, #tpu.memory_space<vmem>>[vector<16xi32>, vector<16xi32>], vector<16xf32>,
        %mul3A_505 = arith.mulf %gather3A_503, %gather3A_504 : vector<16xf32>
        %add3A_506 = arith.addf %add3A_421, %mul3A_505 : vector<16xf32>
        %add3A_507 = arith.constant 6 : i32
        %add3A_508 = vector.broadcast %add3A_507 : i32 to vector<16xi32>
        %add3A_509 = arith.addi %add3A_444, %add3A_508 : vector<16xi32>
        %and3A_510 = arith.constant 255 : i32
        %and3A_511 = vector.broadcast %and3A_510 : i32 to vector<16xi32>
        %and3A_512 = arith.andi %add3A_509, %and3A_511 : vector<16xi32>
        %gather3A_513 = tpu.vector_load_idx %arg10[%add3A_320, %and3A_512] : memref<64x256xf32, #tpu.memory_space<vmem>>[vector<16xi32>, vector<16xi32>], vector<16xf32>,
        %gather3A_514 = tpu.vector_load_idx %arg12[%add3A_320, %and3A_512] : memref<64x256xf32, #tpu.memory_space<vmem>>[vector<16xi32>, vector<16xi32>], vector<16xf32>,
        %mul3A_515 = arith.mulf %gather3A_513, %gather3A_514 : vector<16xf32>
        %add3A_516 = arith.addf %add3A_431, %mul3A_515 : vector<16xf32>
        %add3A_517 = arith.constant 7 : i32
        %add3A_518 = vector.broadcast %add3A_517 : i32 to vector<16xi32>
        %add3A_519 = arith.addi %add3A_444, %add3A_518 : vector<16xi32>
        %and3A_520 = arith.constant 255 : i32
        %and3A_521 = vector.broadcast %and3A_520 : i32 to vector<16xi32>
        %and3A_522 = arith.andi %add3A_519, %and3A_521 : vector<16xi32>
        %gather3A_523 = tpu.vector_load_idx %arg10[%add3A_320, %and3A_522] : memref<64x256xf32, #tpu.memory_space<vmem>>[vector<16xi32>, vector<16xi32>], vector<16xf32>,
        %gather3A_524 = tpu.vector_load_idx %arg12[%add3A_320, %and3A_522] : memref<64x256xf32, #tpu.memory_space<vmem>>[vector<16xi32>, vector<16xi32>], vector<16xf32>,
        %mul3A_525 = arith.mulf %gather3A_523, %gather3A_524 : vector<16xf32>
        %add3A_526 = arith.addf %add3A_441, %mul3A_525 : vector<16xf32>
        %add3A_527 = arith.constant 8 : i32
        %add3A_528 = vector.broadcast %add3A_527 : i32 to vector<16xi32>
        %add3A_529 = arith.addi %add3A_444, %add3A_528 : vector<16xi32>
        %scan3A_530 = arith.constant 2 : i32
        %scan3A_531 = arith.addi %scan3A_354, %scan3A_530 : i32
        %add3A_532 = arith.constant 0 : i32
        %add3A_533 = vector.broadcast %add3A_532 : i32 to vector<16xi32>
        %add3A_534 = arith.addi %add3A_529, %add3A_533 : vector<16xi32>
        %and3A_535 = arith.constant 255 : i32
        %and3A_536 = vector.broadcast %and3A_535 : i32 to vector<16xi32>
        %and3A_537 = arith.andi %add3A_534, %and3A_536 : vector<16xi32>
        %gather3A_538 = tpu.vector_load_idx %arg10[%add3A_320, %and3A_537] : memref<64x256xf32, #tpu.memory_space<vmem>>[vector<16xi32>, vector<16xi32>], vector<16xf32>,
        %gather3A_539 = tpu.vector_load_idx %arg12[%add3A_320, %and3A_537] : memref<64x256xf32, #tpu.memory_space<vmem>>[vector<16xi32>, vector<16xi32>], vector<16xf32>,
        %mul3A_540 = arith.mulf %gather3A_538, %gather3A_539 : vector<16xf32>
        %add3A_541 = arith.addf %add3A_456, %mul3A_540 : vector<16xf32>
        %add3A_542 = arith.constant 1 : i32
        %add3A_543 = vector.broadcast %add3A_542 : i32 to vector<16xi32>
        %add3A_544 = arith.addi %add3A_529, %add3A_543 : vector<16xi32>
        %and3A_545 = arith.constant 255 : i32
        %and3A_546 = vector.broadcast %and3A_545 : i32 to vector<16xi32>
        %and3A_547 = arith.andi %add3A_544, %and3A_546 : vector<16xi32>
        %gather3A_548 = tpu.vector_load_idx %arg10[%add3A_320, %and3A_547] : memref<64x256xf32, #tpu.memory_space<vmem>>[vector<16xi32>, vector<16xi32>], vector<16xf32>,
        %gather3A_549 = tpu.vector_load_idx %arg12[%add3A_320, %and3A_547] : memref<64x256xf32, #tpu.memory_space<vmem>>[vector<16xi32>, vector<16xi32>], vector<16xf32>,
        %mul3A_550 = arith.mulf %gather3A_548, %gather3A_549 : vector<16xf32>
        %add3A_551 = arith.addf %add3A_466, %mul3A_550 : vector<16xf32>
        %add3A_552 = arith.constant 2 : i32
        %add3A_553 = vector.broadcast %add3A_552 : i32 to vector<16xi32>
        %add3A_554 = arith.addi %add3A_529, %add3A_553 : vector<16xi32>
        %and3A_555 = arith.constant 255 : i32
        %and3A_556 = vector.broadcast %and3A_555 : i32 to vector<16xi32>
        %and3A_557 = arith.andi %add3A_554, %and3A_556 : vector<16xi32>
        %gather3A_558 = tpu.vector_load_idx %arg10[%add3A_320, %and3A_557] : memref<64x256xf32, #tpu.memory_space<vmem>>[vector<16xi32>, vector<16xi32>], vector<16xf32>,
        %gather3A_559 = tpu.vector_load_idx %arg12[%add3A_320, %and3A_557] : memref<64x256xf32, #tpu.memory_space<vmem>>[vector<16xi32>, vector<16xi32>], vector<16xf32>,
        %mul3A_560 = arith.mulf %gather3A_558, %gather3A_559 : vector<16xf32>
        %add3A_561 = arith.addf %add3A_476, %mul3A_560 : vector<16xf32>
        %add3A_562 = arith.constant 3 : i32
        %add3A_563 = vector.broadcast %add3A_562 : i32 to vector<16xi32>
        %add3A_564 = arith.addi %add3A_529, %add3A_563 : vector<16xi32>
        %and3A_565 = arith.constant 255 : i32
        %and3A_566 = vector.broadcast %and3A_565 : i32 to vector<16xi32>
        %and3A_567 = arith.andi %add3A_564, %and3A_566 : vector<16xi32>
        %gather3A_568 = tpu.vector_load_idx %arg10[%add3A_320, %and3A_567] : memref<64x256xf32, #tpu.memory_space<vmem>>[vector<16xi32>, vector<16xi32>], vector<16xf32>,
        %gather3A_569 = tpu.vector_load_idx %arg12[%add3A_320, %and3A_567] : memref<64x256xf32, #tpu.memory_space<vmem>>[vector<16xi32>, vector<16xi32>], vector<16xf32>,
        %mul3A_570 = arith.mulf %gather3A_568, %gather3A_569 : vector<16xf32>
        %add3A_571 = arith.addf %add3A_486, %mul3A_570 : vector<16xf32>
        %add3A_572 = arith.constant 4 : i32
        %add3A_573 = vector.broadcast %add3A_572 : i32 to vector<16xi32>
        %add3A_574 = arith.addi %add3A_529, %add3A_573 : vector<16xi32>
        %and3A_575 = arith.constant 255 : i32
        %and3A_576 = vector.broadcast %and3A_575 : i32 to vector<16xi32>
        %and3A_577 = arith.andi %add3A_574, %and3A_576 : vector<16xi32>
        %gather3A_578 = tpu.vector_load_idx %arg10[%add3A_320, %and3A_577] : memref<64x256xf32, #tpu.memory_space<vmem>>[vector<16xi32>, vector<16xi32>], vector<16xf32>,
        %gather3A_579 = tpu.vector_load_idx %arg12[%add3A_320, %and3A_577] : memref<64x256xf32, #tpu.memory_space<vmem>>[vector<16xi32>, vector<16xi32>], vector<16xf32>,
        %mul3A_580 = arith.mulf %gather3A_578, %gather3A_579 : vector<16xf32>
        %add3A_581 = arith.addf %add3A_496, %mul3A_580 : vector<16xf32>
        %add3A_582 = arith.constant 5 : i32
        %add3A_583 = vector.broadcast %add3A_582 : i32 to vector<16xi32>
        %add3A_584 = arith.addi %add3A_529, %add3A_583 : vector<16xi32>
        %and3A_585 = arith.constant 255 : i32
        %and3A_586 = vector.broadcast %and3A_585 : i32 to vector<16xi32>
        %and3A_587 = arith.andi %add3A_584, %and3A_586 : vector<16xi32>
        %gather3A_588 = tpu.vector_load_idx %arg10[%add3A_320, %and3A_587] : memref<64x256xf32, #tpu.memory_space<vmem>>[vector<16xi32>, vector<16xi32>], vector<16xf32>,
        %gather3A_589 = tpu.vector_load_idx %arg12[%add3A_320, %and3A_587] : memref<64x256xf32, #tpu.memory_space<vmem>>[vector<16xi32>, vector<16xi32>], vector<16xf32>,
        %mul3A_590 = arith.mulf %gather3A_588, %gather3A_589 : vector<16xf32>
        %add3A_591 = arith.addf %add3A_506, %mul3A_590 : vector<16xf32>
        %add3A_592 = arith.constant 6 : i32
        %add3A_593 = vector.broadcast %add3A_592 : i32 to vector<16xi32>
        %add3A_594 = arith.addi %add3A_529, %add3A_593 : vector<16xi32>
        %and3A_595 = arith.constant 255 : i32
        %and3A_596 = vector.broadcast %and3A_595 : i32 to vector<16xi32>
        %and3A_597 = arith.andi %add3A_594, %and3A_596 : vector<16xi32>
        %gather3A_598 = tpu.vector_load_idx %arg10[%add3A_320, %and3A_597] : memref<64x256xf32, #tpu.memory_space<vmem>>[vector<16xi32>, vector<16xi32>], vector<16xf32>,
        %gather3A_599 = tpu.vector_load_idx %arg12[%add3A_320, %and3A_597] : memref<64x256xf32, #tpu.memory_space<vmem>>[vector<16xi32>, vector<16xi32>], vector<16xf32>,
        %mul3A_600 = arith.mulf %gather3A_598, %gather3A_599 : vector<16xf32>
        %add3A_601 = arith.addf %add3A_516, %mul3A_600 : vector<16xf32>
        %add3A_602 = arith.constant 7 : i32
        %add3A_603 = vector.broadcast %add3A_602 : i32 to vector<16xi32>
        %add3A_604 = arith.addi %add3A_529, %add3A_603 : vector<16xi32>
        %and3A_605 = arith.constant 255 : i32
        %and3A_606 = vector.broadcast %and3A_605 : i32 to vector<16xi32>
        %and3A_607 = arith.andi %add3A_604, %and3A_606 : vector<16xi32>
        %gather3A_608 = tpu.vector_load_idx %arg10[%add3A_320, %and3A_607] : memref<64x256xf32, #tpu.memory_space<vmem>>[vector<16xi32>, vector<16xi32>], vector<16xf32>,
        %gather3A_609 = tpu.vector_load_idx %arg12[%add3A_320, %and3A_607] : memref<64x256xf32, #tpu.memory_space<vmem>>[vector<16xi32>, vector<16xi32>], vector<16xf32>,
        %mul3A_610 = arith.mulf %gather3A_608, %gather3A_609 : vector<16xf32>
        %add3A_611 = arith.addf %add3A_526, %mul3A_610 : vector<16xf32>
        %add3A_612 = arith.constant 8 : i32
        %add3A_613 = vector.broadcast %add3A_612 : i32 to vector<16xi32>
        %add3A_614 = arith.addi %add3A_529, %add3A_613 : vector<16xi32>
        %scan3A_615 = arith.constant 3 : i32
        %scan3A_616 = arith.addi %scan3A_354, %scan3A_615 : i32
        %add3A_617 = arith.constant 0 : i32
        %add3A_618 = vector.broadcast %add3A_617 : i32 to vector<16xi32>
        %add3A_619 = arith.addi %add3A_614, %add3A_618 : vector<16xi32>
        %and3A_620 = arith.constant 255 : i32
        %and3A_621 = vector.broadcast %and3A_620 : i32 to vector<16xi32>
        %and3A_622 = arith.andi %add3A_619, %and3A_621 : vector<16xi32>
        %gather3A_623 = tpu.vector_load_idx %arg10[%add3A_320, %and3A_622] : memref<64x256xf32, #tpu.memory_space<vmem>>[vector<16xi32>, vector<16xi32>], vector<16xf32>,
        %gather3A_624 = tpu.vector_load_idx %arg12[%add3A_320, %and3A_622] : memref<64x256xf32, #tpu.memory_space<vmem>>[vector<16xi32>, vector<16xi32>], vector<16xf32>,
        %mul3A_625 = arith.mulf %gather3A_623, %gather3A_624 : vector<16xf32>
        %add3A_626 = arith.addf %add3A_541, %mul3A_625 : vector<16xf32>
        %add3A_627 = arith.constant 1 : i32
        %add3A_628 = vector.broadcast %add3A_627 : i32 to vector<16xi32>
        %add3A_629 = arith.addi %add3A_614, %add3A_628 : vector<16xi32>
        %and3A_630 = arith.constant 255 : i32
        %and3A_631 = vector.broadcast %and3A_630 : i32 to vector<16xi32>
        %and3A_632 = arith.andi %add3A_629, %and3A_631 : vector<16xi32>
        %gather3A_633 = tpu.vector_load_idx %arg10[%add3A_320, %and3A_632] : memref<64x256xf32, #tpu.memory_space<vmem>>[vector<16xi32>, vector<16xi32>], vector<16xf32>,
        %gather3A_634 = tpu.vector_load_idx %arg12[%add3A_320, %and3A_632] : memref<64x256xf32, #tpu.memory_space<vmem>>[vector<16xi32>, vector<16xi32>], vector<16xf32>,
        %mul3A_635 = arith.mulf %gather3A_633, %gather3A_634 : vector<16xf32>
        %add3A_636 = arith.addf %add3A_551, %mul3A_635 : vector<16xf32>
        %add3A_637 = arith.constant 2 : i32
        %add3A_638 = vector.broadcast %add3A_637 : i32 to vector<16xi32>
        %add3A_639 = arith.addi %add3A_614, %add3A_638 : vector<16xi32>
        %and3A_640 = arith.constant 255 : i32
        %and3A_641 = vector.broadcast %and3A_640 : i32 to vector<16xi32>
        %and3A_642 = arith.andi %add3A_639, %and3A_641 : vector<16xi32>
        %gather3A_643 = tpu.vector_load_idx %arg10[%add3A_320, %and3A_642] : memref<64x256xf32, #tpu.memory_space<vmem>>[vector<16xi32>, vector<16xi32>], vector<16xf32>,
        %gather3A_644 = tpu.vector_load_idx %arg12[%add3A_320, %and3A_642] : memref<64x256xf32, #tpu.memory_space<vmem>>[vector<16xi32>, vector<16xi32>], vector<16xf32>,
        %mul3A_645 = arith.mulf %gather3A_643, %gather3A_644 : vector<16xf32>
        %add3A_646 = arith.addf %add3A_561, %mul3A_645 : vector<16xf32>
        %add3A_647 = arith.constant 3 : i32
        %add3A_648 = vector.broadcast %add3A_647 : i32 to vector<16xi32>
        %add3A_649 = arith.addi %add3A_614, %add3A_648 : vector<16xi32>
        %and3A_650 = arith.constant 255 : i32
        %and3A_651 = vector.broadcast %and3A_650 : i32 to vector<16xi32>
        %and3A_652 = arith.andi %add3A_649, %and3A_651 : vector<16xi32>
        %gather3A_653 = tpu.vector_load_idx %arg10[%add3A_320, %and3A_652] : memref<64x256xf32, #tpu.memory_space<vmem>>[vector<16xi32>, vector<16xi32>], vector<16xf32>,
        %gather3A_654 = tpu.vector_load_idx %arg12[%add3A_320, %and3A_652] : memref<64x256xf32, #tpu.memory_space<vmem>>[vector<16xi32>, vector<16xi32>], vector<16xf32>,
        %mul3A_655 = arith.mulf %gather3A_653, %gather3A_654 : vector<16xf32>
        %add3A_656 = arith.addf %add3A_571, %mul3A_655 : vector<16xf32>
        %add3A_657 = arith.constant 4 : i32
        %add3A_658 = vector.broadcast %add3A_657 : i32 to vector<16xi32>
        %add3A_659 = arith.addi %add3A_614, %add3A_658 : vector<16xi32>
        %and3A_660 = arith.constant 255 : i32
        %and3A_661 = vector.broadcast %and3A_660 : i32 to vector<16xi32>
        %and3A_662 = arith.andi %add3A_659, %and3A_661 : vector<16xi32>
        %gather3A_663 = tpu.vector_load_idx %arg10[%add3A_320, %and3A_662] : memref<64x256xf32, #tpu.memory_space<vmem>>[vector<16xi32>, vector<16xi32>], vector<16xf32>,
        %gather3A_664 = tpu.vector_load_idx %arg12[%add3A_320, %and3A_662] : memref<64x256xf32, #tpu.memory_space<vmem>>[vector<16xi32>, vector<16xi32>], vector<16xf32>,
        %mul3A_665 = arith.mulf %gather3A_663, %gather3A_664 : vector<16xf32>
        %add3A_666 = arith.addf %add3A_581, %mul3A_665 : vector<16xf32>
        %add3A_667 = arith.constant 5 : i32
        %add3A_668 = vector.broadcast %add3A_667 : i32 to vector<16xi32>
        %add3A_669 = arith.addi %add3A_614, %add3A_668 : vector<16xi32>
        %and3A_670 = arith.constant 255 : i32
        %and3A_671 = vector.broadcast %and3A_670 : i32 to vector<16xi32>
        %and3A_672 = arith.andi %add3A_669, %and3A_671 : vector<16xi32>
        %gather3A_673 = tpu.vector_load_idx %arg10[%add3A_320, %and3A_672] : memref<64x256xf32, #tpu.memory_space<vmem>>[vector<16xi32>, vector<16xi32>], vector<16xf32>,
        %gather3A_674 = tpu.vector_load_idx %arg12[%add3A_320, %and3A_672] : memref<64x256xf32, #tpu.memory_space<vmem>>[vector<16xi32>, vector<16xi32>], vector<16xf32>,
        %mul3A_675 = arith.mulf %gather3A_673, %gather3A_674 : vector<16xf32>
        %add3A_676 = arith.addf %add3A_591, %mul3A_675 : vector<16xf32>
        %add3A_677 = arith.constant 6 : i32
        %add3A_678 = vector.broadcast %add3A_677 : i32 to vector<16xi32>
        %add3A_679 = arith.addi %add3A_614, %add3A_678 : vector<16xi32>
        %and3A_680 = arith.constant 255 : i32
        %and3A_681 = vector.broadcast %and3A_680 : i32 to vector<16xi32>
        %and3A_682 = arith.andi %add3A_679, %and3A_681 : vector<16xi32>
        %gather3A_683 = tpu.vector_load_idx %arg10[%add3A_320, %and3A_682] : memref<64x256xf32, #tpu.memory_space<vmem>>[vector<16xi32>, vector<16xi32>], vector<16xf32>,
        %gather3A_684 = tpu.vector_load_idx %arg12[%add3A_320, %and3A_682] : memref<64x256xf32, #tpu.memory_space<vmem>>[vector<16xi32>, vector<16xi32>], vector<16xf32>,
        %mul3A_685 = arith.mulf %gather3A_683, %gather3A_684 : vector<16xf32>
        %add3A_686 = arith.addf %add3A_601, %mul3A_685 : vector<16xf32>
        %add3A_687 = arith.constant 7 : i32
        %add3A_688 = vector.broadcast %add3A_687 : i32 to vector<16xi32>
        %add3A_689 = arith.addi %add3A_614, %add3A_688 : vector<16xi32>
        %and3A_690 = arith.constant 255 : i32
        %and3A_691 = vector.broadcast %and3A_690 : i32 to vector<16xi32>
        %and3A_692 = arith.andi %add3A_689, %and3A_691 : vector<16xi32>
        %gather3A_693 = tpu.vector_load_idx %arg10[%add3A_320, %and3A_692] : memref<64x256xf32, #tpu.memory_space<vmem>>[vector<16xi32>, vector<16xi32>], vector<16xf32>,
        %gather3A_694 = tpu.vector_load_idx %arg12[%add3A_320, %and3A_692] : memref<64x256xf32, #tpu.memory_space<vmem>>[vector<16xi32>, vector<16xi32>], vector<16xf32>,
        %mul3A_695 = arith.mulf %gather3A_693, %gather3A_694 : vector<16xf32>
        %add3A_696 = arith.addf %add3A_611, %mul3A_695 : vector<16xf32>
        %add3A_697 = arith.constant 8 : i32
        %add3A_698 = vector.broadcast %add3A_697 : i32 to vector<16xi32>
        %add3A_699 = arith.addi %add3A_614, %add3A_698 : vector<16xi32>
        scf.yield %add3A_626, %add3A_636, %add3A_646, %add3A_656, %add3A_666, %add3A_676, %add3A_686, %add3A_696, %add3A_699 : vector<16xf32>, vector<16xf32>, vector<16xf32>, vector<16xf32>, vector<16xf32>, vector<16xf32>, vector<16xf32>, vector<16xf32>, vector<16xi32>
      }
      %scan3A_343 = arith.constant 32 : i32
      %add3A_344 = arith.addf %scan3A_342#0, %scan3A_342#1 : vector<16xf32>
      %add3A_345 = arith.addf %scan3A_342#2, %scan3A_342#3 : vector<16xf32>
      %add3A_346 = arith.addf %add3A_344, %add3A_345 : vector<16xf32>
      %add3A_347 = arith.addf %scan3A_342#4, %scan3A_342#5 : vector<16xf32>
      %add3A_348 = arith.addf %scan3A_342#6, %scan3A_342#7 : vector<16xf32>
      %add3A_349 = arith.addf %add3A_347, %add3A_348 : vector<16xf32>
      %add3A_350 = arith.addf %add3A_346, %add3A_349 : vector<16xf32>
      %swap3A_351 = arith.index_cast %add3A_186 : i32 to index
      %swap3A_352 = arith.constant 48 : index
      %swap3A_353 = tpu.vector_load %arg8[%swap3A_351, %swap3A_352] {strides = array<i32>} : memref<80x64xf32, #tpu.memory_space<vmem>>, vector<16xf32>,
      tpu.vector_store %arg8[%swap3A_351, %swap3A_352], %add3A_350 {strides = array<i32>} : memref<80x64xf32, #tpu.memory_space<vmem>>, vector<16xf32>,
    }
    %scan3A_17 = arith.constant 40 : i32
    "tpu.region"() ({
      %run_scoped3A = tpu.sem_alloc : memref<!tpu.dma_semaphore, #tpu.memory_space<semaphore_mem>>
      %dma_start3A_18 = arith.constant 0 : i32
      %dma_start3A_19 = arith.constant 0 : i32
      %dma_start3A_20 = tpu.memref_slice %arg5[%add3A, %dma_start3A_18, %dma_start3A_19] : memref<32x80x64xf32, #tpu.memory_space<hbm>> -> memref<1x80x64xf32, #tpu.memory_space<hbm>>
      %dma_start3A_21 = tpu.memref_squeeze %dma_start3A_20 : memref<1x80x64xf32, #tpu.memory_space<hbm>> -> memref<80x64xf32, #tpu.memory_space<hbm>>
      %dma_start3A_22 = arith.constant 0 : i32
      %dma_start3A_23 = arith.constant 0 : i32
      %dma_start3A_24 = tpu.memref_slice %arg5[%add3A, %dma_start3A_22, %dma_start3A_23] : memref<32x80x64xf32, #tpu.memory_space<hbm>> -> memref<1x80x64xf32, #tpu.memory_space<hbm>>
      %dma_start3A_25 = tpu.memref_squeeze %dma_start3A_24 : memref<1x80x64xf32, #tpu.memory_space<hbm>> -> memref<80x64xf32, #tpu.memory_space<hbm>>
      tpu.enqueue_dma source(%arg8 : memref<80x64xf32, #tpu.memory_space<vmem>>) target(%dma_start3A_25 : memref<80x64xf32, #tpu.memory_space<hbm>>) target_semaphore(%run_scoped3A : memref<!tpu.dma_semaphore, #tpu.memory_space<semaphore_mem>>)
      %dma_wait3A = arith.constant 0 : i32
      %dma_wait3A_26 = arith.constant 0 : i32
      %dma_wait3A_27 = tpu.memref_slice %arg5[%add3A, %dma_wait3A, %dma_wait3A_26] : memref<32x80x64xf32, #tpu.memory_space<hbm>> -> memref<1x80x64xf32, #tpu.memory_space<hbm>>
      %dma_wait3A_28 = tpu.memref_squeeze %dma_wait3A_27 : memref<1x80x64xf32, #tpu.memory_space<hbm>> -> memref<80x64xf32, #tpu.memory_space<hbm>>
      %dma_wait3A_29 = arith.constant 0 : i32
      %dma_wait3A_30 = arith.constant 0 : i32
      %dma_wait3A_31 = tpu.memref_slice %arg5[%add3A, %dma_wait3A_29, %dma_wait3A_30] : memref<32x80x64xf32, #tpu.memory_space<hbm>> -> memref<1x80x64xf32, #tpu.memory_space<hbm>>
      %dma_wait3A_32 = tpu.memref_squeeze %dma_wait3A_31 : memref<1x80x64xf32, #tpu.memory_space<hbm>> -> memref<80x64xf32, #tpu.memory_space<hbm>>
      tpu.wait_dma2 semaphore(%run_scoped3A : memref<!tpu.dma_semaphore, #tpu.memory_space<semaphore_mem>>) src(%arg8 : memref<80x64xf32, #tpu.memory_space<vmem>>) dst(%dma_wait3A_32 : memref<80x64xf32, #tpu.memory_space<hbm>>)
      tpu.yield
    }) : () -> ()
    return
  }
}

</mosaic_0001>

<sc_bundles>
// kernel: kernel.3.cloned.1.call-start
scs
__scs_entry_jumppad:
0x0: {  	(pc) =	sbr.rel $0x88, $3  }
0x1: {  	(tag) =	ssettag $0x0;
	lr =	simm.s32 $0x1  }
0x2: {  	[smem:$0x3F9F] =	sst lr;
	_ =	strace $0xD0000000  }
0x3: {  	_ = 	snop  }
0x4: {  	_ = 	snop  }
0x5: {  	_ = 	snop  }
0x6: {  	_ = 	snop  }
0x7: {  	_ = 	snop  }
__scs_overlays_trampoline_lowered:
0x8: {  	[smem:$0x3FAE] =	sst s0  }
0x9: {  	[smem:$0x3FAF] =	sst s1  }
0xa: {  	[smem:$0x3FB0] =	sst s2  }
0xb: {  	[smem:$0x3FB1] =	sst s3  }
0xc: {  	[smem:$0x3FB2] =	sst s4  }
0xd: {  	[smem:$0x3FB3] =	sst s5  }
0xe: {  	[smem:$0x3FB4] =	sst s6  }
0xf: {  	[smem:$0x3FB5] =	sst s7  }
0x10: {  	[smem:$0x3FB6] =	sst s8  }
0x11: {  	[smem:$0x3FB7] =	sst s9;
	s0 =	simm.s32 @!p0 $0x0  }
0x12: {  	s1 =	sld [smem:$0x3F9D];
	s0 =	simm.s32 @p0 $0x1  }
0x13: {  	[smem:$0x3FB8] =	sst s0;
	s0 =	simm.s32 @!p1 $0x0  }
0x14: {  	s2 =	sld [smem:$0x3F9C];
	s0 =	simm.s32 @p1 $0x1  }
0x15: {  	[smem:$0x3FB9] =	sst s0;
	s0 =	simm.s32 @!p2 $0x0  }
0x16: {  	s3 =	sld [smem:$0x3FDB];
	s0 =	simm.s32 @p2 $0x1  }
0x17: {  	s4 =	simm.s32 $0x1BF5;
	[smem:$0x3FBB] =	sst s0  }
0x18: {  	s0 =	sld [smem:$0x3F9E];
	_ =	swait.ge [sflag:s4], $0x0  }
0x19: {  	s7 =	sld [smem:$0x3F9F]  }
0x1a: {  	s8 =	sadd.s32 $0xFFFFE003, lr  }
0x1b: {  	s9 =	sadd.s32 $0xFFFFFEF7, lr;
	s5 =	simm.s32 $0xFFFFFFFF;
	p2 =	slt.u32 s8, $0xFFFFF086  }
0x1c: {  	p1 =	slt.u32 s9, $0xF7A;
	s5 =	simm.s32 @!p2 $0x0  }
0x1d: {  	s5 =	simm.s32 @p1 $0x1;
	p0 =	seq.s32 s7, s2  }
0x1e: {  	s7 =	smul.u32 @!p0 $0xF7A, s2;
	p2 =	seq.s32 @!p0 s5, $0x0  }
0x1f: {  	s9 =	smul.u32 $0xF7A, s1;
	s8 =	simm.s32 @!p0 $0x1BF5;
	p2 =	por !p2, p0  }
0x20: {  	[sflag:s8] =	ssyncset.s32 @!p0 $0xFFFFF086;
	s6 =	sadd.s32 @!p0 s3, s7;
	s7 =	simm.s32 @!p0 $0x108  }
0x21: {  	s3 =	sadd.s32 s3, s9;
	s6 =	sadd.s32 @!p0 $0x88, s6;
	s7 =	simm.s32 @p2 $0x1082  }
0x22: {  	[simem:s7], [sflag:s8] =	dma.local @!p0 [hbm:s6], $0xF7A  }
0x23: {  	s9 =	sor.u32 $0xD0000000, s2;
	s6 =	simm.s32 $0x108;
	_ =	swait.ge @!p0 [sflag:s8], $0x0  }
0x24: {  	s3 =	sadd.s32 $0x88, s3;
	s6 =	simm.s32 @!p1 $0x1082;
	[sflag:s4] =	ssyncset.s32 $0xFFFFF086  }
0x25: {  	[simem:s6], [sflag:s4] =	dma.local [hbm:s3], $0xF7A  }
0x26: {  	[smem:$0x3F9F] =	sst s1;
	(tag) =	ssettag s2;
	_ =	strace s9  }
0x27: {  	s1 =	sld [smem:$0x3FAF]  }
0x28: {  	s2 =	sld [smem:$0x3FB0]  }
0x29: {  	s4 =	sld [smem:$0x3FB2]  }
0x2a: {  	p0 =	seq.s32 s5, $0x0;
	s5 =	sld [smem:$0x3FB3]  }
0x2b: {  	s6 =	sld [smem:$0x3FB4]  }
0x2c: {  	s7 =	sld [smem:$0x3FB5]  }
0x2d: {  	s3 =	simm.s32 $0x108;
	s8 =	sld [smem:$0x3FB6]  }
0x2e: {  	s3 =	simm.s32 @!p0 $0x1082;
	s9 =	sld [smem:$0x3FB7]  }
0x2f: {  	lr =	sadd.s32 s0, s3;
	s0 =	sld [smem:$0x3FAE]  }
0x30: {  	s3 =	sld [smem:$0x3FB1]  }
0x31: {  	[smem:$0x3FBA] =	sst s10  }
0x32: {  	s10 =	sld [smem:$0x3FB8];
	_ =	sdelay $0x3  }
0x33: {  	p0 =	seq.s32 s10, $0x1;
	s10 =	sld [smem:$0x3FBA];
	_ =	sdelay $0x3  }
0x34: {  	[smem:$0x3FBA] =	sst s10  }
0x35: {  	s10 =	sld [smem:$0x3FB9];
	_ =	sdelay $0x3  }
0x36: {  	p1 =	seq.s32 s10, $0x1;
	s10 =	sld [smem:$0x3FBA];
	_ =	sdelay $0x3  }
0x37: {  	[smem:$0x3FBA] =	sst s10  }
0x38: {  	s10 =	sld [smem:$0x3FBB]  }
0x39: {  	_ = 	snop;
	(pc) =	sbr.ind lr, $3  }
0x3a: {  	_ = 	snop  }
0x3b: {  	_ = 	snop  }
0x3c: {  	p2 =	seq.s32 s10, $0x1;
	s10 =	sld [smem:$0x3FBA]  }
0x3d: {  	_ =	shalt  }
0x3e: {  	_ =	shalt  }
0x3f: {  	_ =	shalt  }
0x40: {  	_ =	shalt  }
0x41: {  	_ =	shalt  }
0x42: {  	_ =	shalt  }
0x43: {  	_ =	shalt  }
0x44: {  	_ =	shalt  }
0x45: {  	_ =	shalt  }
0x46: {  	_ =	shalt  }
0x47: {  	_ =	shalt  }
0x48: {  	_ =	shalt  }
0x49: {  	_ =	shalt  }
0x4a: {  	_ =	shalt  }
0x4b: {  	_ =	shalt  }
0x4c: {  	_ =	shalt  }
0x4d: {  	_ =	shalt  }
0x4e: {  	_ =	shalt  }
0x4f: {  	_ =	shalt  }
0x50: {  	_ =	shalt  }
0x51: {  	_ =	shalt  }
0x52: {  	_ =	shalt  }
0x53: {  	_ =	shalt  }
0x54: {  	_ =	shalt  }
0x55: {  	_ =	shalt  }
0x56: {  	_ =	shalt  }
0x57: {  	_ =	shalt  }
0x58: {  	_ =	shalt  }
0x59: {  	_ =	shalt  }
0x5a: {  	_ =	shalt  }
0x5b: {  	_ =	shalt  }
0x5c: {  	_ =	shalt  }
0x5d: {  	_ =	shalt  }
0x5e: {  	_ =	shalt  }
0x5f: {  	_ =	shalt  }
0x60: {  	_ =	shalt  }
0x61: {  	_ =	shalt  }
0x62: {  	_ =	shalt  }
0x63: {  	_ =	shalt  }
0x64: {  	_ =	shalt  }
0x65: {  	_ =	shalt  }
0x66: {  	_ =	shalt  }
0x67: {  	_ =	shalt  }
0x68: {  	_ =	shalt  }
0x69: {  	_ =	shalt  }
0x6a: {  	_ =	shalt  }
0x6b: {  	_ =	shalt  }
0x6c: {  	_ =	shalt  }
0x6d: {  	_ =	shalt  }
0x6e: {  	_ =	shalt  }
0x6f: {  	_ =	shalt  }
0x70: {  	_ =	shalt  }
0x71: {  	_ =	shalt  }
0x72: {  	_ =	shalt  }
0x73: {  	_ =	shalt  }
0x74: {  	_ =	shalt  }
0x75: {  	_ =	shalt  }
0x76: {  	_ =	shalt  }
0x77: {  	_ =	shalt  }
0x78: {  	_ =	shalt  }
0x79: {  	_ =	shalt  }
0x7a: {  	_ =	shalt  }
0x7b: {  	_ =	shalt  }
0x7c: {  	_ =	shalt  }
0x7d: {  	_ =	shalt  }
0x7e: {  	_ =	shalt  }
0x7f: {  	_ =	shalt  }
0x80: {  	_ =	shalt  }
0x81: {  	_ =	shalt  }
0x82: {  	_ =	shalt  }
0x83: {  	_ =	shalt  }
0x84: {  	_ =	shalt  }
0x85: {  	_ =	shalt  }
0x86: {  	_ =	shalt  }
0x87: {  	_ =	shalt  }
.Lfunc_end0:
.L_simem_size_0:
called_computation_lowered:
.L_overlay_start_0:
0x88: {  	s2 =	sld [smem:$0x3FD9]  }
0x89: {  	s3 =	sld [smem:$0x3FFE];
	_ =	sdelay $0x1  }
0x8a: {  	s1 =	srdreg.scid  }
0x8b: {  	s0 =	sand.u32 $0x1, s1  }
0x8c: {  	s16 =	sshll.u32 s0, $0xA;
	s2 =	sadd.s32 s3, s2  }
0x8d: {  	s2 =	sadd.s32 s2, s16  }
0x8e: {  	[smem:$0x3FC6] =	sst s2  }
0x8f: {  	_ = 	snop  }
0x90: {  	(tm) =	ssettm $0x1  }
0x91: {  	s17 =	sld [smem:$0x3FFB];
	_ =	sdelay $0x3  }
0x92: {  	_ =	strace s17  }
0x93: {  	s2 =	sld [smem:$0x3FFC];
	_ =	sdelay $0x3  }
0x94: {  	_ =	strace s2  }
0x95: {  	s2 =	sld [smem:$0x3FFD];
	_ =	sdelay $0x3  }
0x96: {  	_ =	strace s2  }
0x97: {  	_ =	strace $0x8FFFFFFF  }
0x98: {  	s18 =	sld [smem:$0x3FDB];
	_ =	sdelay $0x1  }
0x99: {  	s19 =	simm.s32 $_scs_section_size  }
0x9a: {  	s4 =	simm.s32 $_size__tile_overlayer_lowered;
	s5 =	simm.s32 $_tile_overlayer_lowered  }
0x9b: {  	s22 =	simm.s32 $0x1BFF;
	s21 =	sshll.u32 s5, $0x1;
	s2 =	sadd.s32 s19, s18  }
0x9c: {  	s6 =	simm.s32 $0x0;
	s20 =	sshll.u32 s4, $0x1;
	s4 =	sadd.s32 s21, s2  }
0x9d: {  	[timem:s6], [sflag:s22] =	dma.local [hbm:s4], s20  }
0x9e: {  	_ =	swait.ge [sflag:s22], s20  }
0x9f: {  	s3 =	ssub.s32 $0x0, s20;
	[sflag:s22] =	ssyncset.done $0x0  }
0xa0: {  	[sflag:s22] =	ssyncadd.s32 s3;
	_ =	sdelay $0x1  }
0xa1: {  	s23 =	simm.s32 $0x1B8B  }
0xa2: {  	_ =	swait.ge [sflag:s23], $0x1  }
0xa3: {  	[sflag:s23] =	ssyncset.done $0x0  }
0xa4: {  	s25 =	simm.s32 $0x1B8E;
	s24 =	sld [smem:$0x3FFE];
	[sflag:s23] =	ssyncadd.s32 $0xFFFFFFFF  }
0xa5: {  	s26 =	simm.s32 $execute0_lowered;
	[smem:$0x3FD2] =	sst s25  }
0xa6: {  	s4 =	sshll.u32 s26, $0x1;
	_ =	strace $0x80000046;
	[dreg:$0x1] =	wrdreg $0xFFFFFFFF  }
0xa7: {  	s28 =	simm.s32 $_size_execute0_lowered;
	s2 =	sadd.s32 s2, s4;
	[dreg:$0x0] =	wrdreg $0x0  }
0xa8: {  	s4 =	sshll.u32 s28, $0x1;
	[dreg:$0x2] =	wrdreg s2  }
0xa9: {  	[dreg:$0x3] =	wrdreg s4  }
0xaa: {  	[dreg:$0x4] =	wrdreg $0xC0  }
0xab: {  	_ =	task [dreg:s6], $0x5FFFF  }
0xac: {  	[dreg:$0x1] =	wrdreg $0xFFFFFFFF  }
0xad: {  	[dreg:$0x0] =	wrdreg $0x60  }
0xae: {  	[dreg:$0x2] =	wrdreg s24  }
0xaf: {  	[dreg:$0x3] =	wrdreg $0x9  }
0xb0: {  	_ =	task.clear_ibuf [dreg:s6], $0x4FFFF;
	_ =	strace $0x90000046  }
0xb1: {  	s29 =	simm.s32 $0x9;
	_ =	strace $0x80000048  }
0xb2: {  	_ =	swait.ge [sflag:s29], $0x1  }
0xb3: {  	[sflag:s29] =	ssyncadd.s32 $0xFFFFFFFF  }
0xb4: {  	_ =	strace $0x90000048  }
0xb5: {  	_ =	sfence  }
0xb6: {  	s30 =	sld [smem:$0x0];
	_ =	sdelay $0x2  }
0xb7: {  	s31 =	sshll.u32 s1, $0xD;
	s1 =	sshrl.u32 s1, $0x2  }
0xb8: {  	s3 =	sand.u32 $0x4000, s31;
	s1 =	sadd.s32 s1, s30  }
0xb9: {  	s0 =	sor.u32 s3, s0;
	s1 =	sshll.u32 s1, $0x11  }
0xba: {  	s0 =	sor.u32 s1, s0  }
0xbb: {  	s0 =	sadd.s32 $0x8F2B, s0  }
0xbc: {  	[sflag:s0] =	ssyncadd.remote.s32 $0x1  }
0xbd: {  	_ =	sfence.sel $0xFFFF  }
0xbe: {  	[dreg:$0x0] =	wrdreg $0xFFFFFFFF;
	(pc) =	sbr.abs _section_cstart, $3  }
0xbf: {  	[dreg:$0x1] =	wrdreg $0xFFFFFFFF  }
0xc0: {  	_ =	task.clear_ibuf [dreg:s6], $0x2FFFF;
	_ =	strace $0x9FFFFFFF  }
0xc1: {  	(tm) =	ssettm $0x7FFFFFFF  }
tec
execute0_lowered:
.L_overlay_start_1:
0x0: {  	(tag) =	ssettag $0x1  }
0x1: {  	s1 =	srdreg.scid  }
0x2: {  	s0 =	stileid.u32;
	s4 =	rddreg [dreg:$0x0];
	s2 =	simm.s32 $0x0  }
0x3: {  	s9 =	simm.s32 $0x1400;
	s10 =	simm.s32 $0x40;
	s11 =	simm.s32 $0x3C00  }
0x4: {  	s12 =	simm.s32 $0xBC00;
	s13 =	simm.s32 $0x7C00;
	s14 =	simm.s32 $0xFC00  }
0x5: {  	s15 =	simm.s32 $0x1;
	s3 =	sand.u32 $0x1, s1;
	s5 =	sshll.u32 s0, $0x1  }
0x6: {  	s16 =	simm.s32 $0x2;
	s17 =	simm.s32 $0x2800;
	s5 =	sor.u32 s3, s5  }
0x7: {  	s1 =	rddreg [dreg:$0x1];
	s6 =	ssub.s32 $0x2, s3;
	s5 =	smul.u32 $0x280, s5  }
0x8: {  	v0 =	vlaneseq.u32;
	s18 =	simm.s32 $0x0;
	[smem:$0x7FF] =	sst s2;
	s7 =	sshrl.u32 s6, $0x1  }
0x9: {  	v0 =	vmul.u32 $0x100, v0;
	_ =	strace $0x80000047;
	s7 =	ssub.s32 s6, s7;
	s8 =	sadd.s32 s5, s4  }
0xa: {  	s3 =	sadd.s32 $0xA600, s4;
	s7 =	smax.u32 s7, $0x1;
	s4 =	sadd.s32 $0x5600, s8  }
0xb: {  	v1 =	vor.u32 $0x1000, v0;
	s5 =	sadd.s32 $0x600, s8;
	s6 =	sadd.s32 $0x58800, s8;
	s8 =	simm.s32 $0x3  }
.LBB2_1:
0xc: {  	[tilespmem:s2], [sflag:$0x3] =	stream.linear.gather [hbm4b:s4+s2], $0x1400, $0x38;
	[tilespmem:$0x13C00] =	vst v63  }
0xd: {  	_ =	swait.ge [sflag:s8], $0x1400  }
0xe: {  	[sflag:s8] =	ssyncset.done $0x0  }
0xf: {  	[sflag:s8] =	ssyncadd.s32 $0xFFFFEC00  }
0x10: {  	[tilespmem:s9], [sflag:$0x3] =	stream.linear.gather [hbm4b:s5+s2], $0x1400, $0x38;
	[tilespmem:$0x13C00] =	vst v63  }
0x11: {  	_ =	swait.ge [sflag:s8], $0x1400  }
0x12: {  	[sflag:s8] =	ssyncset.done $0x0  }
0x13: {  	[sflag:s8] =	ssyncadd.s32 $0xFFFFEC00  }
0x14: {  	[tilespmem:s11], [sflag:$0x1] =	stream.indirect.gather [hbm4b:s3+s10], $0x100, s2, s10, $0xb8;
	[tilespmem:$0x13C00] =	vst v63  }
0x15: {  	s19 =	simm.s32 $0x0  }
0x16: {  	[tilespmem:s12], [sflag:$0x1] =	stream.indirect.gather [hbm4b:s3+s10], $0x100, s9, s10, $0xb8;
	[tilespmem:$0x13C00] =	vst v63  }
.LBB2_2:
0x17: {  	s21 =	sshll.u32 s19, $0x7  }
0x18: {  	s20 =	sor.u32 $0x40, s21  }
0x19: {  	[tilespmem:s13], [sflag:$0x2] =	stream.indirect.gather [hbm4b:s3+s10], $0x100, s20, s10, $0xb8;
	[tilespmem:$0x13C00] =	vst v63  }
0x1a: {  	v2 =	vlaneseq.u32;
	s22 =	sadd.s32 $0x1440, s21  }
0x1b: {  	v3 =	vadd.s32 $0x4, v2;
	[tilespmem:s14], [sflag:$0x2] =	stream.indirect.gather [hbm4b:s3+s10], $0x100, s22, s10, $0xb8;
	[tilespmem:$0x13C00] =	vst v63  }
0x1c: {  	v4 =	vadd.s32 $0x1, v2;
	v3 =	vand.u32 $0xFF, v3;
	_ =	swait.ge [sflag:s15], $0x4000  }
0x1d: {  	v4 =	vand.u32 $0xFF, v4;
	v3 =	vor.u32 v0, v3;
	[sflag:s15] =	ssyncset.done $0x0  }
0x1e: {  	v5 =	vadd.s32 $0x5, v2;
	v14 =	vor.u32 v0, v4;
	[sflag:s15] =	ssyncadd.s32 $0xFFFFC000  }
0x1f: {  	v4 =	vand.u32 $0xFF, v5;
	_ =	swait.ge [sflag:s15], $0x4000  }
0x20: {  	v5 =	vand.u32 $0xFF, v2;
	v22 =	vor.u32 v0, v4;
	[sflag:s15] =	ssyncset.done $0x0  }
0x21: {  	v6 =	vand.u32 $0x7, v2;
	v4 =	vadd.s32 $0x18, v2;
	v5 =	vor.u32 v0, v5;
	[sflag:s15] =	ssyncadd.s32 $0xFFFFC000  }
0x22: {  	v7 =	vor.u32 v0, v6;
	v4 =	vand.u32 $0xF8, v4;
	v15 =	vld.idx.msk [tilespmem:v3+s11+$0x0], $0xffff  }
0x23: {  	v6 =	vadd.s32 $0x7, v2;
	v4 =	vor.u32 v4, v7;
	v11 =	vld.idx.msk [tilespmem:v14+s12+$0x0], $0xffff  }
0x24: {  	v8 =	vadd.s32 $0x3, v2;
	v6 =	vand.u32 $0xFF, v6;
	v19 =	vld.idx.msk [tilespmem:v3+s12+$0x0], $0xffff  }
0x25: {  	v10 =	vadd.s32 $0x6, v2;
	v8 =	vand.u32 $0xFF, v8;
	v9 =	vor.u32 v0, v6;
	v18 =	vld.idx.msk [tilespmem:v22+s11+$0x0], $0xffff  }
0x26: {  	v13 =	vadd.s32 $0x8, v2;
	v10 =	vand.u32 $0xFF, v10;
	v30 =	vor.u32 v0, v8;
	v8 =	vld.idx.msk [tilespmem:v5+s12+$0x0], $0xffff  }
0x27: {  	v31 =	vor.u32 v0, v10;
	v10 =	vand.u32 $0xF8, v13;
	v3 =	vadd.s32 $0x10, v2;
	v5 =	vld.idx.msk [tilespmem:v5+s11+$0x0], $0xffff  }
0x28: {  	v12 =	vadd.s32 $0x2, v2;
	v24 =	vor.u32 v10, v7;
	v23 =	vld.idx.msk [tilespmem:v4+s12+$0x0], $0xffff;
	v3 =	vand.u32 $0xF8, v3  }
0x29: {  	v33 =	vadd.s32 $0xD, v2;
	v12 =	vand.u32 $0xFF, v12;
	v25 =	vld.idx.msk [tilespmem:v4+s11+$0x0], $0xffff;
	v3 =	vor.u32 v3, v7  }
0x2a: {  	v34 =	vadd.s32 $0xF, v2;
	v13 =	vadd.s32 $0xE, v2;
	v17 =	vor.u32 v0, v12;
	v20 =	vld.idx.msk [tilespmem:v9+s11+$0x0], $0xffff  }
0x2b: {  	v12 =	vimm.f32 $0.0e+00;
	v6 =	vimm.f32 $0.0e+00;
	v4 =	vand.u32 $0xFF, v13;
	v13 =	vld.idx.msk [tilespmem:v30+s11+$0x0], $0xffff  }
0x2c: {  	v10 =	vadd.s32 $0x20, v2;
	v21 =	vld.idx.msk [tilespmem:v9+s12+$0x0], $0xffff;
	v9 =	vimm.f32 $0.0e+00;
	v7 =	vadd.s32 $0xB, v2  }
0x2d: {  	v29 =	vld.idx.msk [tilespmem:v24+s11+$0x0], $0xffff;
	v16 =	vor.u32 v0, v4;
	v4 =	vand.u32 $0xFF, v7;
	v7 =	vimm.f32 $0.0e+00  }
0x2e: {  	v32 =	vor.u32 v0, v4;
	v4 =	vimm.f32 $0.0e+00;
	v28 =	vmul.f32 v8, v5;
	v26 =	vld.idx.msk [tilespmem:v3+s12+$0x0], $0xffff  }
0x2f: {  	s22 =	simm.s32 $0x0;
	v8 =	vimm.f32 $0.0e+00;
	v5 =	vimm.f32 $0.0e+00;
	v27 =	vld.idx.msk [tilespmem:v3+s11+$0x0], $0xffff;
	v3 =	vimm.f32 $0.0e+00  }
.LBB2_3:
0x30: {  	s22 =	sadd.s32 $0x4, s22;
	v35 =	vld.idx.msk [tilespmem:v31+s11+$0x0], $0xffff;
	v36 =	vadd.s32 $0xC, v2;
	v34 =	vand.u32 $0xFF, v34;
	v37 =	vadd.s32 $0x13, v2  }
0x31: {  	p0 =	slt.u32 s22, $0x1C;
	v38 =	vld.idx.msk [tilespmem:v24+s12+$0x0], $0xffff;
	v36 =	vand.u32 $0xFF, v36;
	v24 =	vor.u32 v0, v34;
	v34 =	vand.u32 $0xFF, v37  }
0x32: {  	v33 =	vand.u32 $0xFF, v33;
	v31 =	vld.idx.msk [tilespmem:v31+s12+$0x0], $0xffff;
	v36 =	vor.u32 v0, v36;
	v34 =	vor.u32 v0, v34  }
0x33: {  	v33 =	vor.u32 v0, v33;
	v30 =	vld.idx.msk [tilespmem:v30+s12+$0x0], $0xffff  }
0x34: {  	v39 =	vadd.s32 $0x14, v2;
	v40 =	vadd.s32 $0x1D, v2;
	v20 =	vmul.f32 v21, v20;
	v37 =	vld.idx.msk [tilespmem:v16+s12+$0x0], $0xffff  }
0x35: {  	v6 =	vadd.f32 v28, v6;
	v21 =	vadd.s32 $0x15, v2;
	v28 =	vld.idx.msk [tilespmem:v32+s12+$0x0], $0xffff  }
0x36: {  	v23 =	vmul.f32 v23, v25;
	v21 =	vand.u32 $0xFF, v21;
	v32 =	vld.idx.msk [tilespmem:v32+s11+$0x0], $0xffff  }
0x37: {  	v26 =	vmul.f32 v26, v27;
	v27 =	vor.u32 v0, v21;
	v25 =	vmul.f32 v38, v29;
	v22 =	vld.idx.msk [tilespmem:v22+s12+$0x0], $0xffff  }
0x38: {  	v29 =	vmul.f32 v31, v35;
	v31 =	vadd.s32 $0x9, v2;
	v21 =	vld.idx.msk [tilespmem:v24+s11+$0x0], $0xffff  }
0x39: {  	v6 =	vadd.f32 v25, v6;
	v25 =	vand.u32 $0xFF, v31;
	v31 =	vld.idx.msk [tilespmem:v34+s12+$0x0], $0xffff  }
0x3a: {  	v38 =	vand.u32 $0xFF, v40;
	v35 =	vld.idx.msk [tilespmem:v33+s12+$0x0], $0xffff  }
0x3b: {  	v15 =	vmul.f32 v19, v15;
	v19 =	vor.u32 v0, v38;
	v6 =	vadd.f32 v26, v6;
	v40 =	vld.idx.msk [tilespmem:v17+s11+$0x0], $0xffff  }
0x3c: {  	v25 =	vor.u32 v0, v25;
	v26 =	vmul.f32 v28, v32;
	v28 =	vld.idx.msk [tilespmem:v33+s11+$0x0], $0xffff  }
0x3d: {  	v12 =	vadd.f32 v15, v12;
	v15 =	vmul.f32 v22, v18;
	v22 =	vand.u32 $0xFF, v39;
	v18 =	vld.idx.msk [tilespmem:v36+s11+$0x0], $0xffff  }
0x3e: {  	v6 =	vadd.f32 v23, v6;
	v22 =	vor.u32 v0, v22;
	v32 =	vld.idx.msk [tilespmem:v27+s12+$0x0], $0xffff  }
0x3f: {  	v23 =	vadd.s32 $0xA, v2;
	v14 =	vld.idx.msk [tilespmem:v14+s11+$0x0], $0xffff  }
0x40: {  	v9 =	vadd.f32 v15, v9;
	v15 =	vand.u32 $0xFF, v23;
	v23 =	vld.idx.msk [tilespmem:v27+s11+$0x0], $0xffff  }
0x41: {  	v33 =	vadd.s32 $0x1C, v2;
	v15 =	vor.u32 v0, v15;
	v27 =	vld.idx.msk [tilespmem:v36+s12+$0x0], $0xffff  }
0x42: {  	v33 =	vand.u32 $0xFF, v33;
	v28 =	vmul.f32 v35, v28;
	v35 =	vld.idx.msk [tilespmem:v19+s12+$0x0], $0xffff  }
0x43: {  	v38 =	vadd.s32 $0x1B, v2;
	v33 =	vor.u32 v0, v33;
	v36 =	vld.idx.msk [tilespmem:v25+s12+$0x0], $0xffff  }
0x44: {  	v9 =	vadd.f32 v28, v9;
	v28 =	vld.idx.msk [tilespmem:v34+s11+$0x0], $0xffff;
	v34 =	vand.u32 $0xFF, v38  }
0x45: {  	v11 =	vmul.f32 v11, v14;
	v14 =	vld.idx.msk [tilespmem:v22+s12+$0x0], $0xffff;
	v34 =	vor.u32 v0, v34  }
0x46: {  	v38 =	vadd.s32 $0x11, v2;
	v23 =	vmul.f32 v32, v23;
	v32 =	vadd.s32 $0x16, v2;
	v17 =	vld.idx.msk [tilespmem:v17+s12+$0x0], $0xffff  }
0x47: {  	v18 =	vmul.f32 v27, v18;
	v27 =	vand.u32 $0xFF, v38;
	v32 =	vand.u32 $0xFF, v32;
	v22 =	vld.idx.msk [tilespmem:v22+s11+$0x0], $0xffff  }
0x48: {  	v27 =	vor.u32 v0, v27;
	v9 =	vadd.f32 v23, v9;
	v23 =	vor.u32 v0, v32;
	v38 =	vld.idx.msk [tilespmem:v15+s12+$0x0], $0xffff  }
0x49: {  	v12 =	vadd.f32 v18, v12;
	v25 =	vld.idx.msk [tilespmem:v25+s11+$0x0], $0xffff  }
0x4a: {  	v18 =	vmul.f32 v31, v28;
	v28 =	vld.idx.msk [tilespmem:v33+s12+$0x0], $0xffff  }
0x4b: {  	v19 =	vld.idx.msk [tilespmem:v19+s11+$0x0], $0xffff  }
0x4c: {  	v13 =	vmul.f32 v30, v13;
	v17 =	vmul.f32 v17, v40;
	v30 =	vld.idx.msk [tilespmem:v34+s12+$0x0], $0xffff  }
0x4d: {  	v14 =	vmul.f32 v14, v22;
	v22 =	vadd.s32 $0x1E, v2;
	v16 =	vld.idx.msk [tilespmem:v16+s11+$0x0], $0xffff  }
0x4e: {  	v4 =	vadd.f32 v13, v4;
	v22 =	vand.u32 $0xFF, v22;
	v13 =	vld.idx.msk [tilespmem:v34+s11+$0x0], $0xffff  }
0x4f: {  	v25 =	vmul.f32 v36, v25;
	v12 =	vadd.f32 v14, v12;
	v22 =	vor.u32 v0, v22;
	v14 =	vld.idx.msk [tilespmem:v23+s12+$0x0], $0xffff  }
0x50: {  	v4 =	vadd.f32 v26, v4;
	v26 =	vld.idx.msk [tilespmem:v27+s12+$0x0], $0xffff  }
0x51: {  	v31 =	vadd.s32 $0x12, v2;
	v19 =	vmul.f32 v35, v19;
	v23 =	vld.idx.msk [tilespmem:v23+s11+$0x0], $0xffff  }
0x52: {  	v31 =	vand.u32 $0xFF, v31;
	v32 =	vld.idx.msk [tilespmem:v33+s11+$0x0], $0xffff  }
0x53: {  	v31 =	vor.u32 v0, v31;
	v4 =	vadd.f32 v18, v4;
	v9 =	vadd.f32 v19, v9;
	v15 =	vld.idx.msk [tilespmem:v15+s11+$0x0], $0xffff  }
0x54: {  	v18 =	vadd.s32 $0x19, v2;
	v16 =	vmul.f32 v37, v16;
	v13 =	vmul.f32 v30, v13;
	v19 =	vld.idx.msk [tilespmem:v22+s12+$0x0], $0xffff  }
0x55: {  	v3 =	vadd.f32 v29, v3;
	v29 =	vadd.s32 $0x17, v2;
	v18 =	vand.u32 $0xFF, v18;
	v27 =	vld.idx.msk [tilespmem:v27+s11+$0x0], $0xffff  }
0x56: {  	v7 =	vadd.f32 v11, v7;
	v11 =	vor.u32 v0, v18;
	v4 =	vadd.f32 v13, v4;
	v13 =	vld.idx.msk [tilespmem:v22+s11+$0x0], $0xffff  }
0x57: {  	v18 =	vand.u32 $0xFF, v29;
	v3 =	vadd.f32 v16, v3;
	v22 =	vadd.s32 $0x1F, v2;
	v16 =	vld.idx.msk [tilespmem:v24+s12+$0x0], $0xffff  }
0x58: {  	v8 =	vadd.f32 v17, v8;
	v18 =	vor.u32 v0, v18;
	v14 =	vmul.f32 v14, v23;
	v17 =	vld.idx.msk [tilespmem:v31+s11+$0x0], $0xffff  }
0x59: {  	v7 =	vadd.f32 v25, v7;
	v24 =	vadd.s32 $0x1A, v2;
	v25 =	vmul.f32 v28, v32;
	v2 =	vmovc v10;
	v23 =	vld.idx.msk [tilespmem:v31+s12+$0x0], $0xffff  }
0x5a: {  	v15 =	vmul.f32 v38, v15;
	v3 =	vadd.f32 v14, v3;
	v14 =	vand.u32 $0xFF, v24  }
0x5b: {  	v14 =	vor.u32 v0, v14;
	v12 =	vadd.f32 v25, v12;
	v24 =	vmul.f32 v26, v27;
	v26 =	vld.idx.msk [tilespmem:v11+s11+$0x0], $0xffff  }
0x5c: {  	v5 =	vadd.f32 v20, v5;
	v13 =	vmul.f32 v19, v13;
	v19 =	vand.u32 $0xFF, v22;
	v11 =	vld.idx.msk [tilespmem:v11+s12+$0x0], $0xffff  }
0x5d: {  	v8 =	vadd.f32 v15, v8;
	v7 =	vadd.f32 v24, v7;
	v19 =	vor.u32 v0, v19;
	v15 =	vld.idx.msk [tilespmem:v18+s11+$0x0], $0xffff  }
0x5e: {  	v20 =	vadd.s32 $0x10, v10;
	v22 =	vadd.s32 $0x18, v10;
	v16 =	vmul.f32 v16, v21;
	v18 =	vld.idx.msk [tilespmem:v18+s12+$0x0], $0xffff  }
0x5f: {  	v21 =	vadd.s32 $0x8, v10;
	v24 =	vand.u32 $0x7, v10;
	v3 =	vadd.f32 v13, v3  }
0x60: {  	v25 =	vadd.s32 $0x3, v10;
	v13 =	vand.u32 $0xFF, v10;
	v17 =	vmul.f32 v23, v17;
	v23 =	vld.idx.msk [tilespmem:v14+s12+$0x0], $0xffff  }
0x61: {  	v28 =	vadd.s32 $0x7, v10;
	v27 =	vadd.s32 $0x6, v10;
	v5 =	vadd.f32 v16, v5;
	v16 =	vld.idx.msk [tilespmem:v14+s11+$0x0], $0xffff  }
0x62: {  	v29 =	vadd.s32 $0x5, v10;
	v8 =	vadd.f32 v17, v8;
	v14 =	vadd.s32 $0x4, v10;
	v17 =	vld.idx.msk [tilespmem:v19+s11+$0x0], $0xffff  }
0x63: {  	v30 =	vadd.s32 $0x1, v10;
	v31 =	vadd.s32 $0x2, v10;
	v11 =	vmul.f32 v11, v26;
	v19 =	vld.idx.msk [tilespmem:v19+s12+$0x0], $0xffff  }
0x64: {  	v26 =	vand.u32 $0xFF, v31;
	v14 =	vand.u32 $0xFF, v14;
	v15 =	vmul.f32 v18, v15  }
0x65: {  	v18 =	vand.u32 $0xFF, v30;
	v32 =	vor.u32 v0, v14;
	v30 =	vand.u32 $0xF8, v22  }
0x66: {  	v7 =	vadd.f32 v11, v7;
	v14 =	vor.u32 v0, v18;
	v18 =	vand.u32 $0xFF, v29  }
0x67: {  	v25 =	vand.u32 $0xFF, v25;
	v22 =	vor.u32 v0, v18;
	v16 =	vmul.f32 v23, v16  }
0x68: {  	v11 =	vand.u32 $0xFF, v27;
	v5 =	vadd.f32 v15, v5;
	v23 =	vor.u32 v0, v24  }
0x69: {  	v13 =	vor.u32 v0, v13;
	v31 =	vor.u32 v0, v11;
	v18 =	vmul.f32 v19, v17  }
0x6a: {  	v17 =	vor.u32 v0, v26;
	v19 =	vand.u32 $0xFF, v28;
	v26 =	vor.u32 v30, v23;
	v15 =	vld.idx.msk [tilespmem:v32+s11+$0x0], $0xffff  }
0x6b: {  	v30 =	vor.u32 v0, v25;
	v8 =	vadd.f32 v16, v8;
	v29 =	vor.u32 v0, v19;
	v11 =	vld.idx.msk [tilespmem:v14+s12+$0x0], $0xffff  }
0x6c: {  	v16 =	vand.u32 $0xF8, v21;
	v5 =	vadd.f32 v18, v5;
	v19 =	vld.idx.msk [tilespmem:v32+s12+$0x0], $0xffff  }
0x6d: {  	v24 =	vor.u32 v16, v23;
	v18 =	vld.idx.msk [tilespmem:v22+s11+$0x0], $0xffff  }
0x6e: {  	v16 =	vand.u32 $0xF8, v20;
	v21 =	vld.idx.msk [tilespmem:v13+s12+$0x0], $0xffff  }
0x6f: {  	v27 =	vor.u32 v16, v23;
	v28 =	vld.idx.msk [tilespmem:v13+s11+$0x0], $0xffff  }
0x70: {  	v23 =	vld.idx.msk [tilespmem:v26+s12+$0x0], $0xffff  }
0x71: {  	v13 =	vadd.s32 $0xE, v10;
	v25 =	vld.idx.msk [tilespmem:v26+s11+$0x0], $0xffff  }
0x72: {  	v16 =	vand.u32 $0xFF, v13;
	v20 =	vld.idx.msk [tilespmem:v29+s11+$0x0], $0xffff  }
.Ltmp0:
0x73: {  	v26 =	vadd.s32 $0xB, v10;
	v16 =	vor.u32 v0, v16;
	v13 =	vld.idx.msk [tilespmem:v30+s11+$0x0], $0xffff;
	(pc) =	sbr.rel @p0 .LBB2_3-.Ltmp0, $4  }
0x74: {  	v32 =	vand.u32 $0xFF, v26;
	v26 =	vld.idx.msk [tilespmem:v27+s12+$0x0], $0xffff  }
0x75: {  	v32 =	vor.u32 v0, v32;
	v27 =	vld.idx.msk [tilespmem:v27+s11+$0x0], $0xffff  }
0x76: {  	v28 =	vmul.f32 v21, v28;
	v21 =	vld.idx.msk [tilespmem:v29+s12+$0x0], $0xffff  }
0x77: {  	v33 =	vadd.s32 $0xD, v2;
	v34 =	vadd.s32 $0xF, v2;
	v10 =	vadd.s32 $0x20, v10;
	v29 =	vld.idx.msk [tilespmem:v24+s11+$0x0], $0xffff  }
0x78: {  	_ =	sdelay $0x3  }
0x79: {  	v35 =	vld.idx.msk [tilespmem:v31+s11+$0x0], $0xffff  }
0x7a: {  	v24 =	vld.idx.msk [tilespmem:v24+s12+$0x0], $0xffff  }
0x7b: {  	v31 =	vld.idx.msk [tilespmem:v31+s12+$0x0], $0xffff  }
0x7c: {  	v30 =	vld.idx.msk [tilespmem:v30+s12+$0x0], $0xffff  }
0x7d: {  	v37 =	vld.idx.msk [tilespmem:v16+s12+$0x0], $0xffff  }
0x7e: {  	v38 =	vld.idx.msk [tilespmem:v32+s12+$0x0], $0xffff  }
0x7f: {  	v10 =	vand.u32 $0xFF, v34;
	v63 =	vld.idx.msk [tilespmem:v32+s11+$0x0], $0xffff  }
0x80: {  	v33 =	vand.u32 $0xFF, v33;
	v22 =	vld.idx.msk [tilespmem:v22+s12+$0x0], $0xffff;
	v36 =	vor.u32 v0, v10  }
0x81: {  	v62 =	vadd.s32 $0x13, v2;
	v44 =	vld.idx.msk [tilespmem:v17+s11+$0x0], $0xffff;
	v33 =	vor.u32 v0, v33  }
0x82: {  	v39 =	vadd.s32 $0x15, v2;
	v14 =	vld.idx.msk [tilespmem:v14+s11+$0x0], $0xffff;
	v10 =	vand.u32 $0xFF, v62  }
0x83: {  	v17 =	vld.idx.msk [tilespmem:v17+s12+$0x0], $0xffff;
	v39 =	vand.u32 $0xFF, v39;
	v34 =	vor.u32 v0, v10;
	v10 =	vadd.s32 $0xC, v2  }
0x84: {  	v43 =	vadd.s32 $0x1D, v2;
	v16 =	vld.idx.msk [tilespmem:v16+s11+$0x0], $0xffff;
	v39 =	vor.u32 v0, v39;
	v10 =	vand.u32 $0xFF, v10  }
0x85: {  	v45 =	vadd.s32 $0x9, v2;
	v43 =	vand.u32 $0xFF, v43;
	v40 =	vor.u32 v0, v10;
	v10 =	vld.idx.msk [tilespmem:v36+s11+$0x0], $0xffff  }
0x86: {  	v45 =	vand.u32 $0xFF, v45;
	v43 =	vor.u32 v0, v43;
	v42 =	vld.idx.msk [tilespmem:v33+s12+$0x0], $0xffff  }
0x87: {  	v47 =	vadd.s32 $0x14, v2;
	v45 =	vor.u32 v0, v45;
	v33 =	vld.idx.msk [tilespmem:v33+s11+$0x0], $0xffff  }
0x88: {  	v47 =	vand.u32 $0xFF, v47;
	v41 =	vld.idx.msk [tilespmem:v34+s12+$0x0], $0xffff  }
0x89: {  	v49 =	vadd.s32 $0xA, v2;
	v47 =	vor.u32 v0, v47;
	v48 =	vld.idx.msk [tilespmem:v39+s12+$0x0], $0xffff  }
0x8a: {  	v49 =	vand.u32 $0xFF, v49;
	v39 =	vld.idx.msk [tilespmem:v39+s11+$0x0], $0xffff  }
0x8b: {  	v51 =	vadd.s32 $0x1C, v2;
	v49 =	vor.u32 v0, v49;
	v50 =	vld.idx.msk [tilespmem:v43+s12+$0x0], $0xffff  }
0x8c: {  	v51 =	vand.u32 $0xFF, v51;
	v52 =	vld.idx.msk [tilespmem:v45+s12+$0x0], $0xffff  }
0x8d: {  	v53 =	vadd.s32 $0x1B, v2;
	v51 =	vor.u32 v0, v51;
	v34 =	vld.idx.msk [tilespmem:v34+s11+$0x0], $0xffff  }
0x8e: {  	v53 =	vand.u32 $0xFF, v53;
	v54 =	vld.idx.msk [tilespmem:v47+s12+$0x0], $0xffff  }
0x8f: {  	v55 =	vadd.s32 $0x16, v2;
	v53 =	vor.u32 v0, v53;
	v47 =	vld.idx.msk [tilespmem:v47+s11+$0x0], $0xffff  }
0x90: {  	v57 =	vadd.s32 $0x11, v2;
	v55 =	vand.u32 $0xFF, v55;
	v56 =	vld.idx.msk [tilespmem:v49+s12+$0x0], $0xffff  }
0x91: {  	v57 =	vand.u32 $0xFF, v57;
	v55 =	vor.u32 v0, v55;
	v45 =	vld.idx.msk [tilespmem:v45+s11+$0x0], $0xffff  }
0x92: {  	v57 =	vor.u32 v0, v57;
	v58 =	vld.idx.msk [tilespmem:v51+s12+$0x0], $0xffff  }
0x93: {  	v43 =	vld.idx.msk [tilespmem:v43+s11+$0x0], $0xffff  }
0x94: {  	v6 =	vadd.f32 v28, v6;
	v24 =	vmul.f32 v24, v29;
	v59 =	vld.idx.msk [tilespmem:v53+s12+$0x0], $0xffff  }
0x95: {  	v23 =	vmul.f32 v23, v25;
	v25 =	vmul.f32 v26, v27;
	v26 =	vld.idx.msk [tilespmem:v53+s11+$0x0], $0xffff  }
0x96: {  	v6 =	vadd.f32 v24, v6;
	v24 =	vld.idx.msk [tilespmem:v55+s12+$0x0], $0xffff  }
0x97: {  	v28 =	vadd.s32 $0x1E, v2;
	v15 =	vmul.f32 v19, v15;
	v19 =	vld.idx.msk [tilespmem:v57+s12+$0x0], $0xffff  }
0x98: {  	v27 =	vand.u32 $0xFF, v28;
	v29 =	vld.idx.msk [tilespmem:v55+s11+$0x0], $0xffff  }
0x99: {  	v12 =	vadd.f32 v15, v12;
	v27 =	vor.u32 v0, v27;
	v28 =	vmul.f32 v31, v35;
	v31 =	vld.idx.msk [tilespmem:v51+s11+$0x0], $0xffff  }
0x9a: {  	v20 =	vmul.f32 v21, v20;
	v18 =	vmul.f32 v22, v18;
	v15 =	vld.idx.msk [tilespmem:v49+s11+$0x0], $0xffff;
	v49 =	vadd.s32 $0x17, v2  }
0x9b: {  	v11 =	vmul.f32 v11, v14;
	v13 =	vmul.f32 v30, v13;
	v14 =	vld.idx.msk [tilespmem:v57+s11+$0x0], $0xffff;
	v30 =	vand.u32 $0xFF, v49  }
0x9c: {  	v55 =	vld.idx.msk [tilespmem:v36+s12+$0x0], $0xffff;
	v6 =	vadd.f32 v25, v6;
	v25 =	vadd.s32 $0x12, v2;
	v30 =	vor.u32 v0, v30  }
0x9d: {  	v9 =	vadd.f32 v18, v9;
	v46 =	vld.idx.msk [tilespmem:v40+s11+$0x0], $0xffff;
	v25 =	vand.u32 $0xFF, v25;
	v18 =	vmul.f32 v42, v33  }
0x9e: {  	v22 =	vmul.f32 v38, v63;
	v57 =	vadd.s32 $0x1A, v2;
	v40 =	vld.idx.msk [tilespmem:v40+s12+$0x0], $0xffff;
	v25 =	vor.u32 v0, v25  }
0x9f: {  	v17 =	vmul.f32 v17, v44;
	v60 =	vand.u32 $0xFF, v57;
	v9 =	vadd.f32 v18, v9;
	v18 =	vld.idx.msk [tilespmem:v27+s12+$0x0], $0xffff  }
0xa0: {  	v16 =	vmul.f32 v37, v16;
	v42 =	vadd.s32 $0x19, v2;
	v33 =	vor.u32 v0, v60;
	v27 =	vld.idx.msk [tilespmem:v27+s11+$0x0], $0xffff  }
0xa1: {  	v5 =	vadd.f32 v20, v5;
	v6 =	vadd.f32 v23, v6;
	v23 =	vand.u32 $0xFF, v42;
	v63 =	vld.idx.msk [tilespmem:v30+s11+$0x0], $0xffff  }
0xa2: {  	v3 =	vadd.f32 v28, v3;
	v2 =	vadd.s32 $0x1F, v2;
	v23 =	vor.u32 v0, v23;
	v28 =	vld.idx.msk [tilespmem:v30+s12+$0x0], $0xffff  }
0xa3: {  	v4 =	vadd.f32 v13, v4;
	v7 =	vadd.f32 v11, v7;
	v2 =	vand.u32 $0xFF, v2;
	v13 =	vld.idx.msk [tilespmem:v25+s11+$0x0], $0xffff  }
0xa4: {  	v53 =	vmul.f32 v48, v39;
	v34 =	vmul.f32 v41, v34;
	v2 =	vor.u32 v0, v2;
	v25 =	vld.idx.msk [tilespmem:v25+s12+$0x0], $0xffff  }
0xa5: {  	v4 =	vadd.f32 v22, v4;
	v61 =	vmul.f32 v54, v47;
	v62 =	vmul.f32 v50, v43;
	v11 =	vld.idx.msk [tilespmem:v33+s12+$0x0], $0xffff  }
0xa6: {  	v3 =	vadd.f32 v16, v3;
	v26 =	vmul.f32 v59, v26;
	v16 =	vmul.f32 v24, v29;
	v24 =	vld.idx.msk [tilespmem:v33+s11+$0x0], $0xffff  }
0xa7: {  	v8 =	vadd.f32 v17, v8;
	v15 =	vmul.f32 v56, v15;
	v10 =	vmul.f32 v55, v10;
	v22 =	vld.idx.msk [tilespmem:v23+s11+$0x0], $0xffff  }
0xa8: {  	v51 =	vmul.f32 v40, v46;
	v4 =	vadd.f32 v34, v4;
	v3 =	vadd.f32 v16, v3;
	v23 =	vld.idx.msk [tilespmem:v23+s12+$0x0], $0xffff  }
0xa9: {  	v30 =	vmul.f32 v52, v45;
	v8 =	vadd.f32 v15, v8;
	v5 =	vadd.f32 v10, v5;
	v17 =	vld.idx.msk [tilespmem:v2+s11+$0x0], $0xffff  }
0xaa: {  	v21 =	vmul.f32 v58, v31;
	v9 =	vadd.f32 v53, v9;
	v12 =	vadd.f32 v51, v12;
	v2 =	vld.idx.msk [tilespmem:v2+s12+$0x0], $0xffff  }
0xab: {  	v14 =	vmul.f32 v19, v14;
	v4 =	vadd.f32 v26, v4;
	v7 =	vadd.f32 v30, v7  }
0xac: {  	v9 =	vadd.f32 v62, v9;
	v12 =	vadd.f32 v61, v12;
	v13 =	vmul.f32 v25, v13  }
0xad: {  	v7 =	vadd.f32 v14, v7;
	v14 =	vmul.f32 v18, v27;
	v10 =	vmul.f32 v28, v63  }
0xae: {  	v11 =	vmul.f32 v11, v24;
	v8 =	vadd.f32 v13, v8;
	v13 =	vmul.f32 v23, v22  }
0xaf: {  	v12 =	vadd.f32 v21, v12;
	v5 =	vadd.f32 v10, v5;
	v2 =	vmul.f32 v2, v17  }
0xb0: {  	v7 =	vadd.f32 v13, v7;
	v8 =	vadd.f32 v11, v8  }
0xb1: {  	v3 =	vadd.f32 v14, v3;
	v5 =	vadd.f32 v2, v5  }
0xb2: {  	v2 =	vlaneseq.u32;
	v6 =	vadd.f32 v7, v6;
	v4 =	vadd.f32 v4, v8  }
0xb3: {  	v7 =	vadd.f32 v9, v12;
	v3 =	vadd.f32 v5, v3;
	v5 =	vadd.s32 $0x4, v2  }
0xb4: {  	v5 =	vand.u32 $0xFF, v5;
	v4 =	vadd.f32 v4, v6  }
0xb5: {  	v6 =	vadd.s32 $0x1, v2;
	v3 =	vadd.f32 v3, v7;
	v5 =	vor.u32 v1, v5  }
0xb6: {  	v7 =	vadd.s32 $0x5, v2;
	v6 =	vand.u32 $0xFF, v6  }
0xb7: {  	v14 =	vor.u32 v1, v6;
	v3 =	vadd.f32 v3, v4;
	v4 =	vand.u32 $0xFF, v7  }
0xb8: {  	v10 =	vadd.s32 $0x6, v2;
	v6 =	vand.u32 $0xFF, v2;
	v22 =	vor.u32 v1, v4  }
0xb9: {  	v13 =	vadd.s32 $0x8, v2;
	v7 =	vor.u32 v1, v6;
	v6 =	vadd.s32 $0x7, v2;
	[tilespmem:s21+$0x2800] =	vst v3  }
0xba: {  	v8 =	vadd.s32 $0x3, v2;
	v10 =	vand.u32 $0xFF, v10;
	v6 =	vand.u32 $0xFF, v6;
	v15 =	vld.idx.msk [tilespmem:v5+s11+$0x0], $0xffff  }
0xbb: {  	v31 =	vor.u32 v1, v10;
	v4 =	vand.u32 $0x7, v2;
	v19 =	vld.idx.msk [tilespmem:v5+s12+$0x0], $0xffff;
	v9 =	vor.u32 v1, v6  }
0xbc: {  	v10 =	vand.u32 $0xF8, v13;
	v3 =	vadd.s32 $0x18, v2;
	v4 =	vor.u32 v1, v4;
	v11 =	vld.idx.msk [tilespmem:v14+s12+$0x0], $0xffff  }
0xbd: {  	v8 =	vand.u32 $0xFF, v8;
	v3 =	vand.u32 $0xF8, v3;
	v24 =	vor.u32 v10, v4;
	v18 =	vld.idx.msk [tilespmem:v22+s11+$0x0], $0xffff  }
0xbe: {  	v30 =	vor.u32 v1, v8;
	v5 =	vadd.s32 $0x10, v2;
	v3 =	vor.u32 v3, v4;
	v8 =	vld.idx.msk [tilespmem:v7+s12+$0x0], $0xffff  }
0xbf: {  	v5 =	vand.u32 $0xF8, v5;
	v7 =	vld.idx.msk [tilespmem:v7+s11+$0x0], $0xffff  }
0xc0: {  	v12 =	vadd.s32 $0x2, v2;
	v5 =	vor.u32 v5, v4;
	v20 =	vld.idx.msk [tilespmem:v9+s11+$0x0], $0xffff  }
0xc1: {  	v33 =	vadd.s32 $0xD, v2;
	v12 =	vand.u32 $0xFF, v12;
	v21 =	vld.idx.msk [tilespmem:v9+s12+$0x0], $0xffff  }
0xc2: {  	v34 =	vadd.s32 $0xF, v2;
	v13 =	vadd.s32 $0xE, v2;
	v17 =	vor.u32 v1, v12;
	v29 =	vld.idx.msk [tilespmem:v24+s11+$0x0], $0xffff  }
0xc3: {  	v12 =	vimm.f32 $0.0e+00;
	v6 =	vimm.f32 $0.0e+00;
	v10 =	vadd.s32 $0x20, v2;
	v23 =	vld.idx.msk [tilespmem:v3+s12+$0x0], $0xffff  }
0xc4: {  	v4 =	vadd.s32 $0xB, v2;
	v9 =	vimm.f32 $0.0e+00;
	v25 =	vld.idx.msk [tilespmem:v3+s11+$0x0], $0xffff;
	v3 =	vand.u32 $0xFF, v13  }
0xc5: {  	v16 =	vor.u32 v1, v3;
	v3 =	vand.u32 $0xFF, v4;
	v26 =	vld.idx.msk [tilespmem:v5+s12+$0x0], $0xffff;
	v4 =	vimm.f32 $0.0e+00  }
0xc6: {  	v27 =	vld.idx.msk [tilespmem:v5+s11+$0x0], $0xffff;
	v5 =	vimm.f32 $0.0e+00;
	v32 =	vor.u32 v1, v3;
	v28 =	vmul.f32 v8, v7  }
0xc7: {  	s22 =	simm.s32 $0x0;
	v13 =	vld.idx.msk [tilespmem:v30+s11+$0x0], $0xffff;
	v3 =	vimm.f32 $0.0e+00;
	v7 =	vimm.f32 $0.0e+00;
	v8 =	vimm.f32 $0.0e+00  }
.LBB2_5:
0xc8: {  	s22 =	sadd.s32 $0x4, s22;
	v35 =	vld.idx.msk [tilespmem:v31+s11+$0x0], $0xffff;
	v36 =	vadd.s32 $0xC, v2;
	v34 =	vand.u32 $0xFF, v34;
	v37 =	vadd.s32 $0x13, v2  }
0xc9: {  	p0 =	slt.u32 s22, $0x1C;
	v38 =	vld.idx.msk [tilespmem:v24+s12+$0x0], $0xffff;
	v36 =	vand.u32 $0xFF, v36;
	v24 =	vor.u32 v1, v34;
	v34 =	vand.u32 $0xFF, v37  }
0xca: {  	v33 =	vand.u32 $0xFF, v33;
	v31 =	vld.idx.msk [tilespmem:v31+s12+$0x0], $0xffff;
	v36 =	vor.u32 v1, v36;
	v34 =	vor.u32 v1, v34  }
0xcb: {  	v33 =	vor.u32 v1, v33;
	v30 =	vld.idx.msk [tilespmem:v30+s12+$0x0], $0xffff  }
0xcc: {  	v39 =	vadd.s32 $0x14, v2;
	v40 =	vadd.s32 $0x1D, v2;
	v20 =	vmul.f32 v21, v20;
	v37 =	vld.idx.msk [tilespmem:v16+s12+$0x0], $0xffff  }
0xcd: {  	v6 =	vadd.f32 v28, v6;
	v21 =	vadd.s32 $0x15, v2;
	v28 =	vld.idx.msk [tilespmem:v32+s12+$0x0], $0xffff  }
0xce: {  	v23 =	vmul.f32 v23, v25;
	v21 =	vand.u32 $0xFF, v21;
	v32 =	vld.idx.msk [tilespmem:v32+s11+$0x0], $0xffff  }
0xcf: {  	v26 =	vmul.f32 v26, v27;
	v27 =	vor.u32 v1, v21;
	v25 =	vmul.f32 v38, v29;
	v22 =	vld.idx.msk [tilespmem:v22+s12+$0x0], $0xffff  }
0xd0: {  	v29 =	vmul.f32 v31, v35;
	v31 =	vadd.s32 $0x9, v2;
	v21 =	vld.idx.msk [tilespmem:v24+s11+$0x0], $0xffff  }
0xd1: {  	v6 =	vadd.f32 v25, v6;
	v25 =	vand.u32 $0xFF, v31;
	v31 =	vld.idx.msk [tilespmem:v34+s12+$0x0], $0xffff  }
0xd2: {  	v38 =	vand.u32 $0xFF, v40;
	v35 =	vld.idx.msk [tilespmem:v33+s12+$0x0], $0xffff  }
0xd3: {  	v15 =	vmul.f32 v19, v15;
	v19 =	vor.u32 v1, v38;
	v6 =	vadd.f32 v26, v6;
	v40 =	vld.idx.msk [tilespmem:v17+s11+$0x0], $0xffff  }
0xd4: {  	v25 =	vor.u32 v1, v25;
	v26 =	vmul.f32 v28, v32;
	v28 =	vld.idx.msk [tilespmem:v33+s11+$0x0], $0xffff  }
0xd5: {  	v12 =	vadd.f32 v15, v12;
	v15 =	vmul.f32 v22, v18;
	v22 =	vand.u32 $0xFF, v39;
	v18 =	vld.idx.msk [tilespmem:v36+s11+$0x0], $0xffff  }
0xd6: {  	v6 =	vadd.f32 v23, v6;
	v22 =	vor.u32 v1, v22;
	v32 =	vld.idx.msk [tilespmem:v27+s12+$0x0], $0xffff  }
0xd7: {  	v23 =	vadd.s32 $0xA, v2;
	v14 =	vld.idx.msk [tilespmem:v14+s11+$0x0], $0xffff  }
0xd8: {  	v9 =	vadd.f32 v15, v9;
	v15 =	vand.u32 $0xFF, v23;
	v23 =	vld.idx.msk [tilespmem:v27+s11+$0x0], $0xffff  }
0xd9: {  	v33 =	vadd.s32 $0x1C, v2;
	v15 =	vor.u32 v1, v15;
	v27 =	vld.idx.msk [tilespmem:v36+s12+$0x0], $0xffff  }
0xda: {  	v33 =	vand.u32 $0xFF, v33;
	v28 =	vmul.f32 v35, v28;
	v35 =	vld.idx.msk [tilespmem:v19+s12+$0x0], $0xffff  }
0xdb: {  	v38 =	vadd.s32 $0x1B, v2;
	v33 =	vor.u32 v1, v33;
	v36 =	vld.idx.msk [tilespmem:v25+s12+$0x0], $0xffff  }
0xdc: {  	v9 =	vadd.f32 v28, v9;
	v28 =	vld.idx.msk [tilespmem:v34+s11+$0x0], $0xffff;
	v34 =	vand.u32 $0xFF, v38  }
0xdd: {  	v11 =	vmul.f32 v11, v14;
	v14 =	vld.idx.msk [tilespmem:v22+s12+$0x0], $0xffff;
	v34 =	vor.u32 v1, v34  }
0xde: {  	v38 =	vadd.s32 $0x11, v2;
	v23 =	vmul.f32 v32, v23;
	v32 =	vadd.s32 $0x16, v2;
	v17 =	vld.idx.msk [tilespmem:v17+s12+$0x0], $0xffff  }
0xdf: {  	v18 =	vmul.f32 v27, v18;
	v27 =	vand.u32 $0xFF, v38;
	v32 =	vand.u32 $0xFF, v32;
	v22 =	vld.idx.msk [tilespmem:v22+s11+$0x0], $0xffff  }
0xe0: {  	v27 =	vor.u32 v1, v27;
	v9 =	vadd.f32 v23, v9;
	v23 =	vor.u32 v1, v32;
	v38 =	vld.idx.msk [tilespmem:v15+s12+$0x0], $0xffff  }
0xe1: {  	v12 =	vadd.f32 v18, v12;
	v25 =	vld.idx.msk [tilespmem:v25+s11+$0x0], $0xffff  }
0xe2: {  	v18 =	vmul.f32 v31, v28;
	v28 =	vld.idx.msk [tilespmem:v33+s12+$0x0], $0xffff  }
0xe3: {  	v19 =	vld.idx.msk [tilespmem:v19+s11+$0x0], $0xffff  }
0xe4: {  	v13 =	vmul.f32 v30, v13;
	v17 =	vmul.f32 v17, v40;
	v30 =	vld.idx.msk [tilespmem:v34+s12+$0x0], $0xffff  }
0xe5: {  	v14 =	vmul.f32 v14, v22;
	v22 =	vadd.s32 $0x1E, v2;
	v16 =	vld.idx.msk [tilespmem:v16+s11+$0x0], $0xffff  }
0xe6: {  	v4 =	vadd.f32 v13, v4;
	v22 =	vand.u32 $0xFF, v22;
	v13 =	vld.idx.msk [tilespmem:v34+s11+$0x0], $0xffff  }
0xe7: {  	v25 =	vmul.f32 v36, v25;
	v12 =	vadd.f32 v14, v12;
	v22 =	vor.u32 v1, v22;
	v14 =	vld.idx.msk [tilespmem:v23+s12+$0x0], $0xffff  }
0xe8: {  	v4 =	vadd.f32 v26, v4;
	v26 =	vld.idx.msk [tilespmem:v27+s12+$0x0], $0xffff  }
0xe9: {  	v31 =	vadd.s32 $0x12, v2;
	v19 =	vmul.f32 v35, v19;
	v23 =	vld.idx.msk [tilespmem:v23+s11+$0x0], $0xffff  }
0xea: {  	v31 =	vand.u32 $0xFF, v31;
	v32 =	vld.idx.msk [tilespmem:v33+s11+$0x0], $0xffff  }
0xeb: {  	v31 =	vor.u32 v1, v31;
	v4 =	vadd.f32 v18, v4;
	v9 =	vadd.f32 v19, v9;
	v15 =	vld.idx.msk [tilespmem:v15+s11+$0x0], $0xffff  }
0xec: {  	v18 =	vadd.s32 $0x19, v2;
	v16 =	vmul.f32 v37, v16;
	v13 =	vmul.f32 v30, v13;
	v19 =	vld.idx.msk [tilespmem:v22+s12+$0x0], $0xffff  }
0xed: {  	v3 =	vadd.f32 v29, v3;
	v29 =	vadd.s32 $0x17, v2;
	v18 =	vand.u32 $0xFF, v18;
	v27 =	vld.idx.msk [tilespmem:v27+s11+$0x0], $0xffff  }
0xee: {  	v7 =	vadd.f32 v11, v7;
	v11 =	vor.u32 v1, v18;
	v4 =	vadd.f32 v13, v4;
	v13 =	vld.idx.msk [tilespmem:v22+s11+$0x0], $0xffff  }
0xef: {  	v18 =	vand.u32 $0xFF, v29;
	v3 =	vadd.f32 v16, v3;
	v22 =	vadd.s32 $0x1F, v2;
	v16 =	vld.idx.msk [tilespmem:v24+s12+$0x0], $0xffff  }
0xf0: {  	v8 =	vadd.f32 v17, v8;
	v18 =	vor.u32 v1, v18;
	v14 =	vmul.f32 v14, v23;
	v17 =	vld.idx.msk [tilespmem:v31+s11+$0x0], $0xffff  }
0xf1: {  	v7 =	vadd.f32 v25, v7;
	v24 =	vadd.s32 $0x1A, v2;
	v25 =	vmul.f32 v28, v32;
	v2 =	vmovc v10;
	v23 =	vld.idx.msk [tilespmem:v31+s12+$0x0], $0xffff  }
0xf2: {  	v15 =	vmul.f32 v38, v15;
	v3 =	vadd.f32 v14, v3;
	v14 =	vand.u32 $0xFF, v24  }
0xf3: {  	v14 =	vor.u32 v1, v14;
	v12 =	vadd.f32 v25, v12;
	v24 =	vmul.f32 v26, v27;
	v26 =	vld.idx.msk [tilespmem:v11+s11+$0x0], $0xffff  }
0xf4: {  	v5 =	vadd.f32 v20, v5;
	v13 =	vmul.f32 v19, v13;
	v19 =	vand.u32 $0xFF, v22;
	v11 =	vld.idx.msk [tilespmem:v11+s12+$0x0], $0xffff  }
0xf5: {  	v8 =	vadd.f32 v15, v8;
	v7 =	vadd.f32 v24, v7;
	v19 =	vor.u32 v1, v19;
	v15 =	vld.idx.msk [tilespmem:v18+s11+$0x0], $0xffff  }
0xf6: {  	v20 =	vadd.s32 $0x10, v10;
	v22 =	vadd.s32 $0x18, v10;
	v16 =	vmul.f32 v16, v21;
	v18 =	vld.idx.msk [tilespmem:v18+s12+$0x0], $0xffff  }
0xf7: {  	v21 =	vadd.s32 $0x8, v10;
	v24 =	vand.u32 $0x7, v10;
	v3 =	vadd.f32 v13, v3  }
0xf8: {  	v25 =	vadd.s32 $0x3, v10;
	v13 =	vand.u32 $0xFF, v10;
	v17 =	vmul.f32 v23, v17;
	v23 =	vld.idx.msk [tilespmem:v14+s12+$0x0], $0xffff  }
0xf9: {  	v28 =	vadd.s32 $0x7, v10;
	v27 =	vadd.s32 $0x6, v10;
	v5 =	vadd.f32 v16, v5;
	v16 =	vld.idx.msk [tilespmem:v14+s11+$0x0], $0xffff  }
0xfa: {  	v29 =	vadd.s32 $0x5, v10;
	v8 =	vadd.f32 v17, v8;
	v14 =	vadd.s32 $0x4, v10;
	v17 =	vld.idx.msk [tilespmem:v19+s11+$0x0], $0xffff  }
0xfb: {  	v30 =	vadd.s32 $0x1, v10;
	v31 =	vadd.s32 $0x2, v10;
	v11 =	vmul.f32 v11, v26;
	v19 =	vld.idx.msk [tilespmem:v19+s12+$0x0], $0xffff  }
0xfc: {  	v26 =	vand.u32 $0xFF, v31;
	v14 =	vand.u32 $0xFF, v14;
	v15 =	vmul.f32 v18, v15  }
0xfd: {  	v18 =	vand.u32 $0xFF, v30;
	v32 =	vor.u32 v1, v14;
	v30 =	vand.u32 $0xF8, v22  }
0xfe: {  	v7 =	vadd.f32 v11, v7;
	v14 =	vor.u32 v1, v18;
	v18 =	vand.u32 $0xFF, v29  }
0xff: {  	v25 =	vand.u32 $0xFF, v25;
	v22 =	vor.u32 v1, v18;
	v16 =	vmul.f32 v23, v16  }
0x100: {  	v11 =	vand.u32 $0xFF, v27;
	v5 =	vadd.f32 v15, v5;
	v23 =	vor.u32 v1, v24  }
0x101: {  	v13 =	vor.u32 v1, v13;
	v31 =	vor.u32 v1, v11;
	v18 =	vmul.f32 v19, v17  }
0x102: {  	v17 =	vor.u32 v1, v26;
	v19 =	vand.u32 $0xFF, v28;
	v26 =	vor.u32 v30, v23;
	v15 =	vld.idx.msk [tilespmem:v32+s11+$0x0], $0xffff  }
0x103: {  	v30 =	vor.u32 v1, v25;
	v8 =	vadd.f32 v16, v8;
	v29 =	vor.u32 v1, v19;
	v11 =	vld.idx.msk [tilespmem:v14+s12+$0x0], $0xffff  }
0x104: {  	v16 =	vand.u32 $0xF8, v21;
	v5 =	vadd.f32 v18, v5;
	v19 =	vld.idx.msk [tilespmem:v32+s12+$0x0], $0xffff  }
0x105: {  	v24 =	vor.u32 v16, v23;
	v18 =	vld.idx.msk [tilespmem:v22+s11+$0x0], $0xffff  }
0x106: {  	v16 =	vand.u32 $0xF8, v20;
	v21 =	vld.idx.msk [tilespmem:v13+s12+$0x0], $0xffff  }
0x107: {  	v27 =	vor.u32 v16, v23;
	v28 =	vld.idx.msk [tilespmem:v13+s11+$0x0], $0xffff  }
0x108: {  	v23 =	vld.idx.msk [tilespmem:v26+s12+$0x0], $0xffff  }
0x109: {  	v13 =	vadd.s32 $0xE, v10;
	v25 =	vld.idx.msk [tilespmem:v26+s11+$0x0], $0xffff  }
0x10a: {  	v16 =	vand.u32 $0xFF, v13;
	v20 =	vld.idx.msk [tilespmem:v29+s11+$0x0], $0xffff  }
.Ltmp1:
0x10b: {  	v26 =	vadd.s32 $0xB, v10;
	v16 =	vor.u32 v1, v16;
	v13 =	vld.idx.msk [tilespmem:v30+s11+$0x0], $0xffff;
	(pc) =	sbr.rel @p0 .LBB2_5-.Ltmp1, $4  }
0x10c: {  	v32 =	vand.u32 $0xFF, v26;
	v26 =	vld.idx.msk [tilespmem:v27+s12+$0x0], $0xffff  }
0x10d: {  	v32 =	vor.u32 v1, v32;
	v27 =	vld.idx.msk [tilespmem:v27+s11+$0x0], $0xffff  }
0x10e: {  	v28 =	vmul.f32 v21, v28;
	v21 =	vld.idx.msk [tilespmem:v29+s12+$0x0], $0xffff  }
0x10f: {  	v33 =	vadd.s32 $0xD, v2;
	v34 =	vadd.s32 $0xF, v2;
	v10 =	vadd.s32 $0x20, v10;
	v29 =	vld.idx.msk [tilespmem:v24+s11+$0x0], $0xffff  }
0x110: {  	_ =	sdelay $0x3  }
0x111: {  	v35 =	vld.idx.msk [tilespmem:v31+s11+$0x0], $0xffff  }
0x112: {  	v24 =	vld.idx.msk [tilespmem:v24+s12+$0x0], $0xffff  }
0x113: {  	v31 =	vld.idx.msk [tilespmem:v31+s12+$0x0], $0xffff  }
0x114: {  	v30 =	vld.idx.msk [tilespmem:v30+s12+$0x0], $0xffff  }
0x115: {  	v37 =	vld.idx.msk [tilespmem:v16+s12+$0x0], $0xffff  }
0x116: {  	v38 =	vld.idx.msk [tilespmem:v32+s12+$0x0], $0xffff  }
0x117: {  	v10 =	vand.u32 $0xFF, v34;
	v63 =	vld.idx.msk [tilespmem:v32+s11+$0x0], $0xffff  }
0x118: {  	v33 =	vand.u32 $0xFF, v33;
	v22 =	vld.idx.msk [tilespmem:v22+s12+$0x0], $0xffff;
	v36 =	vor.u32 v1, v10  }
0x119: {  	v62 =	vadd.s32 $0x13, v2;
	v44 =	vld.idx.msk [tilespmem:v17+s11+$0x0], $0xffff;
	v33 =	vor.u32 v1, v33  }
0x11a: {  	v39 =	vadd.s32 $0x15, v2;
	v14 =	vld.idx.msk [tilespmem:v14+s11+$0x0], $0xffff;
	v10 =	vand.u32 $0xFF, v62  }
0x11b: {  	v17 =	vld.idx.msk [tilespmem:v17+s12+$0x0], $0xffff;
	v39 =	vand.u32 $0xFF, v39;
	v34 =	vor.u32 v1, v10;
	v10 =	vadd.s32 $0xC, v2  }
0x11c: {  	v43 =	vadd.s32 $0x1D, v2;
	v16 =	vld.idx.msk [tilespmem:v16+s11+$0x0], $0xffff;
	v39 =	vor.u32 v1, v39;
	v10 =	vand.u32 $0xFF, v10  }
0x11d: {  	v45 =	vadd.s32 $0x9, v2;
	v43 =	vand.u32 $0xFF, v43;
	v40 =	vor.u32 v1, v10;
	v10 =	vld.idx.msk [tilespmem:v36+s11+$0x0], $0xffff  }
0x11e: {  	v45 =	vand.u32 $0xFF, v45;
	v43 =	vor.u32 v1, v43;
	v42 =	vld.idx.msk [tilespmem:v33+s12+$0x0], $0xffff  }
0x11f: {  	v47 =	vadd.s32 $0x14, v2;
	v45 =	vor.u32 v1, v45;
	v33 =	vld.idx.msk [tilespmem:v33+s11+$0x0], $0xffff  }
0x120: {  	v47 =	vand.u32 $0xFF, v47;
	v41 =	vld.idx.msk [tilespmem:v34+s12+$0x0], $0xffff  }
0x121: {  	v49 =	vadd.s32 $0xA, v2;
	v47 =	vor.u32 v1, v47;
	v48 =	vld.idx.msk [tilespmem:v39+s12+$0x0], $0xffff  }
0x122: {  	v49 =	vand.u32 $0xFF, v49;
	v39 =	vld.idx.msk [tilespmem:v39+s11+$0x0], $0xffff  }
0x123: {  	v51 =	vadd.s32 $0x1C, v2;
	v49 =	vor.u32 v1, v49;
	v50 =	vld.idx.msk [tilespmem:v43+s12+$0x0], $0xffff  }
0x124: {  	v51 =	vand.u32 $0xFF, v51;
	v52 =	vld.idx.msk [tilespmem:v45+s12+$0x0], $0xffff  }
0x125: {  	v53 =	vadd.s32 $0x1B, v2;
	v51 =	vor.u32 v1, v51;
	v34 =	vld.idx.msk [tilespmem:v34+s11+$0x0], $0xffff  }
0x126: {  	v53 =	vand.u32 $0xFF, v53;
	v54 =	vld.idx.msk [tilespmem:v47+s12+$0x0], $0xffff  }
0x127: {  	v55 =	vadd.s32 $0x16, v2;
	v53 =	vor.u32 v1, v53;
	v47 =	vld.idx.msk [tilespmem:v47+s11+$0x0], $0xffff  }
0x128: {  	v57 =	vadd.s32 $0x11, v2;
	v55 =	vand.u32 $0xFF, v55;
	v56 =	vld.idx.msk [tilespmem:v49+s12+$0x0], $0xffff  }
0x129: {  	v57 =	vand.u32 $0xFF, v57;
	v55 =	vor.u32 v1, v55;
	v45 =	vld.idx.msk [tilespmem:v45+s11+$0x0], $0xffff  }
0x12a: {  	v57 =	vor.u32 v1, v57;
	v58 =	vld.idx.msk [tilespmem:v51+s12+$0x0], $0xffff  }
0x12b: {  	v43 =	vld.idx.msk [tilespmem:v43+s11+$0x0], $0xffff  }
0x12c: {  	v6 =	vadd.f32 v28, v6;
	v24 =	vmul.f32 v24, v29;
	v59 =	vld.idx.msk [tilespmem:v53+s12+$0x0], $0xffff  }
0x12d: {  	v23 =	vmul.f32 v23, v25;
	v25 =	vmul.f32 v26, v27;
	v26 =	vld.idx.msk [tilespmem:v53+s11+$0x0], $0xffff  }
0x12e: {  	v6 =	vadd.f32 v24, v6;
	v24 =	vld.idx.msk [tilespmem:v55+s12+$0x0], $0xffff  }
0x12f: {  	v15 =	vmul.f32 v19, v15;
	v61 =	vadd.s32 $0x17, v2;
	v19 =	vld.idx.msk [tilespmem:v57+s12+$0x0], $0xffff  }
0x130: {  	v28 =	vadd.s32 $0x1E, v2;
	v13 =	vmul.f32 v30, v13;
	v30 =	vand.u32 $0xFF, v61;
	v29 =	vld.idx.msk [tilespmem:v55+s11+$0x0], $0xffff  }
0x131: {  	v27 =	vand.u32 $0xFF, v28;
	v28 =	vmul.f32 v31, v35;
	v30 =	vor.u32 v1, v30;
	v31 =	vld.idx.msk [tilespmem:v51+s11+$0x0], $0xffff  }
0x132: {  	v60 =	vadd.s32 $0x19, v2;
	v12 =	vadd.f32 v15, v12;
	v15 =	vld.idx.msk [tilespmem:v49+s11+$0x0], $0xffff  }
0x133: {  	v27 =	vor.u32 v1, v27;
	v18 =	vmul.f32 v22, v18;
	v11 =	vmul.f32 v11, v14;
	v14 =	vld.idx.msk [tilespmem:v57+s11+$0x0], $0xffff  }
0x134: {  	v20 =	vmul.f32 v21, v20;
	v46 =	vld.idx.msk [tilespmem:v40+s11+$0x0], $0xffff;
	v6 =	vadd.f32 v25, v6;
	v25 =	vadd.s32 $0x12, v2  }
0x135: {  	v22 =	vmul.f32 v38, v63;
	v9 =	vadd.f32 v18, v9;
	v40 =	vld.idx.msk [tilespmem:v40+s12+$0x0], $0xffff;
	v25 =	vand.u32 $0xFF, v25  }
0x136: {  	v3 =	vadd.f32 v28, v3;
	v18 =	vmul.f32 v42, v33;
	v25 =	vor.u32 v1, v25;
	v49 =	vld.idx.msk [tilespmem:v30+s11+$0x0], $0xffff  }
0x137: {  	v6 =	vadd.f32 v23, v6;
	v23 =	vand.u32 $0xFF, v60;
	v42 =	vadd.s32 $0x1A, v2;
	v28 =	vld.idx.msk [tilespmem:v30+s12+$0x0], $0xffff  }
0x138: {  	v2 =	vadd.s32 $0x1F, v2;
	v23 =	vor.u32 v1, v23;
	v9 =	vadd.f32 v18, v9;
	v18 =	vld.idx.msk [tilespmem:v27+s12+$0x0], $0xffff  }
0x139: {  	v17 =	vmul.f32 v17, v44;
	v16 =	vmul.f32 v37, v16;
	v2 =	vand.u32 $0xFF, v2;
	v27 =	vld.idx.msk [tilespmem:v27+s11+$0x0], $0xffff  }
0x13a: {  	v5 =	vadd.f32 v20, v5;
	v2 =	vor.u32 v1, v2;
	v62 =	vmul.f32 v40, v46;
	v40 =	vld.idx.msk [tilespmem:v36+s12+$0x0], $0xffff  }
0x13b: {  	v4 =	vadd.f32 v13, v4;
	v7 =	vadd.f32 v11, v7;
	v46 =	vand.u32 $0xFF, v42;
	v13 =	vld.idx.msk [tilespmem:v25+s11+$0x0], $0xffff  }
0x13c: {  	v63 =	vmul.f32 v48, v39;
	v34 =	vmul.f32 v41, v34;
	v33 =	vor.u32 v1, v46;
	v25 =	vld.idx.msk [tilespmem:v25+s12+$0x0], $0xffff  }
0x13d: {  	v4 =	vadd.f32 v22, v4;
	v47 =	vmul.f32 v54, v47;
	v48 =	vmul.f32 v50, v43;
	v22 =	vld.idx.msk [tilespmem:v23+s11+$0x0], $0xffff  }
0x13e: {  	v8 =	vadd.f32 v17, v8;
	v26 =	vmul.f32 v59, v26;
	v30 =	vmul.f32 v52, v45;
	v23 =	vld.idx.msk [tilespmem:v23+s12+$0x0], $0xffff  }
0x13f: {  	v3 =	vadd.f32 v16, v3;
	v16 =	vmul.f32 v24, v29;
	v15 =	vmul.f32 v56, v15;
	v17 =	vld.idx.msk [tilespmem:v2+s11+$0x0], $0xffff  }
0x140: {  	v21 =	vmul.f32 v58, v31;
	v4 =	vadd.f32 v34, v4;
	v7 =	vadd.f32 v30, v7;
	v2 =	vld.idx.msk [tilespmem:v2+s12+$0x0], $0xffff  }
0x141: {  	v14 =	vmul.f32 v19, v14;
	v3 =	vadd.f32 v16, v3;
	v8 =	vadd.f32 v15, v8;
	v11 =	vld.idx.msk [tilespmem:v33+s12+$0x0], $0xffff  }
0x142: {  	v9 =	vadd.f32 v63, v9;
	v12 =	vadd.f32 v62, v12;
	v10 =	vmul.f32 v40, v10;
	v24 =	vld.idx.msk [tilespmem:v33+s11+$0x0], $0xffff  }
0x143: {  	v4 =	vadd.f32 v26, v4;
	v7 =	vadd.f32 v14, v7;
	v13 =	vmul.f32 v25, v13  }
0x144: {  	v9 =	vadd.f32 v48, v9;
	v5 =	vadd.f32 v10, v5;
	v10 =	vmul.f32 v28, v49  }
0x145: {  	v12 =	vadd.f32 v47, v12;
	v8 =	vadd.f32 v13, v8;
	v13 =	vmul.f32 v23, v22  }
0x146: {  	v14 =	vmul.f32 v18, v27;
	v5 =	vadd.f32 v10, v5;
	v2 =	vmul.f32 v2, v17  }
0x147: {  	v12 =	vadd.f32 v21, v12;
	v11 =	vmul.f32 v11, v24;
	v7 =	vadd.f32 v13, v7  }
0x148: {  	v3 =	vadd.f32 v14, v3;
	v2 =	vadd.f32 v2, v5  }
0x149: {  	v8 =	vadd.f32 v11, v8;
	v5 =	vadd.f32 v7, v6  }
0x14a: {  	v6 =	vadd.f32 v9, v12;
	v2 =	vadd.f32 v2, v3;
	v12 =	vlaneseq.u32  }
0x14b: {  	v3 =	vor.u32 $0x2000, v0;
	v10 =	vadd.s32 $0x1C, v12;
	v4 =	vadd.f32 v4, v8  }
0x14c: {  	v13 =	vadd.s32 $0xC, v12;
	v2 =	vadd.f32 v2, v6;
	v10 =	vand.u32 $0xFF, v10  }
0x14d: {  	v13 =	vand.u32 $0xFF, v13;
	v10 =	vor.u32 v3, v10;
	v4 =	vadd.f32 v4, v5  }
0x14e: {  	v13 =	vor.u32 v3, v13  }
0x14f: {  	v15 =	vadd.s32 $0x1E, v12;
	v4 =	vadd.f32 v2, v4  }
0x150: {  	v15 =	vand.u32 $0xFF, v15  }
0x151: {  	v18 =	vadd.s32 $0x1D, v12;
	v15 =	vor.u32 v3, v15;
	[tilespmem:s21+$0x2810] =	vst v4  }
0x152: {  	v21 =	vadd.s32 $0x3, v12;
	v18 =	vand.u32 $0xFF, v18;
	v20 =	vld.idx.msk [tilespmem:v10+s11+$0x0], $0xffff  }
0x153: {  	v23 =	vadd.s32 $0x5, v12;
	v21 =	vand.u32 $0xFF, v21;
	v18 =	vor.u32 v3, v18;
	v22 =	vld.idx.msk [tilespmem:v13+s11+$0x0], $0xffff  }
0x154: {  	v23 =	vand.u32 $0xFF, v23;
	v21 =	vor.u32 v3, v21;
	v10 =	vld.idx.msk [tilespmem:v10+s12+$0x0], $0xffff  }
0x155: {  	v23 =	vor.u32 v3, v23;
	v13 =	vld.idx.msk [tilespmem:v13+s12+$0x0], $0xffff  }
0x156: {  	v27 =	vadd.s32 $0x9, v12;
	v24 =	vld.idx.msk [tilespmem:v15+s12+$0x0], $0xffff  }
0x157: {  	v25 =	vadd.s32 $0x6, v12;
	v30 =	vadd.s32 $0x8, v12;
	v27 =	vand.u32 $0xFF, v27;
	v26 =	vld.idx.msk [tilespmem:v15+s11+$0x0], $0xffff  }
0x158: {  	v31 =	vand.u32 $0x7, v12;
	v27 =	vor.u32 v3, v27;
	v15 =	vand.u32 $0xFF, v25;
	v25 =	vld.idx.msk [tilespmem:v18+s11+$0x0], $0xffff  }
0x159: {  	v51 =	vadd.s32 $0x7, v12;
	v30 =	vand.u32 $0xF8, v30;
	v31 =	vor.u32 v3, v31;
	v28 =	vld.idx.msk [tilespmem:v21+s12+$0x0], $0xffff  }
0x15a: {  	v33 =	vand.u32 $0xFF, v51;
	v30 =	vor.u32 v30, v31;
	v29 =	vld.idx.msk [tilespmem:v23+s11+$0x0], $0xffff  }
0x15b: {  	v33 =	vor.u32 v3, v33;
	v21 =	vld.idx.msk [tilespmem:v21+s11+$0x0], $0xffff  }
0x15c: {  	v57 =	vadd.s32 $0xF, v12;
	v23 =	vld.idx.msk [tilespmem:v23+s12+$0x0], $0xffff  }
0x15d: {  	v41 =	vand.u32 $0xFF, v57;
	v53 =	vld.idx.msk [tilespmem:v27+s12+$0x0], $0xffff  }
0x15e: {  	v41 =	vor.u32 v3, v41;
	v5 =	vand.u32 $0xFF, v12;
	v27 =	vld.idx.msk [tilespmem:v27+s11+$0x0], $0xffff  }
0x15f: {  	v6 =	vadd.s32 $0x1F, v12;
	v5 =	vor.u32 v3, v5;
	v37 =	vld.idx.msk [tilespmem:v30+s12+$0x0], $0xffff  }
0x160: {  	v6 =	vand.u32 $0xFF, v6;
	v2 =	vadd.s32 $0x1, v12;
	v56 =	vld.idx.msk [tilespmem:v33+s12+$0x0], $0xffff  }
0x161: {  	v8 =	vadd.s32 $0x4, v12;
	v7 =	vand.u32 $0xFF, v2;
	v2 =	vor.u32 v3, v6;
	v33 =	vld.idx.msk [tilespmem:v33+s11+$0x0], $0xffff  }
0x162: {  	v6 =	vor.u32 v3, v7;
	v7 =	vand.u32 $0xFF, v8;
	v18 =	vld.idx.msk [tilespmem:v18+s12+$0x0], $0xffff  }
0x163: {  	v4 =	vadd.s32 $0xB, v12;
	v7 =	vor.u32 v3, v7;
	v49 =	vld.idx.msk [tilespmem:v41+s11+$0x0], $0xffff  }
0x164: {  	v58 =	vadd.s32 $0x11, v12;
	v8 =	vadd.s32 $0x14, v12;
	v4 =	vand.u32 $0xFF, v4;
	v9 =	vld.idx.msk [tilespmem:v5+s12+$0x0], $0xffff  }
0x165: {  	v42 =	vand.u32 $0xFF, v58;
	v11 =	vor.u32 v3, v4;
	v4 =	vand.u32 $0xFF, v8;
	v8 =	vld.idx.msk [tilespmem:v5+s11+$0x0], $0xffff  }
0x166: {  	v42 =	vor.u32 v3, v42;
	v5 =	vld.idx.msk [tilespmem:v2+s12+$0x0], $0xffff  }
0x167: {  	v14 =	vor.u32 v3, v4;
	v4 =	vld.idx.msk [tilespmem:v6+s11+$0x0], $0xffff  }
0x168: {  	v15 =	vor.u32 v3, v15;
	v16 =	vld.idx.msk [tilespmem:v7+s11+$0x0], $0xffff  }
0x169: {  	v7 =	vld.idx.msk [tilespmem:v7+s12+$0x0], $0xffff  }
0x16a: {  	v13 =	vmul.f32 v13, v22;
	v22 =	vld.idx.msk [tilespmem:v41+s12+$0x0], $0xffff  }
0x16b: {  	v50 =	vadd.s32 $0x18, v12;
	v10 =	vmul.f32 v10, v20;
	v20 =	vld.idx.msk [tilespmem:v42+s11+$0x0], $0xffff  }
0x16c: {  	v60 =	vadd.s32 $0x12, v12;
	v32 =	vand.u32 $0xF8, v50;
	v17 =	vld.idx.msk [tilespmem:v11+s12+$0x0], $0xffff  }
0x16d: {  	v44 =	vand.u32 $0xFF, v60;
	v32 =	vor.u32 v32, v31;
	v34 =	vld.idx.msk [tilespmem:v15+s12+$0x0], $0xffff  }
0x16e: {  	v44 =	vor.u32 v3, v44;
	v52 =	vld.idx.msk [tilespmem:v15+s11+$0x0], $0xffff  }
0x16f: {  	v63 =	vadd.s32 $0x13, v12;
	v15 =	vadd.s32 $0xD, v12;
	v19 =	vld.idx.msk [tilespmem:v14+s12+$0x0], $0xffff  }
0x170: {  	v48 =	vmul.f32 v9, v8;
	v8 =	vand.u32 $0xFF, v63;
	v14 =	vld.idx.msk [tilespmem:v14+s11+$0x0], $0xffff;
	v15 =	vand.u32 $0xFF, v15  }
0x171: {  	v11 =	vld.idx.msk [tilespmem:v11+s11+$0x0], $0xffff;
	v9 =	vor.u32 v3, v8;
	v54 =	vor.u32 v3, v15;
	v15 =	vadd.s32 $0xE, v12  }
0x172: {  	v55 =	vand.u32 $0xFF, v15;
	v15 =	vld.idx.msk [tilespmem:v32+s11+$0x0], $0xffff  }
0x173: {  	v8 =	vadd.s32 $0x1B, v12;
	v7 =	vmul.f32 v7, v16;
	v16 =	vmul.f32 v28, v21;
	v21 =	vld.idx.msk [tilespmem:v44+s11+$0x0], $0xffff  }
0x174: {  	v26 =	vmul.f32 v24, v26;
	v24 =	vadd.s32 $0x15, v12;
	v8 =	vand.u32 $0xFF, v8;
	v28 =	vld.idx.msk [tilespmem:v44+s12+$0x0], $0xffff  }
0x175: {  	v50 =	vor.u32 v3, v8;
	v8 =	vand.u32 $0xFF, v24;
	v14 =	vmul.f32 v19, v14;
	v19 =	vld.idx.msk [tilespmem:v42+s12+$0x0], $0xffff  }
0x176: {  	v51 =	vor.u32 v3, v8;
	v8 =	vmul.f32 v53, v27;
	v27 =	vld.idx.msk [tilespmem:v9+s11+$0x0], $0xffff  }
0x177: {  	v39 =	vor.u32 v3, v55;
	v11 =	vmul.f32 v17, v11;
	v17 =	vld.idx.msk [tilespmem:v9+s12+$0x0], $0xffff  }
0x178: {  	v59 =	vld.idx.msk [tilespmem:v54+s11+$0x0], $0xffff  }
0x179: {  	v23 =	vmul.f32 v23, v29;
	v33 =	vmul.f32 v56, v33;
	v53 =	vadd.s32 $0x17, v12;
	v38 =	vld.idx.msk [tilespmem:v54+s12+$0x0], $0xffff  }
0x17a: {  	v24 =	vmul.f32 v34, v52;
	v52 =	vadd.s32 $0x16, v12;
	v35 =	vand.u32 $0xFF, v53;
	v54 =	vld.idx.msk [tilespmem:v50+s11+$0x0], $0xffff  }
0x17b: {  	v25 =	vmul.f32 v18, v25;
	v29 =	vand.u32 $0xFF, v52;
	v18 =	vor.u32 v3, v35;
	v56 =	vld.idx.msk [tilespmem:v50+s12+$0x0], $0xffff  }
0x17c: {  	v61 =	vadd.s32 $0x10, v12;
	v55 =	vadd.s32 $0x19, v12;
	v29 =	vor.u32 v3, v29;
	v62 =	vld.idx.msk [tilespmem:v39+s11+$0x0], $0xffff  }
0x17d: {  	v45 =	vand.u32 $0xF8, v61;
	v9 =	vimm.f32 $0.0e+00;
	v35 =	vand.u32 $0xFF, v55;
	v39 =	vld.idx.msk [tilespmem:v39+s12+$0x0], $0xffff  }
0x17e: {  	v58 =	vadd.s32 $0x2, v12;
	v35 =	vor.u32 v3, v35;
	v7 =	vadd.f32 v7, v9;
	v57 =	vld.idx.msk [tilespmem:v51+s11+$0x0], $0xffff  }
0x17f: {  	v60 =	vadd.s32 $0xA, v12;
	v31 =	vor.u32 v45, v31;
	v16 =	vadd.f32 v16, v9;
	v34 =	vld.idx.msk [tilespmem:v51+s12+$0x0], $0xffff  }
0x180: {  	v7 =	vadd.f32 v13, v7;
	v27 =	vmul.f32 v17, v27;
	v17 =	vmul.f32 v19, v20;
	v20 =	vld.idx.msk [tilespmem:v18+s11+$0x0], $0xffff  }
0x181: {  	v22 =	vmul.f32 v22, v49;
	v16 =	vadd.f32 v11, v16;
	v38 =	vmul.f32 v38, v59;
	v59 =	vld.idx.msk [tilespmem:v29+s11+$0x0], $0xffff  }
0x182: {  	v19 =	vadd.f32 v23, v9;
	v23 =	vand.u32 $0xFF, v60;
	v14 =	vadd.f32 v14, v7;
	v29 =	vld.idx.msk [tilespmem:v29+s12+$0x0], $0xffff  }
0x183: {  	v24 =	vadd.f32 v24, v9;
	v61 =	vor.u32 v3, v23;
	v63 =	vld.idx.msk [tilespmem:v35+s12+$0x0], $0xffff;
	v13 =	vadd.f32 v27, v16  }
0x184: {  	v16 =	vld.idx.msk [tilespmem:v18+s12+$0x0], $0xffff;
	v27 =	vmul.f32 v56, v54;
	v18 =	vmul.f32 v28, v21;
	v10 =	vadd.f32 v10, v14  }
0x185: {  	v21 =	vld.idx.msk [tilespmem:v30+s11+$0x0], $0xffff;
	v39 =	vmul.f32 v39, v62;
	v19 =	vadd.f32 v38, v19;
	v23 =	vmul.f32 v34, v57  }
0x186: {  	v42 =	vand.u32 $0xFF, v58;
	v62 =	vld.idx.msk [tilespmem:v35+s11+$0x0], $0xffff;
	v7 =	vadd.f32 v27, v13;
	v13 =	vadd.f32 v33, v9  }
0x187: {  	v11 =	vor.u32 v3, v42;
	v27 =	vld.idx.msk [tilespmem:v31+s11+$0x0], $0xffff;
	v24 =	vadd.f32 v39, v24;
	v19 =	vadd.f32 v23, v19  }
0x188: {  	v28 =	vmul.f32 v29, v59;
	v29 =	vld.idx.msk [tilespmem:v32+s12+$0x0], $0xffff;
	v22 =	vadd.f32 v22, v13;
	v13 =	vadd.s32 $0x1A, v12  }
0x189: {  	v23 =	vld.idx.msk [tilespmem:v61+s11+$0x0], $0xffff;
	v12 =	vadd.s32 $0x20, v12;
	v16 =	vmul.f32 v16, v20;
	v13 =	vand.u32 $0xFF, v13  }
0x18a: {  	v20 =	vadd.f32 v48, v9;
	v21 =	vmul.f32 v37, v21;
	v14 =	vadd.f32 v28, v24;
	v28 =	vld.idx.msk [tilespmem:v31+s12+$0x0], $0xffff  }
0x18b: {  	v30 =	vor.u32 v3, v13;
	v13 =	vadd.f32 v25, v19;
	v24 =	vld.idx.msk [tilespmem:v61+s12+$0x0], $0xffff;
	v19 =	vadd.f32 v16, v22  }
0x18c: {  	s22 =	simm.s32 $0x0;
	v25 =	vld.idx.msk [tilespmem:v11+s11+$0x0], $0xffff;
	v22 =	vmul.f32 v63, v62;
	v16 =	vimm.f32 $0.0e+00;
	v14 =	vadd.f32 v26, v14  }
.LBB2_7:
0x18d: {  	v26 =	vand.u32 $0xFF, v12;
	v31 =	vadd.s32 $0xD, v12;
	s22 =	sadd.s32 $0x4, s22;
	v11 =	vld.idx.msk [tilespmem:v11+s12+$0x0], $0xffff;
	v29 =	vmul.f32 v29, v15  }
0x18e: {  	v32 =	vadd.s32 $0x1, v12;
	v33 =	vadd.s32 $0x3, v12;
	v34 =	vadd.s32 $0x1F, v12;
	p0 =	slt.u32 s22, $0x1C;
	v35 =	vld.idx.msk [tilespmem:v6+s12+$0x0], $0xffff  }
0x18f: {  	v36 =	vadd.s32 $0x5, v12;
	v15 =	vand.u32 $0xFF, v31;
	v6 =	vand.u32 $0xFF, v34;
	v31 =	vld.idx.msk [tilespmem:v2+s11+$0x0], $0xffff  }
0x190: {  	v37 =	vadd.s32 $0xC, v12;
	v34 =	vadd.s32 $0xB, v12;
	v2 =	vadd.s32 $0x2, v12;
	v38 =	vld.idx.msk [tilespmem:v30+s11+$0x0], $0xffff  }
0x191: {  	v27 =	vmul.f32 v28, v27;
	v39 =	vand.u32 $0xFF, v2;
	v28 =	vld.idx.msk [tilespmem:v30+s12+$0x0], $0xffff  }
0x192: {  	v26 =	vor.u32 v3, v26;
	v30 =	vand.u32 $0xFF, v37;
	v37 =	vadd.s32 $0x1C, v12  }
0x193: {  	v40 =	vadd.s32 $0x14, v12;
	v34 =	vand.u32 $0xFF, v34;
	v25 =	vmul.f32 v11, v25  }
0x194: {  	v2 =	vor.u32 v3, v6;
	v11 =	vand.u32 $0xFF, v32;
	v32 =	vadd.s32 $0x4, v12  }
0x195: {  	v6 =	vor.u32 v3, v11;
	v11 =	vand.u32 $0xFF, v32;
	v31 =	vmul.f32 v5, v31  }
0x196: {  	v41 =	vadd.s32 $0x1D, v12;
	v34 =	vor.u32 v3, v34;
	v32 =	vor.u32 v3, v11  }
0x197: {  	v11 =	vor.u32 v3, v39;
	v5 =	vand.u32 $0xFF, v40;
	v28 =	vmul.f32 v28, v38;
	v42 =	vld.idx.msk [tilespmem:v26+s12+$0x0], $0xffff  }
0x198: {  	v33 =	vand.u32 $0xFF, v33;
	v9 =	vadd.f32 v25, v9;
	v38 =	vor.u32 v3, v5;
	v26 =	vld.idx.msk [tilespmem:v26+s11+$0x0], $0xffff  }
0x199: {  	v25 =	vor.u32 v3, v33;
	v33 =	vand.u32 $0xFF, v37;
	v37 =	vadd.s32 $0x1E, v12;
	v5 =	vld.idx.msk [tilespmem:v2+s12+$0x0], $0xffff  }
0x19a: {  	v35 =	vmul.f32 v35, v4;
	v39 =	vand.u32 $0xFF, v41;
	v33 =	vor.u32 v3, v33;
	v4 =	vld.idx.msk [tilespmem:v6+s11+$0x0], $0xffff  }
0x19b: {  	v36 =	vand.u32 $0xFF, v36;
	v30 =	vor.u32 v3, v30;
	v41 =	vadd.s32 $0x6, v12;
	v40 =	vld.idx.msk [tilespmem:v32+s11+$0x0], $0xffff  }
0x19c: {  	v36 =	vor.u32 v3, v36;
	v23 =	vmul.f32 v24, v23;
	v41 =	vand.u32 $0xFF, v41;
	v32 =	vld.idx.msk [tilespmem:v32+s12+$0x0], $0xffff  }
0x19d: {  	v39 =	vor.u32 v3, v39;
	v24 =	vand.u32 $0xFF, v37;
	v41 =	vor.u32 v3, v41;
	v43 =	vld.idx.msk [tilespmem:v34+s12+$0x0], $0xffff  }
0x19e: {  	v37 =	vadd.s32 $0x9, v12;
	v16 =	vadd.f32 v35, v16;
	v45 =	vor.u32 v3, v24;
	v44 =	vld.idx.msk [tilespmem:v38+s12+$0x0], $0xffff  }
0x19f: {  	v20 =	vadd.f32 v21, v20;
	v24 =	vand.u32 $0xFF, v37;
	v19 =	vadd.f32 v31, v19;
	v35 =	vld.idx.msk [tilespmem:v33+s11+$0x0], $0xffff  }
0x1a0: {  	v21 =	vadd.s32 $0xA, v12;
	v9 =	vadd.f32 v23, v9;
	v31 =	vor.u32 v3, v24;
	v37 =	vld.idx.msk [tilespmem:v30+s11+$0x0], $0xffff  }
0x1a1: {  	v23 =	vand.u32 $0xFF, v21;
	v8 =	vadd.f32 v8, v16;
	v16 =	vadd.f32 v27, v20;
	v33 =	vld.idx.msk [tilespmem:v33+s12+$0x0], $0xffff  }
0x1a2: {  	v21 =	vand.u32 $0x7, v12;
	v20 =	vadd.s32 $0x8, v12;
	v9 =	vadd.f32 v18, v9;
	v27 =	vld.idx.msk [tilespmem:v30+s12+$0x0], $0xffff  }
0x1a3: {  	v18 =	vand.u32 $0xF8, v20;
	v8 =	vadd.f32 v17, v8;
	v30 =	vor.u32 v3, v21;
	v46 =	vld.idx.msk [tilespmem:v45+s12+$0x0], $0xffff  }
0x1a4: {  	v17 =	vadd.s32 $0x10, v12;
	v9 =	vadd.f32 v28, v9;
	v24 =	vor.u32 v18, v30;
	v18 =	vld.idx.msk [tilespmem:v45+s11+$0x0], $0xffff  }
0x1a5: {  	v20 =	vadd.f32 v29, v16;
	v17 =	vand.u32 $0xF8, v17;
	v16 =	vadd.f32 v22, v8;
	v45 =	vld.idx.msk [tilespmem:v39+s11+$0x0], $0xffff  }
0x1a6: {  	v21 =	vmul.f32 v42, v26;
	v22 =	vor.u32 v17, v30;
	v17 =	vadd.s32 $0x18, v12;
	v8 =	vld.idx.msk [tilespmem:v38+s11+$0x0], $0xffff  }
0x1a7: {  	v17 =	vand.u32 $0xF8, v17;
	v26 =	vld.idx.msk [tilespmem:v25+s12+$0x0], $0xffff  }
0x1a8: {  	v28 =	vadd.s32 $0x7, v12;
	v37 =	vmul.f32 v27, v37;
	v27 =	vor.u32 v17, v30;
	v29 =	vld.idx.msk [tilespmem:v36+s11+$0x0], $0xffff  }
0x1a9: {  	v17 =	vld.idx.msk [tilespmem:v25+s11+$0x0], $0xffff;
	v25 =	vand.u32 $0xFF, v28  }
0x1aa: {  	v30 =	vld.idx.msk [tilespmem:v36+s12+$0x0], $0xffff;
	v36 =	vor.u32 v3, v25;
	v25 =	vmul.f32 v46, v18  }
0x1ab: {  	v28 =	vmul.f32 v33, v35;
	v18 =	vld.idx.msk [tilespmem:v41+s12+$0x0], $0xffff  }
0x1ac: {  	v35 =	vmul.f32 v44, v8;
	v33 =	vld.idx.msk [tilespmem:v41+s11+$0x0], $0xffff  }
0x1ad: {  	v32 =	vmul.f32 v32, v40;
	v8 =	vld.idx.msk [tilespmem:v31+s12+$0x0], $0xffff  }
0x1ae: {  	v31 =	vld.idx.msk [tilespmem:v31+s11+$0x0], $0xffff  }
0x1af: {  	v38 =	vmul.f32 v26, v17;
	v17 =	vld.idx.msk [tilespmem:v34+s11+$0x0], $0xffff  }
0x1b0: {  	v34 =	vor.u32 v3, v15;
	v15 =	vadd.s32 $0xE, v12;
	v26 =	vld.idx.msk [tilespmem:v24+s12+$0x0], $0xffff  }
0x1b1: {  	v40 =	vand.u32 $0xFF, v15;
	v15 =	vld.idx.msk [tilespmem:v27+s11+$0x0], $0xffff  }
0x1b2: {  	v41 =	vadd.s32 $0xF, v12;
	v33 =	vmul.f32 v18, v33;
	v40 =	vor.u32 v3, v40;
	v18 =	vld.idx.msk [tilespmem:v36+s12+$0x0], $0xffff  }
0x1b3: {  	v41 =	vand.u32 $0xFF, v41;
	v36 =	vld.idx.msk [tilespmem:v36+s11+$0x0], $0xffff  }
0x1b4: {  	v8 =	vmul.f32 v8, v31;
	v31 =	vor.u32 v3, v41;
	v41 =	vadd.s32 $0x11, v12;
	v39 =	vld.idx.msk [tilespmem:v39+s12+$0x0], $0xffff  }
0x1b5: {  	v41 =	vand.u32 $0xFF, v41;
	v42 =	vld.idx.msk [tilespmem:v34+s11+$0x0], $0xffff  }
0x1b6: {  	v44 =	vadd.s32 $0x12, v12;
	v41 =	vor.u32 v3, v41;
	v34 =	vld.idx.msk [tilespmem:v34+s12+$0x0], $0xffff  }
0x1b7: {  	v44 =	vand.u32 $0xFF, v44;
	v29 =	vmul.f32 v30, v29;
	v30 =	vld.idx.msk [tilespmem:v40+s11+$0x0], $0xffff  }
0x1b8: {  	v43 =	vmul.f32 v43, v17;
	v17 =	vld.idx.msk [tilespmem:v40+s12+$0x0], $0xffff;
	v40 =	vor.u32 v3, v44;
	v44 =	vadd.s32 $0x13, v12  }
0x1b9: {  	v36 =	vmul.f32 v18, v36;
	v18 =	vld.idx.msk [tilespmem:v31+s11+$0x0], $0xffff;
	v44 =	vand.u32 $0xFF, v44  }
0x1ba: {  	v46 =	vadd.s32 $0x1B, v12;
	v39 =	vmul.f32 v39, v45;
	v31 =	vld.idx.msk [tilespmem:v31+s12+$0x0], $0xffff;
	v44 =	vor.u32 v3, v44  }
0x1bb: {  	v46 =	vand.u32 $0xFF, v46;
	v45 =	vld.idx.msk [tilespmem:v41+s11+$0x0], $0xffff  }
0x1bc: {  	v46 =	vor.u32 v3, v46;
	v34 =	vmul.f32 v34, v42;
	v42 =	vadd.s32 $0x15, v12;
	v41 =	vld.idx.msk [tilespmem:v41+s12+$0x0], $0xffff  }
0x1bd: {  	v42 =	vand.u32 $0xFF, v42;
	v47 =	vld.idx.msk [tilespmem:v40+s11+$0x0], $0xffff  }
0x1be: {  	v30 =	vmul.f32 v17, v30;
	v42 =	vor.u32 v3, v42;
	v17 =	vadd.s32 $0x16, v12;
	v40 =	vld.idx.msk [tilespmem:v40+s12+$0x0], $0xffff  }
0x1bf: {  	v17 =	vand.u32 $0xFF, v17;
	v48 =	vld.idx.msk [tilespmem:v44+s11+$0x0], $0xffff  }
0x1c0: {  	v31 =	vmul.f32 v31, v18;
	v49 =	vor.u32 v3, v17;
	v17 =	vadd.s32 $0x17, v12;
	v44 =	vld.idx.msk [tilespmem:v44+s12+$0x0], $0xffff  }
0x1c1: {  	v18 =	vand.u32 $0xFF, v17;
	v50 =	vld.idx.msk [tilespmem:v46+s11+$0x0], $0xffff  }
0x1c2: {  	v17 =	vmul.f32 v41, v45;
	v41 =	vor.u32 v3, v18;
	v18 =	vadd.s32 $0x19, v12;
	v45 =	vld.idx.msk [tilespmem:v46+s12+$0x0], $0xffff  }
0x1c3: {  	v51 =	vand.u32 $0xFF, v18;
	v46 =	vld.idx.msk [tilespmem:v42+s11+$0x0], $0xffff  }
0x1c4: {  	v7 =	vadd.f32 v38, v7;
	v18 =	vmul.f32 v40, v47;
	v40 =	vor.u32 v3, v51;
	v38 =	vld.idx.msk [tilespmem:v42+s12+$0x0], $0xffff  }
0x1c5: {  	v42 =	vld.idx.msk [tilespmem:v49+s11+$0x0], $0xffff  }
0x1c6: {  	v10 =	vadd.f32 v32, v10;
	v7 =	vadd.f32 v43, v7;
	v32 =	vmul.f32 v44, v48;
	v43 =	vld.idx.msk [tilespmem:v49+s12+$0x0], $0xffff  }
0x1c7: {  	v13 =	vadd.f32 v29, v13;
	v44 =	vld.idx.msk [tilespmem:v41+s11+$0x0], $0xffff  }
0x1c8: {  	v10 =	vadd.f32 v37, v10;
	v7 =	vadd.f32 v32, v7;
	v29 =	vmul.f32 v45, v50;
	v32 =	vld.idx.msk [tilespmem:v41+s12+$0x0], $0xffff  }
0x1c9: {  	v14 =	vadd.f32 v33, v14;
	v33 =	vor.u32 v3, v23;
	v13 =	vadd.f32 v34, v13;
	v34 =	vld.idx.msk [tilespmem:v40+s11+$0x0], $0xffff  }
0x1ca: {  	v10 =	vadd.f32 v35, v10;
	v23 =	vmul.f32 v38, v46;
	v7 =	vadd.f32 v29, v7;
	v35 =	vld.idx.msk [tilespmem:v40+s12+$0x0], $0xffff  }
0x1cb: {  	v19 =	vadd.f32 v36, v19;
	v14 =	vadd.f32 v30, v14;
	v36 =	vld.idx.msk [tilespmem:v24+s11+$0x0], $0xffff  }
0x1cc: {  	v10 =	vadd.f32 v28, v10;
	v13 =	vadd.f32 v23, v13;
	v24 =	vmul.f32 v43, v42;
	v29 =	vld.idx.msk [tilespmem:v27+s12+$0x0], $0xffff  }
.Ltmp2:
0x1cd: {  	v28 =	vadd.s32 $0x1A, v12;
	v19 =	vadd.f32 v31, v19;
	v27 =	vld.idx.msk [tilespmem:v22+s11+$0x0], $0xffff;
	(pc) =	sbr.rel @p0 .LBB2_7-.Ltmp2, $4  }
0x1ce: {  	v14 =	vadd.f32 v24, v14;
	v31 =	vmul.f32 v32, v44;
	v24 =	vand.u32 $0xFF, v28;
	v23 =	vld.idx.msk [tilespmem:v33+s11+$0x0], $0xffff  }
0x1cf: {  	v13 =	vadd.f32 v39, v13;
	v30 =	vor.u32 v3, v24;
	v28 =	vld.idx.msk [tilespmem:v22+s12+$0x0], $0xffff  }
0x1d0: {  	v19 =	vadd.f32 v31, v19;
	v22 =	vmul.f32 v35, v34;
	v14 =	vadd.f32 v25, v14;
	v24 =	vld.idx.msk [tilespmem:v33+s12+$0x0], $0xffff  }
0x1d1: {  	v20 =	vadd.f32 v21, v20;
	v12 =	vadd.s32 $0x20, v12;
	v21 =	vmul.f32 v26, v36;
	v25 =	vld.idx.msk [tilespmem:v11+s11+$0x0], $0xffff  }
0x1d2: {  	_ =	sdelay $0x3  }
0x1d3: {  	v11 =	vld.idx.msk [tilespmem:v11+s12+$0x0], $0xffff  }
0x1d4: {  	v6 =	vld.idx.msk [tilespmem:v6+s12+$0x0], $0xffff;
	_ =	sdelay $0x3  }
0x1d5: {  	v12 =	vld.idx.msk [tilespmem:v30+s11+$0x0], $0xffff;
	v11 =	vmul.f32 v11, v25  }
0x1d6: {  	v25 =	vld.idx.msk [tilespmem:v30+s12+$0x0], $0xffff;
	v4 =	vmul.f32 v6, v4  }
0x1d7: {  	v6 =	vadd.f32 v11, v9;
	v9 =	vmul.f32 v24, v23  }
0x1d8: {  	v2 =	vld.idx.msk [tilespmem:v2+s11+$0x0], $0xffff;
	v4 =	vadd.f32 v4, v16  }
0x1d9: {  	v6 =	vadd.f32 v9, v6  }
0x1da: {  	v11 =	vadd.f32 v21, v20;
	v9 =	vmul.f32 v28, v27;
	v4 =	vadd.f32 v8, v4  }
0x1db: {  	v8 =	vmul.f32 v25, v12;
	v6 =	vadd.f32 v18, v6  }
0x1dc: {  	v12 =	vmul.f32 v29, v15;
	v9 =	vadd.f32 v9, v11;
	v4 =	vadd.f32 v17, v4  }
0x1dd: {  	v2 =	vmul.f32 v5, v2;
	v5 =	vadd.f32 v8, v6  }
0x1de: {  	v6 =	vadd.f32 v12, v9;
	v4 =	vadd.f32 v22, v4;
	_ =	sdelay $0x1  }
0x1df: {  	v2 =	vadd.f32 v2, v19;
	v4 =	vadd.f32 v4, v6  }
0x1e0: {  	v5 =	vadd.f32 v7, v5;
	v6 =	vadd.f32 v13, v10;
	v13 =	vlaneseq.u32  }
0x1e1: {  	v2 =	vadd.f32 v2, v14;
	v7 =	vadd.s32 $0x1F, v13;
	v9 =	vadd.s32 $0x4, v13  }
0x1e2: {  	v11 =	vadd.s32 $0x1C, v13;
	v14 =	vadd.s32 $0xC, v13;
	v4 =	vadd.f32 v5, v4  }
0x1e3: {  	v5 =	vadd.f32 v2, v6;
	v6 =	vand.u32 $0xFF, v13;
	v2 =	vor.u32 $0x3000, v0  }
0x1e4: {  	v16 =	vadd.s32 $0x1E, v13;
	v19 =	vadd.s32 $0x1D, v13;
	v6 =	vor.u32 v2, v6  }
0x1e5: {  	v7 =	vand.u32 $0xFF, v7;
	v11 =	vand.u32 $0xFF, v11;
	v14 =	vand.u32 $0xFF, v14  }
0x1e6: {  	v11 =	vor.u32 v2, v11;
	v5 =	vadd.f32 v5, v4;
	v4 =	vadd.s32 $0x1, v13  }
0x1e7: {  	v16 =	vand.u32 $0xFF, v16;
	v14 =	vor.u32 v2, v14;
	v8 =	vand.u32 $0xFF, v4  }
0x1e8: {  	v4 =	vor.u32 v2, v7;
	v7 =	vor.u32 v2, v8;
	[tilespmem:s21+$0x2820] =	vst v5;
	v5 =	vadd.s32 $0xB, v13  }
0x1e9: {  	v8 =	vand.u32 $0xFF, v9;
	v9 =	vadd.s32 $0x14, v13;
	v5 =	vand.u32 $0xFF, v5;
	v10 =	vld.idx.msk [tilespmem:v6+s12+$0x0], $0xffff  }
0x1ea: {  	v16 =	vor.u32 v2, v16;
	v12 =	vor.u32 v2, v5;
	v5 =	vand.u32 $0xFF, v9;
	v9 =	vld.idx.msk [tilespmem:v6+s11+$0x0], $0xffff  }
0x1eb: {  	v22 =	vadd.s32 $0x3, v13;
	v19 =	vand.u32 $0xFF, v19;
	v21 =	vld.idx.msk [tilespmem:v11+s11+$0x0], $0xffff  }
0x1ec: {  	v24 =	vadd.s32 $0x5, v13;
	v22 =	vand.u32 $0xFF, v22;
	v19 =	vor.u32 v2, v19;
	v23 =	vld.idx.msk [tilespmem:v14+s11+$0x0], $0xffff  }
0x1ed: {  	v24 =	vand.u32 $0xFF, v24;
	v22 =	vor.u32 v2, v22;
	v11 =	vld.idx.msk [tilespmem:v11+s12+$0x0], $0xffff  }
0x1ee: {  	v24 =	vor.u32 v2, v24;
	v14 =	vld.idx.msk [tilespmem:v14+s12+$0x0], $0xffff  }
0x1ef: {  	v28 =	vadd.s32 $0x9, v13;
	v25 =	vld.idx.msk [tilespmem:v16+s12+$0x0], $0xffff  }
0x1f0: {  	v26 =	vadd.s32 $0x6, v13;
	v28 =	vand.u32 $0xFF, v28;
	v27 =	vld.idx.msk [tilespmem:v16+s11+$0x0], $0xffff  }
0x1f1: {  	v34 =	vadd.s32 $0x7, v13;
	v28 =	vor.u32 v2, v28;
	v16 =	vand.u32 $0xFF, v26;
	v26 =	vld.idx.msk [tilespmem:v19+s11+$0x0], $0xffff  }
0x1f2: {  	v34 =	vand.u32 $0xFF, v34;
	v29 =	vld.idx.msk [tilespmem:v22+s12+$0x0], $0xffff  }
0x1f3: {  	v34 =	vor.u32 v2, v34;
	v30 =	vld.idx.msk [tilespmem:v24+s11+$0x0], $0xffff  }
0x1f4: {  	v42 =	vadd.s32 $0xF, v13;
	v22 =	vld.idx.msk [tilespmem:v22+s11+$0x0], $0xffff  }
0x1f5: {  	v31 =	vadd.s32 $0x8, v13;
	v32 =	vand.u32 $0x7, v13;
	v42 =	vand.u32 $0xFF, v42;
	v24 =	vld.idx.msk [tilespmem:v24+s12+$0x0], $0xffff  }
0x1f6: {  	v31 =	vand.u32 $0xF8, v31;
	v32 =	vor.u32 v2, v32;
	v42 =	vor.u32 v2, v42;
	v37 =	vld.idx.msk [tilespmem:v28+s12+$0x0], $0xffff  }
0x1f7: {  	v31 =	vor.u32 v31, v32;
	v28 =	vld.idx.msk [tilespmem:v28+s11+$0x0], $0xffff  }
0x1f8: {  	v41 =	vld.idx.msk [tilespmem:v34+s12+$0x0], $0xffff  }
0x1f9: {  	v34 =	vld.idx.msk [tilespmem:v34+s11+$0x0], $0xffff  }
0x1fa: {  	v8 =	vor.u32 v2, v8;
	v19 =	vld.idx.msk [tilespmem:v19+s12+$0x0], $0xffff  }
0x1fb: {  	v63 =	vld.idx.msk [tilespmem:v42+s11+$0x0], $0xffff  }
0x1fc: {  	v38 =	vld.idx.msk [tilespmem:v31+s12+$0x0], $0xffff  }
0x1fd: {  	v6 =	vld.idx.msk [tilespmem:v4+s12+$0x0], $0xffff  }
0x1fe: {  	v15 =	vor.u32 v2, v5;
	v5 =	vld.idx.msk [tilespmem:v7+s11+$0x0], $0xffff  }
0x1ff: {  	v17 =	vld.idx.msk [tilespmem:v8+s11+$0x0], $0xffff  }
0x200: {  	v16 =	vor.u32 v2, v16;
	v8 =	vld.idx.msk [tilespmem:v8+s12+$0x0], $0xffff  }
0x201: {  	v43 =	vadd.s32 $0x11, v13;
	v18 =	vld.idx.msk [tilespmem:v12+s12+$0x0], $0xffff  }
0x202: {  	v33 =	vadd.s32 $0x18, v13;
	v45 =	vadd.s32 $0x12, v13;
	v43 =	vand.u32 $0xFF, v43;
	v12 =	vld.idx.msk [tilespmem:v12+s11+$0x0], $0xffff  }
0x203: {  	v33 =	vand.u32 $0xF8, v33;
	v43 =	vor.u32 v2, v43;
	v14 =	vmul.f32 v14, v23;
	v23 =	vld.idx.msk [tilespmem:v42+s12+$0x0], $0xffff  }
0x204: {  	v45 =	vand.u32 $0xFF, v45;
	v33 =	vor.u32 v33, v32;
	v20 =	vld.idx.msk [tilespmem:v15+s12+$0x0], $0xffff  }
0x205: {  	v48 =	vadd.s32 $0x13, v13;
	v52 =	vadd.s32 $0x16, v13;
	v45 =	vor.u32 v2, v45;
	v35 =	vld.idx.msk [tilespmem:v16+s12+$0x0], $0xffff  }
0x206: {  	v49 =	vmul.f32 v10, v9;
	v9 =	vand.u32 $0xFF, v48;
	v36 =	vld.idx.msk [tilespmem:v16+s11+$0x0], $0xffff;
	v16 =	vadd.s32 $0xD, v13  }
0x207: {  	v11 =	vmul.f32 v11, v21;
	v24 =	vmul.f32 v24, v30;
	v15 =	vld.idx.msk [tilespmem:v15+s11+$0x0], $0xffff;
	v16 =	vand.u32 $0xFF, v16  }
0x208: {  	v21 =	vld.idx.msk [tilespmem:v43+s11+$0x0], $0xffff;
	v10 =	vor.u32 v2, v9;
	v39 =	vor.u32 v2, v16;
	v16 =	vadd.s32 $0xE, v13  }
0x209: {  	v30 =	vand.u32 $0xFF, v52;
	v9 =	vadd.s32 $0x1B, v13;
	v40 =	vand.u32 $0xFF, v16;
	v16 =	vld.idx.msk [tilespmem:v33+s11+$0x0], $0xffff  }
0x20a: {  	v30 =	vor.u32 v2, v30;
	v8 =	vmul.f32 v8, v17;
	v17 =	vmul.f32 v29, v22;
	v22 =	vld.idx.msk [tilespmem:v45+s11+$0x0], $0xffff  }
0x20b: {  	v27 =	vmul.f32 v25, v27;
	v25 =	vadd.s32 $0x15, v13;
	v9 =	vand.u32 $0xFF, v9;
	v29 =	vld.idx.msk [tilespmem:v45+s12+$0x0], $0xffff  }
0x20c: {  	v50 =	vor.u32 v2, v9;
	v9 =	vand.u32 $0xFF, v25;
	v15 =	vmul.f32 v20, v15;
	v20 =	vld.idx.msk [tilespmem:v43+s12+$0x0], $0xffff  }
0x20d: {  	v51 =	vor.u32 v2, v9;
	v9 =	vmul.f32 v37, v28;
	v28 =	vld.idx.msk [tilespmem:v10+s11+$0x0], $0xffff  }
0x20e: {  	v12 =	vmul.f32 v18, v12;
	v18 =	vld.idx.msk [tilespmem:v10+s12+$0x0], $0xffff  }
0x20f: {  	v59 =	vld.idx.msk [tilespmem:v30+s11+$0x0], $0xffff  }
0x210: {  	v30 =	vld.idx.msk [tilespmem:v30+s12+$0x0], $0xffff  }
0x211: {  	v46 =	vadd.s32 $0x10, v13;
	v53 =	vadd.s32 $0x17, v13;
	v40 =	vor.u32 v2, v40;
	v44 =	vld.idx.msk [tilespmem:v39+s11+$0x0], $0xffff  }
0x212: {  	v55 =	vadd.s32 $0x19, v13;
	v58 =	vadd.s32 $0x2, v13;
	v60 =	vadd.s32 $0xA, v13;
	v39 =	vld.idx.msk [tilespmem:v39+s12+$0x0], $0xffff  }
0x213: {  	v46 =	vand.u32 $0xF8, v46;
	v25 =	vmul.f32 v35, v36;
	v36 =	vand.u32 $0xFF, v53;
	v54 =	vld.idx.msk [tilespmem:v50+s11+$0x0], $0xffff  }
0x214: {  	v32 =	vor.u32 v46, v32;
	v26 =	vmul.f32 v19, v26;
	v19 =	vor.u32 v2, v36;
	v56 =	vld.idx.msk [tilespmem:v50+s12+$0x0], $0xffff  }
0x215: {  	v34 =	vmul.f32 v41, v34;
	v10 =	vimm.f32 $0.0e+00;
	v36 =	vand.u32 $0xFF, v55;
	v57 =	vld.idx.msk [tilespmem:v51+s11+$0x0], $0xffff  }
0x216: {  	v23 =	vmul.f32 v23, v63;
	v17 =	vadd.f32 v17, v10;
	v36 =	vor.u32 v2, v36;
	v47 =	vld.idx.msk [tilespmem:v40+s11+$0x0], $0xffff  }
0x217: {  	v43 =	vand.u32 $0xFF, v58;
	v8 =	vadd.f32 v8, v10;
	v25 =	vadd.f32 v25, v10;
	v40 =	vld.idx.msk [tilespmem:v40+s12+$0x0], $0xffff  }
0x218: {  	v35 =	vld.idx.msk [tilespmem:v51+s12+$0x0], $0xffff;
	v17 =	vadd.f32 v12, v17;
	v12 =	vor.u32 v2, v43;
	v28 =	vmul.f32 v18, v28  }
0x219: {  	v8 =	vadd.f32 v14, v8;
	v18 =	vmul.f32 v20, v21;
	v20 =	vadd.f32 v24, v10;
	v21 =	vld.idx.msk [tilespmem:v19+s11+$0x0], $0xffff  }
0x21a: {  	v24 =	vand.u32 $0xFF, v60;
	v39 =	vmul.f32 v39, v44;
	v14 =	vadd.f32 v28, v17;
	v17 =	vld.idx.msk [tilespmem:v19+s12+$0x0], $0xffff  }
0x21b: {  	v15 =	vadd.f32 v15, v8;
	v61 =	vor.u32 v2, v24;
	v28 =	vmul.f32 v56, v54;
	v62 =	vld.idx.msk [tilespmem:v36+s11+$0x0], $0xffff  }
0x21c: {  	v19 =	vmul.f32 v29, v22;
	v22 =	vld.idx.msk [tilespmem:v31+s11+$0x0], $0xffff;
	v40 =	vmul.f32 v40, v47;
	v20 =	vadd.f32 v39, v20  }
0x21d: {  	v63 =	vld.idx.msk [tilespmem:v36+s12+$0x0], $0xffff;
	v24 =	vmul.f32 v35, v57;
	v8 =	vadd.f32 v28, v14;
	v14 =	vadd.f32 v34, v10  }
0x21e: {  	v29 =	vmul.f32 v30, v59;
	v30 =	vld.idx.msk [tilespmem:v33+s12+$0x0], $0xffff;
	v11 =	vadd.f32 v11, v15;
	v25 =	vadd.f32 v40, v25  }
0x21f: {  	v28 =	vld.idx.msk [tilespmem:v32+s11+$0x0], $0xffff;
	v20 =	vadd.f32 v24, v20;
	v23 =	vadd.f32 v23, v14;
	v14 =	vadd.s32 $0x1A, v13  }
0x220: {  	v24 =	vld.idx.msk [tilespmem:v61+s11+$0x0], $0xffff;
	v13 =	vadd.s32 $0x20, v13;
	v17 =	vmul.f32 v17, v21;
	v14 =	vand.u32 $0xFF, v14  }
0x221: {  	v21 =	vadd.f32 v49, v10;
	v22 =	vmul.f32 v38, v22;
	v15 =	vadd.f32 v29, v25;
	v29 =	vld.idx.msk [tilespmem:v32+s12+$0x0], $0xffff  }
0x222: {  	v31 =	vor.u32 v2, v14;
	v14 =	vadd.f32 v26, v20;
	v25 =	vld.idx.msk [tilespmem:v61+s12+$0x0], $0xffff;
	v20 =	vadd.f32 v17, v23  }
0x223: {  	s22 =	simm.s32 $0x0;
	v26 =	vld.idx.msk [tilespmem:v12+s11+$0x0], $0xffff;
	v23 =	vmul.f32 v63, v62;
	v17 =	vimm.f32 $0.0e+00;
	v15 =	vadd.f32 v27, v15  }
.LBB2_9:
0x224: {  	v27 =	vand.u32 $0xFF, v13;
	v32 =	vadd.s32 $0xD, v13;
	s22 =	sadd.s32 $0x4, s22;
	v12 =	vld.idx.msk [tilespmem:v12+s12+$0x0], $0xffff;
	v30 =	vmul.f32 v30, v16  }
0x225: {  	v33 =	vadd.s32 $0x1, v13;
	v34 =	vadd.s32 $0x3, v13;
	v35 =	vadd.s32 $0x1F, v13;
	p0 =	slt.u32 s22, $0x1C;
	v36 =	vld.idx.msk [tilespmem:v7+s12+$0x0], $0xffff  }
0x226: {  	v37 =	vadd.s32 $0x5, v13;
	v16 =	vand.u32 $0xFF, v32;
	v7 =	vand.u32 $0xFF, v35;
	v32 =	vld.idx.msk [tilespmem:v4+s11+$0x0], $0xffff  }
0x227: {  	v38 =	vadd.s32 $0xC, v13;
	v35 =	vadd.s32 $0xB, v13;
	v4 =	vadd.s32 $0x2, v13;
	v39 =	vld.idx.msk [tilespmem:v31+s11+$0x0], $0xffff  }
0x228: {  	v28 =	vmul.f32 v29, v28;
	v40 =	vand.u32 $0xFF, v4;
	v29 =	vld.idx.msk [tilespmem:v31+s12+$0x0], $0xffff  }
0x229: {  	v27 =	vor.u32 v2, v27;
	v31 =	vand.u32 $0xFF, v38;
	v38 =	vadd.s32 $0x1C, v13  }
0x22a: {  	v41 =	vadd.s32 $0x14, v13;
	v35 =	vand.u32 $0xFF, v35;
	v26 =	vmul.f32 v12, v26  }
0x22b: {  	v4 =	vor.u32 v2, v7;
	v12 =	vand.u32 $0xFF, v33;
	v33 =	vadd.s32 $0x4, v13  }
0x22c: {  	v7 =	vor.u32 v2, v12;
	v12 =	vand.u32 $0xFF, v33;
	v32 =	vmul.f32 v6, v32  }
0x22d: {  	v42 =	vadd.s32 $0x1D, v13;
	v35 =	vor.u32 v2, v35;
	v33 =	vor.u32 v2, v12  }
0x22e: {  	v12 =	vor.u32 v2, v40;
	v6 =	vand.u32 $0xFF, v41;
	v29 =	vmul.f32 v29, v39;
	v43 =	vld.idx.msk [tilespmem:v27+s12+$0x0], $0xffff  }
0x22f: {  	v34 =	vand.u32 $0xFF, v34;
	v10 =	vadd.f32 v26, v10;
	v39 =	vor.u32 v2, v6;
	v27 =	vld.idx.msk [tilespmem:v27+s11+$0x0], $0xffff  }
0x230: {  	v26 =	vor.u32 v2, v34;
	v34 =	vand.u32 $0xFF, v38;
	v38 =	vadd.s32 $0x1E, v13;
	v6 =	vld.idx.msk [tilespmem:v4+s12+$0x0], $0xffff  }
0x231: {  	v36 =	vmul.f32 v36, v5;
	v40 =	vand.u32 $0xFF, v42;
	v34 =	vor.u32 v2, v34;
	v5 =	vld.idx.msk [tilespmem:v7+s11+$0x0], $0xffff  }
0x232: {  	v37 =	vand.u32 $0xFF, v37;
	v31 =	vor.u32 v2, v31;
	v42 =	vadd.s32 $0x6, v13;
	v41 =	vld.idx.msk [tilespmem:v33+s11+$0x0], $0xffff  }
0x233: {  	v37 =	vor.u32 v2, v37;
	v24 =	vmul.f32 v25, v24;
	v42 =	vand.u32 $0xFF, v42;
	v33 =	vld.idx.msk [tilespmem:v33+s12+$0x0], $0xffff  }
0x234: {  	v40 =	vor.u32 v2, v40;
	v25 =	vand.u32 $0xFF, v38;
	v42 =	vor.u32 v2, v42;
	v44 =	vld.idx.msk [tilespmem:v35+s12+$0x0], $0xffff  }
0x235: {  	v38 =	vadd.s32 $0x9, v13;
	v17 =	vadd.f32 v36, v17;
	v46 =	vor.u32 v2, v25;
	v45 =	vld.idx.msk [tilespmem:v39+s12+$0x0], $0xffff  }
0x236: {  	v21 =	vadd.f32 v22, v21;
	v25 =	vand.u32 $0xFF, v38;
	v20 =	vadd.f32 v32, v20;
	v36 =	vld.idx.msk [tilespmem:v34+s11+$0x0], $0xffff  }
0x237: {  	v22 =	vadd.s32 $0xA, v13;
	v10 =	vadd.f32 v24, v10;
	v32 =	vor.u32 v2, v25;
	v38 =	vld.idx.msk [tilespmem:v31+s11+$0x0], $0xffff  }
0x238: {  	v24 =	vand.u32 $0xFF, v22;
	v9 =	vadd.f32 v9, v17;
	v17 =	vadd.f32 v28, v21;
	v34 =	vld.idx.msk [tilespmem:v34+s12+$0x0], $0xffff  }
0x239: {  	v22 =	vand.u32 $0x7, v13;
	v21 =	vadd.s32 $0x8, v13;
	v10 =	vadd.f32 v19, v10;
	v28 =	vld.idx.msk [tilespmem:v31+s12+$0x0], $0xffff  }
0x23a: {  	v19 =	vand.u32 $0xF8, v21;
	v9 =	vadd.f32 v18, v9;
	v31 =	vor.u32 v2, v22;
	v47 =	vld.idx.msk [tilespmem:v46+s12+$0x0], $0xffff  }
0x23b: {  	v18 =	vadd.s32 $0x10, v13;
	v10 =	vadd.f32 v29, v10;
	v25 =	vor.u32 v19, v31;
	v19 =	vld.idx.msk [tilespmem:v46+s11+$0x0], $0xffff  }
0x23c: {  	v21 =	vadd.f32 v30, v17;
	v18 =	vand.u32 $0xF8, v18;
	v17 =	vadd.f32 v23, v9;
	v46 =	vld.idx.msk [tilespmem:v40+s11+$0x0], $0xffff  }
0x23d: {  	v22 =	vmul.f32 v43, v27;
	v23 =	vor.u32 v18, v31;
	v18 =	vadd.s32 $0x18, v13;
	v9 =	vld.idx.msk [tilespmem:v39+s11+$0x0], $0xffff  }
0x23e: {  	v18 =	vand.u32 $0xF8, v18;
	v27 =	vld.idx.msk [tilespmem:v26+s12+$0x0], $0xffff  }
0x23f: {  	v29 =	vadd.s32 $0x7, v13;
	v38 =	vmul.f32 v28, v38;
	v28 =	vor.u32 v18, v31;
	v30 =	vld.idx.msk [tilespmem:v37+s11+$0x0], $0xffff  }
0x240: {  	v18 =	vld.idx.msk [tilespmem:v26+s11+$0x0], $0xffff;
	v26 =	vand.u32 $0xFF, v29  }
0x241: {  	v31 =	vld.idx.msk [tilespmem:v37+s12+$0x0], $0xffff;
	v37 =	vor.u32 v2, v26;
	v26 =	vmul.f32 v47, v19  }
0x242: {  	v29 =	vmul.f32 v34, v36;
	v19 =	vld.idx.msk [tilespmem:v42+s12+$0x0], $0xffff  }
0x243: {  	v36 =	vmul.f32 v45, v9;
	v34 =	vld.idx.msk [tilespmem:v42+s11+$0x0], $0xffff  }
0x244: {  	v33 =	vmul.f32 v33, v41;
	v9 =	vld.idx.msk [tilespmem:v32+s12+$0x0], $0xffff  }
0x245: {  	v32 =	vld.idx.msk [tilespmem:v32+s11+$0x0], $0xffff  }
0x246: {  	v39 =	vmul.f32 v27, v18;
	v18 =	vld.idx.msk [tilespmem:v35+s11+$0x0], $0xffff  }
0x247: {  	v35 =	vor.u32 v2, v16;
	v16 =	vadd.s32 $0xE, v13;
	v27 =	vld.idx.msk [tilespmem:v25+s12+$0x0], $0xffff  }
0x248: {  	v41 =	vand.u32 $0xFF, v16;
	v16 =	vld.idx.msk [tilespmem:v28+s11+$0x0], $0xffff  }
0x249: {  	v42 =	vadd.s32 $0xF, v13;
	v34 =	vmul.f32 v19, v34;
	v41 =	vor.u32 v2, v41;
	v19 =	vld.idx.msk [tilespmem:v37+s12+$0x0], $0xffff  }
0x24a: {  	v42 =	vand.u32 $0xFF, v42;
	v37 =	vld.idx.msk [tilespmem:v37+s11+$0x0], $0xffff  }
0x24b: {  	v9 =	vmul.f32 v9, v32;
	v32 =	vor.u32 v2, v42;
	v42 =	vadd.s32 $0x11, v13;
	v40 =	vld.idx.msk [tilespmem:v40+s12+$0x0], $0xffff  }
0x24c: {  	v42 =	vand.u32 $0xFF, v42;
	v43 =	vld.idx.msk [tilespmem:v35+s11+$0x0], $0xffff  }
0x24d: {  	v45 =	vadd.s32 $0x12, v13;
	v42 =	vor.u32 v2, v42;
	v35 =	vld.idx.msk [tilespmem:v35+s12+$0x0], $0xffff  }
0x24e: {  	v45 =	vand.u32 $0xFF, v45;
	v30 =	vmul.f32 v31, v30;
	v31 =	vld.idx.msk [tilespmem:v41+s11+$0x0], $0xffff  }
0x24f: {  	v44 =	vmul.f32 v44, v18;
	v18 =	vld.idx.msk [tilespmem:v41+s12+$0x0], $0xffff;
	v41 =	vor.u32 v2, v45;
	v45 =	vadd.s32 $0x13, v13  }
0x250: {  	v37 =	vmul.f32 v19, v37;
	v19 =	vld.idx.msk [tilespmem:v32+s11+$0x0], $0xffff;
	v45 =	vand.u32 $0xFF, v45  }
0x251: {  	v47 =	vadd.s32 $0x1B, v13;
	v40 =	vmul.f32 v40, v46;
	v32 =	vld.idx.msk [tilespmem:v32+s12+$0x0], $0xffff;
	v45 =	vor.u32 v2, v45  }
0x252: {  	v47 =	vand.u32 $0xFF, v47;
	v46 =	vld.idx.msk [tilespmem:v42+s11+$0x0], $0xffff  }
0x253: {  	v47 =	vor.u32 v2, v47;
	v35 =	vmul.f32 v35, v43;
	v43 =	vadd.s32 $0x15, v13;
	v42 =	vld.idx.msk [tilespmem:v42+s12+$0x0], $0xffff  }
0x254: {  	v43 =	vand.u32 $0xFF, v43;
	v48 =	vld.idx.msk [tilespmem:v41+s11+$0x0], $0xffff  }
0x255: {  	v31 =	vmul.f32 v18, v31;
	v43 =	vor.u32 v2, v43;
	v18 =	vadd.s32 $0x16, v13;
	v41 =	vld.idx.msk [tilespmem:v41+s12+$0x0], $0xffff  }
0x256: {  	v18 =	vand.u32 $0xFF, v18;
	v49 =	vld.idx.msk [tilespmem:v45+s11+$0x0], $0xffff  }
0x257: {  	v32 =	vmul.f32 v32, v19;
	v50 =	vor.u32 v2, v18;
	v18 =	vadd.s32 $0x17, v13;
	v45 =	vld.idx.msk [tilespmem:v45+s12+$0x0], $0xffff  }
0x258: {  	v19 =	vand.u32 $0xFF, v18;
	v51 =	vld.idx.msk [tilespmem:v47+s11+$0x0], $0xffff  }
0x259: {  	v18 =	vmul.f32 v42, v46;
	v42 =	vor.u32 v2, v19;
	v19 =	vadd.s32 $0x19, v13;
	v46 =	vld.idx.msk [tilespmem:v47+s12+$0x0], $0xffff  }
0x25a: {  	v52 =	vand.u32 $0xFF, v19;
	v47 =	vld.idx.msk [tilespmem:v43+s11+$0x0], $0xffff  }
0x25b: {  	v8 =	vadd.f32 v39, v8;
	v19 =	vmul.f32 v41, v48;
	v41 =	vor.u32 v2, v52;
	v39 =	vld.idx.msk [tilespmem:v43+s12+$0x0], $0xffff  }
0x25c: {  	v43 =	vld.idx.msk [tilespmem:v50+s11+$0x0], $0xffff  }
0x25d: {  	v11 =	vadd.f32 v33, v11;
	v8 =	vadd.f32 v44, v8;
	v33 =	vmul.f32 v45, v49;
	v44 =	vld.idx.msk [tilespmem:v50+s12+$0x0], $0xffff  }
0x25e: {  	v14 =	vadd.f32 v30, v14;
	v45 =	vld.idx.msk [tilespmem:v42+s11+$0x0], $0xffff  }
0x25f: {  	v11 =	vadd.f32 v38, v11;
	v8 =	vadd.f32 v33, v8;
	v30 =	vmul.f32 v46, v51;
	v33 =	vld.idx.msk [tilespmem:v42+s12+$0x0], $0xffff  }
0x260: {  	v15 =	vadd.f32 v34, v15;
	v34 =	vor.u32 v2, v24;
	v14 =	vadd.f32 v35, v14;
	v35 =	vld.idx.msk [tilespmem:v41+s11+$0x0], $0xffff  }
0x261: {  	v11 =	vadd.f32 v36, v11;
	v24 =	vmul.f32 v39, v47;
	v8 =	vadd.f32 v30, v8;
	v36 =	vld.idx.msk [tilespmem:v41+s12+$0x0], $0xffff  }
0x262: {  	v20 =	vadd.f32 v37, v20;
	v15 =	vadd.f32 v31, v15;
	v37 =	vld.idx.msk [tilespmem:v25+s11+$0x0], $0xffff  }
0x263: {  	v11 =	vadd.f32 v29, v11;
	v14 =	vadd.f32 v24, v14;
	v25 =	vmul.f32 v44, v43;
	v30 =	vld.idx.msk [tilespmem:v28+s12+$0x0], $0xffff  }
.Ltmp3:
0x264: {  	v29 =	vadd.s32 $0x1A, v13;
	v20 =	vadd.f32 v32, v20;
	v28 =	vld.idx.msk [tilespmem:v23+s11+$0x0], $0xffff;
	(pc) =	sbr.rel @p0 .LBB2_9-.Ltmp3, $4  }
0x265: {  	v15 =	vadd.f32 v25, v15;
	v32 =	vmul.f32 v33, v45;
	v25 =	vand.u32 $0xFF, v29;
	v24 =	vld.idx.msk [tilespmem:v34+s11+$0x0], $0xffff  }
0x266: {  	v14 =	vadd.f32 v40, v14;
	v31 =	vor.u32 v2, v25;
	v29 =	vld.idx.msk [tilespmem:v23+s12+$0x0], $0xffff  }
0x267: {  	v20 =	vadd.f32 v32, v20;
	v23 =	vmul.f32 v36, v35;
	v15 =	vadd.f32 v26, v15;
	v25 =	vld.idx.msk [tilespmem:v34+s12+$0x0], $0xffff  }
0x268: {  	v21 =	vadd.f32 v22, v21;
	v13 =	vadd.s32 $0x20, v13;
	v22 =	vmul.f32 v27, v37;
	v26 =	vld.idx.msk [tilespmem:v12+s11+$0x0], $0xffff  }
0x269: {  	_ =	sdelay $0x3  }
0x26a: {  	v12 =	vld.idx.msk [tilespmem:v12+s12+$0x0], $0xffff  }
0x26b: {  	v7 =	vld.idx.msk [tilespmem:v7+s12+$0x0], $0xffff;
	_ =	sdelay $0x2  }
0x26c: {  	v13 =	vld.idx.msk [tilespmem:v31+s11+$0x0], $0xffff  }
0x26d: {  	v4 =	vld.idx.msk [tilespmem:v4+s11+$0x0], $0xffff;
	v12 =	vmul.f32 v12, v26  }
0x26e: {  	v26 =	vld.idx.msk [tilespmem:v31+s12+$0x0], $0xffff;
	v5 =	vmul.f32 v7, v5  }
0x26f: {  	v7 =	vadd.f32 v12, v10;
	v10 =	vmul.f32 v25, v24  }
0x270: {  	v5 =	vadd.f32 v5, v17  }
0x271: {  	v7 =	vadd.f32 v10, v7  }
0x272: {  	v12 =	vadd.f32 v22, v21;
	v10 =	vmul.f32 v29, v28;
	v5 =	vadd.f32 v9, v5  }
0x273: {  	v4 =	vmul.f32 v6, v4;
	v9 =	vmul.f32 v26, v13;
	v7 =	vadd.f32 v19, v7  }
0x274: {  	v13 =	vmul.f32 v30, v16;
	v10 =	vadd.f32 v10, v12;
	v5 =	vadd.f32 v18, v5  }
0x275: {  	v4 =	vadd.f32 v4, v20;
	v6 =	vadd.f32 v9, v7  }
0x276: {  	v7 =	vadd.f32 v13, v10;
	v5 =	vadd.f32 v23, v5;
	_ =	sdelay $0x1  }
0x277: {  	v4 =	vadd.f32 v4, v15;
	v5 =	vadd.f32 v5, v7  }
0x278: {  	v6 =	vadd.f32 v8, v6;
	v7 =	vadd.f32 v14, v11;
	_ =	sdelay $0x1  }
0x279: {  	v5 =	vadd.f32 v6, v5;
	v4 =	vadd.f32 v4, v7;
	_ =	sdelay $0x1  }
0x27a: {  	v4 =	vadd.f32 v4, v5  }
0x27b: {  	p0 =	seq.s32 s19, $0x27  }
0x27c: {  	s22 =	sadd.s32 @!p0 $0x80, s21;
	s23 =	simm.s32 @!p0 $0x40;
	s24 =	simm.s32 @!p0 $0x3C00;
	[tilespmem:s21+$0x2830] =	vst v4  }
0x27d: {  	[tilespmem:s24], [sflag:$0x1] =	stream.indirect.gather @!p0 [hbm4b:s3+s23], $0x100, s22, s23, $0xb8;
	[tilespmem:$0x13C00] =	vst v63  }
0x27e: {  	s21 =	sadd.s32 @!p0 $0x1480, s21;
	v4 =	vlaneseq.u32;
	s22 =	simm.s32 @!p0 $0xBC00  }
0x27f: {  	v5 =	vadd.s32 $0x4, v4;
	[tilespmem:s22], [sflag:$0x1] =	stream.indirect.gather @!p0 [hbm4b:s3+s23], $0x100, s21, s23, $0xb8;
	[tilespmem:$0x13C00] =	vst v63  }
0x280: {  	v6 =	vadd.s32 $0x1, v4;
	v5 =	vand.u32 $0xFF, v5;
	_ =	swait.ge [sflag:s16], $0x4000  }
0x281: {  	v6 =	vand.u32 $0xFF, v6;
	v5 =	vor.u32 v0, v5;
	[sflag:s16] =	ssyncset.done $0x0  }
0x282: {  	v7 =	vadd.s32 $0x5, v4;
	v16 =	vor.u32 v0, v6;
	[sflag:s16] =	ssyncadd.s32 $0xFFFFC000  }
0x283: {  	v6 =	vand.u32 $0xFF, v7;
	_ =	swait.ge [sflag:s16], $0x4000  }
0x284: {  	v8 =	vand.u32 $0x7, v4;
	v7 =	vand.u32 $0xFF, v4;
	v24 =	vor.u32 v0, v6;
	[sflag:s16] =	ssyncset.done $0x0  }
0x285: {  	v9 =	vor.u32 v0, v8;
	v8 =	vadd.s32 $0x7, v4;
	v7 =	vor.u32 v0, v7;
	[sflag:s16] =	ssyncadd.s32 $0xFFFFC000  }
0x286: {  	v10 =	vadd.s32 $0x3, v4;
	v12 =	vadd.s32 $0x6, v4;
	v8 =	vand.u32 $0xFF, v8;
	v17 =	vld.idx.msk [tilespmem:v5+s13+$0x0], $0xffff  }
0x287: {  	v15 =	vadd.s32 $0x8, v4;
	v12 =	vand.u32 $0xFF, v12;
	v11 =	vor.u32 v0, v8;
	v13 =	vld.idx.msk [tilespmem:v16+s14+$0x0], $0xffff  }
0x288: {  	v33 =	vor.u32 v0, v12;
	v12 =	vand.u32 $0xF8, v15;
	v6 =	vadd.s32 $0x18, v4;
	v21 =	vld.idx.msk [tilespmem:v5+s14+$0x0], $0xffff  }
0x289: {  	v10 =	vand.u32 $0xFF, v10;
	v26 =	vor.u32 v12, v9;
	v6 =	vand.u32 $0xF8, v6;
	v20 =	vld.idx.msk [tilespmem:v24+s13+$0x0], $0xffff  }
0x28a: {  	v32 =	vor.u32 v0, v10;
	v6 =	vor.u32 v6, v9;
	v10 =	vld.idx.msk [tilespmem:v7+s14+$0x0], $0xffff  }
0x28b: {  	v5 =	vadd.s32 $0x10, v4;
	v7 =	vld.idx.msk [tilespmem:v7+s13+$0x0], $0xffff  }
0x28c: {  	v14 =	vadd.s32 $0x2, v4;
	v22 =	vld.idx.msk [tilespmem:v11+s13+$0x0], $0xffff;
	v5 =	vand.u32 $0xF8, v5  }
0x28d: {  	v35 =	vadd.s32 $0xD, v4;
	v14 =	vand.u32 $0xFF, v14;
	v23 =	vld.idx.msk [tilespmem:v11+s14+$0x0], $0xffff;
	v5 =	vor.u32 v5, v9  }
0x28e: {  	v36 =	vadd.s32 $0xF, v4;
	v15 =	vadd.s32 $0xE, v4;
	v19 =	vor.u32 v0, v14;
	v31 =	vld.idx.msk [tilespmem:v26+s13+$0x0], $0xffff  }
0x28f: {  	v14 =	vimm.f32 $0.0e+00;
	v8 =	vimm.f32 $0.0e+00;
	v12 =	vadd.s32 $0x20, v4;
	v25 =	vld.idx.msk [tilespmem:v6+s14+$0x0], $0xffff  }
0x290: {  	v11 =	vimm.f32 $0.0e+00;
	v27 =	vld.idx.msk [tilespmem:v6+s13+$0x0], $0xffff;
	v6 =	vand.u32 $0xFF, v15;
	v9 =	vadd.s32 $0xB, v4  }
0x291: {  	v15 =	vld.idx.msk [tilespmem:v32+s13+$0x0], $0xffff;
	v18 =	vor.u32 v0, v6;
	v6 =	vand.u32 $0xFF, v9;
	v9 =	vimm.f32 $0.0e+00  }
0x292: {  	v34 =	vor.u32 v0, v6;
	v6 =	vimm.f32 $0.0e+00;
	v30 =	vmul.f32 v10, v7;
	v28 =	vld.idx.msk [tilespmem:v5+s14+$0x0], $0xffff  }
0x293: {  	s21 =	simm.s32 $0x0;
	v10 =	vimm.f32 $0.0e+00;
	v7 =	vimm.f32 $0.0e+00;
	v29 =	vld.idx.msk [tilespmem:v5+s13+$0x0], $0xffff;
	v5 =	vimm.f32 $0.0e+00  }
.LBB2_11:
0x294: {  	s21 =	sadd.s32 $0x4, s21;
	v37 =	vld.idx.msk [tilespmem:v33+s13+$0x0], $0xffff;
	v38 =	vadd.s32 $0xC, v4;
	v36 =	vand.u32 $0xFF, v36;
	v39 =	vadd.s32 $0x13, v4  }
0x295: {  	p0 =	slt.u32 s21, $0x1C;
	v40 =	vld.idx.msk [tilespmem:v26+s14+$0x0], $0xffff;
	v38 =	vand.u32 $0xFF, v38;
	v26 =	vor.u32 v0, v36;
	v36 =	vand.u32 $0xFF, v39  }
0x296: {  	v35 =	vand.u32 $0xFF, v35;
	v33 =	vld.idx.msk [tilespmem:v33+s14+$0x0], $0xffff;
	v38 =	vor.u32 v0, v38;
	v36 =	vor.u32 v0, v36  }
0x297: {  	v35 =	vor.u32 v0, v35;
	v32 =	vld.idx.msk [tilespmem:v32+s14+$0x0], $0xffff  }
0x298: {  	v41 =	vadd.s32 $0x14, v4;
	v42 =	vadd.s32 $0x1D, v4;
	v22 =	vmul.f32 v23, v22;
	v39 =	vld.idx.msk [tilespmem:v18+s14+$0x0], $0xffff  }
0x299: {  	v8 =	vadd.f32 v30, v8;
	v23 =	vadd.s32 $0x15, v4;
	v30 =	vld.idx.msk [tilespmem:v34+s14+$0x0], $0xffff  }
0x29a: {  	v25 =	vmul.f32 v25, v27;
	v23 =	vand.u32 $0xFF, v23;
	v34 =	vld.idx.msk [tilespmem:v34+s13+$0x0], $0xffff  }
0x29b: {  	v28 =	vmul.f32 v28, v29;
	v29 =	vor.u32 v0, v23;
	v27 =	vmul.f32 v40, v31;
	v24 =	vld.idx.msk [tilespmem:v24+s14+$0x0], $0xffff  }
0x29c: {  	v31 =	vmul.f32 v33, v37;
	v33 =	vadd.s32 $0x9, v4;
	v23 =	vld.idx.msk [tilespmem:v26+s13+$0x0], $0xffff  }
0x29d: {  	v8 =	vadd.f32 v27, v8;
	v27 =	vand.u32 $0xFF, v33;
	v33 =	vld.idx.msk [tilespmem:v36+s14+$0x0], $0xffff  }
0x29e: {  	v40 =	vand.u32 $0xFF, v42;
	v37 =	vld.idx.msk [tilespmem:v35+s14+$0x0], $0xffff  }
0x29f: {  	v17 =	vmul.f32 v21, v17;
	v21 =	vor.u32 v0, v40;
	v8 =	vadd.f32 v28, v8;
	v42 =	vld.idx.msk [tilespmem:v19+s13+$0x0], $0xffff  }
0x2a0: {  	v27 =	vor.u32 v0, v27;
	v28 =	vmul.f32 v30, v34;
	v30 =	vld.idx.msk [tilespmem:v35+s13+$0x0], $0xffff  }
0x2a1: {  	v14 =	vadd.f32 v17, v14;
	v17 =	vmul.f32 v24, v20;
	v24 =	vand.u32 $0xFF, v41;
	v20 =	vld.idx.msk [tilespmem:v38+s13+$0x0], $0xffff  }
0x2a2: {  	v8 =	vadd.f32 v25, v8;
	v24 =	vor.u32 v0, v24;
	v34 =	vld.idx.msk [tilespmem:v29+s14+$0x0], $0xffff  }
0x2a3: {  	v25 =	vadd.s32 $0xA, v4;
	v16 =	vld.idx.msk [tilespmem:v16+s13+$0x0], $0xffff  }
0x2a4: {  	v11 =	vadd.f32 v17, v11;
	v17 =	vand.u32 $0xFF, v25;
	v25 =	vld.idx.msk [tilespmem:v29+s13+$0x0], $0xffff  }
0x2a5: {  	v35 =	vadd.s32 $0x1C, v4;
	v17 =	vor.u32 v0, v17;
	v29 =	vld.idx.msk [tilespmem:v38+s14+$0x0], $0xffff  }
0x2a6: {  	v35 =	vand.u32 $0xFF, v35;
	v30 =	vmul.f32 v37, v30;
	v37 =	vld.idx.msk [tilespmem:v21+s14+$0x0], $0xffff  }
0x2a7: {  	v40 =	vadd.s32 $0x1B, v4;
	v35 =	vor.u32 v0, v35;
	v38 =	vld.idx.msk [tilespmem:v27+s14+$0x0], $0xffff  }
0x2a8: {  	v11 =	vadd.f32 v30, v11;
	v30 =	vld.idx.msk [tilespmem:v36+s13+$0x0], $0xffff;
	v36 =	vand.u32 $0xFF, v40  }
0x2a9: {  	v13 =	vmul.f32 v13, v16;
	v16 =	vld.idx.msk [tilespmem:v24+s14+$0x0], $0xffff;
	v36 =	vor.u32 v0, v36  }
0x2aa: {  	v40 =	vadd.s32 $0x11, v4;
	v25 =	vmul.f32 v34, v25;
	v34 =	vadd.s32 $0x16, v4;
	v19 =	vld.idx.msk [tilespmem:v19+s14+$0x0], $0xffff  }
0x2ab: {  	v20 =	vmul.f32 v29, v20;
	v29 =	vand.u32 $0xFF, v40;
	v34 =	vand.u32 $0xFF, v34;
	v24 =	vld.idx.msk [tilespmem:v24+s13+$0x0], $0xffff  }
0x2ac: {  	v29 =	vor.u32 v0, v29;
	v11 =	vadd.f32 v25, v11;
	v25 =	vor.u32 v0, v34;
	v40 =	vld.idx.msk [tilespmem:v17+s14+$0x0], $0xffff  }
0x2ad: {  	v14 =	vadd.f32 v20, v14;
	v27 =	vld.idx.msk [tilespmem:v27+s13+$0x0], $0xffff  }
0x2ae: {  	v20 =	vmul.f32 v33, v30;
	v30 =	vld.idx.msk [tilespmem:v35+s14+$0x0], $0xffff  }
0x2af: {  	v21 =	vld.idx.msk [tilespmem:v21+s13+$0x0], $0xffff  }
0x2b0: {  	v15 =	vmul.f32 v32, v15;
	v19 =	vmul.f32 v19, v42;
	v32 =	vld.idx.msk [tilespmem:v36+s14+$0x0], $0xffff  }
0x2b1: {  	v16 =	vmul.f32 v16, v24;
	v24 =	vadd.s32 $0x1E, v4;
	v18 =	vld.idx.msk [tilespmem:v18+s13+$0x0], $0xffff  }
0x2b2: {  	v6 =	vadd.f32 v15, v6;
	v24 =	vand.u32 $0xFF, v24;
	v15 =	vld.idx.msk [tilespmem:v36+s13+$0x0], $0xffff  }
0x2b3: {  	v27 =	vmul.f32 v38, v27;
	v14 =	vadd.f32 v16, v14;
	v24 =	vor.u32 v0, v24;
	v16 =	vld.idx.msk [tilespmem:v25+s14+$0x0], $0xffff  }
0x2b4: {  	v6 =	vadd.f32 v28, v6;
	v28 =	vld.idx.msk [tilespmem:v29+s14+$0x0], $0xffff  }
0x2b5: {  	v33 =	vadd.s32 $0x12, v4;
	v21 =	vmul.f32 v37, v21;
	v25 =	vld.idx.msk [tilespmem:v25+s13+$0x0], $0xffff  }
0x2b6: {  	v33 =	vand.u32 $0xFF, v33;
	v34 =	vld.idx.msk [tilespmem:v35+s13+$0x0], $0xffff  }
0x2b7: {  	v33 =	vor.u32 v0, v33;
	v6 =	vadd.f32 v20, v6;
	v11 =	vadd.f32 v21, v11;
	v17 =	vld.idx.msk [tilespmem:v17+s13+$0x0], $0xffff  }
0x2b8: {  	v20 =	vadd.s32 $0x19, v4;
	v18 =	vmul.f32 v39, v18;
	v15 =	vmul.f32 v32, v15;
	v21 =	vld.idx.msk [tilespmem:v24+s14+$0x0], $0xffff  }
0x2b9: {  	v5 =	vadd.f32 v31, v5;
	v31 =	vadd.s32 $0x17, v4;
	v20 =	vand.u32 $0xFF, v20;
	v29 =	vld.idx.msk [tilespmem:v29+s13+$0x0], $0xffff  }
0x2ba: {  	v9 =	vadd.f32 v13, v9;
	v13 =	vor.u32 v0, v20;
	v6 =	vadd.f32 v15, v6;
	v15 =	vld.idx.msk [tilespmem:v24+s13+$0x0], $0xffff  }
0x2bb: {  	v20 =	vand.u32 $0xFF, v31;
	v5 =	vadd.f32 v18, v5;
	v24 =	vadd.s32 $0x1F, v4;
	v18 =	vld.idx.msk [tilespmem:v26+s14+$0x0], $0xffff  }
0x2bc: {  	v10 =	vadd.f32 v19, v10;
	v20 =	vor.u32 v0, v20;
	v16 =	vmul.f32 v16, v25;
	v19 =	vld.idx.msk [tilespmem:v33+s13+$0x0], $0xffff  }
0x2bd: {  	v9 =	vadd.f32 v27, v9;
	v26 =	vadd.s32 $0x1A, v4;
	v27 =	vmul.f32 v30, v34;
	v4 =	vmovc v12;
	v25 =	vld.idx.msk [tilespmem:v33+s14+$0x0], $0xffff  }
0x2be: {  	v17 =	vmul.f32 v40, v17;
	v5 =	vadd.f32 v16, v5;
	v16 =	vand.u32 $0xFF, v26  }
0x2bf: {  	v16 =	vor.u32 v0, v16;
	v14 =	vadd.f32 v27, v14;
	v26 =	vmul.f32 v28, v29;
	v28 =	vld.idx.msk [tilespmem:v13+s13+$0x0], $0xffff  }
0x2c0: {  	v7 =	vadd.f32 v22, v7;
	v15 =	vmul.f32 v21, v15;
	v21 =	vand.u32 $0xFF, v24;
	v13 =	vld.idx.msk [tilespmem:v13+s14+$0x0], $0xffff  }
0x2c1: {  	v10 =	vadd.f32 v17, v10;
	v9 =	vadd.f32 v26, v9;
	v21 =	vor.u32 v0, v21;
	v17 =	vld.idx.msk [tilespmem:v20+s13+$0x0], $0xffff  }
0x2c2: {  	v22 =	vadd.s32 $0x10, v12;
	v24 =	vadd.s32 $0x18, v12;
	v18 =	vmul.f32 v18, v23;
	v20 =	vld.idx.msk [tilespmem:v20+s14+$0x0], $0xffff  }
0x2c3: {  	v23 =	vadd.s32 $0x8, v12;
	v26 =	vand.u32 $0x7, v12;
	v5 =	vadd.f32 v15, v5  }
0x2c4: {  	v27 =	vadd.s32 $0x3, v12;
	v15 =	vand.u32 $0xFF, v12;
	v19 =	vmul.f32 v25, v19;
	v25 =	vld.idx.msk [tilespmem:v16+s14+$0x0], $0xffff  }
0x2c5: {  	v30 =	vadd.s32 $0x7, v12;
	v29 =	vadd.s32 $0x6, v12;
	v7 =	vadd.f32 v18, v7;
	v18 =	vld.idx.msk [tilespmem:v16+s13+$0x0], $0xffff  }
0x2c6: {  	v31 =	vadd.s32 $0x5, v12;
	v10 =	vadd.f32 v19, v10;
	v16 =	vadd.s32 $0x4, v12;
	v19 =	vld.idx.msk [tilespmem:v21+s13+$0x0], $0xffff  }
0x2c7: {  	v32 =	vadd.s32 $0x1, v12;
	v33 =	vadd.s32 $0x2, v12;
	v13 =	vmul.f32 v13, v28;
	v21 =	vld.idx.msk [tilespmem:v21+s14+$0x0], $0xffff  }
0x2c8: {  	v28 =	vand.u32 $0xFF, v33;
	v16 =	vand.u32 $0xFF, v16;
	v17 =	vmul.f32 v20, v17  }
0x2c9: {  	v20 =	vand.u32 $0xFF, v32;
	v34 =	vor.u32 v0, v16;
	v32 =	vand.u32 $0xF8, v24  }
0x2ca: {  	v9 =	vadd.f32 v13, v9;
	v16 =	vor.u32 v0, v20;
	v20 =	vand.u32 $0xFF, v31  }
0x2cb: {  	v27 =	vand.u32 $0xFF, v27;
	v24 =	vor.u32 v0, v20;
	v18 =	vmul.f32 v25, v18  }
0x2cc: {  	v13 =	vand.u32 $0xFF, v29;
	v7 =	vadd.f32 v17, v7;
	v25 =	vor.u32 v0, v26  }
0x2cd: {  	v15 =	vor.u32 v0, v15;
	v33 =	vor.u32 v0, v13;
	v20 =	vmul.f32 v21, v19  }
0x2ce: {  	v19 =	vor.u32 v0, v28;
	v21 =	vand.u32 $0xFF, v30;
	v28 =	vor.u32 v32, v25;
	v17 =	vld.idx.msk [tilespmem:v34+s13+$0x0], $0xffff  }
0x2cf: {  	v32 =	vor.u32 v0, v27;
	v10 =	vadd.f32 v18, v10;
	v31 =	vor.u32 v0, v21;
	v13 =	vld.idx.msk [tilespmem:v16+s14+$0x0], $0xffff  }
0x2d0: {  	v18 =	vand.u32 $0xF8, v23;
	v7 =	vadd.f32 v20, v7;
	v21 =	vld.idx.msk [tilespmem:v34+s14+$0x0], $0xffff  }
0x2d1: {  	v26 =	vor.u32 v18, v25;
	v20 =	vld.idx.msk [tilespmem:v24+s13+$0x0], $0xffff  }
0x2d2: {  	v18 =	vand.u32 $0xF8, v22;
	v23 =	vld.idx.msk [tilespmem:v15+s14+$0x0], $0xffff  }
0x2d3: {  	v29 =	vor.u32 v18, v25;
	v30 =	vld.idx.msk [tilespmem:v15+s13+$0x0], $0xffff  }
0x2d4: {  	v25 =	vld.idx.msk [tilespmem:v28+s14+$0x0], $0xffff  }
0x2d5: {  	v15 =	vadd.s32 $0xE, v12;
	v27 =	vld.idx.msk [tilespmem:v28+s13+$0x0], $0xffff  }
0x2d6: {  	v18 =	vand.u32 $0xFF, v15;
	v22 =	vld.idx.msk [tilespmem:v31+s13+$0x0], $0xffff  }
.Ltmp4:
0x2d7: {  	v28 =	vadd.s32 $0xB, v12;
	v18 =	vor.u32 v0, v18;
	v15 =	vld.idx.msk [tilespmem:v32+s13+$0x0], $0xffff;
	(pc) =	sbr.rel @p0 .LBB2_11-.Ltmp4, $4  }
0x2d8: {  	v34 =	vand.u32 $0xFF, v28;
	v28 =	vld.idx.msk [tilespmem:v29+s14+$0x0], $0xffff  }
0x2d9: {  	v34 =	vor.u32 v0, v34;
	v29 =	vld.idx.msk [tilespmem:v29+s13+$0x0], $0xffff  }
0x2da: {  	v30 =	vmul.f32 v23, v30;
	v23 =	vld.idx.msk [tilespmem:v31+s14+$0x0], $0xffff  }
0x2db: {  	v35 =	vadd.s32 $0xD, v4;
	v36 =	vadd.s32 $0xF, v4;
	v12 =	vadd.s32 $0x20, v12;
	v31 =	vld.idx.msk [tilespmem:v26+s13+$0x0], $0xffff  }
0x2dc: {  	_ =	sdelay $0x3  }
0x2dd: {  	v37 =	vld.idx.msk [tilespmem:v33+s13+$0x0], $0xffff  }
0x2de: {  	v26 =	vld.idx.msk [tilespmem:v26+s14+$0x0], $0xffff  }
0x2df: {  	v33 =	vld.idx.msk [tilespmem:v33+s14+$0x0], $0xffff  }
0x2e0: {  	v32 =	vld.idx.msk [tilespmem:v32+s14+$0x0], $0xffff  }
0x2e1: {  	v39 =	vld.idx.msk [tilespmem:v18+s14+$0x0], $0xffff  }
0x2e2: {  	v40 =	vld.idx.msk [tilespmem:v34+s14+$0x0], $0xffff  }
0x2e3: {  	v12 =	vand.u32 $0xFF, v36;
	v34 =	vld.idx.msk [tilespmem:v34+s13+$0x0], $0xffff  }
0x2e4: {  	v35 =	vand.u32 $0xFF, v35;
	v24 =	vld.idx.msk [tilespmem:v24+s14+$0x0], $0xffff;
	v38 =	vor.u32 v0, v12  }
0x2e5: {  	v63 =	vadd.s32 $0x13, v4;
	v46 =	vld.idx.msk [tilespmem:v19+s13+$0x0], $0xffff;
	v35 =	vor.u32 v0, v35  }
0x2e6: {  	v41 =	vadd.s32 $0x15, v4;
	v16 =	vld.idx.msk [tilespmem:v16+s13+$0x0], $0xffff;
	v12 =	vand.u32 $0xFF, v63  }
0x2e7: {  	v19 =	vld.idx.msk [tilespmem:v19+s14+$0x0], $0xffff;
	v41 =	vand.u32 $0xFF, v41;
	v36 =	vor.u32 v0, v12;
	v12 =	vadd.s32 $0xC, v4  }
0x2e8: {  	v45 =	vadd.s32 $0x1D, v4;
	v18 =	vld.idx.msk [tilespmem:v18+s13+$0x0], $0xffff;
	v41 =	vor.u32 v0, v41;
	v12 =	vand.u32 $0xFF, v12  }
0x2e9: {  	v47 =	vadd.s32 $0x9, v4;
	v45 =	vand.u32 $0xFF, v45;
	v42 =	vor.u32 v0, v12;
	v12 =	vld.idx.msk [tilespmem:v38+s13+$0x0], $0xffff  }
0x2ea: {  	v47 =	vand.u32 $0xFF, v47;
	v45 =	vor.u32 v0, v45;
	v44 =	vld.idx.msk [tilespmem:v35+s14+$0x0], $0xffff  }
0x2eb: {  	v49 =	vadd.s32 $0x14, v4;
	v47 =	vor.u32 v0, v47;
	v35 =	vld.idx.msk [tilespmem:v35+s13+$0x0], $0xffff  }
0x2ec: {  	v49 =	vand.u32 $0xFF, v49;
	v43 =	vld.idx.msk [tilespmem:v36+s14+$0x0], $0xffff  }
0x2ed: {  	v51 =	vadd.s32 $0xA, v4;
	v49 =	vor.u32 v0, v49;
	v50 =	vld.idx.msk [tilespmem:v41+s14+$0x0], $0xffff  }
0x2ee: {  	v51 =	vand.u32 $0xFF, v51;
	v41 =	vld.idx.msk [tilespmem:v41+s13+$0x0], $0xffff  }
0x2ef: {  	v53 =	vadd.s32 $0x1C, v4;
	v51 =	vor.u32 v0, v51;
	v52 =	vld.idx.msk [tilespmem:v45+s14+$0x0], $0xffff  }
0x2f0: {  	v53 =	vand.u32 $0xFF, v53;
	v54 =	vld.idx.msk [tilespmem:v47+s14+$0x0], $0xffff  }
0x2f1: {  	v55 =	vadd.s32 $0x1B, v4;
	v53 =	vor.u32 v0, v53;
	v36 =	vld.idx.msk [tilespmem:v36+s13+$0x0], $0xffff  }
0x2f2: {  	v55 =	vand.u32 $0xFF, v55;
	v56 =	vld.idx.msk [tilespmem:v49+s14+$0x0], $0xffff  }
0x2f3: {  	v57 =	vadd.s32 $0x16, v4;
	v55 =	vor.u32 v0, v55;
	v49 =	vld.idx.msk [tilespmem:v49+s13+$0x0], $0xffff  }
0x2f4: {  	v59 =	vadd.s32 $0x11, v4;
	v57 =	vand.u32 $0xFF, v57;
	v58 =	vld.idx.msk [tilespmem:v51+s14+$0x0], $0xffff  }
0x2f5: {  	v59 =	vand.u32 $0xFF, v59;
	v57 =	vor.u32 v0, v57;
	v47 =	vld.idx.msk [tilespmem:v47+s13+$0x0], $0xffff  }
0x2f6: {  	v59 =	vor.u32 v0, v59;
	v60 =	vld.idx.msk [tilespmem:v53+s14+$0x0], $0xffff  }
0x2f7: {  	v45 =	vld.idx.msk [tilespmem:v45+s13+$0x0], $0xffff  }
0x2f8: {  	v8 =	vadd.f32 v30, v8;
	v26 =	vmul.f32 v26, v31;
	v61 =	vld.idx.msk [tilespmem:v55+s14+$0x0], $0xffff  }
0x2f9: {  	v25 =	vmul.f32 v25, v27;
	v27 =	vmul.f32 v28, v29;
	v28 =	vld.idx.msk [tilespmem:v55+s13+$0x0], $0xffff  }
0x2fa: {  	v17 =	vmul.f32 v21, v17;
	v8 =	vadd.f32 v26, v8;
	v26 =	vld.idx.msk [tilespmem:v57+s14+$0x0], $0xffff  }
0x2fb: {  	v30 =	vadd.s32 $0x1E, v4;
	v21 =	vld.idx.msk [tilespmem:v59+s14+$0x0], $0xffff  }
0x2fc: {  	v29 =	vand.u32 $0xFF, v30;
	v14 =	vadd.f32 v17, v14;
	v31 =	vld.idx.msk [tilespmem:v57+s13+$0x0], $0xffff  }
0x2fd: {  	v29 =	vor.u32 v0, v29;
	v30 =	vmul.f32 v33, v37;
	v20 =	vmul.f32 v24, v20;
	v33 =	vld.idx.msk [tilespmem:v53+s13+$0x0], $0xffff  }
0x2fe: {  	v24 =	vmul.f32 v40, v34;
	v17 =	vld.idx.msk [tilespmem:v51+s13+$0x0], $0xffff;
	v8 =	vadd.f32 v27, v8;
	v27 =	vadd.s32 $0x12, v4  }
0x2ff: {  	v37 =	vadd.s32 $0x19, v4;
	v13 =	vmul.f32 v13, v16;
	v48 =	vld.idx.msk [tilespmem:v42+s13+$0x0], $0xffff;
	v27 =	vand.u32 $0xFF, v27  }
0x300: {  	v15 =	vmul.f32 v32, v15;
	v53 =	vadd.s32 $0x1A, v4;
	v42 =	vld.idx.msk [tilespmem:v42+s14+$0x0], $0xffff;
	v27 =	vor.u32 v0, v27  }
0x301: {  	v11 =	vadd.f32 v20, v11;
	v16 =	vld.idx.msk [tilespmem:v59+s13+$0x0], $0xffff;
	v55 =	vand.u32 $0xFF, v53;
	v20 =	vmul.f32 v44, v35  }
0x302: {  	v40 =	vadd.s32 $0x17, v4;
	v51 =	vld.idx.msk [tilespmem:v38+s14+$0x0], $0xffff;
	v4 =	vadd.s32 $0x1F, v4;
	v35 =	vor.u32 v0, v55  }
0x303: {  	v6 =	vadd.f32 v15, v6;
	v4 =	vand.u32 $0xFF, v4;
	v11 =	vadd.f32 v20, v11;
	v20 =	vld.idx.msk [tilespmem:v29+s14+$0x0], $0xffff  }
0x304: {  	v8 =	vadd.f32 v25, v8;
	v25 =	vand.u32 $0xFF, v37;
	v4 =	vor.u32 v0, v4;
	v29 =	vld.idx.msk [tilespmem:v29+s13+$0x0], $0xffff  }
0x305: {  	v25 =	vor.u32 v0, v25;
	v44 =	vmul.f32 v42, v48;
	v48 =	vand.u32 $0xFF, v40;
	v15 =	vld.idx.msk [tilespmem:v27+s13+$0x0], $0xffff  }
0x306: {  	v18 =	vmul.f32 v39, v18;
	v5 =	vadd.f32 v30, v5;
	v32 =	vor.u32 v0, v48;
	v27 =	vld.idx.msk [tilespmem:v27+s14+$0x0], $0xffff  }
0x307: {  	v19 =	vmul.f32 v19, v46;
	v9 =	vadd.f32 v13, v9;
	v13 =	vld.idx.msk [tilespmem:v35+s14+$0x0], $0xffff  }
0x308: {  	v22 =	vmul.f32 v23, v22;
	v5 =	vadd.f32 v18, v5;
	v18 =	vmul.f32 v26, v31;
	v26 =	vld.idx.msk [tilespmem:v35+s13+$0x0], $0xffff  }
0x309: {  	v10 =	vadd.f32 v19, v10;
	v50 =	vmul.f32 v50, v41;
	v36 =	vmul.f32 v43, v36;
	v19 =	vld.idx.msk [tilespmem:v4+s13+$0x0], $0xffff  }
0x30a: {  	v6 =	vadd.f32 v24, v6;
	v57 =	vmul.f32 v56, v49;
	v63 =	vmul.f32 v54, v47;
	v24 =	vld.idx.msk [tilespmem:v25+s13+$0x0], $0xffff  }
0x30b: {  	v7 =	vadd.f32 v22, v7;
	v59 =	vmul.f32 v52, v45;
	v17 =	vmul.f32 v58, v17;
	v62 =	vld.idx.msk [tilespmem:v32+s13+$0x0], $0xffff  }
0x30c: {  	v12 =	vmul.f32 v51, v12;
	v6 =	vadd.f32 v36, v6;
	v9 =	vadd.f32 v63, v9;
	v30 =	vld.idx.msk [tilespmem:v32+s14+$0x0], $0xffff  }
0x30d: {  	v28 =	vmul.f32 v61, v28;
	v5 =	vadd.f32 v18, v5;
	v10 =	vadd.f32 v17, v10;
	v25 =	vld.idx.msk [tilespmem:v25+s14+$0x0], $0xffff  }
0x30e: {  	v16 =	vmul.f32 v21, v16;
	v7 =	vadd.f32 v12, v7;
	v11 =	vadd.f32 v50, v11;
	v4 =	vld.idx.msk [tilespmem:v4+s14+$0x0], $0xffff  }
0x30f: {  	v23 =	vmul.f32 v60, v33;
	v14 =	vadd.f32 v44, v14;
	v6 =	vadd.f32 v28, v6  }
0x310: {  	v9 =	vadd.f32 v16, v9;
	v11 =	vadd.f32 v59, v11;
	v15 =	vmul.f32 v27, v15  }
0x311: {  	v14 =	vadd.f32 v57, v14;
	v16 =	vmul.f32 v20, v29;
	v12 =	vmul.f32 v30, v62  }
0x312: {  	v13 =	vmul.f32 v13, v26;
	v10 =	vadd.f32 v15, v10;
	v15 =	vmul.f32 v25, v24  }
0x313: {  	v14 =	vadd.f32 v23, v14;
	v4 =	vmul.f32 v4, v19;
	v7 =	vadd.f32 v12, v7  }
0x314: {  	v9 =	vadd.f32 v15, v9;
	v10 =	vadd.f32 v13, v10  }
0x315: {  	v5 =	vadd.f32 v16, v5;
	v7 =	vadd.f32 v4, v7  }
0x316: {  	v8 =	vadd.f32 v9, v8;
	v6 =	vadd.f32 v6, v10;
	v4 =	vlaneseq.u32  }
0x317: {  	v9 =	vadd.f32 v11, v14;
	v5 =	vadd.f32 v7, v5;
	v7 =	vadd.s32 $0x4, v4  }
0x318: {  	v6 =	vadd.f32 v6, v8;
	v8 =	vadd.s32 $0x1, v4;
	v7 =	vand.u32 $0xFF, v7  }
0x319: {  	v8 =	vand.u32 $0xFF, v8;
	v5 =	vadd.f32 v5, v9;
	v7 =	vor.u32 v1, v7  }
0x31a: {  	v10 =	vadd.s32 $0x3, v4;
	v16 =	vor.u32 v1, v8  }
0x31b: {  	v8 =	vand.u32 $0xFF, v4;
	v9 =	vadd.s32 $0x5, v4;
	v5 =	vadd.f32 v5, v6  }
0x31c: {  	v12 =	vadd.s32 $0x6, v4;
	v6 =	vand.u32 $0xFF, v9;
	v9 =	vor.u32 v1, v8  }
0x31d: {  	v15 =	vadd.s32 $0x8, v4;
	v10 =	vand.u32 $0xFF, v10;
	v8 =	vadd.s32 $0x7, v4;
	[tilespmem:s20+$0x2800] =	vst v5  }
0x31e: {  	v12 =	vand.u32 $0xFF, v12;
	v24 =	vor.u32 v1, v6;
	v8 =	vand.u32 $0xFF, v8;
	v17 =	vld.idx.msk [tilespmem:v7+s13+$0x0], $0xffff  }
0x31f: {  	v33 =	vor.u32 v1, v12;
	v6 =	vand.u32 $0x7, v4;
	v11 =	vor.u32 v1, v8;
	v13 =	vld.idx.msk [tilespmem:v16+s14+$0x0], $0xffff  }
0x320: {  	v12 =	vand.u32 $0xF8, v15;
	v5 =	vadd.s32 $0x18, v4;
	v6 =	vor.u32 v1, v6;
	v21 =	vld.idx.msk [tilespmem:v7+s14+$0x0], $0xffff  }
0x321: {  	v32 =	vor.u32 v1, v10;
	v5 =	vand.u32 $0xF8, v5;
	v26 =	vor.u32 v12, v6;
	v10 =	vld.idx.msk [tilespmem:v9+s14+$0x0], $0xffff  }
0x322: {  	v5 =	vor.u32 v5, v6;
	v9 =	vld.idx.msk [tilespmem:v9+s13+$0x0], $0xffff  }
0x323: {  	v7 =	vadd.s32 $0x10, v4;
	v20 =	vld.idx.msk [tilespmem:v24+s13+$0x0], $0xffff  }
0x324: {  	v14 =	vadd.s32 $0x2, v4;
	v7 =	vand.u32 $0xF8, v7;
	v22 =	vld.idx.msk [tilespmem:v11+s13+$0x0], $0xffff  }
0x325: {  	v35 =	vadd.s32 $0xD, v4;
	v14 =	vand.u32 $0xFF, v14;
	v7 =	vor.u32 v7, v6;
	v23 =	vld.idx.msk [tilespmem:v11+s14+$0x0], $0xffff  }
0x326: {  	v36 =	vadd.s32 $0xF, v4;
	v15 =	vadd.s32 $0xE, v4;
	v19 =	vor.u32 v1, v14;
	v31 =	vld.idx.msk [tilespmem:v26+s13+$0x0], $0xffff  }
0x327: {  	v14 =	vimm.f32 $0.0e+00;
	v8 =	vimm.f32 $0.0e+00;
	v12 =	vadd.s32 $0x20, v4;
	v25 =	vld.idx.msk [tilespmem:v5+s14+$0x0], $0xffff  }
0x328: {  	v6 =	vadd.s32 $0xB, v4;
	v11 =	vimm.f32 $0.0e+00;
	v27 =	vld.idx.msk [tilespmem:v5+s13+$0x0], $0xffff;
	v5 =	vand.u32 $0xFF, v15  }
0x329: {  	v15 =	vld.idx.msk [tilespmem:v32+s13+$0x0], $0xffff;
	v18 =	vor.u32 v1, v5;
	v5 =	vand.u32 $0xFF, v6;
	v30 =	vmul.f32 v10, v9  }
0x32a: {  	v28 =	vld.idx.msk [tilespmem:v7+s14+$0x0], $0xffff;
	v6 =	vimm.f32 $0.0e+00;
	v9 =	vimm.f32 $0.0e+00;
	v10 =	vimm.f32 $0.0e+00  }
0x32b: {  	s21 =	simm.s32 $0x0;
	v29 =	vld.idx.msk [tilespmem:v7+s13+$0x0], $0xffff;
	v7 =	vimm.f32 $0.0e+00;
	v34 =	vor.u32 v1, v5;
	v5 =	vimm.f32 $0.0e+00  }
.LBB2_13:
0x32c: {  	s21 =	sadd.s32 $0x4, s21;
	v37 =	vld.idx.msk [tilespmem:v33+s13+$0x0], $0xffff;
	v38 =	vadd.s32 $0xC, v4;
	v36 =	vand.u32 $0xFF, v36;
	v39 =	vadd.s32 $0x13, v4  }
0x32d: {  	p0 =	slt.u32 s21, $0x1C;
	v40 =	vld.idx.msk [tilespmem:v26+s14+$0x0], $0xffff;
	v38 =	vand.u32 $0xFF, v38;
	v26 =	vor.u32 v1, v36;
	v36 =	vand.u32 $0xFF, v39  }
0x32e: {  	v35 =	vand.u32 $0xFF, v35;
	v33 =	vld.idx.msk [tilespmem:v33+s14+$0x0], $0xffff;
	v38 =	vor.u32 v1, v38;
	v36 =	vor.u32 v1, v36  }
0x32f: {  	v35 =	vor.u32 v1, v35;
	v32 =	vld.idx.msk [tilespmem:v32+s14+$0x0], $0xffff  }
0x330: {  	v41 =	vadd.s32 $0x14, v4;
	v42 =	vadd.s32 $0x1D, v4;
	v22 =	vmul.f32 v23, v22;
	v39 =	vld.idx.msk [tilespmem:v18+s14+$0x0], $0xffff  }
0x331: {  	v8 =	vadd.f32 v30, v8;
	v23 =	vadd.s32 $0x15, v4;
	v30 =	vld.idx.msk [tilespmem:v34+s14+$0x0], $0xffff  }
0x332: {  	v25 =	vmul.f32 v25, v27;
	v23 =	vand.u32 $0xFF, v23;
	v34 =	vld.idx.msk [tilespmem:v34+s13+$0x0], $0xffff  }
0x333: {  	v28 =	vmul.f32 v28, v29;
	v29 =	vor.u32 v1, v23;
	v27 =	vmul.f32 v40, v31;
	v24 =	vld.idx.msk [tilespmem:v24+s14+$0x0], $0xffff  }
0x334: {  	v31 =	vmul.f32 v33, v37;
	v33 =	vadd.s32 $0x9, v4;
	v23 =	vld.idx.msk [tilespmem:v26+s13+$0x0], $0xffff  }
0x335: {  	v8 =	vadd.f32 v27, v8;
	v27 =	vand.u32 $0xFF, v33;
	v33 =	vld.idx.msk [tilespmem:v36+s14+$0x0], $0xffff  }
0x336: {  	v40 =	vand.u32 $0xFF, v42;
	v37 =	vld.idx.msk [tilespmem:v35+s14+$0x0], $0xffff  }
0x337: {  	v17 =	vmul.f32 v21, v17;
	v21 =	vor.u32 v1, v40;
	v8 =	vadd.f32 v28, v8;
	v42 =	vld.idx.msk [tilespmem:v19+s13+$0x0], $0xffff  }
0x338: {  	v27 =	vor.u32 v1, v27;
	v28 =	vmul.f32 v30, v34;
	v30 =	vld.idx.msk [tilespmem:v35+s13+$0x0], $0xffff  }
0x339: {  	v14 =	vadd.f32 v17, v14;
	v17 =	vmul.f32 v24, v20;
	v24 =	vand.u32 $0xFF, v41;
	v20 =	vld.idx.msk [tilespmem:v38+s13+$0x0], $0xffff  }
0x33a: {  	v8 =	vadd.f32 v25, v8;
	v24 =	vor.u32 v1, v24;
	v34 =	vld.idx.msk [tilespmem:v29+s14+$0x0], $0xffff  }
0x33b: {  	v25 =	vadd.s32 $0xA, v4;
	v16 =	vld.idx.msk [tilespmem:v16+s13+$0x0], $0xffff  }
0x33c: {  	v11 =	vadd.f32 v17, v11;
	v17 =	vand.u32 $0xFF, v25;
	v25 =	vld.idx.msk [tilespmem:v29+s13+$0x0], $0xffff  }
0x33d: {  	v35 =	vadd.s32 $0x1C, v4;
	v17 =	vor.u32 v1, v17;
	v29 =	vld.idx.msk [tilespmem:v38+s14+$0x0], $0xffff  }
0x33e: {  	v35 =	vand.u32 $0xFF, v35;
	v30 =	vmul.f32 v37, v30;
	v37 =	vld.idx.msk [tilespmem:v21+s14+$0x0], $0xffff  }
0x33f: {  	v40 =	vadd.s32 $0x1B, v4;
	v35 =	vor.u32 v1, v35;
	v38 =	vld.idx.msk [tilespmem:v27+s14+$0x0], $0xffff  }
0x340: {  	v11 =	vadd.f32 v30, v11;
	v30 =	vld.idx.msk [tilespmem:v36+s13+$0x0], $0xffff;
	v36 =	vand.u32 $0xFF, v40  }
0x341: {  	v13 =	vmul.f32 v13, v16;
	v16 =	vld.idx.msk [tilespmem:v24+s14+$0x0], $0xffff;
	v36 =	vor.u32 v1, v36  }
0x342: {  	v40 =	vadd.s32 $0x11, v4;
	v25 =	vmul.f32 v34, v25;
	v34 =	vadd.s32 $0x16, v4;
	v19 =	vld.idx.msk [tilespmem:v19+s14+$0x0], $0xffff  }
0x343: {  	v20 =	vmul.f32 v29, v20;
	v29 =	vand.u32 $0xFF, v40;
	v34 =	vand.u32 $0xFF, v34;
	v24 =	vld.idx.msk [tilespmem:v24+s13+$0x0], $0xffff  }
0x344: {  	v29 =	vor.u32 v1, v29;
	v11 =	vadd.f32 v25, v11;
	v25 =	vor.u32 v1, v34;
	v40 =	vld.idx.msk [tilespmem:v17+s14+$0x0], $0xffff  }
0x345: {  	v14 =	vadd.f32 v20, v14;
	v27 =	vld.idx.msk [tilespmem:v27+s13+$0x0], $0xffff  }
0x346: {  	v20 =	vmul.f32 v33, v30;
	v30 =	vld.idx.msk [tilespmem:v35+s14+$0x0], $0xffff  }
0x347: {  	v21 =	vld.idx.msk [tilespmem:v21+s13+$0x0], $0xffff  }
0x348: {  	v15 =	vmul.f32 v32, v15;
	v19 =	vmul.f32 v19, v42;
	v32 =	vld.idx.msk [tilespmem:v36+s14+$0x0], $0xffff  }
0x349: {  	v16 =	vmul.f32 v16, v24;
	v24 =	vadd.s32 $0x1E, v4;
	v18 =	vld.idx.msk [tilespmem:v18+s13+$0x0], $0xffff  }
0x34a: {  	v6 =	vadd.f32 v15, v6;
	v24 =	vand.u32 $0xFF, v24;
	v15 =	vld.idx.msk [tilespmem:v36+s13+$0x0], $0xffff  }
0x34b: {  	v27 =	vmul.f32 v38, v27;
	v14 =	vadd.f32 v16, v14;
	v24 =	vor.u32 v1, v24;
	v16 =	vld.idx.msk [tilespmem:v25+s14+$0x0], $0xffff  }
0x34c: {  	v6 =	vadd.f32 v28, v6;
	v28 =	vld.idx.msk [tilespmem:v29+s14+$0x0], $0xffff  }
0x34d: {  	v33 =	vadd.s32 $0x12, v4;
	v21 =	vmul.f32 v37, v21;
	v25 =	vld.idx.msk [tilespmem:v25+s13+$0x0], $0xffff  }
0x34e: {  	v33 =	vand.u32 $0xFF, v33;
	v34 =	vld.idx.msk [tilespmem:v35+s13+$0x0], $0xffff  }
0x34f: {  	v33 =	vor.u32 v1, v33;
	v6 =	vadd.f32 v20, v6;
	v11 =	vadd.f32 v21, v11;
	v17 =	vld.idx.msk [tilespmem:v17+s13+$0x0], $0xffff  }
0x350: {  	v20 =	vadd.s32 $0x19, v4;
	v18 =	vmul.f32 v39, v18;
	v15 =	vmul.f32 v32, v15;
	v21 =	vld.idx.msk [tilespmem:v24+s14+$0x0], $0xffff  }
0x351: {  	v5 =	vadd.f32 v31, v5;
	v31 =	vadd.s32 $0x17, v4;
	v20 =	vand.u32 $0xFF, v20;
	v29 =	vld.idx.msk [tilespmem:v29+s13+$0x0], $0xffff  }
0x352: {  	v9 =	vadd.f32 v13, v9;
	v13 =	vor.u32 v1, v20;
	v6 =	vadd.f32 v15, v6;
	v15 =	vld.idx.msk [tilespmem:v24+s13+$0x0], $0xffff  }
0x353: {  	v20 =	vand.u32 $0xFF, v31;
	v5 =	vadd.f32 v18, v5;
	v24 =	vadd.s32 $0x1F, v4;
	v18 =	vld.idx.msk [tilespmem:v26+s14+$0x0], $0xffff  }
0x354: {  	v10 =	vadd.f32 v19, v10;
	v20 =	vor.u32 v1, v20;
	v16 =	vmul.f32 v16, v25;
	v19 =	vld.idx.msk [tilespmem:v33+s13+$0x0], $0xffff  }
0x355: {  	v9 =	vadd.f32 v27, v9;
	v26 =	vadd.s32 $0x1A, v4;
	v27 =	vmul.f32 v30, v34;
	v4 =	vmovc v12;
	v25 =	vld.idx.msk [tilespmem:v33+s14+$0x0], $0xffff  }
0x356: {  	v17 =	vmul.f32 v40, v17;
	v5 =	vadd.f32 v16, v5;
	v16 =	vand.u32 $0xFF, v26  }
0x357: {  	v16 =	vor.u32 v1, v16;
	v14 =	vadd.f32 v27, v14;
	v26 =	vmul.f32 v28, v29;
	v28 =	vld.idx.msk [tilespmem:v13+s13+$0x0], $0xffff  }
0x358: {  	v7 =	vadd.f32 v22, v7;
	v15 =	vmul.f32 v21, v15;
	v21 =	vand.u32 $0xFF, v24;
	v13 =	vld.idx.msk [tilespmem:v13+s14+$0x0], $0xffff  }
0x359: {  	v10 =	vadd.f32 v17, v10;
	v9 =	vadd.f32 v26, v9;
	v21 =	vor.u32 v1, v21;
	v17 =	vld.idx.msk [tilespmem:v20+s13+$0x0], $0xffff  }
0x35a: {  	v22 =	vadd.s32 $0x10, v12;
	v24 =	vadd.s32 $0x18, v12;
	v18 =	vmul.f32 v18, v23;
	v20 =	vld.idx.msk [tilespmem:v20+s14+$0x0], $0xffff  }
0x35b: {  	v23 =	vadd.s32 $0x8, v12;
	v26 =	vand.u32 $0x7, v12;
	v5 =	vadd.f32 v15, v5  }
0x35c: {  	v27 =	vadd.s32 $0x3, v12;
	v15 =	vand.u32 $0xFF, v12;
	v19 =	vmul.f32 v25, v19;
	v25 =	vld.idx.msk [tilespmem:v16+s14+$0x0], $0xffff  }
0x35d: {  	v30 =	vadd.s32 $0x7, v12;
	v29 =	vadd.s32 $0x6, v12;
	v7 =	vadd.f32 v18, v7;
	v18 =	vld.idx.msk [tilespmem:v16+s13+$0x0], $0xffff  }
0x35e: {  	v31 =	vadd.s32 $0x5, v12;
	v10 =	vadd.f32 v19, v10;
	v16 =	vadd.s32 $0x4, v12;
	v19 =	vld.idx.msk [tilespmem:v21+s13+$0x0], $0xffff  }
0x35f: {  	v32 =	vadd.s32 $0x1, v12;
	v33 =	vadd.s32 $0x2, v12;
	v13 =	vmul.f32 v13, v28;
	v21 =	vld.idx.msk [tilespmem:v21+s14+$0x0], $0xffff  }
0x360: {  	v28 =	vand.u32 $0xFF, v33;
	v16 =	vand.u32 $0xFF, v16;
	v17 =	vmul.f32 v20, v17  }
0x361: {  	v20 =	vand.u32 $0xFF, v32;
	v34 =	vor.u32 v1, v16;
	v32 =	vand.u32 $0xF8, v24  }
0x362: {  	v9 =	vadd.f32 v13, v9;
	v16 =	vor.u32 v1, v20;
	v20 =	vand.u32 $0xFF, v31  }
0x363: {  	v27 =	vand.u32 $0xFF, v27;
	v24 =	vor.u32 v1, v20;
	v18 =	vmul.f32 v25, v18  }
0x364: {  	v13 =	vand.u32 $0xFF, v29;
	v7 =	vadd.f32 v17, v7;
	v25 =	vor.u32 v1, v26  }
0x365: {  	v15 =	vor.u32 v1, v15;
	v33 =	vor.u32 v1, v13;
	v20 =	vmul.f32 v21, v19  }
0x366: {  	v19 =	vor.u32 v1, v28;
	v21 =	vand.u32 $0xFF, v30;
	v28 =	vor.u32 v32, v25;
	v17 =	vld.idx.msk [tilespmem:v34+s13+$0x0], $0xffff  }
0x367: {  	v32 =	vor.u32 v1, v27;
	v10 =	vadd.f32 v18, v10;
	v31 =	vor.u32 v1, v21;
	v13 =	vld.idx.msk [tilespmem:v16+s14+$0x0], $0xffff  }
0x368: {  	v18 =	vand.u32 $0xF8, v23;
	v7 =	vadd.f32 v20, v7;
	v21 =	vld.idx.msk [tilespmem:v34+s14+$0x0], $0xffff  }
0x369: {  	v26 =	vor.u32 v18, v25;
	v20 =	vld.idx.msk [tilespmem:v24+s13+$0x0], $0xffff  }
0x36a: {  	v18 =	vand.u32 $0xF8, v22;
	v23 =	vld.idx.msk [tilespmem:v15+s14+$0x0], $0xffff  }
0x36b: {  	v29 =	vor.u32 v18, v25;
	v30 =	vld.idx.msk [tilespmem:v15+s13+$0x0], $0xffff  }
0x36c: {  	v25 =	vld.idx.msk [tilespmem:v28+s14+$0x0], $0xffff  }
0x36d: {  	v15 =	vadd.s32 $0xE, v12;
	v27 =	vld.idx.msk [tilespmem:v28+s13+$0x0], $0xffff  }
0x36e: {  	v18 =	vand.u32 $0xFF, v15;
	v22 =	vld.idx.msk [tilespmem:v31+s13+$0x0], $0xffff  }
.Ltmp5:
0x36f: {  	v28 =	vadd.s32 $0xB, v12;
	v18 =	vor.u32 v1, v18;
	v15 =	vld.idx.msk [tilespmem:v32+s13+$0x0], $0xffff;
	(pc) =	sbr.rel @p0 .LBB2_13-.Ltmp5, $4  }
0x370: {  	v34 =	vand.u32 $0xFF, v28;
	v28 =	vld.idx.msk [tilespmem:v29+s14+$0x0], $0xffff  }
0x371: {  	v34 =	vor.u32 v1, v34;
	v29 =	vld.idx.msk [tilespmem:v29+s13+$0x0], $0xffff  }
0x372: {  	v30 =	vmul.f32 v23, v30;
	v23 =	vld.idx.msk [tilespmem:v31+s14+$0x0], $0xffff  }
0x373: {  	v35 =	vadd.s32 $0xD, v4;
	v36 =	vadd.s32 $0xF, v4;
	v12 =	vadd.s32 $0x20, v12;
	v31 =	vld.idx.msk [tilespmem:v26+s13+$0x0], $0xffff  }
0x374: {  	_ =	sdelay $0x3  }
0x375: {  	v37 =	vld.idx.msk [tilespmem:v33+s13+$0x0], $0xffff  }
0x376: {  	v26 =	vld.idx.msk [tilespmem:v26+s14+$0x0], $0xffff  }
0x377: {  	v33 =	vld.idx.msk [tilespmem:v33+s14+$0x0], $0xffff  }
0x378: {  	v32 =	vld.idx.msk [tilespmem:v32+s14+$0x0], $0xffff  }
0x379: {  	v39 =	vld.idx.msk [tilespmem:v18+s14+$0x0], $0xffff  }
0x37a: {  	v40 =	vld.idx.msk [tilespmem:v34+s14+$0x0], $0xffff  }
0x37b: {  	v12 =	vand.u32 $0xFF, v36;
	v34 =	vld.idx.msk [tilespmem:v34+s13+$0x0], $0xffff  }
0x37c: {  	v35 =	vand.u32 $0xFF, v35;
	v24 =	vld.idx.msk [tilespmem:v24+s14+$0x0], $0xffff;
	v38 =	vor.u32 v1, v12  }
0x37d: {  	v63 =	vadd.s32 $0x13, v4;
	v46 =	vld.idx.msk [tilespmem:v19+s13+$0x0], $0xffff;
	v35 =	vor.u32 v1, v35  }
0x37e: {  	v41 =	vadd.s32 $0x15, v4;
	v16 =	vld.idx.msk [tilespmem:v16+s13+$0x0], $0xffff;
	v12 =	vand.u32 $0xFF, v63  }
0x37f: {  	v19 =	vld.idx.msk [tilespmem:v19+s14+$0x0], $0xffff;
	v41 =	vand.u32 $0xFF, v41;
	v36 =	vor.u32 v1, v12;
	v12 =	vadd.s32 $0xC, v4  }
0x380: {  	v45 =	vadd.s32 $0x1D, v4;
	v18 =	vld.idx.msk [tilespmem:v18+s13+$0x0], $0xffff;
	v41 =	vor.u32 v1, v41;
	v12 =	vand.u32 $0xFF, v12  }
0x381: {  	v47 =	vadd.s32 $0x9, v4;
	v45 =	vand.u32 $0xFF, v45;
	v42 =	vor.u32 v1, v12;
	v12 =	vld.idx.msk [tilespmem:v38+s13+$0x0], $0xffff  }
0x382: {  	v47 =	vand.u32 $0xFF, v47;
	v45 =	vor.u32 v1, v45;
	v44 =	vld.idx.msk [tilespmem:v35+s14+$0x0], $0xffff  }
0x383: {  	v49 =	vadd.s32 $0x14, v4;
	v47 =	vor.u32 v1, v47;
	v35 =	vld.idx.msk [tilespmem:v35+s13+$0x0], $0xffff  }
0x384: {  	v49 =	vand.u32 $0xFF, v49;
	v43 =	vld.idx.msk [tilespmem:v36+s14+$0x0], $0xffff  }
0x385: {  	v51 =	vadd.s32 $0xA, v4;
	v49 =	vor.u32 v1, v49;
	v50 =	vld.idx.msk [tilespmem:v41+s14+$0x0], $0xffff  }
0x386: {  	v51 =	vand.u32 $0xFF, v51;
	v41 =	vld.idx.msk [tilespmem:v41+s13+$0x0], $0xffff  }
0x387: {  	v53 =	vadd.s32 $0x1C, v4;
	v51 =	vor.u32 v1, v51;
	v52 =	vld.idx.msk [tilespmem:v45+s14+$0x0], $0xffff  }
0x388: {  	v53 =	vand.u32 $0xFF, v53;
	v54 =	vld.idx.msk [tilespmem:v47+s14+$0x0], $0xffff  }
0x389: {  	v55 =	vadd.s32 $0x1B, v4;
	v53 =	vor.u32 v1, v53;
	v36 =	vld.idx.msk [tilespmem:v36+s13+$0x0], $0xffff  }
0x38a: {  	v55 =	vand.u32 $0xFF, v55;
	v56 =	vld.idx.msk [tilespmem:v49+s14+$0x0], $0xffff  }
0x38b: {  	v57 =	vadd.s32 $0x16, v4;
	v55 =	vor.u32 v1, v55;
	v49 =	vld.idx.msk [tilespmem:v49+s13+$0x0], $0xffff  }
0x38c: {  	v59 =	vadd.s32 $0x11, v4;
	v57 =	vand.u32 $0xFF, v57;
	v58 =	vld.idx.msk [tilespmem:v51+s14+$0x0], $0xffff  }
0x38d: {  	v59 =	vand.u32 $0xFF, v59;
	v57 =	vor.u32 v1, v57;
	v47 =	vld.idx.msk [tilespmem:v47+s13+$0x0], $0xffff  }
0x38e: {  	v59 =	vor.u32 v1, v59;
	v60 =	vld.idx.msk [tilespmem:v53+s14+$0x0], $0xffff  }
0x38f: {  	v45 =	vld.idx.msk [tilespmem:v45+s13+$0x0], $0xffff  }
0x390: {  	v8 =	vadd.f32 v30, v8;
	v26 =	vmul.f32 v26, v31;
	v61 =	vld.idx.msk [tilespmem:v55+s14+$0x0], $0xffff  }
0x391: {  	v25 =	vmul.f32 v25, v27;
	v27 =	vmul.f32 v28, v29;
	v28 =	vld.idx.msk [tilespmem:v55+s13+$0x0], $0xffff  }
0x392: {  	v17 =	vmul.f32 v21, v17;
	v8 =	vadd.f32 v26, v8;
	v26 =	vld.idx.msk [tilespmem:v57+s14+$0x0], $0xffff  }
0x393: {  	v30 =	vadd.s32 $0x1E, v4;
	v21 =	vld.idx.msk [tilespmem:v59+s14+$0x0], $0xffff  }
0x394: {  	v29 =	vand.u32 $0xFF, v30;
	v14 =	vadd.f32 v17, v14;
	v31 =	vld.idx.msk [tilespmem:v57+s13+$0x0], $0xffff  }
0x395: {  	v29 =	vor.u32 v1, v29;
	v30 =	vmul.f32 v33, v37;
	v20 =	vmul.f32 v24, v20;
	v33 =	vld.idx.msk [tilespmem:v53+s13+$0x0], $0xffff  }
0x396: {  	v24 =	vmul.f32 v40, v34;
	v17 =	vld.idx.msk [tilespmem:v51+s13+$0x0], $0xffff;
	v8 =	vadd.f32 v27, v8;
	v27 =	vadd.s32 $0x12, v4  }
0x397: {  	v37 =	vadd.s32 $0x19, v4;
	v13 =	vmul.f32 v13, v16;
	v48 =	vld.idx.msk [tilespmem:v42+s13+$0x0], $0xffff;
	v27 =	vand.u32 $0xFF, v27  }
0x398: {  	v15 =	vmul.f32 v32, v15;
	v53 =	vadd.s32 $0x1A, v4;
	v42 =	vld.idx.msk [tilespmem:v42+s14+$0x0], $0xffff;
	v27 =	vor.u32 v1, v27  }
0x399: {  	v11 =	vadd.f32 v20, v11;
	v16 =	vld.idx.msk [tilespmem:v59+s13+$0x0], $0xffff;
	v55 =	vand.u32 $0xFF, v53;
	v20 =	vmul.f32 v44, v35  }
0x39a: {  	v40 =	vadd.s32 $0x17, v4;
	v51 =	vld.idx.msk [tilespmem:v38+s14+$0x0], $0xffff;
	v4 =	vadd.s32 $0x1F, v4;
	v35 =	vor.u32 v1, v55  }
0x39b: {  	v6 =	vadd.f32 v15, v6;
	v4 =	vand.u32 $0xFF, v4;
	v11 =	vadd.f32 v20, v11;
	v20 =	vld.idx.msk [tilespmem:v29+s14+$0x0], $0xffff  }
0x39c: {  	v8 =	vadd.f32 v25, v8;
	v25 =	vand.u32 $0xFF, v37;
	v4 =	vor.u32 v1, v4;
	v29 =	vld.idx.msk [tilespmem:v29+s13+$0x0], $0xffff  }
0x39d: {  	v25 =	vor.u32 v1, v25;
	v44 =	vmul.f32 v42, v48;
	v48 =	vand.u32 $0xFF, v40;
	v15 =	vld.idx.msk [tilespmem:v27+s13+$0x0], $0xffff  }
0x39e: {  	v18 =	vmul.f32 v39, v18;
	v5 =	vadd.f32 v30, v5;
	v32 =	vor.u32 v1, v48;
	v27 =	vld.idx.msk [tilespmem:v27+s14+$0x0], $0xffff  }
0x39f: {  	v19 =	vmul.f32 v19, v46;
	v9 =	vadd.f32 v13, v9;
	v13 =	vld.idx.msk [tilespmem:v35+s14+$0x0], $0xffff  }
0x3a0: {  	v22 =	vmul.f32 v23, v22;
	v5 =	vadd.f32 v18, v5;
	v18 =	vmul.f32 v26, v31;
	v26 =	vld.idx.msk [tilespmem:v35+s13+$0x0], $0xffff  }
0x3a1: {  	v10 =	vadd.f32 v19, v10;
	v50 =	vmul.f32 v50, v41;
	v36 =	vmul.f32 v43, v36;
	v19 =	vld.idx.msk [tilespmem:v4+s13+$0x0], $0xffff  }
0x3a2: {  	v6 =	vadd.f32 v24, v6;
	v57 =	vmul.f32 v56, v49;
	v63 =	vmul.f32 v54, v47;
	v24 =	vld.idx.msk [tilespmem:v25+s13+$0x0], $0xffff  }
0x3a3: {  	v7 =	vadd.f32 v22, v7;
	v59 =	vmul.f32 v52, v45;
	v17 =	vmul.f32 v58, v17;
	v62 =	vld.idx.msk [tilespmem:v32+s13+$0x0], $0xffff  }
0x3a4: {  	v12 =	vmul.f32 v51, v12;
	v6 =	vadd.f32 v36, v6;
	v9 =	vadd.f32 v63, v9;
	v30 =	vld.idx.msk [tilespmem:v32+s14+$0x0], $0xffff  }
0x3a5: {  	v28 =	vmul.f32 v61, v28;
	v5 =	vadd.f32 v18, v5;
	v10 =	vadd.f32 v17, v10;
	v25 =	vld.idx.msk [tilespmem:v25+s14+$0x0], $0xffff  }
0x3a6: {  	v16 =	vmul.f32 v21, v16;
	v7 =	vadd.f32 v12, v7;
	v11 =	vadd.f32 v50, v11;
	v4 =	vld.idx.msk [tilespmem:v4+s14+$0x0], $0xffff  }
0x3a7: {  	v23 =	vmul.f32 v60, v33;
	v14 =	vadd.f32 v44, v14;
	v6 =	vadd.f32 v28, v6  }
0x3a8: {  	v9 =	vadd.f32 v16, v9;
	v11 =	vadd.f32 v59, v11;
	v15 =	vmul.f32 v27, v15  }
0x3a9: {  	v14 =	vadd.f32 v57, v14;
	v16 =	vmul.f32 v20, v29;
	v12 =	vmul.f32 v30, v62  }
0x3aa: {  	v13 =	vmul.f32 v13, v26;
	v10 =	vadd.f32 v15, v10;
	v15 =	vmul.f32 v25, v24  }
0x3ab: {  	v14 =	vadd.f32 v23, v14;
	v4 =	vmul.f32 v4, v19;
	v7 =	vadd.f32 v12, v7  }
0x3ac: {  	v9 =	vadd.f32 v15, v9;
	v10 =	vadd.f32 v13, v10  }
0x3ad: {  	v5 =	vadd.f32 v16, v5;
	v7 =	vadd.f32 v4, v7  }
0x3ae: {  	v8 =	vadd.f32 v9, v8;
	v6 =	vadd.f32 v6, v10;
	v4 =	vlaneseq.u32  }
0x3af: {  	v9 =	vadd.f32 v11, v14;
	v5 =	vadd.f32 v7, v5;
	v7 =	vadd.s32 $0x4, v4  }
0x3b0: {  	v6 =	vadd.f32 v6, v8;
	v8 =	vadd.s32 $0x1, v4;
	v7 =	vand.u32 $0xFF, v7  }
0x3b1: {  	v8 =	vand.u32 $0xFF, v8;
	v5 =	vadd.f32 v5, v9;
	v7 =	vor.u32 v3, v7  }
0x3b2: {  	v10 =	vadd.s32 $0x3, v4;
	v16 =	vor.u32 v3, v8  }
0x3b3: {  	v8 =	vand.u32 $0xFF, v4;
	v9 =	vadd.s32 $0x5, v4;
	v5 =	vadd.f32 v5, v6  }
0x3b4: {  	v12 =	vadd.s32 $0x6, v4;
	v6 =	vand.u32 $0xFF, v9;
	v9 =	vor.u32 v3, v8  }
0x3b5: {  	v15 =	vadd.s32 $0x8, v4;
	v10 =	vand.u32 $0xFF, v10;
	v8 =	vadd.s32 $0x7, v4;
	[tilespmem:s20+$0x2810] =	vst v5  }
0x3b6: {  	v12 =	vand.u32 $0xFF, v12;
	v24 =	vor.u32 v3, v6;
	v8 =	vand.u32 $0xFF, v8;
	v17 =	vld.idx.msk [tilespmem:v7+s13+$0x0], $0xffff  }
0x3b7: {  	v33 =	vor.u32 v3, v12;
	v6 =	vand.u32 $0x7, v4;
	v11 =	vor.u32 v3, v8;
	v13 =	vld.idx.msk [tilespmem:v16+s14+$0x0], $0xffff  }
0x3b8: {  	v12 =	vand.u32 $0xF8, v15;
	v5 =	vadd.s32 $0x18, v4;
	v6 =	vor.u32 v3, v6;
	v21 =	vld.idx.msk [tilespmem:v7+s14+$0x0], $0xffff  }
0x3b9: {  	v32 =	vor.u32 v3, v10;
	v5 =	vand.u32 $0xF8, v5;
	v26 =	vor.u32 v12, v6;
	v10 =	vld.idx.msk [tilespmem:v9+s14+$0x0], $0xffff  }
0x3ba: {  	v5 =	vor.u32 v5, v6;
	v9 =	vld.idx.msk [tilespmem:v9+s13+$0x0], $0xffff  }
0x3bb: {  	v7 =	vadd.s32 $0x10, v4;
	v20 =	vld.idx.msk [tilespmem:v24+s13+$0x0], $0xffff  }
0x3bc: {  	v14 =	vadd.s32 $0x2, v4;
	v7 =	vand.u32 $0xF8, v7;
	v22 =	vld.idx.msk [tilespmem:v11+s13+$0x0], $0xffff  }
0x3bd: {  	v35 =	vadd.s32 $0xD, v4;
	v14 =	vand.u32 $0xFF, v14;
	v7 =	vor.u32 v7, v6;
	v23 =	vld.idx.msk [tilespmem:v11+s14+$0x0], $0xffff  }
0x3be: {  	v36 =	vadd.s32 $0xF, v4;
	v15 =	vadd.s32 $0xE, v4;
	v19 =	vor.u32 v3, v14;
	v31 =	vld.idx.msk [tilespmem:v26+s13+$0x0], $0xffff  }
0x3bf: {  	v14 =	vimm.f32 $0.0e+00;
	v8 =	vimm.f32 $0.0e+00;
	v12 =	vadd.s32 $0x20, v4;
	v25 =	vld.idx.msk [tilespmem:v5+s14+$0x0], $0xffff  }
0x3c0: {  	v6 =	vadd.s32 $0xB, v4;
	v11 =	vimm.f32 $0.0e+00;
	v27 =	vld.idx.msk [tilespmem:v5+s13+$0x0], $0xffff;
	v5 =	vand.u32 $0xFF, v15  }
0x3c1: {  	v15 =	vld.idx.msk [tilespmem:v32+s13+$0x0], $0xffff;
	v18 =	vor.u32 v3, v5;
	v5 =	vand.u32 $0xFF, v6;
	v30 =	vmul.f32 v10, v9  }
0x3c2: {  	v28 =	vld.idx.msk [tilespmem:v7+s14+$0x0], $0xffff;
	v6 =	vimm.f32 $0.0e+00;
	v9 =	vimm.f32 $0.0e+00;
	v10 =	vimm.f32 $0.0e+00  }
0x3c3: {  	s21 =	simm.s32 $0x0;
	v29 =	vld.idx.msk [tilespmem:v7+s13+$0x0], $0xffff;
	v7 =	vimm.f32 $0.0e+00;
	v34 =	vor.u32 v3, v5;
	v5 =	vimm.f32 $0.0e+00  }
.LBB2_15:
0x3c4: {  	s21 =	sadd.s32 $0x4, s21;
	v37 =	vld.idx.msk [tilespmem:v33+s13+$0x0], $0xffff;
	v38 =	vadd.s32 $0xC, v4;
	v36 =	vand.u32 $0xFF, v36;
	v39 =	vadd.s32 $0x13, v4  }
0x3c5: {  	p0 =	slt.u32 s21, $0x1C;
	v40 =	vld.idx.msk [tilespmem:v26+s14+$0x0], $0xffff;
	v38 =	vand.u32 $0xFF, v38;
	v26 =	vor.u32 v3, v36;
	v36 =	vand.u32 $0xFF, v39  }
0x3c6: {  	v35 =	vand.u32 $0xFF, v35;
	v33 =	vld.idx.msk [tilespmem:v33+s14+$0x0], $0xffff;
	v38 =	vor.u32 v3, v38;
	v36 =	vor.u32 v3, v36  }
0x3c7: {  	v35 =	vor.u32 v3, v35;
	v32 =	vld.idx.msk [tilespmem:v32+s14+$0x0], $0xffff  }
0x3c8: {  	v41 =	vadd.s32 $0x14, v4;
	v42 =	vadd.s32 $0x1D, v4;
	v22 =	vmul.f32 v23, v22;
	v39 =	vld.idx.msk [tilespmem:v18+s14+$0x0], $0xffff  }
0x3c9: {  	v8 =	vadd.f32 v30, v8;
	v23 =	vadd.s32 $0x15, v4;
	v30 =	vld.idx.msk [tilespmem:v34+s14+$0x0], $0xffff  }
0x3ca: {  	v25 =	vmul.f32 v25, v27;
	v23 =	vand.u32 $0xFF, v23;
	v34 =	vld.idx.msk [tilespmem:v34+s13+$0x0], $0xffff  }
0x3cb: {  	v28 =	vmul.f32 v28, v29;
	v29 =	vor.u32 v3, v23;
	v27 =	vmul.f32 v40, v31;
	v24 =	vld.idx.msk [tilespmem:v24+s14+$0x0], $0xffff  }
0x3cc: {  	v31 =	vmul.f32 v33, v37;
	v33 =	vadd.s32 $0x9, v4;
	v23 =	vld.idx.msk [tilespmem:v26+s13+$0x0], $0xffff  }
0x3cd: {  	v8 =	vadd.f32 v27, v8;
	v27 =	vand.u32 $0xFF, v33;
	v33 =	vld.idx.msk [tilespmem:v36+s14+$0x0], $0xffff  }
0x3ce: {  	v40 =	vand.u32 $0xFF, v42;
	v37 =	vld.idx.msk [tilespmem:v35+s14+$0x0], $0xffff  }
0x3cf: {  	v17 =	vmul.f32 v21, v17;
	v21 =	vor.u32 v3, v40;
	v8 =	vadd.f32 v28, v8;
	v42 =	vld.idx.msk [tilespmem:v19+s13+$0x0], $0xffff  }
0x3d0: {  	v27 =	vor.u32 v3, v27;
	v28 =	vmul.f32 v30, v34;
	v30 =	vld.idx.msk [tilespmem:v35+s13+$0x0], $0xffff  }
0x3d1: {  	v14 =	vadd.f32 v17, v14;
	v17 =	vmul.f32 v24, v20;
	v24 =	vand.u32 $0xFF, v41;
	v20 =	vld.idx.msk [tilespmem:v38+s13+$0x0], $0xffff  }
0x3d2: {  	v8 =	vadd.f32 v25, v8;
	v24 =	vor.u32 v3, v24;
	v34 =	vld.idx.msk [tilespmem:v29+s14+$0x0], $0xffff  }
0x3d3: {  	v25 =	vadd.s32 $0xA, v4;
	v16 =	vld.idx.msk [tilespmem:v16+s13+$0x0], $0xffff  }
0x3d4: {  	v11 =	vadd.f32 v17, v11;
	v17 =	vand.u32 $0xFF, v25;
	v25 =	vld.idx.msk [tilespmem:v29+s13+$0x0], $0xffff  }
0x3d5: {  	v35 =	vadd.s32 $0x1C, v4;
	v17 =	vor.u32 v3, v17;
	v29 =	vld.idx.msk [tilespmem:v38+s14+$0x0], $0xffff  }
0x3d6: {  	v35 =	vand.u32 $0xFF, v35;
	v30 =	vmul.f32 v37, v30;
	v37 =	vld.idx.msk [tilespmem:v21+s14+$0x0], $0xffff  }
0x3d7: {  	v40 =	vadd.s32 $0x1B, v4;
	v35 =	vor.u32 v3, v35;
	v38 =	vld.idx.msk [tilespmem:v27+s14+$0x0], $0xffff  }
0x3d8: {  	v11 =	vadd.f32 v30, v11;
	v30 =	vld.idx.msk [tilespmem:v36+s13+$0x0], $0xffff;
	v36 =	vand.u32 $0xFF, v40  }
0x3d9: {  	v13 =	vmul.f32 v13, v16;
	v16 =	vld.idx.msk [tilespmem:v24+s14+$0x0], $0xffff;
	v36 =	vor.u32 v3, v36  }
0x3da: {  	v40 =	vadd.s32 $0x11, v4;
	v25 =	vmul.f32 v34, v25;
	v34 =	vadd.s32 $0x16, v4;
	v19 =	vld.idx.msk [tilespmem:v19+s14+$0x0], $0xffff  }
0x3db: {  	v20 =	vmul.f32 v29, v20;
	v29 =	vand.u32 $0xFF, v40;
	v34 =	vand.u32 $0xFF, v34;
	v24 =	vld.idx.msk [tilespmem:v24+s13+$0x0], $0xffff  }
0x3dc: {  	v29 =	vor.u32 v3, v29;
	v11 =	vadd.f32 v25, v11;
	v25 =	vor.u32 v3, v34;
	v40 =	vld.idx.msk [tilespmem:v17+s14+$0x0], $0xffff  }
0x3dd: {  	v14 =	vadd.f32 v20, v14;
	v27 =	vld.idx.msk [tilespmem:v27+s13+$0x0], $0xffff  }
0x3de: {  	v20 =	vmul.f32 v33, v30;
	v30 =	vld.idx.msk [tilespmem:v35+s14+$0x0], $0xffff  }
0x3df: {  	v21 =	vld.idx.msk [tilespmem:v21+s13+$0x0], $0xffff  }
0x3e0: {  	v15 =	vmul.f32 v32, v15;
	v19 =	vmul.f32 v19, v42;
	v32 =	vld.idx.msk [tilespmem:v36+s14+$0x0], $0xffff  }
0x3e1: {  	v16 =	vmul.f32 v16, v24;
	v24 =	vadd.s32 $0x1E, v4;
	v18 =	vld.idx.msk [tilespmem:v18+s13+$0x0], $0xffff  }
0x3e2: {  	v6 =	vadd.f32 v15, v6;
	v24 =	vand.u32 $0xFF, v24;
	v15 =	vld.idx.msk [tilespmem:v36+s13+$0x0], $0xffff  }
0x3e3: {  	v27 =	vmul.f32 v38, v27;
	v14 =	vadd.f32 v16, v14;
	v24 =	vor.u32 v3, v24;
	v16 =	vld.idx.msk [tilespmem:v25+s14+$0x0], $0xffff  }
0x3e4: {  	v6 =	vadd.f32 v28, v6;
	v28 =	vld.idx.msk [tilespmem:v29+s14+$0x0], $0xffff  }
0x3e5: {  	v33 =	vadd.s32 $0x12, v4;
	v21 =	vmul.f32 v37, v21;
	v25 =	vld.idx.msk [tilespmem:v25+s13+$0x0], $0xffff  }
0x3e6: {  	v33 =	vand.u32 $0xFF, v33;
	v34 =	vld.idx.msk [tilespmem:v35+s13+$0x0], $0xffff  }
0x3e7: {  	v33 =	vor.u32 v3, v33;
	v6 =	vadd.f32 v20, v6;
	v11 =	vadd.f32 v21, v11;
	v17 =	vld.idx.msk [tilespmem:v17+s13+$0x0], $0xffff  }
0x3e8: {  	v20 =	vadd.s32 $0x19, v4;
	v18 =	vmul.f32 v39, v18;
	v15 =	vmul.f32 v32, v15;
	v21 =	vld.idx.msk [tilespmem:v24+s14+$0x0], $0xffff  }
0x3e9: {  	v5 =	vadd.f32 v31, v5;
	v31 =	vadd.s32 $0x17, v4;
	v20 =	vand.u32 $0xFF, v20;
	v29 =	vld.idx.msk [tilespmem:v29+s13+$0x0], $0xffff  }
0x3ea: {  	v9 =	vadd.f32 v13, v9;
	v13 =	vor.u32 v3, v20;
	v6 =	vadd.f32 v15, v6;
	v15 =	vld.idx.msk [tilespmem:v24+s13+$0x0], $0xffff  }
0x3eb: {  	v20 =	vand.u32 $0xFF, v31;
	v5 =	vadd.f32 v18, v5;
	v24 =	vadd.s32 $0x1F, v4;
	v18 =	vld.idx.msk [tilespmem:v26+s14+$0x0], $0xffff  }
0x3ec: {  	v10 =	vadd.f32 v19, v10;
	v20 =	vor.u32 v3, v20;
	v16 =	vmul.f32 v16, v25;
	v19 =	vld.idx.msk [tilespmem:v33+s13+$0x0], $0xffff  }
0x3ed: {  	v9 =	vadd.f32 v27, v9;
	v26 =	vadd.s32 $0x1A, v4;
	v27 =	vmul.f32 v30, v34;
	v4 =	vmovc v12;
	v25 =	vld.idx.msk [tilespmem:v33+s14+$0x0], $0xffff  }
0x3ee: {  	v17 =	vmul.f32 v40, v17;
	v5 =	vadd.f32 v16, v5;
	v16 =	vand.u32 $0xFF, v26  }
0x3ef: {  	v16 =	vor.u32 v3, v16;
	v14 =	vadd.f32 v27, v14;
	v26 =	vmul.f32 v28, v29;
	v28 =	vld.idx.msk [tilespmem:v13+s13+$0x0], $0xffff  }
0x3f0: {  	v7 =	vadd.f32 v22, v7;
	v15 =	vmul.f32 v21, v15;
	v21 =	vand.u32 $0xFF, v24;
	v13 =	vld.idx.msk [tilespmem:v13+s14+$0x0], $0xffff  }
0x3f1: {  	v10 =	vadd.f32 v17, v10;
	v9 =	vadd.f32 v26, v9;
	v21 =	vor.u32 v3, v21;
	v17 =	vld.idx.msk [tilespmem:v20+s13+$0x0], $0xffff  }
0x3f2: {  	v22 =	vadd.s32 $0x10, v12;
	v24 =	vadd.s32 $0x18, v12;
	v18 =	vmul.f32 v18, v23;
	v20 =	vld.idx.msk [tilespmem:v20+s14+$0x0], $0xffff  }
0x3f3: {  	v23 =	vadd.s32 $0x8, v12;
	v26 =	vand.u32 $0x7, v12;
	v5 =	vadd.f32 v15, v5  }
0x3f4: {  	v27 =	vadd.s32 $0x3, v12;
	v15 =	vand.u32 $0xFF, v12;
	v19 =	vmul.f32 v25, v19;
	v25 =	vld.idx.msk [tilespmem:v16+s14+$0x0], $0xffff  }
0x3f5: {  	v30 =	vadd.s32 $0x7, v12;
	v29 =	vadd.s32 $0x6, v12;
	v7 =	vadd.f32 v18, v7;
	v18 =	vld.idx.msk [tilespmem:v16+s13+$0x0], $0xffff  }
0x3f6: {  	v31 =	vadd.s32 $0x5, v12;
	v10 =	vadd.f32 v19, v10;
	v16 =	vadd.s32 $0x4, v12;
	v19 =	vld.idx.msk [tilespmem:v21+s13+$0x0], $0xffff  }
0x3f7: {  	v32 =	vadd.s32 $0x1, v12;
	v33 =	vadd.s32 $0x2, v12;
	v13 =	vmul.f32 v13, v28;
	v21 =	vld.idx.msk [tilespmem:v21+s14+$0x0], $0xffff  }
0x3f8: {  	v28 =	vand.u32 $0xFF, v33;
	v16 =	vand.u32 $0xFF, v16;
	v17 =	vmul.f32 v20, v17  }
0x3f9: {  	v20 =	vand.u32 $0xFF, v32;
	v34 =	vor.u32 v3, v16;
	v32 =	vand.u32 $0xF8, v24  }
0x3fa: {  	v9 =	vadd.f32 v13, v9;
	v16 =	vor.u32 v3, v20;
	v20 =	vand.u32 $0xFF, v31  }
0x3fb: {  	v27 =	vand.u32 $0xFF, v27;
	v24 =	vor.u32 v3, v20;
	v18 =	vmul.f32 v25, v18  }
0x3fc: {  	v13 =	vand.u32 $0xFF, v29;
	v7 =	vadd.f32 v17, v7;
	v25 =	vor.u32 v3, v26  }
0x3fd: {  	v15 =	vor.u32 v3, v15;
	v33 =	vor.u32 v3, v13;
	v20 =	vmul.f32 v21, v19  }
0x3fe: {  	v19 =	vor.u32 v3, v28;
	v21 =	vand.u32 $0xFF, v30;
	v28 =	vor.u32 v32, v25;
	v17 =	vld.idx.msk [tilespmem:v34+s13+$0x0], $0xffff  }
0x3ff: {  	v32 =	vor.u32 v3, v27;
	v10 =	vadd.f32 v18, v10;
	v31 =	vor.u32 v3, v21;
	v13 =	vld.idx.msk [tilespmem:v16+s14+$0x0], $0xffff  }
0x400: {  	v18 =	vand.u32 $0xF8, v23;
	v7 =	vadd.f32 v20, v7;
	v21 =	vld.idx.msk [tilespmem:v34+s14+$0x0], $0xffff  }
0x401: {  	v26 =	vor.u32 v18, v25;
	v20 =	vld.idx.msk [tilespmem:v24+s13+$0x0], $0xffff  }
0x402: {  	v18 =	vand.u32 $0xF8, v22;
	v23 =	vld.idx.msk [tilespmem:v15+s14+$0x0], $0xffff  }
0x403: {  	v29 =	vor.u32 v18, v25;
	v30 =	vld.idx.msk [tilespmem:v15+s13+$0x0], $0xffff  }
0x404: {  	v25 =	vld.idx.msk [tilespmem:v28+s14+$0x0], $0xffff  }
0x405: {  	v15 =	vadd.s32 $0xE, v12;
	v27 =	vld.idx.msk [tilespmem:v28+s13+$0x0], $0xffff  }
0x406: {  	v18 =	vand.u32 $0xFF, v15;
	v22 =	vld.idx.msk [tilespmem:v31+s13+$0x0], $0xffff  }
.Ltmp6:
0x407: {  	v28 =	vadd.s32 $0xB, v12;
	v18 =	vor.u32 v3, v18;
	v15 =	vld.idx.msk [tilespmem:v32+s13+$0x0], $0xffff;
	(pc) =	sbr.rel @p0 .LBB2_15-.Ltmp6, $4  }
0x408: {  	v34 =	vand.u32 $0xFF, v28;
	v28 =	vld.idx.msk [tilespmem:v29+s14+$0x0], $0xffff  }
0x409: {  	v34 =	vor.u32 v3, v34;
	v29 =	vld.idx.msk [tilespmem:v29+s13+$0x0], $0xffff  }
0x40a: {  	v30 =	vmul.f32 v23, v30;
	v23 =	vld.idx.msk [tilespmem:v31+s14+$0x0], $0xffff  }
0x40b: {  	v35 =	vadd.s32 $0xD, v4;
	v36 =	vadd.s32 $0xF, v4;
	v12 =	vadd.s32 $0x20, v12;
	v31 =	vld.idx.msk [tilespmem:v26+s13+$0x0], $0xffff  }
0x40c: {  	_ =	sdelay $0x3  }
0x40d: {  	v37 =	vld.idx.msk [tilespmem:v33+s13+$0x0], $0xffff  }
0x40e: {  	v26 =	vld.idx.msk [tilespmem:v26+s14+$0x0], $0xffff  }
0x40f: {  	v33 =	vld.idx.msk [tilespmem:v33+s14+$0x0], $0xffff  }
0x410: {  	v32 =	vld.idx.msk [tilespmem:v32+s14+$0x0], $0xffff  }
0x411: {  	v39 =	vld.idx.msk [tilespmem:v18+s14+$0x0], $0xffff  }
0x412: {  	v40 =	vld.idx.msk [tilespmem:v34+s14+$0x0], $0xffff  }
0x413: {  	v12 =	vand.u32 $0xFF, v36;
	v34 =	vld.idx.msk [tilespmem:v34+s13+$0x0], $0xffff  }
0x414: {  	v35 =	vand.u32 $0xFF, v35;
	v24 =	vld.idx.msk [tilespmem:v24+s14+$0x0], $0xffff;
	v38 =	vor.u32 v3, v12  }
0x415: {  	v63 =	vadd.s32 $0x13, v4;
	v46 =	vld.idx.msk [tilespmem:v19+s13+$0x0], $0xffff;
	v35 =	vor.u32 v3, v35  }
0x416: {  	v41 =	vadd.s32 $0x15, v4;
	v16 =	vld.idx.msk [tilespmem:v16+s13+$0x0], $0xffff;
	v12 =	vand.u32 $0xFF, v63  }
0x417: {  	v19 =	vld.idx.msk [tilespmem:v19+s14+$0x0], $0xffff;
	v41 =	vand.u32 $0xFF, v41;
	v36 =	vor.u32 v3, v12;
	v12 =	vadd.s32 $0xC, v4  }
0x418: {  	v45 =	vadd.s32 $0x1D, v4;
	v18 =	vld.idx.msk [tilespmem:v18+s13+$0x0], $0xffff;
	v41 =	vor.u32 v3, v41;
	v12 =	vand.u32 $0xFF, v12  }
0x419: {  	v47 =	vadd.s32 $0x9, v4;
	v45 =	vand.u32 $0xFF, v45;
	v42 =	vor.u32 v3, v12;
	v12 =	vld.idx.msk [tilespmem:v38+s13+$0x0], $0xffff  }
0x41a: {  	v47 =	vand.u32 $0xFF, v47;
	v45 =	vor.u32 v3, v45;
	v44 =	vld.idx.msk [tilespmem:v35+s14+$0x0], $0xffff  }
0x41b: {  	v49 =	vadd.s32 $0x14, v4;
	v47 =	vor.u32 v3, v47;
	v35 =	vld.idx.msk [tilespmem:v35+s13+$0x0], $0xffff  }
0x41c: {  	v49 =	vand.u32 $0xFF, v49;
	v43 =	vld.idx.msk [tilespmem:v36+s14+$0x0], $0xffff  }
0x41d: {  	v51 =	vadd.s32 $0xA, v4;
	v49 =	vor.u32 v3, v49;
	v50 =	vld.idx.msk [tilespmem:v41+s14+$0x0], $0xffff  }
0x41e: {  	v51 =	vand.u32 $0xFF, v51;
	v41 =	vld.idx.msk [tilespmem:v41+s13+$0x0], $0xffff  }
0x41f: {  	v53 =	vadd.s32 $0x1C, v4;
	v51 =	vor.u32 v3, v51;
	v52 =	vld.idx.msk [tilespmem:v45+s14+$0x0], $0xffff  }
0x420: {  	v53 =	vand.u32 $0xFF, v53;
	v54 =	vld.idx.msk [tilespmem:v47+s14+$0x0], $0xffff  }
0x421: {  	v55 =	vadd.s32 $0x1B, v4;
	v53 =	vor.u32 v3, v53;
	v36 =	vld.idx.msk [tilespmem:v36+s13+$0x0], $0xffff  }
0x422: {  	v55 =	vand.u32 $0xFF, v55;
	v56 =	vld.idx.msk [tilespmem:v49+s14+$0x0], $0xffff  }
0x423: {  	v57 =	vadd.s32 $0x16, v4;
	v55 =	vor.u32 v3, v55;
	v49 =	vld.idx.msk [tilespmem:v49+s13+$0x0], $0xffff  }
0x424: {  	v59 =	vadd.s32 $0x11, v4;
	v57 =	vand.u32 $0xFF, v57;
	v58 =	vld.idx.msk [tilespmem:v51+s14+$0x0], $0xffff  }
0x425: {  	v59 =	vand.u32 $0xFF, v59;
	v57 =	vor.u32 v3, v57;
	v47 =	vld.idx.msk [tilespmem:v47+s13+$0x0], $0xffff  }
0x426: {  	v59 =	vor.u32 v3, v59;
	v60 =	vld.idx.msk [tilespmem:v53+s14+$0x0], $0xffff  }
0x427: {  	v45 =	vld.idx.msk [tilespmem:v45+s13+$0x0], $0xffff  }
0x428: {  	v8 =	vadd.f32 v30, v8;
	v26 =	vmul.f32 v26, v31;
	v61 =	vld.idx.msk [tilespmem:v55+s14+$0x0], $0xffff  }
0x429: {  	v25 =	vmul.f32 v25, v27;
	v27 =	vmul.f32 v28, v29;
	v28 =	vld.idx.msk [tilespmem:v55+s13+$0x0], $0xffff  }
0x42a: {  	v8 =	vadd.f32 v26, v8;
	v26 =	vld.idx.msk [tilespmem:v57+s14+$0x0], $0xffff  }
0x42b: {  	v30 =	vadd.s32 $0x1E, v4;
	v17 =	vmul.f32 v21, v17;
	v21 =	vld.idx.msk [tilespmem:v59+s14+$0x0], $0xffff  }
0x42c: {  	v29 =	vand.u32 $0xFF, v30;
	v31 =	vld.idx.msk [tilespmem:v57+s13+$0x0], $0xffff  }
0x42d: {  	v14 =	vadd.f32 v17, v14;
	v29 =	vor.u32 v3, v29;
	v30 =	vmul.f32 v33, v37;
	v33 =	vld.idx.msk [tilespmem:v53+s13+$0x0], $0xffff  }
0x42e: {  	v20 =	vmul.f32 v24, v20;
	v17 =	vld.idx.msk [tilespmem:v51+s13+$0x0], $0xffff;
	v8 =	vadd.f32 v27, v8;
	v27 =	vadd.s32 $0x12, v4  }
0x42f: {  	v22 =	vmul.f32 v23, v22;
	v37 =	vadd.s32 $0x19, v4;
	v48 =	vld.idx.msk [tilespmem:v42+s13+$0x0], $0xffff;
	v27 =	vand.u32 $0xFF, v27  }
0x430: {  	v13 =	vmul.f32 v13, v16;
	v11 =	vadd.f32 v20, v11;
	v42 =	vld.idx.msk [tilespmem:v42+s14+$0x0], $0xffff;
	v27 =	vor.u32 v3, v27  }
0x431: {  	v16 =	vld.idx.msk [tilespmem:v59+s13+$0x0], $0xffff;
	v20 =	vmul.f32 v44, v35;
	v8 =	vadd.f32 v25, v8;
	v25 =	vand.u32 $0xFF, v37  }
0x432: {  	v24 =	vmul.f32 v40, v34;
	v53 =	vld.idx.msk [tilespmem:v38+s14+$0x0], $0xffff;
	v55 =	vadd.s32 $0x1A, v4;
	v25 =	vor.u32 v3, v25  }
0x433: {  	v15 =	vmul.f32 v32, v15;
	v57 =	vand.u32 $0xFF, v55;
	v11 =	vadd.f32 v20, v11;
	v20 =	vld.idx.msk [tilespmem:v29+s14+$0x0], $0xffff  }
0x434: {  	v40 =	vadd.s32 $0x17, v4;
	v19 =	vmul.f32 v19, v46;
	v35 =	vor.u32 v3, v57;
	v29 =	vld.idx.msk [tilespmem:v29+s13+$0x0], $0xffff  }
0x435: {  	v6 =	vadd.f32 v15, v6;
	v44 =	vmul.f32 v42, v48;
	v48 =	vand.u32 $0xFF, v40;
	v15 =	vld.idx.msk [tilespmem:v27+s13+$0x0], $0xffff  }
0x436: {  	v4 =	vadd.s32 $0x1F, v4;
	v51 =	vmul.f32 v50, v41;
	v32 =	vor.u32 v3, v48;
	v27 =	vld.idx.msk [tilespmem:v27+s14+$0x0], $0xffff  }
0x437: {  	v7 =	vadd.f32 v22, v7;
	v6 =	vadd.f32 v24, v6;
	v4 =	vand.u32 $0xFF, v4;
	v24 =	vld.idx.msk [tilespmem:v25+s13+$0x0], $0xffff  }
0x438: {  	v11 =	vadd.f32 v51, v11;
	v3 =	vor.u32 v3, v4;
	v4 =	vld.idx.msk [tilespmem:v25+s14+$0x0], $0xffff;
	v25 =	vmul.f32 v52, v45  }
0x439: {  	v18 =	vmul.f32 v39, v18;
	v5 =	vadd.f32 v30, v5;
	v9 =	vadd.f32 v13, v9;
	v13 =	vld.idx.msk [tilespmem:v35+s14+$0x0], $0xffff  }
0x43a: {  	v36 =	vmul.f32 v43, v36;
	v59 =	vmul.f32 v56, v49;
	v11 =	vadd.f32 v25, v11;
	v25 =	vld.idx.msk [tilespmem:v35+s13+$0x0], $0xffff  }
0x43b: {  	v10 =	vadd.f32 v19, v10;
	v28 =	vmul.f32 v61, v28;
	v63 =	vmul.f32 v54, v47;
	v62 =	vld.idx.msk [tilespmem:v32+s13+$0x0], $0xffff  }
0x43c: {  	v5 =	vadd.f32 v18, v5;
	v18 =	vmul.f32 v26, v31;
	v23 =	vmul.f32 v60, v33;
	v30 =	vld.idx.msk [tilespmem:v32+s14+$0x0], $0xffff  }
0x43d: {  	v17 =	vmul.f32 v58, v17;
	v6 =	vadd.f32 v36, v6;
	v14 =	vadd.f32 v44, v14;
	v19 =	vld.idx.msk [tilespmem:v3+s13+$0x0], $0xffff  }
0x43e: {  	v12 =	vmul.f32 v53, v12;
	v9 =	vadd.f32 v63, v9;
	v5 =	vadd.f32 v18, v5;
	v3 =	vld.idx.msk [tilespmem:v3+s14+$0x0], $0xffff  }
0x43f: {  	v16 =	vmul.f32 v21, v16;
	v10 =	vadd.f32 v17, v10;
	v14 =	vadd.f32 v59, v14  }
0x440: {  	v7 =	vadd.f32 v12, v7;
	v6 =	vadd.f32 v28, v6;
	v15 =	vmul.f32 v27, v15  }
0x441: {  	v9 =	vadd.f32 v16, v9;
	v14 =	vadd.f32 v23, v14;
	v12 =	vmul.f32 v30, v62  }
0x442: {  	v4 =	vmul.f32 v4, v24;
	v10 =	vadd.f32 v15, v10;
	v13 =	vmul.f32 v13, v25  }
0x443: {  	v15 =	vmul.f32 v20, v29;
	v3 =	vmul.f32 v3, v19;
	v7 =	vadd.f32 v12, v7  }
0x444: {  	v4 =	vadd.f32 v4, v9;
	v9 =	vadd.f32 v13, v10  }
0x445: {  	v5 =	vadd.f32 v15, v5;
	v7 =	vadd.f32 v3, v7  }
0x446: {  	v4 =	vadd.f32 v4, v8;
	v6 =	vadd.f32 v6, v9;
	v3 =	vlaneseq.u32  }
0x447: {  	v8 =	vadd.f32 v11, v14;
	v5 =	vadd.f32 v7, v5;
	v7 =	vadd.s32 $0x4, v3  }
0x448: {  	v4 =	vadd.f32 v6, v4;
	v6 =	vadd.s32 $0x1, v3;
	v7 =	vand.u32 $0xFF, v7  }
0x449: {  	v6 =	vand.u32 $0xFF, v6;
	v5 =	vadd.f32 v5, v8;
	v7 =	vor.u32 v2, v7  }
0x44a: {  	v15 =	vor.u32 v2, v6  }
0x44b: {  	v6 =	vand.u32 $0xFF, v3;
	v4 =	vadd.f32 v5, v4  }
0x44c: {  	v8 =	vadd.s32 $0x5, v3;
	v6 =	vor.u32 v2, v6  }
0x44d: {  	v5 =	vand.u32 $0xFF, v8;
	v8 =	vadd.s32 $0x7, v3;
	[tilespmem:s20+$0x2820] =	vst v4  }
0x44e: {  	v9 =	vadd.s32 $0x3, v3;
	v23 =	vor.u32 v2, v5;
	v8 =	vand.u32 $0xFF, v8;
	v16 =	vld.idx.msk [tilespmem:v7+s13+$0x0], $0xffff  }
0x44f: {  	v10 =	vadd.s32 $0x10, v3;
	v5 =	vand.u32 $0x7, v3;
	v8 =	vor.u32 v2, v8;
	v12 =	vld.idx.msk [tilespmem:v15+s14+$0x0], $0xffff  }
0x450: {  	v9 =	vand.u32 $0xFF, v9;
	v10 =	vand.u32 $0xF8, v10;
	v5 =	vor.u32 v2, v5;
	v20 =	vld.idx.msk [tilespmem:v7+s14+$0x0], $0xffff  }
0x451: {  	v31 =	vor.u32 v2, v9;
	v4 =	vadd.s32 $0x18, v3;
	v9 =	vld.idx.msk [tilespmem:v6+s14+$0x0], $0xffff;
	v10 =	vor.u32 v10, v5  }
0x452: {  	v11 =	vadd.s32 $0x6, v3;
	v4 =	vand.u32 $0xF8, v4;
	v6 =	vld.idx.msk [tilespmem:v6+s13+$0x0], $0xffff  }
0x453: {  	v14 =	vadd.s32 $0x8, v3;
	v11 =	vand.u32 $0xFF, v11;
	v4 =	vor.u32 v4, v5;
	v19 =	vld.idx.msk [tilespmem:v23+s13+$0x0], $0xffff  }
0x454: {  	v13 =	vadd.s32 $0x2, v3;
	v32 =	vor.u32 v2, v11;
	v11 =	vand.u32 $0xF8, v14;
	v21 =	vld.idx.msk [tilespmem:v8+s13+$0x0], $0xffff  }
0x455: {  	v34 =	vadd.s32 $0xD, v3;
	v13 =	vand.u32 $0xFF, v13;
	v25 =	vor.u32 v11, v5;
	v22 =	vld.idx.msk [tilespmem:v8+s14+$0x0], $0xffff  }
0x456: {  	v35 =	vadd.s32 $0xF, v3;
	v14 =	vadd.s32 $0xE, v3;
	v18 =	vor.u32 v2, v13;
	v27 =	vld.idx.msk [tilespmem:v10+s14+$0x0], $0xffff  }
0x457: {  	v13 =	vimm.f32 $0.0e+00;
	v7 =	vimm.f32 $0.0e+00;
	v11 =	vadd.s32 $0x20, v3;
	v28 =	vld.idx.msk [tilespmem:v10+s13+$0x0], $0xffff  }
0x458: {  	v5 =	vadd.s32 $0xB, v3;
	v8 =	vimm.f32 $0.0e+00;
	v29 =	vmul.f32 v9, v6;
	v24 =	vld.idx.msk [tilespmem:v4+s14+$0x0], $0xffff  }
0x459: {  	v10 =	vimm.f32 $0.0e+00;
	v9 =	vimm.f32 $0.0e+00;
	v26 =	vld.idx.msk [tilespmem:v4+s13+$0x0], $0xffff;
	v4 =	vand.u32 $0xFF, v14  }
0x45a: {  	v30 =	vld.idx.msk [tilespmem:v25+s13+$0x0], $0xffff;
	v6 =	vimm.f32 $0.0e+00;
	v17 =	vor.u32 v2, v4;
	v4 =	vand.u32 $0xFF, v5  }
0x45b: {  	s21 =	simm.s32 $0x0;
	v14 =	vld.idx.msk [tilespmem:v31+s13+$0x0], $0xffff;
	v5 =	vimm.f32 $0.0e+00;
	v33 =	vor.u32 v2, v4;
	v4 =	vimm.f32 $0.0e+00  }
.LBB2_17:
0x45c: {  	s21 =	sadd.s32 $0x4, s21;
	v36 =	vld.idx.msk [tilespmem:v32+s13+$0x0], $0xffff;
	v37 =	vadd.s32 $0xC, v3;
	v35 =	vand.u32 $0xFF, v35;
	v38 =	vadd.s32 $0x13, v3  }
0x45d: {  	p0 =	slt.u32 s21, $0x1C;
	v39 =	vld.idx.msk [tilespmem:v25+s14+$0x0], $0xffff;
	v37 =	vand.u32 $0xFF, v37;
	v25 =	vor.u32 v2, v35;
	v35 =	vand.u32 $0xFF, v38  }
0x45e: {  	v34 =	vand.u32 $0xFF, v34;
	v32 =	vld.idx.msk [tilespmem:v32+s14+$0x0], $0xffff;
	v37 =	vor.u32 v2, v37;
	v35 =	vor.u32 v2, v35  }
0x45f: {  	v34 =	vor.u32 v2, v34;
	v31 =	vld.idx.msk [tilespmem:v31+s14+$0x0], $0xffff  }
0x460: {  	v40 =	vadd.s32 $0x14, v3;
	v41 =	vadd.s32 $0x1D, v3;
	v21 =	vmul.f32 v22, v21;
	v38 =	vld.idx.msk [tilespmem:v17+s14+$0x0], $0xffff  }
0x461: {  	v7 =	vadd.f32 v29, v7;
	v22 =	vadd.s32 $0x15, v3;
	v29 =	vld.idx.msk [tilespmem:v33+s14+$0x0], $0xffff  }
0x462: {  	v24 =	vmul.f32 v24, v26;
	v22 =	vand.u32 $0xFF, v22;
	v33 =	vld.idx.msk [tilespmem:v33+s13+$0x0], $0xffff  }
0x463: {  	v27 =	vmul.f32 v27, v28;
	v28 =	vor.u32 v2, v22;
	v26 =	vmul.f32 v39, v30;
	v23 =	vld.idx.msk [tilespmem:v23+s14+$0x0], $0xffff  }
0x464: {  	v30 =	vmul.f32 v32, v36;
	v32 =	vadd.s32 $0x9, v3;
	v22 =	vld.idx.msk [tilespmem:v25+s13+$0x0], $0xffff  }
0x465: {  	v7 =	vadd.f32 v26, v7;
	v26 =	vand.u32 $0xFF, v32;
	v32 =	vld.idx.msk [tilespmem:v35+s14+$0x0], $0xffff  }
0x466: {  	v39 =	vand.u32 $0xFF, v41;
	v36 =	vld.idx.msk [tilespmem:v34+s14+$0x0], $0xffff  }
0x467: {  	v16 =	vmul.f32 v20, v16;
	v20 =	vor.u32 v2, v39;
	v7 =	vadd.f32 v27, v7;
	v41 =	vld.idx.msk [tilespmem:v18+s13+$0x0], $0xffff  }
0x468: {  	v26 =	vor.u32 v2, v26;
	v27 =	vmul.f32 v29, v33;
	v29 =	vld.idx.msk [tilespmem:v34+s13+$0x0], $0xffff  }
0x469: {  	v13 =	vadd.f32 v16, v13;
	v16 =	vmul.f32 v23, v19;
	v23 =	vand.u32 $0xFF, v40;
	v19 =	vld.idx.msk [tilespmem:v37+s13+$0x0], $0xffff  }
0x46a: {  	v7 =	vadd.f32 v24, v7;
	v23 =	vor.u32 v2, v23;
	v33 =	vld.idx.msk [tilespmem:v28+s14+$0x0], $0xffff  }
0x46b: {  	v24 =	vadd.s32 $0xA, v3;
	v15 =	vld.idx.msk [tilespmem:v15+s13+$0x0], $0xffff  }
0x46c: {  	v10 =	vadd.f32 v16, v10;
	v16 =	vand.u32 $0xFF, v24;
	v24 =	vld.idx.msk [tilespmem:v28+s13+$0x0], $0xffff  }
0x46d: {  	v34 =	vadd.s32 $0x1C, v3;
	v16 =	vor.u32 v2, v16;
	v28 =	vld.idx.msk [tilespmem:v37+s14+$0x0], $0xffff  }
0x46e: {  	v34 =	vand.u32 $0xFF, v34;
	v29 =	vmul.f32 v36, v29;
	v36 =	vld.idx.msk [tilespmem:v20+s14+$0x0], $0xffff  }
0x46f: {  	v39 =	vadd.s32 $0x1B, v3;
	v34 =	vor.u32 v2, v34;
	v37 =	vld.idx.msk [tilespmem:v26+s14+$0x0], $0xffff  }
0x470: {  	v10 =	vadd.f32 v29, v10;
	v29 =	vld.idx.msk [tilespmem:v35+s13+$0x0], $0xffff;
	v35 =	vand.u32 $0xFF, v39  }
0x471: {  	v12 =	vmul.f32 v12, v15;
	v15 =	vld.idx.msk [tilespmem:v23+s14+$0x0], $0xffff;
	v35 =	vor.u32 v2, v35  }
0x472: {  	v39 =	vadd.s32 $0x11, v3;
	v24 =	vmul.f32 v33, v24;
	v33 =	vadd.s32 $0x16, v3;
	v18 =	vld.idx.msk [tilespmem:v18+s14+$0x0], $0xffff  }
0x473: {  	v19 =	vmul.f32 v28, v19;
	v28 =	vand.u32 $0xFF, v39;
	v33 =	vand.u32 $0xFF, v33;
	v23 =	vld.idx.msk [tilespmem:v23+s13+$0x0], $0xffff  }
0x474: {  	v28 =	vor.u32 v2, v28;
	v10 =	vadd.f32 v24, v10;
	v24 =	vor.u32 v2, v33;
	v39 =	vld.idx.msk [tilespmem:v16+s14+$0x0], $0xffff  }
0x475: {  	v13 =	vadd.f32 v19, v13;
	v26 =	vld.idx.msk [tilespmem:v26+s13+$0x0], $0xffff  }
0x476: {  	v19 =	vmul.f32 v32, v29;
	v29 =	vld.idx.msk [tilespmem:v34+s14+$0x0], $0xffff  }
0x477: {  	v20 =	vld.idx.msk [tilespmem:v20+s13+$0x0], $0xffff  }
0x478: {  	v14 =	vmul.f32 v31, v14;
	v18 =	vmul.f32 v18, v41;
	v31 =	vld.idx.msk [tilespmem:v35+s14+$0x0], $0xffff  }
0x479: {  	v15 =	vmul.f32 v15, v23;
	v23 =	vadd.s32 $0x1E, v3;
	v17 =	vld.idx.msk [tilespmem:v17+s13+$0x0], $0xffff  }
0x47a: {  	v5 =	vadd.f32 v14, v5;
	v23 =	vand.u32 $0xFF, v23;
	v14 =	vld.idx.msk [tilespmem:v35+s13+$0x0], $0xffff  }
0x47b: {  	v26 =	vmul.f32 v37, v26;
	v13 =	vadd.f32 v15, v13;
	v23 =	vor.u32 v2, v23;
	v15 =	vld.idx.msk [tilespmem:v24+s14+$0x0], $0xffff  }
0x47c: {  	v5 =	vadd.f32 v27, v5;
	v27 =	vld.idx.msk [tilespmem:v28+s14+$0x0], $0xffff  }
0x47d: {  	v32 =	vadd.s32 $0x12, v3;
	v20 =	vmul.f32 v36, v20;
	v24 =	vld.idx.msk [tilespmem:v24+s13+$0x0], $0xffff  }
0x47e: {  	v32 =	vand.u32 $0xFF, v32;
	v33 =	vld.idx.msk [tilespmem:v34+s13+$0x0], $0xffff  }
0x47f: {  	v32 =	vor.u32 v2, v32;
	v5 =	vadd.f32 v19, v5;
	v10 =	vadd.f32 v20, v10;
	v16 =	vld.idx.msk [tilespmem:v16+s13+$0x0], $0xffff  }
0x480: {  	v19 =	vadd.s32 $0x19, v3;
	v17 =	vmul.f32 v38, v17;
	v14 =	vmul.f32 v31, v14;
	v20 =	vld.idx.msk [tilespmem:v23+s14+$0x0], $0xffff  }
0x481: {  	v4 =	vadd.f32 v30, v4;
	v30 =	vadd.s32 $0x17, v3;
	v19 =	vand.u32 $0xFF, v19;
	v28 =	vld.idx.msk [tilespmem:v28+s13+$0x0], $0xffff  }
0x482: {  	v8 =	vadd.f32 v12, v8;
	v12 =	vor.u32 v2, v19;
	v5 =	vadd.f32 v14, v5;
	v14 =	vld.idx.msk [tilespmem:v23+s13+$0x0], $0xffff  }
0x483: {  	v19 =	vand.u32 $0xFF, v30;
	v4 =	vadd.f32 v17, v4;
	v23 =	vadd.s32 $0x1F, v3;
	v17 =	vld.idx.msk [tilespmem:v25+s14+$0x0], $0xffff  }
0x484: {  	v9 =	vadd.f32 v18, v9;
	v19 =	vor.u32 v2, v19;
	v15 =	vmul.f32 v15, v24;
	v18 =	vld.idx.msk [tilespmem:v32+s13+$0x0], $0xffff  }
0x485: {  	v8 =	vadd.f32 v26, v8;
	v25 =	vadd.s32 $0x1A, v3;
	v26 =	vmul.f32 v29, v33;
	v3 =	vmovc v11;
	v24 =	vld.idx.msk [tilespmem:v32+s14+$0x0], $0xffff  }
0x486: {  	v16 =	vmul.f32 v39, v16;
	v4 =	vadd.f32 v15, v4;
	v15 =	vand.u32 $0xFF, v25  }
0x487: {  	v15 =	vor.u32 v2, v15;
	v13 =	vadd.f32 v26, v13;
	v25 =	vmul.f32 v27, v28;
	v27 =	vld.idx.msk [tilespmem:v12+s13+$0x0], $0xffff  }
0x488: {  	v6 =	vadd.f32 v21, v6;
	v14 =	vmul.f32 v20, v14;
	v20 =	vand.u32 $0xFF, v23;
	v12 =	vld.idx.msk [tilespmem:v12+s14+$0x0], $0xffff  }
0x489: {  	v9 =	vadd.f32 v16, v9;
	v8 =	vadd.f32 v25, v8;
	v20 =	vor.u32 v2, v20;
	v16 =	vld.idx.msk [tilespmem:v19+s13+$0x0], $0xffff  }
0x48a: {  	v21 =	vadd.s32 $0x10, v11;
	v23 =	vadd.s32 $0x18, v11;
	v17 =	vmul.f32 v17, v22;
	v19 =	vld.idx.msk [tilespmem:v19+s14+$0x0], $0xffff  }
0x48b: {  	v22 =	vadd.s32 $0x8, v11;
	v25 =	vand.u32 $0x7, v11;
	v4 =	vadd.f32 v14, v4  }
0x48c: {  	v26 =	vadd.s32 $0x3, v11;
	v14 =	vand.u32 $0xFF, v11;
	v18 =	vmul.f32 v24, v18;
	v24 =	vld.idx.msk [tilespmem:v15+s14+$0x0], $0xffff  }
0x48d: {  	v29 =	vadd.s32 $0x7, v11;
	v28 =	vadd.s32 $0x6, v11;
	v6 =	vadd.f32 v17, v6;
	v17 =	vld.idx.msk [tilespmem:v15+s13+$0x0], $0xffff  }
0x48e: {  	v30 =	vadd.s32 $0x5, v11;
	v9 =	vadd.f32 v18, v9;
	v15 =	vadd.s32 $0x4, v11;
	v18 =	vld.idx.msk [tilespmem:v20+s13+$0x0], $0xffff  }
0x48f: {  	v31 =	vadd.s32 $0x1, v11;
	v32 =	vadd.s32 $0x2, v11;
	v12 =	vmul.f32 v12, v27;
	v20 =	vld.idx.msk [tilespmem:v20+s14+$0x0], $0xffff  }
0x490: {  	v27 =	vand.u32 $0xFF, v32;
	v15 =	vand.u32 $0xFF, v15;
	v16 =	vmul.f32 v19, v16  }
0x491: {  	v19 =	vand.u32 $0xFF, v31;
	v33 =	vor.u32 v2, v15;
	v31 =	vand.u32 $0xF8, v23  }
0x492: {  	v8 =	vadd.f32 v12, v8;
	v15 =	vor.u32 v2, v19;
	v19 =	vand.u32 $0xFF, v30  }
0x493: {  	v26 =	vand.u32 $0xFF, v26;
	v23 =	vor.u32 v2, v19;
	v17 =	vmul.f32 v24, v17  }
0x494: {  	v12 =	vand.u32 $0xFF, v28;
	v6 =	vadd.f32 v16, v6;
	v24 =	vor.u32 v2, v25  }
0x495: {  	v14 =	vor.u32 v2, v14;
	v32 =	vor.u32 v2, v12;
	v19 =	vmul.f32 v20, v18  }
0x496: {  	v18 =	vor.u32 v2, v27;
	v20 =	vand.u32 $0xFF, v29;
	v27 =	vor.u32 v31, v24;
	v16 =	vld.idx.msk [tilespmem:v33+s13+$0x0], $0xffff  }
0x497: {  	v31 =	vor.u32 v2, v26;
	v9 =	vadd.f32 v17, v9;
	v30 =	vor.u32 v2, v20;
	v12 =	vld.idx.msk [tilespmem:v15+s14+$0x0], $0xffff  }
0x498: {  	v17 =	vand.u32 $0xF8, v22;
	v6 =	vadd.f32 v19, v6;
	v20 =	vld.idx.msk [tilespmem:v33+s14+$0x0], $0xffff  }
0x499: {  	v25 =	vor.u32 v17, v24;
	v19 =	vld.idx.msk [tilespmem:v23+s13+$0x0], $0xffff  }
0x49a: {  	v17 =	vand.u32 $0xF8, v21;
	v22 =	vld.idx.msk [tilespmem:v14+s14+$0x0], $0xffff  }
0x49b: {  	v28 =	vor.u32 v17, v24;
	v29 =	vld.idx.msk [tilespmem:v14+s13+$0x0], $0xffff  }
0x49c: {  	v24 =	vld.idx.msk [tilespmem:v27+s14+$0x0], $0xffff  }
0x49d: {  	v14 =	vadd.s32 $0xE, v11;
	v26 =	vld.idx.msk [tilespmem:v27+s13+$0x0], $0xffff  }
0x49e: {  	v17 =	vand.u32 $0xFF, v14;
	v21 =	vld.idx.msk [tilespmem:v30+s13+$0x0], $0xffff  }
.Ltmp7:
0x49f: {  	v27 =	vadd.s32 $0xB, v11;
	v17 =	vor.u32 v2, v17;
	v14 =	vld.idx.msk [tilespmem:v31+s13+$0x0], $0xffff;
	(pc) =	sbr.rel @p0 .LBB2_17-.Ltmp7, $4  }
0x4a0: {  	v33 =	vand.u32 $0xFF, v27;
	v27 =	vld.idx.msk [tilespmem:v28+s14+$0x0], $0xffff  }
0x4a1: {  	v33 =	vor.u32 v2, v33;
	v28 =	vld.idx.msk [tilespmem:v28+s13+$0x0], $0xffff  }
0x4a2: {  	v29 =	vmul.f32 v22, v29;
	v22 =	vld.idx.msk [tilespmem:v30+s14+$0x0], $0xffff  }
0x4a3: {  	v34 =	vadd.s32 $0xD, v3;
	v35 =	vadd.s32 $0xF, v3;
	v11 =	vadd.s32 $0x20, v11;
	v30 =	vld.idx.msk [tilespmem:v25+s13+$0x0], $0xffff  }
0x4a4: {  	_ =	sdelay $0x3  }
0x4a5: {  	v36 =	vld.idx.msk [tilespmem:v32+s13+$0x0], $0xffff  }
0x4a6: {  	v25 =	vld.idx.msk [tilespmem:v25+s14+$0x0], $0xffff  }
0x4a7: {  	v32 =	vld.idx.msk [tilespmem:v32+s14+$0x0], $0xffff  }
0x4a8: {  	v31 =	vld.idx.msk [tilespmem:v31+s14+$0x0], $0xffff  }
0x4a9: {  	v38 =	vld.idx.msk [tilespmem:v17+s14+$0x0], $0xffff  }
0x4aa: {  	v39 =	vld.idx.msk [tilespmem:v33+s14+$0x0], $0xffff  }
0x4ab: {  	v11 =	vand.u32 $0xFF, v35;
	v33 =	vld.idx.msk [tilespmem:v33+s13+$0x0], $0xffff  }
0x4ac: {  	v34 =	vand.u32 $0xFF, v34;
	v23 =	vld.idx.msk [tilespmem:v23+s14+$0x0], $0xffff;
	v37 =	vor.u32 v2, v11  }
0x4ad: {  	v58 =	vadd.s32 $0x13, v3;
	v45 =	vld.idx.msk [tilespmem:v18+s13+$0x0], $0xffff;
	v34 =	vor.u32 v2, v34  }
0x4ae: {  	v60 =	vadd.s32 $0xC, v3;
	v15 =	vld.idx.msk [tilespmem:v15+s13+$0x0], $0xffff;
	v59 =	vand.u32 $0xFF, v58  }
0x4af: {  	v40 =	vadd.s32 $0x15, v3;
	v18 =	vld.idx.msk [tilespmem:v18+s14+$0x0], $0xffff;
	v11 =	vand.u32 $0xFF, v60;
	v35 =	vor.u32 v2, v59  }
0x4b0: {  	v17 =	vld.idx.msk [tilespmem:v17+s13+$0x0], $0xffff;
	v40 =	vand.u32 $0xFF, v40;
	v41 =	vor.u32 v2, v11  }
0x4b1: {  	v40 =	vor.u32 v2, v40;
	v11 =	vld.idx.msk [tilespmem:v37+s13+$0x0], $0xffff  }
0x4b2: {  	v44 =	vadd.s32 $0x1D, v3;
	v43 =	vld.idx.msk [tilespmem:v34+s14+$0x0], $0xffff  }
0x4b3: {  	v46 =	vadd.s32 $0x9, v3;
	v44 =	vand.u32 $0xFF, v44;
	v34 =	vld.idx.msk [tilespmem:v34+s13+$0x0], $0xffff  }
0x4b4: {  	v46 =	vand.u32 $0xFF, v46;
	v44 =	vor.u32 v2, v44;
	v42 =	vld.idx.msk [tilespmem:v35+s14+$0x0], $0xffff  }
0x4b5: {  	v48 =	vadd.s32 $0x14, v3;
	v46 =	vor.u32 v2, v46;
	v47 =	vld.idx.msk [tilespmem:v41+s13+$0x0], $0xffff  }
0x4b6: {  	v48 =	vand.u32 $0xFF, v48;
	v49 =	vld.idx.msk [tilespmem:v40+s14+$0x0], $0xffff  }
0x4b7: {  	v50 =	vadd.s32 $0xA, v3;
	v48 =	vor.u32 v2, v48;
	v40 =	vld.idx.msk [tilespmem:v40+s13+$0x0], $0xffff  }
0x4b8: {  	v50 =	vand.u32 $0xFF, v50;
	v41 =	vld.idx.msk [tilespmem:v41+s14+$0x0], $0xffff  }
0x4b9: {  	v52 =	vadd.s32 $0x1C, v3;
	v50 =	vor.u32 v2, v50;
	v51 =	vld.idx.msk [tilespmem:v44+s14+$0x0], $0xffff  }
0x4ba: {  	v52 =	vand.u32 $0xFF, v52;
	v53 =	vld.idx.msk [tilespmem:v46+s14+$0x0], $0xffff  }
0x4bb: {  	v54 =	vadd.s32 $0x1B, v3;
	v52 =	vor.u32 v2, v52;
	v35 =	vld.idx.msk [tilespmem:v35+s13+$0x0], $0xffff  }
0x4bc: {  	v54 =	vand.u32 $0xFF, v54;
	v55 =	vld.idx.msk [tilespmem:v48+s14+$0x0], $0xffff  }
0x4bd: {  	v56 =	vadd.s32 $0x16, v3;
	v54 =	vor.u32 v2, v54;
	v48 =	vld.idx.msk [tilespmem:v48+s13+$0x0], $0xffff  }
0x4be: {  	v56 =	vand.u32 $0xFF, v56;
	v57 =	vld.idx.msk [tilespmem:v50+s14+$0x0], $0xffff  }
0x4bf: {  	v56 =	vor.u32 v2, v56;
	v46 =	vld.idx.msk [tilespmem:v46+s13+$0x0], $0xffff  }
0x4c0: {  	v58 =	vadd.s32 $0x11, v3;
	v59 =	vld.idx.msk [tilespmem:v52+s14+$0x0], $0xffff  }
0x4c1: {  	v58 =	vand.u32 $0xFF, v58;
	v44 =	vld.idx.msk [tilespmem:v44+s13+$0x0], $0xffff  }
0x4c2: {  	v7 =	vadd.f32 v29, v7;
	v58 =	vor.u32 v2, v58;
	v25 =	vmul.f32 v25, v30;
	v60 =	vld.idx.msk [tilespmem:v54+s14+$0x0], $0xffff  }
0x4c3: {  	v61 =	vadd.s32 $0x1E, v3;
	v16 =	vmul.f32 v20, v16;
	v62 =	vmul.f32 v27, v28;
	v27 =	vld.idx.msk [tilespmem:v54+s13+$0x0], $0xffff  }
0x4c4: {  	v24 =	vmul.f32 v24, v26;
	v63 =	vand.u32 $0xFF, v61;
	v7 =	vadd.f32 v25, v7;
	v25 =	vld.idx.msk [tilespmem:v56+s14+$0x0], $0xffff  }
0x4c5: {  	v28 =	vor.u32 v2, v63;
	v13 =	vadd.f32 v16, v13;
	v29 =	vmul.f32 v32, v36;
	v30 =	vld.idx.msk [tilespmem:v56+s13+$0x0], $0xffff  }
0x4c6: {  	v19 =	vmul.f32 v23, v19;
	v23 =	vmul.f32 v39, v33;
	v39 =	vadd.s32 $0x12, v3;
	v32 =	vld.idx.msk [tilespmem:v52+s13+$0x0], $0xffff  }
0x4c7: {  	v21 =	vmul.f32 v22, v21;
	v12 =	vmul.f32 v12, v15;
	v26 =	vand.u32 $0xFF, v39;
	v20 =	vld.idx.msk [tilespmem:v58+s14+$0x0], $0xffff  }
0x4c8: {  	v14 =	vmul.f32 v31, v14;
	v26 =	vor.u32 v2, v26;
	v15 =	vld.idx.msk [tilespmem:v58+s13+$0x0], $0xffff;
	v58 =	vadd.s32 $0x17, v3  }
0x4c9: {  	v16 =	vld.idx.msk [tilespmem:v50+s13+$0x0], $0xffff;
	v54 =	vadd.s32 $0x19, v3;
	v7 =	vadd.f32 v62, v7;
	v62 =	vand.u32 $0xFF, v58  }
0x4ca: {  	v10 =	vadd.f32 v19, v10;
	v19 =	vld.idx.msk [tilespmem:v28+s14+$0x0], $0xffff;
	v56 =	vand.u32 $0xFF, v54;
	v31 =	vor.u32 v2, v62  }
0x4cb: {  	v28 =	vld.idx.msk [tilespmem:v28+s13+$0x0], $0xffff;
	v43 =	vmul.f32 v43, v34;
	v7 =	vadd.f32 v24, v7;
	v24 =	vor.u32 v2, v56  }
0x4cc: {  	v61 =	vmul.f32 v41, v47;
	v63 =	vmul.f32 v49, v40;
	v40 =	vld.idx.msk [tilespmem:v37+s14+$0x0], $0xffff;
	v41 =	vadd.s32 $0x1A, v3  }
0x4cd: {  	v18 =	vmul.f32 v18, v45;
	v10 =	vadd.f32 v43, v10;
	v43 =	vld.idx.msk [tilespmem:v26+s13+$0x0], $0xffff;
	v47 =	vand.u32 $0xFF, v41  }
0x4ce: {  	v17 =	vmul.f32 v38, v17;
	v3 =	vadd.s32 $0x1F, v3;
	v26 =	vld.idx.msk [tilespmem:v26+s14+$0x0], $0xffff;
	v34 =	vor.u32 v2, v47  }
0x4cf: {  	v6 =	vadd.f32 v21, v6;
	v50 =	vmul.f32 v51, v44;
	v3 =	vand.u32 $0xFF, v3;
	v51 =	vld.idx.msk [tilespmem:v31+s13+$0x0], $0xffff  }
0x4d0: {  	v5 =	vadd.f32 v14, v5;
	v4 =	vadd.f32 v29, v4;
	v2 =	vor.u32 v2, v3;
	v52 =	vld.idx.msk [tilespmem:v31+s14+$0x0], $0xffff  }
0x4d1: {  	v8 =	vadd.f32 v12, v8;
	v9 =	vadd.f32 v18, v9;
	v35 =	vmul.f32 v42, v35;
	v49 =	vld.idx.msk [tilespmem:v24+s13+$0x0], $0xffff  }
0x4d2: {  	v5 =	vadd.f32 v23, v5;
	v48 =	vmul.f32 v55, v48;
	v27 =	vmul.f32 v60, v27;
	v3 =	vld.idx.msk [tilespmem:v24+s14+$0x0], $0xffff  }
0x4d3: {  	v4 =	vadd.f32 v17, v4;
	v53 =	vmul.f32 v53, v46;
	v55 =	vmul.f32 v25, v30;
	v54 =	vld.idx.msk [tilespmem:v34+s14+$0x0], $0xffff  }
0x4d4: {  	v59 =	vmul.f32 v59, v32;
	v16 =	vmul.f32 v57, v16;
	v13 =	vadd.f32 v61, v13;
	v56 =	vld.idx.msk [tilespmem:v34+s13+$0x0], $0xffff  }
0x4d5: {  	v15 =	vmul.f32 v20, v15;
	v5 =	vadd.f32 v35, v5;
	v8 =	vadd.f32 v53, v8;
	v58 =	vld.idx.msk [tilespmem:v2+s13+$0x0], $0xffff  }
0x4d6: {  	v4 =	vadd.f32 v55, v4;
	v9 =	vadd.f32 v16, v9;
	v61 =	vmul.f32 v19, v28;
	v2 =	vld.idx.msk [tilespmem:v2+s14+$0x0], $0xffff  }
0x4d7: {  	v10 =	vadd.f32 v63, v10;
	v13 =	vadd.f32 v48, v13;
	v11 =	vmul.f32 v40, v11  }
0x4d8: {  	v5 =	vadd.f32 v27, v5;
	v8 =	vadd.f32 v15, v8;
	v14 =	vmul.f32 v26, v43  }
0x4d9: {  	v4 =	vadd.f32 v61, v4;
	v6 =	vadd.f32 v11, v6;
	v60 =	vmul.f32 v52, v51  }
0x4da: {  	v10 =	vadd.f32 v50, v10;
	v9 =	vadd.f32 v14, v9;
	v3 =	vmul.f32 v3, v49  }
0x4db: {  	v6 =	vadd.f32 v60, v6;
	v12 =	vmul.f32 v54, v56;
	v2 =	vmul.f32 v2, v58  }
0x4dc: {  	v13 =	vadd.f32 v59, v13;
	v3 =	vadd.f32 v3, v8  }
0x4dd: {  	v62 =	vadd.f32 v12, v9;
	v2 =	vadd.f32 v2, v6  }
0x4de: {  	v63 =	vadd.f32 v10, v13;
	v3 =	vadd.f32 v3, v7  }
0x4df: {  	s19 =	sadd.s32 $0x1, s19;
	v5 =	vadd.f32 v5, v62;
	v2 =	vadd.f32 v2, v4  }
0x4e0: {  	p0 =	sne.s32 s19, $0x28  }
.Ltmp8:
0x4e1: {  	v3 =	vadd.f32 v5, v3;
	v2 =	vadd.f32 v2, v63;
	(pc) =	sbr.rel @p0 .LBB2_2-.Ltmp8, $3  }
0x4e2: {  	_ = 	snop  }
0x4e3: {  	v2 =	vadd.f32 v2, v3;
	_ =	sdelay $0x1  }
0x4e4: {  	[tilespmem:s20+$0x2830] =	vst v2  }
0x4e5: {  	s18 =	sadd.s32 $0x1, s18  }
0x4e6: {  	p0 =	sne.s32 s18, s7  }
.Ltmp9:
0x4e7: {  	_ = 	snop;
	(pc) =	sbr.rel @p0 .LBB2_1-.Ltmp9, $4  }
0x4e8: {  	[hbm4b:s6+s2] =	stream.linear.scatter [tilespmem:s17], [sflag:$0x3], $0x1400, $0x38;
	[tilespmem:$0x13C00] =	vst v63  }
0x4e9: {  	_ =	swait.ge [sflag:s8], $0x1400  }
0x4ea: {  	[sflag:s8] =	ssyncset.done $0x0  }
0x4eb: {  	[sflag:s8] =	ssyncadd.s32 $0xFFFFEC00  }
0x4ec: {  	_ =	sfence.sel $0x180000  }
0x4ed: {  	[bflag:$0x0] =	sbarrier.arrive $0xFFFF  }
0x4ee: {  	p0 =	sne.s32 s0, $0x0;
	_ =	strace $0x90000047  }
0x4ef: {  	s0 =	sadd.s32 @!p0 $0x100000, s1;
	[bflag:$0x2] =	sbarrier.arrive $0xFFFF  }
0x4f0: {  	[sflag:s0] =	ssyncadd.tile.s32 @!p0 $0x1;
	_ =	shalt  }
.Lfunc_end2:
_tile_overlayer_lowered:
.L_overlay_start_2:
0x4f1: {  	(tag) =	ssettag $0x2  }
0x4f2: {  	s0 =	rddreg [dreg:$0x0];
	s2 =	stileid.u32  }
0x4f3: {  	s1 =	rddreg [dreg:$0x1];
	p0 =	sne.s32 s2, $0x0  }
0x4f4: {  	s3 =	rddreg [dreg:$0x2];
	[bflag:$0x3] =	sbarrier.arrive $0xFFFF;
	s2 =	simm.s32 @!p0 $0x1C03  }
0x4f5: {  	[timem:s3], [sflag:s2] =	dma.local @!p0 [hbm:s0], s1  }
0x4f6: {  	s0 =	simm.s32 @!p0 $0x3  }
0x4f7: {  	_ =	swait.ge @!p0 [sflag:s0], s1  }
0x4f8: {  	s1 =	ssub.s32 @!p0 $0x0, s1;
	[sflag:s0] =	ssyncset.done @!p0 $0x0  }
0x4f9: {  	[sflag:s0] =	ssyncadd.s32 @!p0 s1  }
0x4fa: {  	[bflag:$0x3] =	sbarrier.arrive $0xFFFF  }
0x4fb: {  	_ =	shalt  }

</sc_bundles>
